<compile_context>
chip_gen: v7x
topology: tpu7x:2x2x1
jax: 0.10.2.dev20260603
libtpu: 0.0.44.dev20260713+nightly
codegen_flags: <defaults>
</compile_context>

<pallas_src>
import functools

import jax
import jax.numpy as jnp
from jax import lax
from jax.experimental import pallas as pl
from jax.experimental.pallas import tpu as pltpu
from jax.experimental.pallas import tpu_sc as plsc

NC = 2
NS = 16
NW = NC * NS
C = 128
RB = 512


def _sc_mesh():
    return plsc.VectorSubcoreMesh(
        core_axis_name="c", subcore_axis_name="s",
        num_cores=NC, num_subcores=NS)


def _unpack_chunk(pk_v, j, row_c, col_c):
    for t in range(C // 16):
        v = pk_v[j, pl.ds(t * 16, 16)]
        if row_c is not None:
            row_c[pl.ds(t * 16, 16)] = jnp.bitwise_and(v, 0xFFFF)
        col_c[pl.ds(t * 16, 16)] = lax.shift_right_logical(v, 16)


def _make_deg(NP, K, rpt):

    nz = rpt // C

    @functools.partial(
        pl.kernel,
        out_type=jax.ShapeDtypeStruct((NC, NP, 128), jnp.float32),
        mesh=_sc_mesh(),
        scratch_types=[
            pltpu.VMEM((K, C), jnp.int32),
            pltpu.VMEM((C,), jnp.int32),
            pltpu.VMEM((C, 128), jnp.float32),
            pltpu.VMEM((C, 128), jnp.float32),
            pltpu.VMEM_SHARED((NP, 128), jnp.float32),
        ],
    )
    def deg_k(pk_hbm, deg_hbm, pk_v, col_c, ones_v, wb_v, acc):
        cid = lax.axis_index("c")
        sid = lax.axis_index("s")
        wid = sid * NC + cid

        def fill(i, _):
            for jj in range(8):
                ones_v[i, pl.ds(jj * 16, 16)] = jnp.ones((16,), jnp.float32)
                wb_v[i, pl.ds(jj * 16, 16)] = jnp.zeros((16,), jnp.float32)
            return 0
        lax.fori_loop(0, C, fill, 0)

        def zcopy(i, _):
            pltpu.sync_copy(wb_v, acc.at[pl.ds(sid * rpt + i * C, C)])
            return 0
        lax.fori_loop(0, nz, zcopy, 0)
        pltpu.sync_copy(pk_hbm.at[wid], pk_v)
        plsc.subcore_barrier()

        def body(j, _):
            _unpack_chunk(pk_v, j, None, col_c)
            pltpu.sync_copy(ones_v, acc.at[col_c], add=True)
            return 0
        lax.fori_loop(0, K, body, 0)
        plsc.subcore_barrier()

        def ocopy(i, _):
            base = sid * rpt + i * C
            pltpu.sync_copy(acc.at[pl.ds(base, C)], wb_v)
            pltpu.sync_copy(wb_v, deg_hbm.at[cid, pl.ds(base, C)])
            return 0
        lax.fori_loop(0, nz, ocopy, 0)

    return deg_k


def _make_agg(NP, D, K, rpt):
    nz = rpt // C

    @functools.partial(
        pl.kernel,
        out_type=jax.ShapeDtypeStruct((NC, NP, D), jnp.float32),
        mesh=_sc_mesh(),
        scratch_types=[
            pltpu.VMEM((K, C), jnp.int32),
            pltpu.VMEM((C,), jnp.int32),
            pltpu.VMEM((C,), jnp.int32),
            pltpu.VMEM((C,), jnp.int32),
            pltpu.VMEM((C,), jnp.int32),
            pltpu.VMEM((C, D), jnp.float32),
            pltpu.VMEM((C, D), jnp.float32),
            pltpu.VMEM_SHARED((NP, D), jnp.float32),
            pltpu.SemaphoreType.DMA,
            pltpu.SemaphoreType.DMA,
        ],
    )
    def agg_k(hhat_hbm, pk_hbm, out_hbm,
              pk_v, row_c0, col_c0, row_c1, col_c1, gb0, gb1,
              acc, sem0, sem1):
        cid = lax.axis_index("c")
        sid = lax.axis_index("s")
        wid = sid * NC + cid
        rows = (row_c0, row_c1)
        cols = (col_c0, col_c1)
        gbufs = (gb0, gb1)
        sems = (sem0, sem1)

        def zrow(i, _):
            for jj in range(D // 16):
                gb0[i, pl.ds(jj * 16, 16)] = jnp.zeros((16,), jnp.float32)
            return 0
        lax.fori_loop(0, C, zrow, 0)

        def zcopy(i, _):
            pltpu.sync_copy(gb0, acc.at[pl.ds(sid * rpt + i * C, C)])
            return 0
        lax.fori_loop(0, nz, zcopy, 0)

        pltpu.sync_copy(pk_hbm.at[wid], pk_v)
        plsc.subcore_barrier()

        for b in (0, 1):
            _unpack_chunk(pk_v, b, rows[b], cols[b])
            pltpu.async_copy(hhat_hbm.at[rows[b]], gbufs[b], sems[b])

        def body(i, _):
            for b in (0, 1):
                j = 2 * i + b
                pltpu.make_async_copy(hhat_hbm.at[rows[b]], gbufs[b],
                                      sems[b]).wait()
                pltpu.sync_copy(gbufs[b], acc.at[cols[b]], add=True)
                _unpack_chunk(pk_v, j + 2, rows[b], cols[b])
                pltpu.async_copy(hhat_hbm.at[rows[b]], gbufs[b], sems[b])
            return 0
        lax.fori_loop(0, K // 2 - 1, body, 0)

        for b in (0, 1):
            pltpu.make_async_copy(hhat_hbm.at[rows[b]], gbufs[b],
                                  sems[b]).wait()
            pltpu.sync_copy(gbufs[b], acc.at[cols[b]], add=True)
        plsc.subcore_barrier()

        def ocopy(i, _):
            base = sid * rpt + i * C
            pltpu.sync_copy(acc.at[pl.ds(base, C)], gb1)
            pltpu.sync_copy(gb1, out_hbm.at[cid, pl.ds(base, C)])
            return 0
        lax.fori_loop(0, nz, ocopy, 0)

    return agg_k


def _tc_mm(x_pad, W, NP, D):
    def body(xr, wr, out):
        out[...] = jnp.dot(xr[...], wr[...],
                           preferred_element_type=jnp.float32)

    return pl.pallas_call(
        body,
        grid=(NP // RB,),
        in_specs=[
            pl.BlockSpec((RB, D), lambda i: (i, 0)),
            pl.BlockSpec((D, D), lambda i: (0, 0)),
        ],
        out_specs=pl.BlockSpec((RB, D), lambda i: (i, 0)),
        out_shape=jax.ShapeDtypeStruct((NP, D), jnp.float32),
    )(x_pad, W)


def _tc_scale(t1, deg, NP, D):
    def body(tr, dr, hh_out, dinv_out):
        d = dr[0, :, 0:1] + dr[1, :, 0:1]
        dinv = jnp.where(d > 0, lax.rsqrt(jnp.where(d > 0, d, 1.0)), 0.0)
        dinv_out[...] = dinv
        hh_out[...] = dinv * tr[...]

    return pl.pallas_call(
        body,
        grid=(NP // RB,),
        in_specs=[
            pl.BlockSpec((RB, D), lambda i: (i, 0)),
            pl.BlockSpec((NC, RB, 128), lambda i: (0, i, 0)),
        ],
        out_specs=[pl.BlockSpec((RB, D), lambda i: (i, 0)),
                   pl.BlockSpec((RB, 1), lambda i: (i, 0))],
        out_shape=[jax.ShapeDtypeStruct((NP, D), jnp.float32),
                   jax.ShapeDtypeStruct((NP, 1), jnp.float32)],
    )(t1, deg)


def _tc_mid(s2, dinv_col, b, Wn, NP, D):
    def body(sr, dr, br, wr, a_out, hn_out, hh_out):
        dinv = dr[...]
        a = dinv * (sr[0] + sr[1]) + br[...]
        a_out[...] = a
        nsq = jnp.sum(a * a, axis=-1, keepdims=True)
        hn = a * lax.rsqrt(jnp.maximum(nsq, 1e-24))
        hn_out[...] = hn
        hh_out[...] = dinv * jnp.dot(hn, wr[...],
                                     preferred_element_type=jnp.float32)

    sds = jax.ShapeDtypeStruct((NP, D), jnp.float32)
    return pl.pallas_call(
        body,
        grid=(NP // RB,),
        in_specs=[
            pl.BlockSpec((NC, RB, D), lambda i: (0, i, 0)),
            pl.BlockSpec((RB, 1), lambda i: (i, 0)),
            pl.BlockSpec((1, D), lambda i: (0, 0)),
            pl.BlockSpec((D, D), lambda i: (0, 0)),
        ],
        out_specs=[pl.BlockSpec((RB, D), lambda i: (i, 0))] * 3,
        out_shape=[sds, sds, sds],
    )(s2, dinv_col, b, Wn)


def _tc_post(s2, dinv_col, b, x_pad, hn1, hn2, a1, a2, NP, D):
    def body(sr, dr, br, xr, h1r, h2r, a1r, a2r, a3_out, res_out, fin_out):
        dinv = dr[...]
        a3 = dinv * (sr[0] + sr[1]) + br[...]
        a3_out[...] = a3
        nsq = jnp.sum(a3 * a3, axis=-1, keepdims=True)
        hn3 = a3 * lax.rsqrt(jnp.maximum(nsq, 1e-24))
        res_out[...] = (xr[...] + h1r[...] + 0.5 * h2r[...]
                        + (1.0 / 3.0) * hn3)
        fin_out[...] = (a1r[...] + a2r[...] + a3) * (1.0 / 3.0)

    sds = jax.ShapeDtypeStruct((NP, D), jnp.float32)
    rspec = pl.BlockSpec((RB, D), lambda i: (i, 0))
    return pl.pallas_call(
        body,
        grid=(NP // RB,),
        in_specs=[
            pl.BlockSpec((NC, RB, D), lambda i: (0, i, 0)),
            pl.BlockSpec((RB, 1), lambda i: (i, 0)),
            pl.BlockSpec((1, D), lambda i: (0, 0)),
            rspec, rspec, rspec, rspec, rspec,
        ],
        out_specs=[rspec] * 3,
        out_shape=[sds, sds, sds],
    )(s2, dinv_col, b, x_pad, hn1, hn2, a1, a2)


def kernel(x, edge_index, W1, b1, W2, b2, W3, b3):
    info = plsc.get_sparse_core_info()
    if (info.num_cores, info.num_subcores, info.num_lanes) != (NC, NS, 16):
        raise ValueError(f"unexpected SC geometry: {info}")
    N, D = x.shape
    E = edge_index.shape[1]
    gran = NS * C
    NP = -(-(N + 1) // RB) * RB
    if NP % gran:
        NP = -(-NP // gran) * gran
    rpt = NP // NS
    K = 2 * (-(-E // (NW * C * 2)))
    Ep = NW * K * C

    row = edge_index[0]
    col = edge_index[1]
    pad = Ep - E
    if pad:
        padv = N + (jnp.arange(pad, dtype=jnp.int32) % (NP - N))
        row = jnp.concatenate([row, padv])
        col = jnp.concatenate([col, padv])
    packed = jnp.bitwise_or(row, jnp.left_shift(col, 16)).reshape(NW, K, C)
    x_pad = jnp.pad(x, ((0, NP - N), (0, 0)))
    b1r, b2r, b3r = (b.reshape(1, D) for b in (b1, b2, b3))

    t1 = _tc_mm(x_pad, W1, NP, D)
    deg = _make_deg(NP, K, rpt)(packed)
    agg = _make_agg(NP, D, K, rpt)
    hh1, dinv_col = _tc_scale(t1, deg, NP, D)
    s1 = agg(hh1, packed)
    a1, hn1, hh2 = _tc_mid(s1, dinv_col, b1r, W2, NP, D)
    s2 = agg(hh2, packed)
    a2, hn2, hh3 = _tc_mid(s2, dinv_col, b2r, W3, NP, D)
    s3 = agg(hh3, packed)
    a3, res_p, fin_p = _tc_post(s3, dinv_col, b3r, x_pad, hn1, hn2, a1, a2, NP, D)
    return (res_p[:N], fin_p[:N], a3[:N])

# --- scband reference (transcript-rebuilt; emitter-appended) ---
"""Pipeline reference for scband-graph-encoder-89532888252581 (READ-ONLY COPY).

The authoritative reference and input builder live on the scoring server;
editing this copy changes nothing except your own understanding.
"""

import jax, jax.numpy as jnp
import numpy as np

N = 10000
E = 320000
D = 128
L = 3

def setup_inputs(seed: int = 0) -> dict:
    key = jax.random.key(seed)
    ks = jax.random.split(key, 2 + 2 * L)
    x = jax.random.normal(ks[0], (N, D), dtype=jnp.float32)
    edge_index = jax.random.randint(ks[1], (2, E), 0, N, dtype=jnp.int32)
    inp = {"x": x, "edge_index": edge_index}
    scale = 1.0 / np.sqrt(D)
    for i in range(L):
        inp[f"W{i+1}"] = jax.random.normal(ks[2 + 2 * i], (D, D), dtype=jnp.float32) * scale
        inp[f"b{i+1}"] = jnp.zeros((D,), dtype=jnp.float32)
    return inp

def _gcn_conv(x, edge_index, W, b):
    # PyG GCNConv with add_self_loops=False: X' = D^{-1/2} A D^{-1/2} (X W) + b
    h = x @ W
    row = edge_index[0]
    col = edge_index[1]
    deg = jax.ops.segment_sum(jnp.ones((edge_index.shape[1],), dtype=h.dtype), col, num_segments=N)
    dinv = jnp.where(deg > 0, jax.lax.rsqrt(jnp.where(deg > 0, deg, 1.0)), 0.0)
    norm = dinv[row] * dinv[col]
    msg = h[row] * norm[:, None]
    out = jax.ops.segment_sum(msg, col, num_segments=N)
    return out + b

def _l2norm(x):
    n = jnp.sqrt(jnp.sum(x * x, axis=-1, keepdims=True))
    return x / jnp.maximum(n, 1e-12)

def reference(x, edge_index, W1, b1, W2, b2, W3, b3):
    Ws = [W1, W2, W3]
    bs = [b1, b2, b3]
    result = [x]
    all_embeddings = []
    all_embeddings_cl = x
    h = x
    for i in range(L):
        h = _gcn_conv(h, edge_index, Ws[i], bs[i])
        all_embeddings.append(h)
        if i == L - 1:
            all_embeddings_cl = h
        h = _l2norm(h)
        result.append(h / (i + 1))
    final_embeddings = jnp.mean(jnp.stack(all_embeddings, axis=1), axis=1)
    res = jnp.sum(jnp.stack(result, axis=0), axis=0)
    return (res, final_embeddings, all_embeddings_cl)

if __name__ == "__main__":
    import jax
    _d = setup_inputs()
    print(jax.jit(kernel)(*tuple(_d.values())))

</pallas_src>

<mosaic_0001>
#map = affine_map<(d0, d1) -> (0, 0)>
#map1 = affine_map<(d0, d1) -> (0, 0, 0)>
module attributes {stable_mosaic.version = 14 : i64} {
  func.func @agg_k(%arg0: i32, %arg1: i32, %arg2: memref<10240x128xf32, #tpu.memory_space<hbm>>, %arg3: memref<32x80x128xi32, #tpu.memory_space<hbm>>, %arg4: memref<2x10240x128xf32, #tpu.memory_space<hbm>>, %arg5: memref<80x128xi32, #tpu.memory_space<vmem>>, %arg6: memref<128xi32, #tpu.memory_space<vmem>>, %arg7: memref<128xi32, #tpu.memory_space<vmem>>, %arg8: memref<128xi32, #tpu.memory_space<vmem>>, %arg9: memref<128xi32, #tpu.memory_space<vmem>>, %arg10: memref<128x128xf32, #tpu.memory_space<vmem>>, %arg11: memref<128x128xf32, #tpu.memory_space<vmem>>, %arg12: memref<10240x128xf32, #tpu.memory_space<vmem_shared>>, %arg13: memref<!tpu.dma_semaphore, #tpu.memory_space<semaphore_mem>>, %arg14: memref<!tpu.dma_semaphore, #tpu.memory_space<semaphore_mem>>) attributes {dimension_semantics = [#tpu.dimension_semantics<core_parallel>, #tpu.dimension_semantics<subcore_parallel>], iteration_bounds = array<i64: 2, 16>, scalar_prefetch = 0 : i64, scratch_operands = 10 : i64, tpu.core_type = #tpu.core_type<sc_vector_subcore>, window_params = [{transform_indices = #map}, {transform_indices = #map1}, {transform_indices = #map1}]} {
    %mul3A = arith.constant 2 : i32
    %mul3A_0 = arith.muli %arg1, %mul3A : i32
    %add3A = arith.addi %mul3A_0, %arg0 : i32
    %scan3A = arith.constant 0 : i32
    %scan3A_1 = arith.constant 0 : i32
    %scan3A_2 = arith.constant 128 : i32
    %scan3A_3 = arith.addi %scan3A_1, %scan3A_2 : i32
    %scan3A_4 = arith.constant 1 : i32
    %scan3A_5 = scf.for %scan3A_339 = %scan3A_1 to %scan3A_3 step %scan3A_4 iter_args(%scan3A_340 = %scan3A) -> (i32)  : i32 {
      %broadcast_in_dim3A = arith.constant 0.000000e+00 : f32
      %broadcast_in_dim3A_341 = vector.broadcast %broadcast_in_dim3A : f32 to vector<16xf32>
      %swap3A_342 = arith.index_cast %scan3A_339 : i32 to index
      %swap3A_343 = arith.constant 0 : index
      %swap3A_344 = tpu.vector_load %arg10[%swap3A_342, %swap3A_343] {strides = array<i32>} : memref<128x128xf32, #tpu.memory_space<vmem>>, vector<1x16xf32>,
      %swap3A_345 = vector.shape_cast %swap3A_344 : vector<1x16xf32> to vector<16xf32>
      %swap3A_346 = vector.shape_cast %broadcast_in_dim3A_341 : vector<16xf32> to vector<1x16xf32>
      tpu.vector_store %arg10[%swap3A_342, %swap3A_343], %swap3A_346 {strides = array<i32>} : memref<128x128xf32, #tpu.memory_space<vmem>>, vector<1x16xf32>,
      %broadcast_in_dim3A_347 = arith.constant 0.000000e+00 : f32
      %broadcast_in_dim3A_348 = vector.broadcast %broadcast_in_dim3A_347 : f32 to vector<16xf32>
      %swap3A_349 = arith.index_cast %scan3A_339 : i32 to index
      %swap3A_350 = arith.constant 16 : index
      %swap3A_351 = tpu.vector_load %arg10[%swap3A_349, %swap3A_350] {strides = array<i32>} : memref<128x128xf32, #tpu.memory_space<vmem>>, vector<1x16xf32>,
      %swap3A_352 = vector.shape_cast %swap3A_351 : vector<1x16xf32> to vector<16xf32>
      %swap3A_353 = vector.shape_cast %broadcast_in_dim3A_348 : vector<16xf32> to vector<1x16xf32>
      tpu.vector_store %arg10[%swap3A_349, %swap3A_350], %swap3A_353 {strides = array<i32>} : memref<128x128xf32, #tpu.memory_space<vmem>>, vector<1x16xf32>,
      %broadcast_in_dim3A_354 = arith.constant 0.000000e+00 : f32
      %broadcast_in_dim3A_355 = vector.broadcast %broadcast_in_dim3A_354 : f32 to vector<16xf32>
      %swap3A_356 = arith.index_cast %scan3A_339 : i32 to index
      %swap3A_357 = arith.constant 32 : index
      %swap3A_358 = tpu.vector_load %arg10[%swap3A_356, %swap3A_357] {strides = array<i32>} : memref<128x128xf32, #tpu.memory_space<vmem>>, vector<1x16xf32>,
      %swap3A_359 = vector.shape_cast %swap3A_358 : vector<1x16xf32> to vector<16xf32>
      %swap3A_360 = vector.shape_cast %broadcast_in_dim3A_355 : vector<16xf32> to vector<1x16xf32>
      tpu.vector_store %arg10[%swap3A_356, %swap3A_357], %swap3A_360 {strides = array<i32>} : memref<128x128xf32, #tpu.memory_space<vmem>>, vector<1x16xf32>,
      %broadcast_in_dim3A_361 = arith.constant 0.000000e+00 : f32
      %broadcast_in_dim3A_362 = vector.broadcast %broadcast_in_dim3A_361 : f32 to vector<16xf32>
      %swap3A_363 = arith.index_cast %scan3A_339 : i32 to index
      %swap3A_364 = arith.constant 48 : index
      %swap3A_365 = tpu.vector_load %arg10[%swap3A_363, %swap3A_364] {strides = array<i32>} : memref<128x128xf32, #tpu.memory_space<vmem>>, vector<1x16xf32>,
      %swap3A_366 = vector.shape_cast %swap3A_365 : vector<1x16xf32> to vector<16xf32>
      %swap3A_367 = vector.shape_cast %broadcast_in_dim3A_362 : vector<16xf32> to vector<1x16xf32>
      tpu.vector_store %arg10[%swap3A_363, %swap3A_364], %swap3A_367 {strides = array<i32>} : memref<128x128xf32, #tpu.memory_space<vmem>>, vector<1x16xf32>,
      %broadcast_in_dim3A_368 = arith.constant 0.000000e+00 : f32
      %broadcast_in_dim3A_369 = vector.broadcast %broadcast_in_dim3A_368 : f32 to vector<16xf32>
      %swap3A_370 = arith.index_cast %scan3A_339 : i32 to index
      %swap3A_371 = arith.constant 64 : index
      %swap3A_372 = tpu.vector_load %arg10[%swap3A_370, %swap3A_371] {strides = array<i32>} : memref<128x128xf32, #tpu.memory_space<vmem>>, vector<1x16xf32>,
      %swap3A_373 = vector.shape_cast %swap3A_372 : vector<1x16xf32> to vector<16xf32>
      %swap3A_374 = vector.shape_cast %broadcast_in_dim3A_369 : vector<16xf32> to vector<1x16xf32>
      tpu.vector_store %arg10[%swap3A_370, %swap3A_371], %swap3A_374 {strides = array<i32>} : memref<128x128xf32, #tpu.memory_space<vmem>>, vector<1x16xf32>,
      %broadcast_in_dim3A_375 = arith.constant 0.000000e+00 : f32
      %broadcast_in_dim3A_376 = vector.broadcast %broadcast_in_dim3A_375 : f32 to vector<16xf32>
      %swap3A_377 = arith.index_cast %scan3A_339 : i32 to index
      %swap3A_378 = arith.constant 80 : index
      %swap3A_379 = tpu.vector_load %arg10[%swap3A_377, %swap3A_378] {strides = array<i32>} : memref<128x128xf32, #tpu.memory_space<vmem>>, vector<1x16xf32>,
      %swap3A_380 = vector.shape_cast %swap3A_379 : vector<1x16xf32> to vector<16xf32>
      %swap3A_381 = vector.shape_cast %broadcast_in_dim3A_376 : vector<16xf32> to vector<1x16xf32>
      tpu.vector_store %arg10[%swap3A_377, %swap3A_378], %swap3A_381 {strides = array<i32>} : memref<128x128xf32, #tpu.memory_space<vmem>>, vector<1x16xf32>,
      %broadcast_in_dim3A_382 = arith.constant 0.000000e+00 : f32
      %broadcast_in_dim3A_383 = vector.broadcast %broadcast_in_dim3A_382 : f32 to vector<16xf32>
      %swap3A_384 = arith.index_cast %scan3A_339 : i32 to index
      %swap3A_385 = arith.constant 96 : index
      %swap3A_386 = tpu.vector_load %arg10[%swap3A_384, %swap3A_385] {strides = array<i32>} : memref<128x128xf32, #tpu.memory_space<vmem>>, vector<1x16xf32>,
      %swap3A_387 = vector.shape_cast %swap3A_386 : vector<1x16xf32> to vector<16xf32>
      %swap3A_388 = vector.shape_cast %broadcast_in_dim3A_383 : vector<16xf32> to vector<1x16xf32>
      tpu.vector_store %arg10[%swap3A_384, %swap3A_385], %swap3A_388 {strides = array<i32>} : memref<128x128xf32, #tpu.memory_space<vmem>>, vector<1x16xf32>,
      %broadcast_in_dim3A_389 = arith.constant 0.000000e+00 : f32
      %broadcast_in_dim3A_390 = vector.broadcast %broadcast_in_dim3A_389 : f32 to vector<16xf32>
      %swap3A_391 = arith.index_cast %scan3A_339 : i32 to index
      %swap3A_392 = arith.constant 112 : index
      %swap3A_393 = tpu.vector_load %arg10[%swap3A_391, %swap3A_392] {strides = array<i32>} : memref<128x128xf32, #tpu.memory_space<vmem>>, vector<1x16xf32>,
      %swap3A_394 = vector.shape_cast %swap3A_393 : vector<1x16xf32> to vector<16xf32>
      %swap3A_395 = vector.shape_cast %broadcast_in_dim3A_390 : vector<16xf32> to vector<1x16xf32>
      tpu.vector_store %arg10[%swap3A_391, %swap3A_392], %swap3A_395 {strides = array<i32>} : memref<128x128xf32, #tpu.memory_space<vmem>>, vector<1x16xf32>,
      %scan3A_396 = arith.constant 0 : i32
      scf.yield %scan3A_396 : i32
    }
    %scan3A_6 = arith.constant 128 : i32
    %scan3A_7 = arith.constant 0 : i32
    %scan3A_8 = arith.constant 0 : i32
    %scan3A_9 = arith.constant 5 : i32
    %scan3A_10 = arith.addi %scan3A_8, %scan3A_9 : i32
    %scan3A_11 = arith.constant 1 : i32
    %scan3A_12 = scf.for %scan3A_339 = %scan3A_8 to %scan3A_10 step %scan3A_11 iter_args(%scan3A_340 = %scan3A_7) -> (i32)  : i32 {
      %mul3A_341 = arith.constant 640 : i32
      %mul3A_342 = arith.muli %arg1, %mul3A_341 : i32
      %mul3A_343 = arith.constant 128 : i32
      %mul3A_344 = arith.muli %scan3A_339, %mul3A_343 : i32
      %add3A_345 = arith.addi %mul3A_342, %mul3A_344 : i32
      "tpu.region"() ({
        %run_scoped3A = tpu.sem_alloc : memref<!tpu.dma_semaphore, #tpu.memory_space<semaphore_mem>>
        %dma_start3A_347 = arith.constant 0 : i32
        %dma_start3A_348 = tpu.memref_slice %arg12[%add3A_345, %dma_start3A_347] : memref<10240x128xf32, #tpu.memory_space<vmem_shared>> -> memref<128x128xf32, #tpu.memory_space<vmem_shared>>
        %dma_start3A_349 = arith.constant 0 : i32
        %dma_start3A_350 = tpu.memref_slice %arg12[%add3A_345, %dma_start3A_349] : memref<10240x128xf32, #tpu.memory_space<vmem_shared>> -> memref<128x128xf32, #tpu.memory_space<vmem_shared>>
        tpu.enqueue_dma source(%arg10 : memref<128x128xf32, #tpu.memory_space<vmem>>) target(%dma_start3A_350 : memref<128x128xf32, #tpu.memory_space<vmem_shared>>) target_semaphore(%run_scoped3A : memref<!tpu.dma_semaphore, #tpu.memory_space<semaphore_mem>>)
        %dma_wait3A_351 = arith.constant 0 : i32
        %dma_wait3A_352 = tpu.memref_slice %arg12[%add3A_345, %dma_wait3A_351] : memref<10240x128xf32, #tpu.memory_space<vmem_shared>> -> memref<128x128xf32, #tpu.memory_space<vmem_shared>>
        %dma_wait3A_353 = arith.constant 0 : i32
        %dma_wait3A_354 = tpu.memref_slice %arg12[%add3A_345, %dma_wait3A_353] : memref<10240x128xf32, #tpu.memory_space<vmem_shared>> -> memref<128x128xf32, #tpu.memory_space<vmem_shared>>
        tpu.wait_dma2 semaphore(%run_scoped3A : memref<!tpu.dma_semaphore, #tpu.memory_space<semaphore_mem>>) src(%arg10 : memref<128x128xf32, #tpu.memory_space<vmem>>) dst(%dma_wait3A_354 : memref<128x128xf32, #tpu.memory_space<vmem_shared>>)
        tpu.yield
      }) : () -> ()
      %scan3A_346 = arith.constant 0 : i32
      scf.yield %scan3A_346 : i32
    }
    %scan3A_13 = arith.constant 5 : i32
    "tpu.region"() ({
      %run_scoped3A = tpu.sem_alloc : memref<!tpu.dma_semaphore, #tpu.memory_space<semaphore_mem>>
      %dma_start3A_339 = arith.constant 0 : i32
      %dma_start3A_340 = arith.constant 0 : i32
      %dma_start3A_341 = tpu.memref_slice %arg3[%add3A, %dma_start3A_339, %dma_start3A_340] : memref<32x80x128xi32, #tpu.memory_space<hbm>> -> memref<1x80x128xi32, #tpu.memory_space<hbm>>
      %dma_start3A_342 = tpu.memref_squeeze %dma_start3A_341 : memref<1x80x128xi32, #tpu.memory_space<hbm>> -> memref<80x128xi32, #tpu.memory_space<hbm>>
      %dma_start3A_343 = arith.constant 0 : i32
      %dma_start3A_344 = arith.constant 0 : i32
      %dma_start3A_345 = tpu.memref_slice %arg3[%add3A, %dma_start3A_343, %dma_start3A_344] : memref<32x80x128xi32, #tpu.memory_space<hbm>> -> memref<1x80x128xi32, #tpu.memory_space<hbm>>
      %dma_start3A_346 = tpu.memref_squeeze %dma_start3A_345 : memref<1x80x128xi32, #tpu.memory_space<hbm>> -> memref<80x128xi32, #tpu.memory_space<hbm>>
      tpu.enqueue_dma source(%dma_start3A_346 : memref<80x128xi32, #tpu.memory_space<hbm>>) target(%arg5 : memref<80x128xi32, #tpu.memory_space<vmem>>) target_semaphore(%run_scoped3A : memref<!tpu.dma_semaphore, #tpu.memory_space<semaphore_mem>>)
      %dma_wait3A_347 = arith.constant 0 : i32
      %dma_wait3A_348 = arith.constant 0 : i32
      %dma_wait3A_349 = tpu.memref_slice %arg3[%add3A, %dma_wait3A_347, %dma_wait3A_348] : memref<32x80x128xi32, #tpu.memory_space<hbm>> -> memref<1x80x128xi32, #tpu.memory_space<hbm>>
      %dma_wait3A_350 = tpu.memref_squeeze %dma_wait3A_349 : memref<1x80x128xi32, #tpu.memory_space<hbm>> -> memref<80x128xi32, #tpu.memory_space<hbm>>
      %dma_wait3A_351 = arith.constant 0 : i32
      %dma_wait3A_352 = arith.constant 0 : i32
      %dma_wait3A_353 = tpu.memref_slice %arg3[%add3A, %dma_wait3A_351, %dma_wait3A_352] : memref<32x80x128xi32, #tpu.memory_space<hbm>> -> memref<1x80x128xi32, #tpu.memory_space<hbm>>
      %dma_wait3A_354 = tpu.memref_squeeze %dma_wait3A_353 : memref<1x80x128xi32, #tpu.memory_space<hbm>> -> memref<80x128xi32, #tpu.memory_space<hbm>>
      tpu.wait_dma2 semaphore(%run_scoped3A : memref<!tpu.dma_semaphore, #tpu.memory_space<semaphore_mem>>) src(%dma_wait3A_354 : memref<80x128xi32, #tpu.memory_space<hbm>>) dst(%arg5 : memref<80x128xi32, #tpu.memory_space<vmem>>)
      tpu.yield
    }) : () -> ()
    %barrier3A = arith.constant 0 : index
    tpu.barrier barrier_id(%barrier3A)
    %get3A = arith.constant 0 : i32
    %get3A_14 = arith.index_cast %get3A : i32 to index
    %get3A_15 = arith.constant 0 : index
    %get3A_16 = tpu.vector_load %arg5[%get3A_14, %get3A_15] {strides = array<i32>} : memref<80x128xi32, #tpu.memory_space<vmem>>, vector<1x16xi32>,
    %get3A_17 = vector.shape_cast %get3A_16 : vector<1x16xi32> to vector<16xi32>
    %and3A = arith.constant 65535 : i32
    %and3A_18 = vector.broadcast %and3A : i32 to vector<16xi32>
    %and3A_19 = arith.andi %get3A_17, %and3A_18 : vector<16xi32>
    %swap3A = arith.constant 0 : index
    %swap3A_20 = tpu.vector_load %arg6[%swap3A] {strides = array<i32>} : memref<128xi32, #tpu.memory_space<vmem>>, vector<16xi32>,
    %swap3A_21 = vector.shape_cast %swap3A_20 : vector<16xi32> to vector<16xi32>
    %swap3A_22 = vector.shape_cast %and3A_19 : vector<16xi32> to vector<16xi32>
    tpu.vector_store %arg6[%swap3A], %swap3A_22 {strides = array<i32>} : memref<128xi32, #tpu.memory_space<vmem>>, vector<16xi32>,
    %shift_right_logical3A = arith.constant 16 : i32
    %shift_right_logical3A_23 = vector.broadcast %shift_right_logical3A : i32 to vector<16xi32>
    %shift_right_logical3A_24 = arith.shrui %get3A_17, %shift_right_logical3A_23 : vector<16xi32>
    %swap3A_25 = arith.constant 0 : index
    %swap3A_26 = tpu.vector_load %arg7[%swap3A_25] {strides = array<i32>} : memref<128xi32, #tpu.memory_space<vmem>>, vector<16xi32>,
    %swap3A_27 = vector.shape_cast %swap3A_26 : vector<16xi32> to vector<16xi32>
    %swap3A_28 = vector.shape_cast %shift_right_logical3A_24 : vector<16xi32> to vector<16xi32>
    tpu.vector_store %arg7[%swap3A_25], %swap3A_28 {strides = array<i32>} : memref<128xi32, #tpu.memory_space<vmem>>, vector<16xi32>,
    %get3A_29 = arith.constant 0 : i32
    %get3A_30 = arith.index_cast %get3A_29 : i32 to index
    %get3A_31 = arith.constant 16 : index
    %get3A_32 = tpu.vector_load %arg5[%get3A_30, %get3A_31] {strides = array<i32>} : memref<80x128xi32, #tpu.memory_space<vmem>>, vector<1x16xi32>,
    %get3A_33 = vector.shape_cast %get3A_32 : vector<1x16xi32> to vector<16xi32>
    %and3A_34 = arith.constant 65535 : i32
    %and3A_35 = vector.broadcast %and3A_34 : i32 to vector<16xi32>
    %and3A_36 = arith.andi %get3A_33, %and3A_35 : vector<16xi32>
    %swap3A_37 = arith.constant 16 : index
    %swap3A_38 = tpu.vector_load %arg6[%swap3A_37] {strides = array<i32>} : memref<128xi32, #tpu.memory_space<vmem>>, vector<16xi32>,
    %swap3A_39 = vector.shape_cast %swap3A_38 : vector<16xi32> to vector<16xi32>
    %swap3A_40 = vector.shape_cast %and3A_36 : vector<16xi32> to vector<16xi32>
    tpu.vector_store %arg6[%swap3A_37], %swap3A_40 {strides = array<i32>} : memref<128xi32, #tpu.memory_space<vmem>>, vector<16xi32>,
    %shift_right_logical3A_41 = arith.constant 16 : i32
    %shift_right_logical3A_42 = vector.broadcast %shift_right_logical3A_41 : i32 to vector<16xi32>
    %shift_right_logical3A_43 = arith.shrui %get3A_33, %shift_right_logical3A_42 : vector<16xi32>
    %swap3A_44 = arith.constant 16 : index
    %swap3A_45 = tpu.vector_load %arg7[%swap3A_44] {strides = array<i32>} : memref<128xi32, #tpu.memory_space<vmem>>, vector<16xi32>,
    %swap3A_46 = vector.shape_cast %swap3A_45 : vector<16xi32> to vector<16xi32>
    %swap3A_47 = vector.shape_cast %shift_right_logical3A_43 : vector<16xi32> to vector<16xi32>
    tpu.vector_store %arg7[%swap3A_44], %swap3A_47 {strides = array<i32>} : memref<128xi32, #tpu.memory_space<vmem>>, vector<16xi32>,
    %get3A_48 = arith.constant 0 : i32
    %get3A_49 = arith.index_cast %get3A_48 : i32 to index
    %get3A_50 = arith.constant 32 : index
    %get3A_51 = tpu.vector_load %arg5[%get3A_49, %get3A_50] {strides = array<i32>} : memref<80x128xi32, #tpu.memory_space<vmem>>, vector<1x16xi32>,
    %get3A_52 = vector.shape_cast %get3A_51 : vector<1x16xi32> to vector<16xi32>
    %and3A_53 = arith.constant 65535 : i32
    %and3A_54 = vector.broadcast %and3A_53 : i32 to vector<16xi32>
    %and3A_55 = arith.andi %get3A_52, %and3A_54 : vector<16xi32>
    %swap3A_56 = arith.constant 32 : index
    %swap3A_57 = tpu.vector_load %arg6[%swap3A_56] {strides = array<i32>} : memref<128xi32, #tpu.memory_space<vmem>>, vector<16xi32>,
    %swap3A_58 = vector.shape_cast %swap3A_57 : vector<16xi32> to vector<16xi32>
    %swap3A_59 = vector.shape_cast %and3A_55 : vector<16xi32> to vector<16xi32>
    tpu.vector_store %arg6[%swap3A_56], %swap3A_59 {strides = array<i32>} : memref<128xi32, #tpu.memory_space<vmem>>, vector<16xi32>,
    %shift_right_logical3A_60 = arith.constant 16 : i32
    %shift_right_logical3A_61 = vector.broadcast %shift_right_logical3A_60 : i32 to vector<16xi32>
    %shift_right_logical3A_62 = arith.shrui %get3A_52, %shift_right_logical3A_61 : vector<16xi32>
    %swap3A_63 = arith.constant 32 : index
    %swap3A_64 = tpu.vector_load %arg7[%swap3A_63] {strides = array<i32>} : memref<128xi32, #tpu.memory_space<vmem>>, vector<16xi32>,
    %swap3A_65 = vector.shape_cast %swap3A_64 : vector<16xi32> to vector<16xi32>
    %swap3A_66 = vector.shape_cast %shift_right_logical3A_62 : vector<16xi32> to vector<16xi32>
    tpu.vector_store %arg7[%swap3A_63], %swap3A_66 {strides = array<i32>} : memref<128xi32, #tpu.memory_space<vmem>>, vector<16xi32>,
    %get3A_67 = arith.constant 0 : i32
    %get3A_68 = arith.index_cast %get3A_67 : i32 to index
    %get3A_69 = arith.constant 48 : index
    %get3A_70 = tpu.vector_load %arg5[%get3A_68, %get3A_69] {strides = array<i32>} : memref<80x128xi32, #tpu.memory_space<vmem>>, vector<1x16xi32>,
    %get3A_71 = vector.shape_cast %get3A_70 : vector<1x16xi32> to vector<16xi32>
    %and3A_72 = arith.constant 65535 : i32
    %and3A_73 = vector.broadcast %and3A_72 : i32 to vector<16xi32>
    %and3A_74 = arith.andi %get3A_71, %and3A_73 : vector<16xi32>
    %swap3A_75 = arith.constant 48 : index
    %swap3A_76 = tpu.vector_load %arg6[%swap3A_75] {strides = array<i32>} : memref<128xi32, #tpu.memory_space<vmem>>, vector<16xi32>,
    %swap3A_77 = vector.shape_cast %swap3A_76 : vector<16xi32> to vector<16xi32>
    %swap3A_78 = vector.shape_cast %and3A_74 : vector<16xi32> to vector<16xi32>
    tpu.vector_store %arg6[%swap3A_75], %swap3A_78 {strides = array<i32>} : memref<128xi32, #tpu.memory_space<vmem>>, vector<16xi32>,
    %shift_right_logical3A_79 = arith.constant 16 : i32
    %shift_right_logical3A_80 = vector.broadcast %shift_right_logical3A_79 : i32 to vector<16xi32>
    %shift_right_logical3A_81 = arith.shrui %get3A_71, %shift_right_logical3A_80 : vector<16xi32>
    %swap3A_82 = arith.constant 48 : index
    %swap3A_83 = tpu.vector_load %arg7[%swap3A_82] {strides = array<i32>} : memref<128xi32, #tpu.memory_space<vmem>>, vector<16xi32>,
    %swap3A_84 = vector.shape_cast %swap3A_83 : vector<16xi32> to vector<16xi32>
    %swap3A_85 = vector.shape_cast %shift_right_logical3A_81 : vector<16xi32> to vector<16xi32>
    tpu.vector_store %arg7[%swap3A_82], %swap3A_85 {strides = array<i32>} : memref<128xi32, #tpu.memory_space<vmem>>, vector<16xi32>,
    %get3A_86 = arith.constant 0 : i32
    %get3A_87 = arith.index_cast %get3A_86 : i32 to index
    %get3A_88 = arith.constant 64 : index
    %get3A_89 = tpu.vector_load %arg5[%get3A_87, %get3A_88] {strides = array<i32>} : memref<80x128xi32, #tpu.memory_space<vmem>>, vector<1x16xi32>,
    %get3A_90 = vector.shape_cast %get3A_89 : vector<1x16xi32> to vector<16xi32>
    %and3A_91 = arith.constant 65535 : i32
    %and3A_92 = vector.broadcast %and3A_91 : i32 to vector<16xi32>
    %and3A_93 = arith.andi %get3A_90, %and3A_92 : vector<16xi32>
    %swap3A_94 = arith.constant 64 : index
    %swap3A_95 = tpu.vector_load %arg6[%swap3A_94] {strides = array<i32>} : memref<128xi32, #tpu.memory_space<vmem>>, vector<16xi32>,
    %swap3A_96 = vector.shape_cast %swap3A_95 : vector<16xi32> to vector<16xi32>
    %swap3A_97 = vector.shape_cast %and3A_93 : vector<16xi32> to vector<16xi32>
    tpu.vector_store %arg6[%swap3A_94], %swap3A_97 {strides = array<i32>} : memref<128xi32, #tpu.memory_space<vmem>>, vector<16xi32>,
    %shift_right_logical3A_98 = arith.constant 16 : i32
    %shift_right_logical3A_99 = vector.broadcast %shift_right_logical3A_98 : i32 to vector<16xi32>
    %shift_right_logical3A_100 = arith.shrui %get3A_90, %shift_right_logical3A_99 : vector<16xi32>
    %swap3A_101 = arith.constant 64 : index
    %swap3A_102 = tpu.vector_load %arg7[%swap3A_101] {strides = array<i32>} : memref<128xi32, #tpu.memory_space<vmem>>, vector<16xi32>,
    %swap3A_103 = vector.shape_cast %swap3A_102 : vector<16xi32> to vector<16xi32>
    %swap3A_104 = vector.shape_cast %shift_right_logical3A_100 : vector<16xi32> to vector<16xi32>
    tpu.vector_store %arg7[%swap3A_101], %swap3A_104 {strides = array<i32>} : memref<128xi32, #tpu.memory_space<vmem>>, vector<16xi32>,
    %get3A_105 = arith.constant 0 : i32
    %get3A_106 = arith.index_cast %get3A_105 : i32 to index
    %get3A_107 = arith.constant 80 : index
    %get3A_108 = tpu.vector_load %arg5[%get3A_106, %get3A_107] {strides = array<i32>} : memref<80x128xi32, #tpu.memory_space<vmem>>, vector<1x16xi32>,
    %get3A_109 = vector.shape_cast %get3A_108 : vector<1x16xi32> to vector<16xi32>
    %and3A_110 = arith.constant 65535 : i32
    %and3A_111 = vector.broadcast %and3A_110 : i32 to vector<16xi32>
    %and3A_112 = arith.andi %get3A_109, %and3A_111 : vector<16xi32>
    %swap3A_113 = arith.constant 80 : index
    %swap3A_114 = tpu.vector_load %arg6[%swap3A_113] {strides = array<i32>} : memref<128xi32, #tpu.memory_space<vmem>>, vector<16xi32>,
    %swap3A_115 = vector.shape_cast %swap3A_114 : vector<16xi32> to vector<16xi32>
    %swap3A_116 = vector.shape_cast %and3A_112 : vector<16xi32> to vector<16xi32>
    tpu.vector_store %arg6[%swap3A_113], %swap3A_116 {strides = array<i32>} : memref<128xi32, #tpu.memory_space<vmem>>, vector<16xi32>,
    %shift_right_logical3A_117 = arith.constant 16 : i32
    %shift_right_logical3A_118 = vector.broadcast %shift_right_logical3A_117 : i32 to vector<16xi32>
    %shift_right_logical3A_119 = arith.shrui %get3A_109, %shift_right_logical3A_118 : vector<16xi32>
    %swap3A_120 = arith.constant 80 : index
    %swap3A_121 = tpu.vector_load %arg7[%swap3A_120] {strides = array<i32>} : memref<128xi32, #tpu.memory_space<vmem>>, vector<16xi32>,
    %swap3A_122 = vector.shape_cast %swap3A_121 : vector<16xi32> to vector<16xi32>
    %swap3A_123 = vector.shape_cast %shift_right_logical3A_119 : vector<16xi32> to vector<16xi32>
    tpu.vector_store %arg7[%swap3A_120], %swap3A_123 {strides = array<i32>} : memref<128xi32, #tpu.memory_space<vmem>>, vector<16xi32>,
    %get3A_124 = arith.constant 0 : i32
    %get3A_125 = arith.index_cast %get3A_124 : i32 to index
    %get3A_126 = arith.constant 96 : index
    %get3A_127 = tpu.vector_load %arg5[%get3A_125, %get3A_126] {strides = array<i32>} : memref<80x128xi32, #tpu.memory_space<vmem>>, vector<1x16xi32>,
    %get3A_128 = vector.shape_cast %get3A_127 : vector<1x16xi32> to vector<16xi32>
    %and3A_129 = arith.constant 65535 : i32
    %and3A_130 = vector.broadcast %and3A_129 : i32 to vector<16xi32>
    %and3A_131 = arith.andi %get3A_128, %and3A_130 : vector<16xi32>
    %swap3A_132 = arith.constant 96 : index
    %swap3A_133 = tpu.vector_load %arg6[%swap3A_132] {strides = array<i32>} : memref<128xi32, #tpu.memory_space<vmem>>, vector<16xi32>,
    %swap3A_134 = vector.shape_cast %swap3A_133 : vector<16xi32> to vector<16xi32>
    %swap3A_135 = vector.shape_cast %and3A_131 : vector<16xi32> to vector<16xi32>
    tpu.vector_store %arg6[%swap3A_132], %swap3A_135 {strides = array<i32>} : memref<128xi32, #tpu.memory_space<vmem>>, vector<16xi32>,
    %shift_right_logical3A_136 = arith.constant 16 : i32
    %shift_right_logical3A_137 = vector.broadcast %shift_right_logical3A_136 : i32 to vector<16xi32>
    %shift_right_logical3A_138 = arith.shrui %get3A_128, %shift_right_logical3A_137 : vector<16xi32>
    %swap3A_139 = arith.constant 96 : index
    %swap3A_140 = tpu.vector_load %arg7[%swap3A_139] {strides = array<i32>} : memref<128xi32, #tpu.memory_space<vmem>>, vector<16xi32>,
    %swap3A_141 = vector.shape_cast %swap3A_140 : vector<16xi32> to vector<16xi32>
    %swap3A_142 = vector.shape_cast %shift_right_logical3A_138 : vector<16xi32> to vector<16xi32>
    tpu.vector_store %arg7[%swap3A_139], %swap3A_142 {strides = array<i32>} : memref<128xi32, #tpu.memory_space<vmem>>, vector<16xi32>,
    %get3A_143 = arith.constant 0 : i32
    %get3A_144 = arith.index_cast %get3A_143 : i32 to index
    %get3A_145 = arith.constant 112 : index
    %get3A_146 = tpu.vector_load %arg5[%get3A_144, %get3A_145] {strides = array<i32>} : memref<80x128xi32, #tpu.memory_space<vmem>>, vector<1x16xi32>,
    %get3A_147 = vector.shape_cast %get3A_146 : vector<1x16xi32> to vector<16xi32>
    %and3A_148 = arith.constant 65535 : i32
    %and3A_149 = vector.broadcast %and3A_148 : i32 to vector<16xi32>
    %and3A_150 = arith.andi %get3A_147, %and3A_149 : vector<16xi32>
    %swap3A_151 = arith.constant 112 : index
    %swap3A_152 = tpu.vector_load %arg6[%swap3A_151] {strides = array<i32>} : memref<128xi32, #tpu.memory_space<vmem>>, vector<16xi32>,
    %swap3A_153 = vector.shape_cast %swap3A_152 : vector<16xi32> to vector<16xi32>
    %swap3A_154 = vector.shape_cast %and3A_150 : vector<16xi32> to vector<16xi32>
    tpu.vector_store %arg6[%swap3A_151], %swap3A_154 {strides = array<i32>} : memref<128xi32, #tpu.memory_space<vmem>>, vector<16xi32>,
    %shift_right_logical3A_155 = arith.constant 16 : i32
    %shift_right_logical3A_156 = vector.broadcast %shift_right_logical3A_155 : i32 to vector<16xi32>
    %shift_right_logical3A_157 = arith.shrui %get3A_147, %shift_right_logical3A_156 : vector<16xi32>
    %swap3A_158 = arith.constant 112 : index
    %swap3A_159 = tpu.vector_load %arg7[%swap3A_158] {strides = array<i32>} : memref<128xi32, #tpu.memory_space<vmem>>, vector<16xi32>,
    %swap3A_160 = vector.shape_cast %swap3A_159 : vector<16xi32> to vector<16xi32>
    %swap3A_161 = vector.shape_cast %shift_right_logical3A_157 : vector<16xi32> to vector<16xi32>
    tpu.vector_store %arg7[%swap3A_158], %swap3A_161 {strides = array<i32>} : memref<128xi32, #tpu.memory_space<vmem>>, vector<16xi32>,
    %dma_start3A = arith.constant 0 : i32
    %dma_start3A_162 = arith.constant 0 : i32
    %dma_start3A_163 = tpu.memref_slice %arg2[%dma_start3A, %dma_start3A_162] : memref<10240x128xf32, #tpu.memory_space<hbm>> -> memref<10240x128xf32, #tpu.memory_space<hbm>>
    tpu.enqueue_indirect_dma source(%dma_start3A_163 : memref<10240x128xf32, #tpu.memory_space<hbm>>) target(%arg10 : memref<128x128xf32, #tpu.memory_space<vmem>>) offsets(%arg6 : memref<128xi32, #tpu.memory_space<vmem>>) semaphore(%arg13 : memref<!tpu.dma_semaphore, #tpu.memory_space<semaphore_mem>>)
    %get3A_164 = arith.constant 1 : i32
    %get3A_165 = arith.index_cast %get3A_164 : i32 to index
    %get3A_166 = arith.constant 0 : index
    %get3A_167 = tpu.vector_load %arg5[%get3A_165, %get3A_166] {strides = array<i32>} : memref<80x128xi32, #tpu.memory_space<vmem>>, vector<1x16xi32>,
    %get3A_168 = vector.shape_cast %get3A_167 : vector<1x16xi32> to vector<16xi32>
    %and3A_169 = arith.constant 65535 : i32
    %and3A_170 = vector.broadcast %and3A_169 : i32 to vector<16xi32>
    %and3A_171 = arith.andi %get3A_168, %and3A_170 : vector<16xi32>
    %swap3A_172 = arith.constant 0 : index
    %swap3A_173 = tpu.vector_load %arg8[%swap3A_172] {strides = array<i32>} : memref<128xi32, #tpu.memory_space<vmem>>, vector<16xi32>,
    %swap3A_174 = vector.shape_cast %swap3A_173 : vector<16xi32> to vector<16xi32>
    %swap3A_175 = vector.shape_cast %and3A_171 : vector<16xi32> to vector<16xi32>
    tpu.vector_store %arg8[%swap3A_172], %swap3A_175 {strides = array<i32>} : memref<128xi32, #tpu.memory_space<vmem>>, vector<16xi32>,
    %shift_right_logical3A_176 = arith.constant 16 : i32
    %shift_right_logical3A_177 = vector.broadcast %shift_right_logical3A_176 : i32 to vector<16xi32>
    %shift_right_logical3A_178 = arith.shrui %get3A_168, %shift_right_logical3A_177 : vector<16xi32>
    %swap3A_179 = arith.constant 0 : index
    %swap3A_180 = tpu.vector_load %arg9[%swap3A_179] {strides = array<i32>} : memref<128xi32, #tpu.memory_space<vmem>>, vector<16xi32>,
    %swap3A_181 = vector.shape_cast %swap3A_180 : vector<16xi32> to vector<16xi32>
    %swap3A_182 = vector.shape_cast %shift_right_logical3A_178 : vector<16xi32> to vector<16xi32>
    tpu.vector_store %arg9[%swap3A_179], %swap3A_182 {strides = array<i32>} : memref<128xi32, #tpu.memory_space<vmem>>, vector<16xi32>,
    %get3A_183 = arith.constant 1 : i32
    %get3A_184 = arith.index_cast %get3A_183 : i32 to index
    %get3A_185 = arith.constant 16 : index
    %get3A_186 = tpu.vector_load %arg5[%get3A_184, %get3A_185] {strides = array<i32>} : memref<80x128xi32, #tpu.memory_space<vmem>>, vector<1x16xi32>,
    %get3A_187 = vector.shape_cast %get3A_186 : vector<1x16xi32> to vector<16xi32>
    %and3A_188 = arith.constant 65535 : i32
    %and3A_189 = vector.broadcast %and3A_188 : i32 to vector<16xi32>
    %and3A_190 = arith.andi %get3A_187, %and3A_189 : vector<16xi32>
    %swap3A_191 = arith.constant 16 : index
    %swap3A_192 = tpu.vector_load %arg8[%swap3A_191] {strides = array<i32>} : memref<128xi32, #tpu.memory_space<vmem>>, vector<16xi32>,
    %swap3A_193 = vector.shape_cast %swap3A_192 : vector<16xi32> to vector<16xi32>
    %swap3A_194 = vector.shape_cast %and3A_190 : vector<16xi32> to vector<16xi32>
    tpu.vector_store %arg8[%swap3A_191], %swap3A_194 {strides = array<i32>} : memref<128xi32, #tpu.memory_space<vmem>>, vector<16xi32>,
    %shift_right_logical3A_195 = arith.constant 16 : i32
    %shift_right_logical3A_196 = vector.broadcast %shift_right_logical3A_195 : i32 to vector<16xi32>
    %shift_right_logical3A_197 = arith.shrui %get3A_187, %shift_right_logical3A_196 : vector<16xi32>
    %swap3A_198 = arith.constant 16 : index
    %swap3A_199 = tpu.vector_load %arg9[%swap3A_198] {strides = array<i32>} : memref<128xi32, #tpu.memory_space<vmem>>, vector<16xi32>,
    %swap3A_200 = vector.shape_cast %swap3A_199 : vector<16xi32> to vector<16xi32>
    %swap3A_201 = vector.shape_cast %shift_right_logical3A_197 : vector<16xi32> to vector<16xi32>
    tpu.vector_store %arg9[%swap3A_198], %swap3A_201 {strides = array<i32>} : memref<128xi32, #tpu.memory_space<vmem>>, vector<16xi32>,
    %get3A_202 = arith.constant 1 : i32
    %get3A_203 = arith.index_cast %get3A_202 : i32 to index
    %get3A_204 = arith.constant 32 : index
    %get3A_205 = tpu.vector_load %arg5[%get3A_203, %get3A_204] {strides = array<i32>} : memref<80x128xi32, #tpu.memory_space<vmem>>, vector<1x16xi32>,
    %get3A_206 = vector.shape_cast %get3A_205 : vector<1x16xi32> to vector<16xi32>
    %and3A_207 = arith.constant 65535 : i32
    %and3A_208 = vector.broadcast %and3A_207 : i32 to vector<16xi32>
    %and3A_209 = arith.andi %get3A_206, %and3A_208 : vector<16xi32>
    %swap3A_210 = arith.constant 32 : index
    %swap3A_211 = tpu.vector_load %arg8[%swap3A_210] {strides = array<i32>} : memref<128xi32, #tpu.memory_space<vmem>>, vector<16xi32>,
    %swap3A_212 = vector.shape_cast %swap3A_211 : vector<16xi32> to vector<16xi32>
    %swap3A_213 = vector.shape_cast %and3A_209 : vector<16xi32> to vector<16xi32>
    tpu.vector_store %arg8[%swap3A_210], %swap3A_213 {strides = array<i32>} : memref<128xi32, #tpu.memory_space<vmem>>, vector<16xi32>,
    %shift_right_logical3A_214 = arith.constant 16 : i32
    %shift_right_logical3A_215 = vector.broadcast %shift_right_logical3A_214 : i32 to vector<16xi32>
    %shift_right_logical3A_216 = arith.shrui %get3A_206, %shift_right_logical3A_215 : vector<16xi32>
    %swap3A_217 = arith.constant 32 : index
    %swap3A_218 = tpu.vector_load %arg9[%swap3A_217] {strides = array<i32>} : memref<128xi32, #tpu.memory_space<vmem>>, vector<16xi32>,
    %swap3A_219 = vector.shape_cast %swap3A_218 : vector<16xi32> to vector<16xi32>
    %swap3A_220 = vector.shape_cast %shift_right_logical3A_216 : vector<16xi32> to vector<16xi32>
    tpu.vector_store %arg9[%swap3A_217], %swap3A_220 {strides = array<i32>} : memref<128xi32, #tpu.memory_space<vmem>>, vector<16xi32>,
    %get3A_221 = arith.constant 1 : i32
    %get3A_222 = arith.index_cast %get3A_221 : i32 to index
    %get3A_223 = arith.constant 48 : index
    %get3A_224 = tpu.vector_load %arg5[%get3A_222, %get3A_223] {strides = array<i32>} : memref<80x128xi32, #tpu.memory_space<vmem>>, vector<1x16xi32>,
    %get3A_225 = vector.shape_cast %get3A_224 : vector<1x16xi32> to vector<16xi32>
    %and3A_226 = arith.constant 65535 : i32
    %and3A_227 = vector.broadcast %and3A_226 : i32 to vector<16xi32>
    %and3A_228 = arith.andi %get3A_225, %and3A_227 : vector<16xi32>
    %swap3A_229 = arith.constant 48 : index
    %swap3A_230 = tpu.vector_load %arg8[%swap3A_229] {strides = array<i32>} : memref<128xi32, #tpu.memory_space<vmem>>, vector<16xi32>,
    %swap3A_231 = vector.shape_cast %swap3A_230 : vector<16xi32> to vector<16xi32>
    %swap3A_232 = vector.shape_cast %and3A_228 : vector<16xi32> to vector<16xi32>
    tpu.vector_store %arg8[%swap3A_229], %swap3A_232 {strides = array<i32>} : memref<128xi32, #tpu.memory_space<vmem>>, vector<16xi32>,
    %shift_right_logical3A_233 = arith.constant 16 : i32
    %shift_right_logical3A_234 = vector.broadcast %shift_right_logical3A_233 : i32 to vector<16xi32>
    %shift_right_logical3A_235 = arith.shrui %get3A_225, %shift_right_logical3A_234 : vector<16xi32>
    %swap3A_236 = arith.constant 48 : index
    %swap3A_237 = tpu.vector_load %arg9[%swap3A_236] {strides = array<i32>} : memref<128xi32, #tpu.memory_space<vmem>>, vector<16xi32>,
    %swap3A_238 = vector.shape_cast %swap3A_237 : vector<16xi32> to vector<16xi32>
    %swap3A_239 = vector.shape_cast %shift_right_logical3A_235 : vector<16xi32> to vector<16xi32>
    tpu.vector_store %arg9[%swap3A_236], %swap3A_239 {strides = array<i32>} : memref<128xi32, #tpu.memory_space<vmem>>, vector<16xi32>,
    %get3A_240 = arith.constant 1 : i32
    %get3A_241 = arith.index_cast %get3A_240 : i32 to index
    %get3A_242 = arith.constant 64 : index
    %get3A_243 = tpu.vector_load %arg5[%get3A_241, %get3A_242] {strides = array<i32>} : memref<80x128xi32, #tpu.memory_space<vmem>>, vector<1x16xi32>,
    %get3A_244 = vector.shape_cast %get3A_243 : vector<1x16xi32> to vector<16xi32>
    %and3A_245 = arith.constant 65535 : i32
    %and3A_246 = vector.broadcast %and3A_245 : i32 to vector<16xi32>
    %and3A_247 = arith.andi %get3A_244, %and3A_246 : vector<16xi32>
    %swap3A_248 = arith.constant 64 : index
    %swap3A_249 = tpu.vector_load %arg8[%swap3A_248] {strides = array<i32>} : memref<128xi32, #tpu.memory_space<vmem>>, vector<16xi32>,
    %swap3A_250 = vector.shape_cast %swap3A_249 : vector<16xi32> to vector<16xi32>
    %swap3A_251 = vector.shape_cast %and3A_247 : vector<16xi32> to vector<16xi32>
    tpu.vector_store %arg8[%swap3A_248], %swap3A_251 {strides = array<i32>} : memref<128xi32, #tpu.memory_space<vmem>>, vector<16xi32>,
    %shift_right_logical3A_252 = arith.constant 16 : i32
    %shift_right_logical3A_253 = vector.broadcast %shift_right_logical3A_252 : i32 to vector<16xi32>
    %shift_right_logical3A_254 = arith.shrui %get3A_244, %shift_right_logical3A_253 : vector<16xi32>
    %swap3A_255 = arith.constant 64 : index
    %swap3A_256 = tpu.vector_load %arg9[%swap3A_255] {strides = array<i32>} : memref<128xi32, #tpu.memory_space<vmem>>, vector<16xi32>,
    %swap3A_257 = vector.shape_cast %swap3A_256 : vector<16xi32> to vector<16xi32>
    %swap3A_258 = vector.shape_cast %shift_right_logical3A_254 : vector<16xi32> to vector<16xi32>
    tpu.vector_store %arg9[%swap3A_255], %swap3A_258 {strides = array<i32>} : memref<128xi32, #tpu.memory_space<vmem>>, vector<16xi32>,
    %get3A_259 = arith.constant 1 : i32
    %get3A_260 = arith.index_cast %get3A_259 : i32 to index
    %get3A_261 = arith.constant 80 : index
    %get3A_262 = tpu.vector_load %arg5[%get3A_260, %get3A_261] {strides = array<i32>} : memref<80x128xi32, #tpu.memory_space<vmem>>, vector<1x16xi32>,
    %get3A_263 = vector.shape_cast %get3A_262 : vector<1x16xi32> to vector<16xi32>
    %and3A_264 = arith.constant 65535 : i32
    %and3A_265 = vector.broadcast %and3A_264 : i32 to vector<16xi32>
    %and3A_266 = arith.andi %get3A_263, %and3A_265 : vector<16xi32>
    %swap3A_267 = arith.constant 80 : index
    %swap3A_268 = tpu.vector_load %arg8[%swap3A_267] {strides = array<i32>} : memref<128xi32, #tpu.memory_space<vmem>>, vector<16xi32>,
    %swap3A_269 = vector.shape_cast %swap3A_268 : vector<16xi32> to vector<16xi32>
    %swap3A_270 = vector.shape_cast %and3A_266 : vector<16xi32> to vector<16xi32>
    tpu.vector_store %arg8[%swap3A_267], %swap3A_270 {strides = array<i32>} : memref<128xi32, #tpu.memory_space<vmem>>, vector<16xi32>,
    %shift_right_logical3A_271 = arith.constant 16 : i32
    %shift_right_logical3A_272 = vector.broadcast %shift_right_logical3A_271 : i32 to vector<16xi32>
    %shift_right_logical3A_273 = arith.shrui %get3A_263, %shift_right_logical3A_272 : vector<16xi32>
    %swap3A_274 = arith.constant 80 : index
    %swap3A_275 = tpu.vector_load %arg9[%swap3A_274] {strides = array<i32>} : memref<128xi32, #tpu.memory_space<vmem>>, vector<16xi32>,
    %swap3A_276 = vector.shape_cast %swap3A_275 : vector<16xi32> to vector<16xi32>
    %swap3A_277 = vector.shape_cast %shift_right_logical3A_273 : vector<16xi32> to vector<16xi32>
    tpu.vector_store %arg9[%swap3A_274], %swap3A_277 {strides = array<i32>} : memref<128xi32, #tpu.memory_space<vmem>>, vector<16xi32>,
    %get3A_278 = arith.constant 1 : i32
    %get3A_279 = arith.index_cast %get3A_278 : i32 to index
    %get3A_280 = arith.constant 96 : index
    %get3A_281 = tpu.vector_load %arg5[%get3A_279, %get3A_280] {strides = array<i32>} : memref<80x128xi32, #tpu.memory_space<vmem>>, vector<1x16xi32>,
    %get3A_282 = vector.shape_cast %get3A_281 : vector<1x16xi32> to vector<16xi32>
    %and3A_283 = arith.constant 65535 : i32
    %and3A_284 = vector.broadcast %and3A_283 : i32 to vector<16xi32>
    %and3A_285 = arith.andi %get3A_282, %and3A_284 : vector<16xi32>
    %swap3A_286 = arith.constant 96 : index
    %swap3A_287 = tpu.vector_load %arg8[%swap3A_286] {strides = array<i32>} : memref<128xi32, #tpu.memory_space<vmem>>, vector<16xi32>,
    %swap3A_288 = vector.shape_cast %swap3A_287 : vector<16xi32> to vector<16xi32>
    %swap3A_289 = vector.shape_cast %and3A_285 : vector<16xi32> to vector<16xi32>
    tpu.vector_store %arg8[%swap3A_286], %swap3A_289 {strides = array<i32>} : memref<128xi32, #tpu.memory_space<vmem>>, vector<16xi32>,
    %shift_right_logical3A_290 = arith.constant 16 : i32
    %shift_right_logical3A_291 = vector.broadcast %shift_right_logical3A_290 : i32 to vector<16xi32>
    %shift_right_logical3A_292 = arith.shrui %get3A_282, %shift_right_logical3A_291 : vector<16xi32>
    %swap3A_293 = arith.constant 96 : index
    %swap3A_294 = tpu.vector_load %arg9[%swap3A_293] {strides = array<i32>} : memref<128xi32, #tpu.memory_space<vmem>>, vector<16xi32>,
    %swap3A_295 = vector.shape_cast %swap3A_294 : vector<16xi32> to vector<16xi32>
    %swap3A_296 = vector.shape_cast %shift_right_logical3A_292 : vector<16xi32> to vector<16xi32>
    tpu.vector_store %arg9[%swap3A_293], %swap3A_296 {strides = array<i32>} : memref<128xi32, #tpu.memory_space<vmem>>, vector<16xi32>,
    %get3A_297 = arith.constant 1 : i32
    %get3A_298 = arith.index_cast %get3A_297 : i32 to index
    %get3A_299 = arith.constant 112 : index
    %get3A_300 = tpu.vector_load %arg5[%get3A_298, %get3A_299] {strides = array<i32>} : memref<80x128xi32, #tpu.memory_space<vmem>>, vector<1x16xi32>,
    %get3A_301 = vector.shape_cast %get3A_300 : vector<1x16xi32> to vector<16xi32>
    %and3A_302 = arith.constant 65535 : i32
    %and3A_303 = vector.broadcast %and3A_302 : i32 to vector<16xi32>
    %and3A_304 = arith.andi %get3A_301, %and3A_303 : vector<16xi32>
    %swap3A_305 = arith.constant 112 : index
    %swap3A_306 = tpu.vector_load %arg8[%swap3A_305] {strides = array<i32>} : memref<128xi32, #tpu.memory_space<vmem>>, vector<16xi32>,
    %swap3A_307 = vector.shape_cast %swap3A_306 : vector<16xi32> to vector<16xi32>
    %swap3A_308 = vector.shape_cast %and3A_304 : vector<16xi32> to vector<16xi32>
    tpu.vector_store %arg8[%swap3A_305], %swap3A_308 {strides = array<i32>} : memref<128xi32, #tpu.memory_space<vmem>>, vector<16xi32>,
    %shift_right_logical3A_309 = arith.constant 16 : i32
    %shift_right_logical3A_310 = vector.broadcast %shift_right_logical3A_309 : i32 to vector<16xi32>
    %shift_right_logical3A_311 = arith.shrui %get3A_301, %shift_right_logical3A_310 : vector<16xi32>
    %swap3A_312 = arith.constant 112 : index
    %swap3A_313 = tpu.vector_load %arg9[%swap3A_312] {strides = array<i32>} : memref<128xi32, #tpu.memory_space<vmem>>, vector<16xi32>,
    %swap3A_314 = vector.shape_cast %swap3A_313 : vector<16xi32> to vector<16xi32>
    %swap3A_315 = vector.shape_cast %shift_right_logical3A_311 : vector<16xi32> to vector<16xi32>
    tpu.vector_store %arg9[%swap3A_312], %swap3A_315 {strides = array<i32>} : memref<128xi32, #tpu.memory_space<vmem>>, vector<16xi32>,
    %dma_start3A_316 = arith.constant 0 : i32
    %dma_start3A_317 = arith.constant 0 : i32
    %dma_start3A_318 = tpu.memref_slice %arg2[%dma_start3A_316, %dma_start3A_317] : memref<10240x128xf32, #tpu.memory_space<hbm>> -> memref<10240x128xf32, #tpu.memory_space<hbm>>
    tpu.enqueue_indirect_dma source(%dma_start3A_318 : memref<10240x128xf32, #tpu.memory_space<hbm>>) target(%arg11 : memref<128x128xf32, #tpu.memory_space<vmem>>) offsets(%arg8 : memref<128xi32, #tpu.memory_space<vmem>>) semaphore(%arg14 : memref<!tpu.dma_semaphore, #tpu.memory_space<semaphore_mem>>)
    %scan3A_319 = arith.constant 0 : i32
    %scan3A_320 = arith.constant 0 : i32
    %scan3A_321 = arith.constant 39 : i32
    %scan3A_322 = arith.addi %scan3A_320, %scan3A_321 : i32
    %scan3A_323 = arith.constant 1 : i32
    %scan3A_324 = scf.for %scan3A_339 = %scan3A_320 to %scan3A_322 step %scan3A_323 iter_args(%scan3A_340 = %scan3A_319) -> (i32)  : i32 {
      %mul3A_341 = arith.constant 2 : i32
      %mul3A_342 = arith.muli %mul3A_341, %scan3A_339 : i32
      %add3A_343 = arith.constant 0 : i32
      %add3A_344 = arith.addi %mul3A_342, %add3A_343 : i32
      %dma_wait3A_345 = arith.constant 0 : i32
      %dma_wait3A_346 = arith.constant 0 : i32
      %dma_wait3A_347 = tpu.memref_slice %arg2[%dma_wait3A_345, %dma_wait3A_346] : memref<10240x128xf32, #tpu.memory_space<hbm>> -> memref<10240x128xf32, #tpu.memory_space<hbm>>
      tpu.wait_indirect_dma semaphore(%arg13 : memref<!tpu.dma_semaphore, #tpu.memory_space<semaphore_mem>>) src(%dma_wait3A_347 : memref<10240x128xf32, #tpu.memory_space<hbm>>) dst(%arg10 : memref<128x128xf32, #tpu.memory_space<vmem>>)
      "tpu.region"() ({
        %run_scoped3A = tpu.sem_alloc : memref<!tpu.dma_semaphore, #tpu.memory_space<semaphore_mem>>
        %dma_start3A_654 = arith.constant 0 : i32
        %dma_start3A_655 = arith.constant 0 : i32
        %dma_start3A_656 = tpu.memref_slice %arg12[%dma_start3A_654, %dma_start3A_655] : memref<10240x128xf32, #tpu.memory_space<vmem_shared>> -> memref<10240x128xf32, #tpu.memory_space<vmem_shared>>
        tpu.enqueue_indirect_dma source(%arg10 : memref<128x128xf32, #tpu.memory_space<vmem>>) target(%dma_start3A_656 : memref<10240x128xf32, #tpu.memory_space<vmem_shared>>) offsets(%arg7 : memref<128xi32, #tpu.memory_space<vmem>>) semaphore(%run_scoped3A : memref<!tpu.dma_semaphore, #tpu.memory_space<semaphore_mem>>) {add = true}
        %dma_wait3A_657 = arith.constant 0 : i32
        %dma_wait3A_658 = arith.constant 0 : i32
        %dma_wait3A_659 = tpu.memref_slice %arg12[%dma_wait3A_657, %dma_wait3A_658] : memref<10240x128xf32, #tpu.memory_space<vmem_shared>> -> memref<10240x128xf32, #tpu.memory_space<vmem_shared>>
        tpu.wait_indirect_dma semaphore(%run_scoped3A : memref<!tpu.dma_semaphore, #tpu.memory_space<semaphore_mem>>) src(%arg10 : memref<128x128xf32, #tpu.memory_space<vmem>>) dst(%dma_wait3A_659 : memref<10240x128xf32, #tpu.memory_space<vmem_shared>>)
        tpu.yield
      }) : () -> ()
      %add3A_348 = arith.constant 2 : i32
      %add3A_349 = arith.addi %add3A_344, %add3A_348 : i32
      %get3A_350 = arith.index_cast %add3A_349 : i32 to index
      %get3A_351 = arith.constant 0 : index
      %get3A_352 = tpu.vector_load %arg5[%get3A_350, %get3A_351] {strides = array<i32>} : memref<80x128xi32, #tpu.memory_space<vmem>>, vector<1x16xi32>,
      %get3A_353 = vector.shape_cast %get3A_352 : vector<1x16xi32> to vector<16xi32>
      %and3A_354 = arith.constant 65535 : i32
      %and3A_355 = vector.broadcast %and3A_354 : i32 to vector<16xi32>
      %and3A_356 = arith.andi %get3A_353, %and3A_355 : vector<16xi32>
      %swap3A_357 = arith.constant 0 : index
      %swap3A_358 = tpu.vector_load %arg6[%swap3A_357] {strides = array<i32>} : memref<128xi32, #tpu.memory_space<vmem>>, vector<16xi32>,
      %swap3A_359 = vector.shape_cast %swap3A_358 : vector<16xi32> to vector<16xi32>
      %swap3A_360 = vector.shape_cast %and3A_356 : vector<16xi32> to vector<16xi32>
      tpu.vector_store %arg6[%swap3A_357], %swap3A_360 {strides = array<i32>} : memref<128xi32, #tpu.memory_space<vmem>>, vector<16xi32>,
      %shift_right_logical3A_361 = arith.constant 16 : i32
      %shift_right_logical3A_362 = vector.broadcast %shift_right_logical3A_361 : i32 to vector<16xi32>
      %shift_right_logical3A_363 = arith.shrui %get3A_353, %shift_right_logical3A_362 : vector<16xi32>
      %swap3A_364 = arith.constant 0 : index
      %swap3A_365 = tpu.vector_load %arg7[%swap3A_364] {strides = array<i32>} : memref<128xi32, #tpu.memory_space<vmem>>, vector<16xi32>,
      %swap3A_366 = vector.shape_cast %swap3A_365 : vector<16xi32> to vector<16xi32>
      %swap3A_367 = vector.shape_cast %shift_right_logical3A_363 : vector<16xi32> to vector<16xi32>
      tpu.vector_store %arg7[%swap3A_364], %swap3A_367 {strides = array<i32>} : memref<128xi32, #tpu.memory_space<vmem>>, vector<16xi32>,
      %get3A_368 = arith.index_cast %add3A_349 : i32 to index
      %get3A_369 = arith.constant 16 : index
      %get3A_370 = tpu.vector_load %arg5[%get3A_368, %get3A_369] {strides = array<i32>} : memref<80x128xi32, #tpu.memory_space<vmem>>, vector<1x16xi32>,
      %get3A_371 = vector.shape_cast %get3A_370 : vector<1x16xi32> to vector<16xi32>
      %and3A_372 = arith.constant 65535 : i32
      %and3A_373 = vector.broadcast %and3A_372 : i32 to vector<16xi32>
      %and3A_374 = arith.andi %get3A_371, %and3A_373 : vector<16xi32>
      %swap3A_375 = arith.constant 16 : index
      %swap3A_376 = tpu.vector_load %arg6[%swap3A_375] {strides = array<i32>} : memref<128xi32, #tpu.memory_space<vmem>>, vector<16xi32>,
      %swap3A_377 = vector.shape_cast %swap3A_376 : vector<16xi32> to vector<16xi32>
      %swap3A_378 = vector.shape_cast %and3A_374 : vector<16xi32> to vector<16xi32>
      tpu.vector_store %arg6[%swap3A_375], %swap3A_378 {strides = array<i32>} : memref<128xi32, #tpu.memory_space<vmem>>, vector<16xi32>,
      %shift_right_logical3A_379 = arith.constant 16 : i32
      %shift_right_logical3A_380 = vector.broadcast %shift_right_logical3A_379 : i32 to vector<16xi32>
      %shift_right_logical3A_381 = arith.shrui %get3A_371, %shift_right_logical3A_380 : vector<16xi32>
      %swap3A_382 = arith.constant 16 : index
      %swap3A_383 = tpu.vector_load %arg7[%swap3A_382] {strides = array<i32>} : memref<128xi32, #tpu.memory_space<vmem>>, vector<16xi32>,
      %swap3A_384 = vector.shape_cast %swap3A_383 : vector<16xi32> to vector<16xi32>
      %swap3A_385 = vector.shape_cast %shift_right_logical3A_381 : vector<16xi32> to vector<16xi32>
      tpu.vector_store %arg7[%swap3A_382], %swap3A_385 {strides = array<i32>} : memref<128xi32, #tpu.memory_space<vmem>>, vector<16xi32>,
      %get3A_386 = arith.index_cast %add3A_349 : i32 to index
      %get3A_387 = arith.constant 32 : index
      %get3A_388 = tpu.vector_load %arg5[%get3A_386, %get3A_387] {strides = array<i32>} : memref<80x128xi32, #tpu.memory_space<vmem>>, vector<1x16xi32>,
      %get3A_389 = vector.shape_cast %get3A_388 : vector<1x16xi32> to vector<16xi32>
      %and3A_390 = arith.constant 65535 : i32
      %and3A_391 = vector.broadcast %and3A_390 : i32 to vector<16xi32>
      %and3A_392 = arith.andi %get3A_389, %and3A_391 : vector<16xi32>
      %swap3A_393 = arith.constant 32 : index
      %swap3A_394 = tpu.vector_load %arg6[%swap3A_393] {strides = array<i32>} : memref<128xi32, #tpu.memory_space<vmem>>, vector<16xi32>,
      %swap3A_395 = vector.shape_cast %swap3A_394 : vector<16xi32> to vector<16xi32>
      %swap3A_396 = vector.shape_cast %and3A_392 : vector<16xi32> to vector<16xi32>
      tpu.vector_store %arg6[%swap3A_393], %swap3A_396 {strides = array<i32>} : memref<128xi32, #tpu.memory_space<vmem>>, vector<16xi32>,
      %shift_right_logical3A_397 = arith.constant 16 : i32
      %shift_right_logical3A_398 = vector.broadcast %shift_right_logical3A_397 : i32 to vector<16xi32>
      %shift_right_logical3A_399 = arith.shrui %get3A_389, %shift_right_logical3A_398 : vector<16xi32>
      %swap3A_400 = arith.constant 32 : index
      %swap3A_401 = tpu.vector_load %arg7[%swap3A_400] {strides = array<i32>} : memref<128xi32, #tpu.memory_space<vmem>>, vector<16xi32>,
      %swap3A_402 = vector.shape_cast %swap3A_401 : vector<16xi32> to vector<16xi32>
      %swap3A_403 = vector.shape_cast %shift_right_logical3A_399 : vector<16xi32> to vector<16xi32>
      tpu.vector_store %arg7[%swap3A_400], %swap3A_403 {strides = array<i32>} : memref<128xi32, #tpu.memory_space<vmem>>, vector<16xi32>,
      %get3A_404 = arith.index_cast %add3A_349 : i32 to index
      %get3A_405 = arith.constant 48 : index
      %get3A_406 = tpu.vector_load %arg5[%get3A_404, %get3A_405] {strides = array<i32>} : memref<80x128xi32, #tpu.memory_space<vmem>>, vector<1x16xi32>,
      %get3A_407 = vector.shape_cast %get3A_406 : vector<1x16xi32> to vector<16xi32>
      %and3A_408 = arith.constant 65535 : i32
      %and3A_409 = vector.broadcast %and3A_408 : i32 to vector<16xi32>
      %and3A_410 = arith.andi %get3A_407, %and3A_409 : vector<16xi32>
      %swap3A_411 = arith.constant 48 : index
      %swap3A_412 = tpu.vector_load %arg6[%swap3A_411] {strides = array<i32>} : memref<128xi32, #tpu.memory_space<vmem>>, vector<16xi32>,
      %swap3A_413 = vector.shape_cast %swap3A_412 : vector<16xi32> to vector<16xi32>
      %swap3A_414 = vector.shape_cast %and3A_410 : vector<16xi32> to vector<16xi32>
      tpu.vector_store %arg6[%swap3A_411], %swap3A_414 {strides = array<i32>} : memref<128xi32, #tpu.memory_space<vmem>>, vector<16xi32>,
      %shift_right_logical3A_415 = arith.constant 16 : i32
      %shift_right_logical3A_416 = vector.broadcast %shift_right_logical3A_415 : i32 to vector<16xi32>
      %shift_right_logical3A_417 = arith.shrui %get3A_407, %shift_right_logical3A_416 : vector<16xi32>
      %swap3A_418 = arith.constant 48 : index
      %swap3A_419 = tpu.vector_load %arg7[%swap3A_418] {strides = array<i32>} : memref<128xi32, #tpu.memory_space<vmem>>, vector<16xi32>,
      %swap3A_420 = vector.shape_cast %swap3A_419 : vector<16xi32> to vector<16xi32>
      %swap3A_421 = vector.shape_cast %shift_right_logical3A_417 : vector<16xi32> to vector<16xi32>
      tpu.vector_store %arg7[%swap3A_418], %swap3A_421 {strides = array<i32>} : memref<128xi32, #tpu.memory_space<vmem>>, vector<16xi32>,
      %get3A_422 = arith.index_cast %add3A_349 : i32 to index
      %get3A_423 = arith.constant 64 : index
      %get3A_424 = tpu.vector_load %arg5[%get3A_422, %get3A_423] {strides = array<i32>} : memref<80x128xi32, #tpu.memory_space<vmem>>, vector<1x16xi32>,
      %get3A_425 = vector.shape_cast %get3A_424 : vector<1x16xi32> to vector<16xi32>
      %and3A_426 = arith.constant 65535 : i32
      %and3A_427 = vector.broadcast %and3A_426 : i32 to vector<16xi32>
      %and3A_428 = arith.andi %get3A_425, %and3A_427 : vector<16xi32>
      %swap3A_429 = arith.constant 64 : index
      %swap3A_430 = tpu.vector_load %arg6[%swap3A_429] {strides = array<i32>} : memref<128xi32, #tpu.memory_space<vmem>>, vector<16xi32>,
      %swap3A_431 = vector.shape_cast %swap3A_430 : vector<16xi32> to vector<16xi32>
      %swap3A_432 = vector.shape_cast %and3A_428 : vector<16xi32> to vector<16xi32>
      tpu.vector_store %arg6[%swap3A_429], %swap3A_432 {strides = array<i32>} : memref<128xi32, #tpu.memory_space<vmem>>, vector<16xi32>,
      %shift_right_logical3A_433 = arith.constant 16 : i32
      %shift_right_logical3A_434 = vector.broadcast %shift_right_logical3A_433 : i32 to vector<16xi32>
      %shift_right_logical3A_435 = arith.shrui %get3A_425, %shift_right_logical3A_434 : vector<16xi32>
      %swap3A_436 = arith.constant 64 : index
      %swap3A_437 = tpu.vector_load %arg7[%swap3A_436] {strides = array<i32>} : memref<128xi32, #tpu.memory_space<vmem>>, vector<16xi32>,
      %swap3A_438 = vector.shape_cast %swap3A_437 : vector<16xi32> to vector<16xi32>
      %swap3A_439 = vector.shape_cast %shift_right_logical3A_435 : vector<16xi32> to vector<16xi32>
      tpu.vector_store %arg7[%swap3A_436], %swap3A_439 {strides = array<i32>} : memref<128xi32, #tpu.memory_space<vmem>>, vector<16xi32>,
      %get3A_440 = arith.index_cast %add3A_349 : i32 to index
      %get3A_441 = arith.constant 80 : index
      %get3A_442 = tpu.vector_load %arg5[%get3A_440, %get3A_441] {strides = array<i32>} : memref<80x128xi32, #tpu.memory_space<vmem>>, vector<1x16xi32>,
      %get3A_443 = vector.shape_cast %get3A_442 : vector<1x16xi32> to vector<16xi32>
      %and3A_444 = arith.constant 65535 : i32
      %and3A_445 = vector.broadcast %and3A_444 : i32 to vector<16xi32>
      %and3A_446 = arith.andi %get3A_443, %and3A_445 : vector<16xi32>
      %swap3A_447 = arith.constant 80 : index
      %swap3A_448 = tpu.vector_load %arg6[%swap3A_447] {strides = array<i32>} : memref<128xi32, #tpu.memory_space<vmem>>, vector<16xi32>,
      %swap3A_449 = vector.shape_cast %swap3A_448 : vector<16xi32> to vector<16xi32>
      %swap3A_450 = vector.shape_cast %and3A_446 : vector<16xi32> to vector<16xi32>
      tpu.vector_store %arg6[%swap3A_447], %swap3A_450 {strides = array<i32>} : memref<128xi32, #tpu.memory_space<vmem>>, vector<16xi32>,
      %shift_right_logical3A_451 = arith.constant 16 : i32
      %shift_right_logical3A_452 = vector.broadcast %shift_right_logical3A_451 : i32 to vector<16xi32>
      %shift_right_logical3A_453 = arith.shrui %get3A_443, %shift_right_logical3A_452 : vector<16xi32>
      %swap3A_454 = arith.constant 80 : index
      %swap3A_455 = tpu.vector_load %arg7[%swap3A_454] {strides = array<i32>} : memref<128xi32, #tpu.memory_space<vmem>>, vector<16xi32>,
      %swap3A_456 = vector.shape_cast %swap3A_455 : vector<16xi32> to vector<16xi32>
      %swap3A_457 = vector.shape_cast %shift_right_logical3A_453 : vector<16xi32> to vector<16xi32>
      tpu.vector_store %arg7[%swap3A_454], %swap3A_457 {strides = array<i32>} : memref<128xi32, #tpu.memory_space<vmem>>, vector<16xi32>,
      %get3A_458 = arith.index_cast %add3A_349 : i32 to index
      %get3A_459 = arith.constant 96 : index
      %get3A_460 = tpu.vector_load %arg5[%get3A_458, %get3A_459] {strides = array<i32>} : memref<80x128xi32, #tpu.memory_space<vmem>>, vector<1x16xi32>,
      %get3A_461 = vector.shape_cast %get3A_460 : vector<1x16xi32> to vector<16xi32>
      %and3A_462 = arith.constant 65535 : i32
      %and3A_463 = vector.broadcast %and3A_462 : i32 to vector<16xi32>
      %and3A_464 = arith.andi %get3A_461, %and3A_463 : vector<16xi32>
      %swap3A_465 = arith.constant 96 : index
      %swap3A_466 = tpu.vector_load %arg6[%swap3A_465] {strides = array<i32>} : memref<128xi32, #tpu.memory_space<vmem>>, vector<16xi32>,
      %swap3A_467 = vector.shape_cast %swap3A_466 : vector<16xi32> to vector<16xi32>
      %swap3A_468 = vector.shape_cast %and3A_464 : vector<16xi32> to vector<16xi32>
      tpu.vector_store %arg6[%swap3A_465], %swap3A_468 {strides = array<i32>} : memref<128xi32, #tpu.memory_space<vmem>>, vector<16xi32>,
      %shift_right_logical3A_469 = arith.constant 16 : i32
      %shift_right_logical3A_470 = vector.broadcast %shift_right_logical3A_469 : i32 to vector<16xi32>
      %shift_right_logical3A_471 = arith.shrui %get3A_461, %shift_right_logical3A_470 : vector<16xi32>
      %swap3A_472 = arith.constant 96 : index
      %swap3A_473 = tpu.vector_load %arg7[%swap3A_472] {strides = array<i32>} : memref<128xi32, #tpu.memory_space<vmem>>, vector<16xi32>,
      %swap3A_474 = vector.shape_cast %swap3A_473 : vector<16xi32> to vector<16xi32>
      %swap3A_475 = vector.shape_cast %shift_right_logical3A_471 : vector<16xi32> to vector<16xi32>
      tpu.vector_store %arg7[%swap3A_472], %swap3A_475 {strides = array<i32>} : memref<128xi32, #tpu.memory_space<vmem>>, vector<16xi32>,
      %get3A_476 = arith.index_cast %add3A_349 : i32 to index
      %get3A_477 = arith.constant 112 : index
      %get3A_478 = tpu.vector_load %arg5[%get3A_476, %get3A_477] {strides = array<i32>} : memref<80x128xi32, #tpu.memory_space<vmem>>, vector<1x16xi32>,
      %get3A_479 = vector.shape_cast %get3A_478 : vector<1x16xi32> to vector<16xi32>
      %and3A_480 = arith.constant 65535 : i32
      %and3A_481 = vector.broadcast %and3A_480 : i32 to vector<16xi32>
      %and3A_482 = arith.andi %get3A_479, %and3A_481 : vector<16xi32>
      %swap3A_483 = arith.constant 112 : index
      %swap3A_484 = tpu.vector_load %arg6[%swap3A_483] {strides = array<i32>} : memref<128xi32, #tpu.memory_space<vmem>>, vector<16xi32>,
      %swap3A_485 = vector.shape_cast %swap3A_484 : vector<16xi32> to vector<16xi32>
      %swap3A_486 = vector.shape_cast %and3A_482 : vector<16xi32> to vector<16xi32>
      tpu.vector_store %arg6[%swap3A_483], %swap3A_486 {strides = array<i32>} : memref<128xi32, #tpu.memory_space<vmem>>, vector<16xi32>,
      %shift_right_logical3A_487 = arith.constant 16 : i32
      %shift_right_logical3A_488 = vector.broadcast %shift_right_logical3A_487 : i32 to vector<16xi32>
      %shift_right_logical3A_489 = arith.shrui %get3A_479, %shift_right_logical3A_488 : vector<16xi32>
      %swap3A_490 = arith.constant 112 : index
      %swap3A_491 = tpu.vector_load %arg7[%swap3A_490] {strides = array<i32>} : memref<128xi32, #tpu.memory_space<vmem>>, vector<16xi32>,
      %swap3A_492 = vector.shape_cast %swap3A_491 : vector<16xi32> to vector<16xi32>
      %swap3A_493 = vector.shape_cast %shift_right_logical3A_489 : vector<16xi32> to vector<16xi32>
      tpu.vector_store %arg7[%swap3A_490], %swap3A_493 {strides = array<i32>} : memref<128xi32, #tpu.memory_space<vmem>>, vector<16xi32>,
      %dma_start3A_494 = arith.constant 0 : i32
      %dma_start3A_495 = arith.constant 0 : i32
      %dma_start3A_496 = tpu.memref_slice %arg2[%dma_start3A_494, %dma_start3A_495] : memref<10240x128xf32, #tpu.memory_space<hbm>> -> memref<10240x128xf32, #tpu.memory_space<hbm>>
      tpu.enqueue_indirect_dma source(%dma_start3A_496 : memref<10240x128xf32, #tpu.memory_space<hbm>>) target(%arg10 : memref<128x128xf32, #tpu.memory_space<vmem>>) offsets(%arg6 : memref<128xi32, #tpu.memory_space<vmem>>) semaphore(%arg13 : memref<!tpu.dma_semaphore, #tpu.memory_space<semaphore_mem>>)
      %mul3A_497 = arith.constant 2 : i32
      %mul3A_498 = arith.muli %mul3A_497, %scan3A_339 : i32
      %add3A_499 = arith.constant 1 : i32
      %add3A_500 = arith.addi %mul3A_498, %add3A_499 : i32
      %dma_wait3A_501 = arith.constant 0 : i32
      %dma_wait3A_502 = arith.constant 0 : i32
      %dma_wait3A_503 = tpu.memref_slice %arg2[%dma_wait3A_501, %dma_wait3A_502] : memref<10240x128xf32, #tpu.memory_space<hbm>> -> memref<10240x128xf32, #tpu.memory_space<hbm>>
      tpu.wait_indirect_dma semaphore(%arg14 : memref<!tpu.dma_semaphore, #tpu.memory_space<semaphore_mem>>) src(%dma_wait3A_503 : memref<10240x128xf32, #tpu.memory_space<hbm>>) dst(%arg11 : memref<128x128xf32, #tpu.memory_space<vmem>>)
      "tpu.region"() ({
        %run_scoped3A = tpu.sem_alloc : memref<!tpu.dma_semaphore, #tpu.memory_space<semaphore_mem>>
        %dma_start3A_654 = arith.constant 0 : i32
        %dma_start3A_655 = arith.constant 0 : i32
        %dma_start3A_656 = tpu.memref_slice %arg12[%dma_start3A_654, %dma_start3A_655] : memref<10240x128xf32, #tpu.memory_space<vmem_shared>> -> memref<10240x128xf32, #tpu.memory_space<vmem_shared>>
        tpu.enqueue_indirect_dma source(%arg11 : memref<128x128xf32, #tpu.memory_space<vmem>>) target(%dma_start3A_656 : memref<10240x128xf32, #tpu.memory_space<vmem_shared>>) offsets(%arg9 : memref<128xi32, #tpu.memory_space<vmem>>) semaphore(%run_scoped3A : memref<!tpu.dma_semaphore, #tpu.memory_space<semaphore_mem>>) {add = true}
        %dma_wait3A_657 = arith.constant 0 : i32
        %dma_wait3A_658 = arith.constant 0 : i32
        %dma_wait3A_659 = tpu.memref_slice %arg12[%dma_wait3A_657, %dma_wait3A_658] : memref<10240x128xf32, #tpu.memory_space<vmem_shared>> -> memref<10240x128xf32, #tpu.memory_space<vmem_shared>>
        tpu.wait_indirect_dma semaphore(%run_scoped3A : memref<!tpu.dma_semaphore, #tpu.memory_space<semaphore_mem>>) src(%arg11 : memref<128x128xf32, #tpu.memory_space<vmem>>) dst(%dma_wait3A_659 : memref<10240x128xf32, #tpu.memory_space<vmem_shared>>)
        tpu.yield
      }) : () -> ()
      %add3A_504 = arith.constant 2 : i32
      %add3A_505 = arith.addi %add3A_500, %add3A_504 : i32
      %get3A_506 = arith.index_cast %add3A_505 : i32 to index
      %get3A_507 = arith.constant 0 : index
      %get3A_508 = tpu.vector_load %arg5[%get3A_506, %get3A_507] {strides = array<i32>} : memref<80x128xi32, #tpu.memory_space<vmem>>, vector<1x16xi32>,
      %get3A_509 = vector.shape_cast %get3A_508 : vector<1x16xi32> to vector<16xi32>
      %and3A_510 = arith.constant 65535 : i32
      %and3A_511 = vector.broadcast %and3A_510 : i32 to vector<16xi32>
      %and3A_512 = arith.andi %get3A_509, %and3A_511 : vector<16xi32>
      %swap3A_513 = arith.constant 0 : index
      %swap3A_514 = tpu.vector_load %arg8[%swap3A_513] {strides = array<i32>} : memref<128xi32, #tpu.memory_space<vmem>>, vector<16xi32>,
      %swap3A_515 = vector.shape_cast %swap3A_514 : vector<16xi32> to vector<16xi32>
      %swap3A_516 = vector.shape_cast %and3A_512 : vector<16xi32> to vector<16xi32>
      tpu.vector_store %arg8[%swap3A_513], %swap3A_516 {strides = array<i32>} : memref<128xi32, #tpu.memory_space<vmem>>, vector<16xi32>,
      %shift_right_logical3A_517 = arith.constant 16 : i32
      %shift_right_logical3A_518 = vector.broadcast %shift_right_logical3A_517 : i32 to vector<16xi32>
      %shift_right_logical3A_519 = arith.shrui %get3A_509, %shift_right_logical3A_518 : vector<16xi32>
      %swap3A_520 = arith.constant 0 : index
      %swap3A_521 = tpu.vector_load %arg9[%swap3A_520] {strides = array<i32>} : memref<128xi32, #tpu.memory_space<vmem>>, vector<16xi32>,
      %swap3A_522 = vector.shape_cast %swap3A_521 : vector<16xi32> to vector<16xi32>
      %swap3A_523 = vector.shape_cast %shift_right_logical3A_519 : vector<16xi32> to vector<16xi32>
      tpu.vector_store %arg9[%swap3A_520], %swap3A_523 {strides = array<i32>} : memref<128xi32, #tpu.memory_space<vmem>>, vector<16xi32>,
      %get3A_524 = arith.index_cast %add3A_505 : i32 to index
      %get3A_525 = arith.constant 16 : index
      %get3A_526 = tpu.vector_load %arg5[%get3A_524, %get3A_525] {strides = array<i32>} : memref<80x128xi32, #tpu.memory_space<vmem>>, vector<1x16xi32>,
      %get3A_527 = vector.shape_cast %get3A_526 : vector<1x16xi32> to vector<16xi32>
      %and3A_528 = arith.constant 65535 : i32
      %and3A_529 = vector.broadcast %and3A_528 : i32 to vector<16xi32>
      %and3A_530 = arith.andi %get3A_527, %and3A_529 : vector<16xi32>
      %swap3A_531 = arith.constant 16 : index
      %swap3A_532 = tpu.vector_load %arg8[%swap3A_531] {strides = array<i32>} : memref<128xi32, #tpu.memory_space<vmem>>, vector<16xi32>,
      %swap3A_533 = vector.shape_cast %swap3A_532 : vector<16xi32> to vector<16xi32>
      %swap3A_534 = vector.shape_cast %and3A_530 : vector<16xi32> to vector<16xi32>
      tpu.vector_store %arg8[%swap3A_531], %swap3A_534 {strides = array<i32>} : memref<128xi32, #tpu.memory_space<vmem>>, vector<16xi32>,
      %shift_right_logical3A_535 = arith.constant 16 : i32
      %shift_right_logical3A_536 = vector.broadcast %shift_right_logical3A_535 : i32 to vector<16xi32>
      %shift_right_logical3A_537 = arith.shrui %get3A_527, %shift_right_logical3A_536 : vector<16xi32>
      %swap3A_538 = arith.constant 16 : index
      %swap3A_539 = tpu.vector_load %arg9[%swap3A_538] {strides = array<i32>} : memref<128xi32, #tpu.memory_space<vmem>>, vector<16xi32>,
      %swap3A_540 = vector.shape_cast %swap3A_539 : vector<16xi32> to vector<16xi32>
      %swap3A_541 = vector.shape_cast %shift_right_logical3A_537 : vector<16xi32> to vector<16xi32>
      tpu.vector_store %arg9[%swap3A_538], %swap3A_541 {strides = array<i32>} : memref<128xi32, #tpu.memory_space<vmem>>, vector<16xi32>,
      %get3A_542 = arith.index_cast %add3A_505 : i32 to index
      %get3A_543 = arith.constant 32 : index
      %get3A_544 = tpu.vector_load %arg5[%get3A_542, %get3A_543] {strides = array<i32>} : memref<80x128xi32, #tpu.memory_space<vmem>>, vector<1x16xi32>,
      %get3A_545 = vector.shape_cast %get3A_544 : vector<1x16xi32> to vector<16xi32>
      %and3A_546 = arith.constant 65535 : i32
      %and3A_547 = vector.broadcast %and3A_546 : i32 to vector<16xi32>
      %and3A_548 = arith.andi %get3A_545, %and3A_547 : vector<16xi32>
      %swap3A_549 = arith.constant 32 : index
      %swap3A_550 = tpu.vector_load %arg8[%swap3A_549] {strides = array<i32>} : memref<128xi32, #tpu.memory_space<vmem>>, vector<16xi32>,
      %swap3A_551 = vector.shape_cast %swap3A_550 : vector<16xi32> to vector<16xi32>
      %swap3A_552 = vector.shape_cast %and3A_548 : vector<16xi32> to vector<16xi32>
      tpu.vector_store %arg8[%swap3A_549], %swap3A_552 {strides = array<i32>} : memref<128xi32, #tpu.memory_space<vmem>>, vector<16xi32>,
      %shift_right_logical3A_553 = arith.constant 16 : i32
      %shift_right_logical3A_554 = vector.broadcast %shift_right_logical3A_553 : i32 to vector<16xi32>
      %shift_right_logical3A_555 = arith.shrui %get3A_545, %shift_right_logical3A_554 : vector<16xi32>
      %swap3A_556 = arith.constant 32 : index
      %swap3A_557 = tpu.vector_load %arg9[%swap3A_556] {strides = array<i32>} : memref<128xi32, #tpu.memory_space<vmem>>, vector<16xi32>,
      %swap3A_558 = vector.shape_cast %swap3A_557 : vector<16xi32> to vector<16xi32>
      %swap3A_559 = vector.shape_cast %shift_right_logical3A_555 : vector<16xi32> to vector<16xi32>
      tpu.vector_store %arg9[%swap3A_556], %swap3A_559 {strides = array<i32>} : memref<128xi32, #tpu.memory_space<vmem>>, vector<16xi32>,
      %get3A_560 = arith.index_cast %add3A_505 : i32 to index
      %get3A_561 = arith.constant 48 : index
      %get3A_562 = tpu.vector_load %arg5[%get3A_560, %get3A_561] {strides = array<i32>} : memref<80x128xi32, #tpu.memory_space<vmem>>, vector<1x16xi32>,
      %get3A_563 = vector.shape_cast %get3A_562 : vector<1x16xi32> to vector<16xi32>
      %and3A_564 = arith.constant 65535 : i32
      %and3A_565 = vector.broadcast %and3A_564 : i32 to vector<16xi32>
      %and3A_566 = arith.andi %get3A_563, %and3A_565 : vector<16xi32>
      %swap3A_567 = arith.constant 48 : index
      %swap3A_568 = tpu.vector_load %arg8[%swap3A_567] {strides = array<i32>} : memref<128xi32, #tpu.memory_space<vmem>>, vector<16xi32>,
      %swap3A_569 = vector.shape_cast %swap3A_568 : vector<16xi32> to vector<16xi32>
      %swap3A_570 = vector.shape_cast %and3A_566 : vector<16xi32> to vector<16xi32>
      tpu.vector_store %arg8[%swap3A_567], %swap3A_570 {strides = array<i32>} : memref<128xi32, #tpu.memory_space<vmem>>, vector<16xi32>,
      %shift_right_logical3A_571 = arith.constant 16 : i32
      %shift_right_logical3A_572 = vector.broadcast %shift_right_logical3A_571 : i32 to vector<16xi32>
      %shift_right_logical3A_573 = arith.shrui %get3A_563, %shift_right_logical3A_572 : vector<16xi32>
      %swap3A_574 = arith.constant 48 : index
      %swap3A_575 = tpu.vector_load %arg9[%swap3A_574] {strides = array<i32>} : memref<128xi32, #tpu.memory_space<vmem>>, vector<16xi32>,
      %swap3A_576 = vector.shape_cast %swap3A_575 : vector<16xi32> to vector<16xi32>
      %swap3A_577 = vector.shape_cast %shift_right_logical3A_573 : vector<16xi32> to vector<16xi32>
      tpu.vector_store %arg9[%swap3A_574], %swap3A_577 {strides = array<i32>} : memref<128xi32, #tpu.memory_space<vmem>>, vector<16xi32>,
      %get3A_578 = arith.index_cast %add3A_505 : i32 to index
      %get3A_579 = arith.constant 64 : index
      %get3A_580 = tpu.vector_load %arg5[%get3A_578, %get3A_579] {strides = array<i32>} : memref<80x128xi32, #tpu.memory_space<vmem>>, vector<1x16xi32>,
      %get3A_581 = vector.shape_cast %get3A_580 : vector<1x16xi32> to vector<16xi32>
      %and3A_582 = arith.constant 65535 : i32
      %and3A_583 = vector.broadcast %and3A_582 : i32 to vector<16xi32>
      %and3A_584 = arith.andi %get3A_581, %and3A_583 : vector<16xi32>
      %swap3A_585 = arith.constant 64 : index
      %swap3A_586 = tpu.vector_load %arg8[%swap3A_585] {strides = array<i32>} : memref<128xi32, #tpu.memory_space<vmem>>, vector<16xi32>,
      %swap3A_587 = vector.shape_cast %swap3A_586 : vector<16xi32> to vector<16xi32>
      %swap3A_588 = vector.shape_cast %and3A_584 : vector<16xi32> to vector<16xi32>
      tpu.vector_store %arg8[%swap3A_585], %swap3A_588 {strides = array<i32>} : memref<128xi32, #tpu.memory_space<vmem>>, vector<16xi32>,
      %shift_right_logical3A_589 = arith.constant 16 : i32
      %shift_right_logical3A_590 = vector.broadcast %shift_right_logical3A_589 : i32 to vector<16xi32>
      %shift_right_logical3A_591 = arith.shrui %get3A_581, %shift_right_logical3A_590 : vector<16xi32>
      %swap3A_592 = arith.constant 64 : index
      %swap3A_593 = tpu.vector_load %arg9[%swap3A_592] {strides = array<i32>} : memref<128xi32, #tpu.memory_space<vmem>>, vector<16xi32>,
      %swap3A_594 = vector.shape_cast %swap3A_593 : vector<16xi32> to vector<16xi32>
      %swap3A_595 = vector.shape_cast %shift_right_logical3A_591 : vector<16xi32> to vector<16xi32>
      tpu.vector_store %arg9[%swap3A_592], %swap3A_595 {strides = array<i32>} : memref<128xi32, #tpu.memory_space<vmem>>, vector<16xi32>,
      %get3A_596 = arith.index_cast %add3A_505 : i32 to index
      %get3A_597 = arith.constant 80 : index
      %get3A_598 = tpu.vector_load %arg5[%get3A_596, %get3A_597] {strides = array<i32>} : memref<80x128xi32, #tpu.memory_space<vmem>>, vector<1x16xi32>,
      %get3A_599 = vector.shape_cast %get3A_598 : vector<1x16xi32> to vector<16xi32>
      %and3A_600 = arith.constant 65535 : i32
      %and3A_601 = vector.broadcast %and3A_600 : i32 to vector<16xi32>
      %and3A_602 = arith.andi %get3A_599, %and3A_601 : vector<16xi32>
      %swap3A_603 = arith.constant 80 : index
      %swap3A_604 = tpu.vector_load %arg8[%swap3A_603] {strides = array<i32>} : memref<128xi32, #tpu.memory_space<vmem>>, vector<16xi32>,
      %swap3A_605 = vector.shape_cast %swap3A_604 : vector<16xi32> to vector<16xi32>
      %swap3A_606 = vector.shape_cast %and3A_602 : vector<16xi32> to vector<16xi32>
      tpu.vector_store %arg8[%swap3A_603], %swap3A_606 {strides = array<i32>} : memref<128xi32, #tpu.memory_space<vmem>>, vector<16xi32>,
      %shift_right_logical3A_607 = arith.constant 16 : i32
      %shift_right_logical3A_608 = vector.broadcast %shift_right_logical3A_607 : i32 to vector<16xi32>
      %shift_right_logical3A_609 = arith.shrui %get3A_599, %shift_right_logical3A_608 : vector<16xi32>
      %swap3A_610 = arith.constant 80 : index
      %swap3A_611 = tpu.vector_load %arg9[%swap3A_610] {strides = array<i32>} : memref<128xi32, #tpu.memory_space<vmem>>, vector<16xi32>,
      %swap3A_612 = vector.shape_cast %swap3A_611 : vector<16xi32> to vector<16xi32>
      %swap3A_613 = vector.shape_cast %shift_right_logical3A_609 : vector<16xi32> to vector<16xi32>
      tpu.vector_store %arg9[%swap3A_610], %swap3A_613 {strides = array<i32>} : memref<128xi32, #tpu.memory_space<vmem>>, vector<16xi32>,
      %get3A_614 = arith.index_cast %add3A_505 : i32 to index
      %get3A_615 = arith.constant 96 : index
      %get3A_616 = tpu.vector_load %arg5[%get3A_614, %get3A_615] {strides = array<i32>} : memref<80x128xi32, #tpu.memory_space<vmem>>, vector<1x16xi32>,
      %get3A_617 = vector.shape_cast %get3A_616 : vector<1x16xi32> to vector<16xi32>
      %and3A_618 = arith.constant 65535 : i32
      %and3A_619 = vector.broadcast %and3A_618 : i32 to vector<16xi32>
      %and3A_620 = arith.andi %get3A_617, %and3A_619 : vector<16xi32>
      %swap3A_621 = arith.constant 96 : index
      %swap3A_622 = tpu.vector_load %arg8[%swap3A_621] {strides = array<i32>} : memref<128xi32, #tpu.memory_space<vmem>>, vector<16xi32>,
      %swap3A_623 = vector.shape_cast %swap3A_622 : vector<16xi32> to vector<16xi32>
      %swap3A_624 = vector.shape_cast %and3A_620 : vector<16xi32> to vector<16xi32>
      tpu.vector_store %arg8[%swap3A_621], %swap3A_624 {strides = array<i32>} : memref<128xi32, #tpu.memory_space<vmem>>, vector<16xi32>,
      %shift_right_logical3A_625 = arith.constant 16 : i32
      %shift_right_logical3A_626 = vector.broadcast %shift_right_logical3A_625 : i32 to vector<16xi32>
      %shift_right_logical3A_627 = arith.shrui %get3A_617, %shift_right_logical3A_626 : vector<16xi32>
      %swap3A_628 = arith.constant 96 : index
      %swap3A_629 = tpu.vector_load %arg9[%swap3A_628] {strides = array<i32>} : memref<128xi32, #tpu.memory_space<vmem>>, vector<16xi32>,
      %swap3A_630 = vector.shape_cast %swap3A_629 : vector<16xi32> to vector<16xi32>
      %swap3A_631 = vector.shape_cast %shift_right_logical3A_627 : vector<16xi32> to vector<16xi32>
      tpu.vector_store %arg9[%swap3A_628], %swap3A_631 {strides = array<i32>} : memref<128xi32, #tpu.memory_space<vmem>>, vector<16xi32>,
      %get3A_632 = arith.index_cast %add3A_505 : i32 to index
      %get3A_633 = arith.constant 112 : index
      %get3A_634 = tpu.vector_load %arg5[%get3A_632, %get3A_633] {strides = array<i32>} : memref<80x128xi32, #tpu.memory_space<vmem>>, vector<1x16xi32>,
      %get3A_635 = vector.shape_cast %get3A_634 : vector<1x16xi32> to vector<16xi32>
      %and3A_636 = arith.constant 65535 : i32
      %and3A_637 = vector.broadcast %and3A_636 : i32 to vector<16xi32>
      %and3A_638 = arith.andi %get3A_635, %and3A_637 : vector<16xi32>
      %swap3A_639 = arith.constant 112 : index
      %swap3A_640 = tpu.vector_load %arg8[%swap3A_639] {strides = array<i32>} : memref<128xi32, #tpu.memory_space<vmem>>, vector<16xi32>,
      %swap3A_641 = vector.shape_cast %swap3A_640 : vector<16xi32> to vector<16xi32>
      %swap3A_642 = vector.shape_cast %and3A_638 : vector<16xi32> to vector<16xi32>
      tpu.vector_store %arg8[%swap3A_639], %swap3A_642 {strides = array<i32>} : memref<128xi32, #tpu.memory_space<vmem>>, vector<16xi32>,
      %shift_right_logical3A_643 = arith.constant 16 : i32
      %shift_right_logical3A_644 = vector.broadcast %shift_right_logical3A_643 : i32 to vector<16xi32>
      %shift_right_logical3A_645 = arith.shrui %get3A_635, %shift_right_logical3A_644 : vector<16xi32>
      %swap3A_646 = arith.constant 112 : index
      %swap3A_647 = tpu.vector_load %arg9[%swap3A_646] {strides = array<i32>} : memref<128xi32, #tpu.memory_space<vmem>>, vector<16xi32>,
      %swap3A_648 = vector.shape_cast %swap3A_647 : vector<16xi32> to vector<16xi32>
      %swap3A_649 = vector.shape_cast %shift_right_logical3A_645 : vector<16xi32> to vector<16xi32>
      tpu.vector_store %arg9[%swap3A_646], %swap3A_649 {strides = array<i32>} : memref<128xi32, #tpu.memory_space<vmem>>, vector<16xi32>,
      %dma_start3A_650 = arith.constant 0 : i32
      %dma_start3A_651 = arith.constant 0 : i32
      %dma_start3A_652 = tpu.memref_slice %arg2[%dma_start3A_650, %dma_start3A_651] : memref<10240x128xf32, #tpu.memory_space<hbm>> -> memref<10240x128xf32, #tpu.memory_space<hbm>>
      tpu.enqueue_indirect_dma source(%dma_start3A_652 : memref<10240x128xf32, #tpu.memory_space<hbm>>) target(%arg11 : memref<128x128xf32, #tpu.memory_space<vmem>>) offsets(%arg8 : memref<128xi32, #tpu.memory_space<vmem>>) semaphore(%arg14 : memref<!tpu.dma_semaphore, #tpu.memory_space<semaphore_mem>>)
      %scan3A_653 = arith.constant 0 : i32
      scf.yield %scan3A_653 : i32
    }
    %scan3A_325 = arith.constant 39 : i32
    %dma_wait3A = arith.constant 0 : i32
    %dma_wait3A_326 = arith.constant 0 : i32
    %dma_wait3A_327 = tpu.memref_slice %arg2[%dma_wait3A, %dma_wait3A_326] : memref<10240x128xf32, #tpu.memory_space<hbm>> -> memref<10240x128xf32, #tpu.memory_space<hbm>>
    tpu.wait_indirect_dma semaphore(%arg13 : memref<!tpu.dma_semaphore, #tpu.memory_space<semaphore_mem>>) src(%dma_wait3A_327 : memref<10240x128xf32, #tpu.memory_space<hbm>>) dst(%arg10 : memref<128x128xf32, #tpu.memory_space<vmem>>)
    "tpu.region"() ({
      %run_scoped3A = tpu.sem_alloc : memref<!tpu.dma_semaphore, #tpu.memory_space<semaphore_mem>>
      %dma_start3A_339 = arith.constant 0 : i32
      %dma_start3A_340 = arith.constant 0 : i32
      %dma_start3A_341 = tpu.memref_slice %arg12[%dma_start3A_339, %dma_start3A_340] : memref<10240x128xf32, #tpu.memory_space<vmem_shared>> -> memref<10240x128xf32, #tpu.memory_space<vmem_shared>>
      tpu.enqueue_indirect_dma source(%arg10 : memref<128x128xf32, #tpu.memory_space<vmem>>) target(%dma_start3A_341 : memref<10240x128xf32, #tpu.memory_space<vmem_shared>>) offsets(%arg7 : memref<128xi32, #tpu.memory_space<vmem>>) semaphore(%run_scoped3A : memref<!tpu.dma_semaphore, #tpu.memory_space<semaphore_mem>>) {add = true}
      %dma_wait3A_342 = arith.constant 0 : i32
      %dma_wait3A_343 = arith.constant 0 : i32
      %dma_wait3A_344 = tpu.memref_slice %arg12[%dma_wait3A_342, %dma_wait3A_343] : memref<10240x128xf32, #tpu.memory_space<vmem_shared>> -> memref<10240x128xf32, #tpu.memory_space<vmem_shared>>
      tpu.wait_indirect_dma semaphore(%run_scoped3A : memref<!tpu.dma_semaphore, #tpu.memory_space<semaphore_mem>>) src(%arg10 : memref<128x128xf32, #tpu.memory_space<vmem>>) dst(%dma_wait3A_344 : memref<10240x128xf32, #tpu.memory_space<vmem_shared>>)
      tpu.yield
    }) : () -> ()
    %dma_wait3A_328 = arith.constant 0 : i32
    %dma_wait3A_329 = arith.constant 0 : i32
    %dma_wait3A_330 = tpu.memref_slice %arg2[%dma_wait3A_328, %dma_wait3A_329] : memref<10240x128xf32, #tpu.memory_space<hbm>> -> memref<10240x128xf32, #tpu.memory_space<hbm>>
    tpu.wait_indirect_dma semaphore(%arg14 : memref<!tpu.dma_semaphore, #tpu.memory_space<semaphore_mem>>) src(%dma_wait3A_330 : memref<10240x128xf32, #tpu.memory_space<hbm>>) dst(%arg11 : memref<128x128xf32, #tpu.memory_space<vmem>>)
    "tpu.region"() ({
      %run_scoped3A = tpu.sem_alloc : memref<!tpu.dma_semaphore, #tpu.memory_space<semaphore_mem>>
      %dma_start3A_339 = arith.constant 0 : i32
      %dma_start3A_340 = arith.constant 0 : i32
      %dma_start3A_341 = tpu.memref_slice %arg12[%dma_start3A_339, %dma_start3A_340] : memref<10240x128xf32, #tpu.memory_space<vmem_shared>> -> memref<10240x128xf32, #tpu.memory_space<vmem_shared>>
      tpu.enqueue_indirect_dma source(%arg11 : memref<128x128xf32, #tpu.memory_space<vmem>>) target(%dma_start3A_341 : memref<10240x128xf32, #tpu.memory_space<vmem_shared>>) offsets(%arg9 : memref<128xi32, #tpu.memory_space<vmem>>) semaphore(%run_scoped3A : memref<!tpu.dma_semaphore, #tpu.memory_space<semaphore_mem>>) {add = true}
      %dma_wait3A_342 = arith.constant 0 : i32
      %dma_wait3A_343 = arith.constant 0 : i32
      %dma_wait3A_344 = tpu.memref_slice %arg12[%dma_wait3A_342, %dma_wait3A_343] : memref<10240x128xf32, #tpu.memory_space<vmem_shared>> -> memref<10240x128xf32, #tpu.memory_space<vmem_shared>>
      tpu.wait_indirect_dma semaphore(%run_scoped3A : memref<!tpu.dma_semaphore, #tpu.memory_space<semaphore_mem>>) src(%arg11 : memref<128x128xf32, #tpu.memory_space<vmem>>) dst(%dma_wait3A_344 : memref<10240x128xf32, #tpu.memory_space<vmem_shared>>)
      tpu.yield
    }) : () -> ()
    %barrier3A_331 = arith.constant 0 : index
    tpu.barrier barrier_id(%barrier3A_331)
    %scan3A_332 = arith.constant 0 : i32
    %scan3A_333 = arith.constant 0 : i32
    %scan3A_334 = arith.constant 5 : i32
    %scan3A_335 = arith.addi %scan3A_333, %scan3A_334 : i32
    %scan3A_336 = arith.constant 1 : i32
    %scan3A_337 = scf.for %scan3A_339 = %scan3A_333 to %scan3A_335 step %scan3A_336 iter_args(%scan3A_340 = %scan3A_332) -> (i32)  : i32 {
      %mul3A_341 = arith.constant 640 : i32
      %mul3A_342 = arith.muli %arg1, %mul3A_341 : i32
      %mul3A_343 = arith.constant 128 : i32
      %mul3A_344 = arith.muli %scan3A_339, %mul3A_343 : i32
      %add3A_345 = arith.addi %mul3A_342, %mul3A_344 : i32
      "tpu.region"() ({
        %run_scoped3A = tpu.sem_alloc : memref<!tpu.dma_semaphore, #tpu.memory_space<semaphore_mem>>
        %dma_start3A_347 = arith.constant 0 : i32
        %dma_start3A_348 = tpu.memref_slice %arg12[%add3A_345, %dma_start3A_347] : memref<10240x128xf32, #tpu.memory_space<vmem_shared>> -> memref<128x128xf32, #tpu.memory_space<vmem_shared>>
        %dma_start3A_349 = arith.constant 0 : i32
        %dma_start3A_350 = tpu.memref_slice %arg12[%add3A_345, %dma_start3A_349] : memref<10240x128xf32, #tpu.memory_space<vmem_shared>> -> memref<128x128xf32, #tpu.memory_space<vmem_shared>>
        tpu.enqueue_dma source(%dma_start3A_350 : memref<128x128xf32, #tpu.memory_space<vmem_shared>>) target(%arg11 : memref<128x128xf32, #tpu.memory_space<vmem>>) target_semaphore(%run_scoped3A : memref<!tpu.dma_semaphore, #tpu.memory_space<semaphore_mem>>)
        %dma_wait3A_351 = arith.constant 0 : i32
        %dma_wait3A_352 = tpu.memref_slice %arg12[%add3A_345, %dma_wait3A_351] : memref<10240x128xf32, #tpu.memory_space<vmem_shared>> -> memref<128x128xf32, #tpu.memory_space<vmem_shared>>
        %dma_wait3A_353 = arith.constant 0 : i32
        %dma_wait3A_354 = tpu.memref_slice %arg12[%add3A_345, %dma_wait3A_353] : memref<10240x128xf32, #tpu.memory_space<vmem_shared>> -> memref<128x128xf32, #tpu.memory_space<vmem_shared>>
        tpu.wait_dma2 semaphore(%run_scoped3A : memref<!tpu.dma_semaphore, #tpu.memory_space<semaphore_mem>>) src(%dma_wait3A_354 : memref<128x128xf32, #tpu.memory_space<vmem_shared>>) dst(%arg11 : memref<128x128xf32, #tpu.memory_space<vmem>>)
        tpu.yield
      }) : () -> ()
      "tpu.region"() ({
        %run_scoped3A = tpu.sem_alloc : memref<!tpu.dma_semaphore, #tpu.memory_space<semaphore_mem>>
        %dma_start3A_347 = arith.constant 0 : i32
        %dma_start3A_348 = tpu.memref_slice %arg4[%arg0, %add3A_345, %dma_start3A_347] : memref<2x10240x128xf32, #tpu.memory_space<hbm>> -> memref<1x128x128xf32, #tpu.memory_space<hbm>>
        %dma_start3A_349 = tpu.memref_squeeze %dma_start3A_348 : memref<1x128x128xf32, #tpu.memory_space<hbm>> -> memref<128x128xf32, #tpu.memory_space<hbm>>
        %dma_start3A_350 = arith.constant 0 : i32
        %dma_start3A_351 = tpu.memref_slice %arg4[%arg0, %add3A_345, %dma_start3A_350] : memref<2x10240x128xf32, #tpu.memory_space<hbm>> -> memref<1x128x128xf32, #tpu.memory_space<hbm>>
        %dma_start3A_352 = tpu.memref_squeeze %dma_start3A_351 : memref<1x128x128xf32, #tpu.memory_space<hbm>> -> memref<128x128xf32, #tpu.memory_space<hbm>>
        tpu.enqueue_dma source(%arg11 : memref<128x128xf32, #tpu.memory_space<vmem>>) target(%dma_start3A_352 : memref<128x128xf32, #tpu.memory_space<hbm>>) target_semaphore(%run_scoped3A : memref<!tpu.dma_semaphore, #tpu.memory_space<semaphore_mem>>)
        %dma_wait3A_353 = arith.constant 0 : i32
        %dma_wait3A_354 = tpu.memref_slice %arg4[%arg0, %add3A_345, %dma_wait3A_353] : memref<2x10240x128xf32, #tpu.memory_space<hbm>> -> memref<1x128x128xf32, #tpu.memory_space<hbm>>
        %dma_wait3A_355 = tpu.memref_squeeze %dma_wait3A_354 : memref<1x128x128xf32, #tpu.memory_space<hbm>> -> memref<128x128xf32, #tpu.memory_space<hbm>>
        %dma_wait3A_356 = arith.constant 0 : i32
        %dma_wait3A_357 = tpu.memref_slice %arg4[%arg0, %add3A_345, %dma_wait3A_356] : memref<2x10240x128xf32, #tpu.memory_space<hbm>> -> memref<1x128x128xf32, #tpu.memory_space<hbm>>
        %dma_wait3A_358 = tpu.memref_squeeze %dma_wait3A_357 : memref<1x128x128xf32, #tpu.memory_space<hbm>> -> memref<128x128xf32, #tpu.memory_space<hbm>>
        tpu.wait_dma2 semaphore(%run_scoped3A : memref<!tpu.dma_semaphore, #tpu.memory_space<semaphore_mem>>) src(%arg11 : memref<128x128xf32, #tpu.memory_space<vmem>>) dst(%dma_wait3A_358 : memref<128x128xf32, #tpu.memory_space<hbm>>)
        tpu.yield
      }) : () -> ()
      %scan3A_346 = arith.constant 0 : i32
      scf.yield %scan3A_346 : i32
    }
    %scan3A_338 = arith.constant 5 : i32
    return
  }
}

#map = affine_map<(d0, d1) -> (0, 0, 0)>
module attributes {stable_mosaic.version = 14 : i64} {
  func.func @deg_k(%arg0: i32, %arg1: i32, %arg2: memref<32x80x128xi32, #tpu.memory_space<hbm>>, %arg3: memref<2x10240x128xf32, #tpu.memory_space<hbm>>, %arg4: memref<80x128xi32, #tpu.memory_space<vmem>>, %arg5: memref<128xi32, #tpu.memory_space<vmem>>, %arg6: memref<128x128xf32, #tpu.memory_space<vmem>>, %arg7: memref<128x128xf32, #tpu.memory_space<vmem>>, %arg8: memref<10240x128xf32, #tpu.memory_space<vmem_shared>>) attributes {dimension_semantics = [#tpu.dimension_semantics<core_parallel>, #tpu.dimension_semantics<subcore_parallel>], iteration_bounds = array<i64: 2, 16>, scalar_prefetch = 0 : i64, scratch_operands = 5 : i64, tpu.core_type = #tpu.core_type<sc_vector_subcore>, window_params = [{transform_indices = #map}, {transform_indices = #map}]} {
    %mul3A = arith.constant 2 : i32
    %mul3A_0 = arith.muli %arg1, %mul3A : i32
    %add3A = arith.addi %mul3A_0, %arg0 : i32
    %scan3A = arith.constant 0 : i32
    %scan3A_1 = arith.constant 0 : i32
    %scan3A_2 = arith.constant 128 : i32
    %scan3A_3 = arith.addi %scan3A_1, %scan3A_2 : i32
    %scan3A_4 = arith.constant 1 : i32
    %scan3A_5 = scf.for %scan3A_29 = %scan3A_1 to %scan3A_3 step %scan3A_4 iter_args(%scan3A_30 = %scan3A) -> (i32)  : i32 {
      %broadcast_in_dim3A = arith.constant 1.000000e+00 : f32
      %broadcast_in_dim3A_31 = vector.broadcast %broadcast_in_dim3A : f32 to vector<16xf32>
      %swap3A = arith.index_cast %scan3A_29 : i32 to index
      %swap3A_32 = arith.constant 0 : index
      %swap3A_33 = tpu.vector_load %arg6[%swap3A, %swap3A_32] {strides = array<i32>} : memref<128x128xf32, #tpu.memory_space<vmem>>, vector<1x16xf32>,
      %swap3A_34 = vector.shape_cast %swap3A_33 : vector<1x16xf32> to vector<16xf32>
      %swap3A_35 = vector.shape_cast %broadcast_in_dim3A_31 : vector<16xf32> to vector<1x16xf32>
      tpu.vector_store %arg6[%swap3A, %swap3A_32], %swap3A_35 {strides = array<i32>} : memref<128x128xf32, #tpu.memory_space<vmem>>, vector<1x16xf32>,
      %broadcast_in_dim3A_36 = arith.constant 0.000000e+00 : f32
      %broadcast_in_dim3A_37 = vector.broadcast %broadcast_in_dim3A_36 : f32 to vector<16xf32>
      %swap3A_38 = arith.index_cast %scan3A_29 : i32 to index
      %swap3A_39 = arith.constant 0 : index
      %swap3A_40 = tpu.vector_load %arg7[%swap3A_38, %swap3A_39] {strides = array<i32>} : memref<128x128xf32, #tpu.memory_space<vmem>>, vector<1x16xf32>,
      %swap3A_41 = vector.shape_cast %swap3A_40 : vector<1x16xf32> to vector<16xf32>
      %swap3A_42 = vector.shape_cast %broadcast_in_dim3A_37 : vector<16xf32> to vector<1x16xf32>
      tpu.vector_store %arg7[%swap3A_38, %swap3A_39], %swap3A_42 {strides = array<i32>} : memref<128x128xf32, #tpu.memory_space<vmem>>, vector<1x16xf32>,
      %broadcast_in_dim3A_43 = arith.constant 1.000000e+00 : f32
      %broadcast_in_dim3A_44 = vector.broadcast %broadcast_in_dim3A_43 : f32 to vector<16xf32>
      %swap3A_45 = arith.index_cast %scan3A_29 : i32 to index
      %swap3A_46 = arith.constant 16 : index
      %swap3A_47 = tpu.vector_load %arg6[%swap3A_45, %swap3A_46] {strides = array<i32>} : memref<128x128xf32, #tpu.memory_space<vmem>>, vector<1x16xf32>,
      %swap3A_48 = vector.shape_cast %swap3A_47 : vector<1x16xf32> to vector<16xf32>
      %swap3A_49 = vector.shape_cast %broadcast_in_dim3A_44 : vector<16xf32> to vector<1x16xf32>
      tpu.vector_store %arg6[%swap3A_45, %swap3A_46], %swap3A_49 {strides = array<i32>} : memref<128x128xf32, #tpu.memory_space<vmem>>, vector<1x16xf32>,
      %broadcast_in_dim3A_50 = arith.constant 0.000000e+00 : f32
      %broadcast_in_dim3A_51 = vector.broadcast %broadcast_in_dim3A_50 : f32 to vector<16xf32>
      %swap3A_52 = arith.index_cast %scan3A_29 : i32 to index
      %swap3A_53 = arith.constant 16 : index
      %swap3A_54 = tpu.vector_load %arg7[%swap3A_52, %swap3A_53] {strides = array<i32>} : memref<128x128xf32, #tpu.memory_space<vmem>>, vector<1x16xf32>,
      %swap3A_55 = vector.shape_cast %swap3A_54 : vector<1x16xf32> to vector<16xf32>
      %swap3A_56 = vector.shape_cast %broadcast_in_dim3A_51 : vector<16xf32> to vector<1x16xf32>
      tpu.vector_store %arg7[%swap3A_52, %swap3A_53], %swap3A_56 {strides = array<i32>} : memref<128x128xf32, #tpu.memory_space<vmem>>, vector<1x16xf32>,
      %broadcast_in_dim3A_57 = arith.constant 1.000000e+00 : f32
      %broadcast_in_dim3A_58 = vector.broadcast %broadcast_in_dim3A_57 : f32 to vector<16xf32>
      %swap3A_59 = arith.index_cast %scan3A_29 : i32 to index
      %swap3A_60 = arith.constant 32 : index
      %swap3A_61 = tpu.vector_load %arg6[%swap3A_59, %swap3A_60] {strides = array<i32>} : memref<128x128xf32, #tpu.memory_space<vmem>>, vector<1x16xf32>,
      %swap3A_62 = vector.shape_cast %swap3A_61 : vector<1x16xf32> to vector<16xf32>
      %swap3A_63 = vector.shape_cast %broadcast_in_dim3A_58 : vector<16xf32> to vector<1x16xf32>
      tpu.vector_store %arg6[%swap3A_59, %swap3A_60], %swap3A_63 {strides = array<i32>} : memref<128x128xf32, #tpu.memory_space<vmem>>, vector<1x16xf32>,
      %broadcast_in_dim3A_64 = arith.constant 0.000000e+00 : f32
      %broadcast_in_dim3A_65 = vector.broadcast %broadcast_in_dim3A_64 : f32 to vector<16xf32>
      %swap3A_66 = arith.index_cast %scan3A_29 : i32 to index
      %swap3A_67 = arith.constant 32 : index
      %swap3A_68 = tpu.vector_load %arg7[%swap3A_66, %swap3A_67] {strides = array<i32>} : memref<128x128xf32, #tpu.memory_space<vmem>>, vector<1x16xf32>,
      %swap3A_69 = vector.shape_cast %swap3A_68 : vector<1x16xf32> to vector<16xf32>
      %swap3A_70 = vector.shape_cast %broadcast_in_dim3A_65 : vector<16xf32> to vector<1x16xf32>
      tpu.vector_store %arg7[%swap3A_66, %swap3A_67], %swap3A_70 {strides = array<i32>} : memref<128x128xf32, #tpu.memory_space<vmem>>, vector<1x16xf32>,
      %broadcast_in_dim3A_71 = arith.constant 1.000000e+00 : f32
      %broadcast_in_dim3A_72 = vector.broadcast %broadcast_in_dim3A_71 : f32 to vector<16xf32>
      %swap3A_73 = arith.index_cast %scan3A_29 : i32 to index
      %swap3A_74 = arith.constant 48 : index
      %swap3A_75 = tpu.vector_load %arg6[%swap3A_73, %swap3A_74] {strides = array<i32>} : memref<128x128xf32, #tpu.memory_space<vmem>>, vector<1x16xf32>,
      %swap3A_76 = vector.shape_cast %swap3A_75 : vector<1x16xf32> to vector<16xf32>
      %swap3A_77 = vector.shape_cast %broadcast_in_dim3A_72 : vector<16xf32> to vector<1x16xf32>
      tpu.vector_store %arg6[%swap3A_73, %swap3A_74], %swap3A_77 {strides = array<i32>} : memref<128x128xf32, #tpu.memory_space<vmem>>, vector<1x16xf32>,
      %broadcast_in_dim3A_78 = arith.constant 0.000000e+00 : f32
      %broadcast_in_dim3A_79 = vector.broadcast %broadcast_in_dim3A_78 : f32 to vector<16xf32>
      %swap3A_80 = arith.index_cast %scan3A_29 : i32 to index
      %swap3A_81 = arith.constant 48 : index
      %swap3A_82 = tpu.vector_load %arg7[%swap3A_80, %swap3A_81] {strides = array<i32>} : memref<128x128xf32, #tpu.memory_space<vmem>>, vector<1x16xf32>,
      %swap3A_83 = vector.shape_cast %swap3A_82 : vector<1x16xf32> to vector<16xf32>
      %swap3A_84 = vector.shape_cast %broadcast_in_dim3A_79 : vector<16xf32> to vector<1x16xf32>
      tpu.vector_store %arg7[%swap3A_80, %swap3A_81], %swap3A_84 {strides = array<i32>} : memref<128x128xf32, #tpu.memory_space<vmem>>, vector<1x16xf32>,
      %broadcast_in_dim3A_85 = arith.constant 1.000000e+00 : f32
      %broadcast_in_dim3A_86 = vector.broadcast %broadcast_in_dim3A_85 : f32 to vector<16xf32>
      %swap3A_87 = arith.index_cast %scan3A_29 : i32 to index
      %swap3A_88 = arith.constant 64 : index
      %swap3A_89 = tpu.vector_load %arg6[%swap3A_87, %swap3A_88] {strides = array<i32>} : memref<128x128xf32, #tpu.memory_space<vmem>>, vector<1x16xf32>,
      %swap3A_90 = vector.shape_cast %swap3A_89 : vector<1x16xf32> to vector<16xf32>
      %swap3A_91 = vector.shape_cast %broadcast_in_dim3A_86 : vector<16xf32> to vector<1x16xf32>
      tpu.vector_store %arg6[%swap3A_87, %swap3A_88], %swap3A_91 {strides = array<i32>} : memref<128x128xf32, #tpu.memory_space<vmem>>, vector<1x16xf32>,
      %broadcast_in_dim3A_92 = arith.constant 0.000000e+00 : f32
      %broadcast_in_dim3A_93 = vector.broadcast %broadcast_in_dim3A_92 : f32 to vector<16xf32>
      %swap3A_94 = arith.index_cast %scan3A_29 : i32 to index
      %swap3A_95 = arith.constant 64 : index
      %swap3A_96 = tpu.vector_load %arg7[%swap3A_94, %swap3A_95] {strides = array<i32>} : memref<128x128xf32, #tpu.memory_space<vmem>>, vector<1x16xf32>,
      %swap3A_97 = vector.shape_cast %swap3A_96 : vector<1x16xf32> to vector<16xf32>
      %swap3A_98 = vector.shape_cast %broadcast_in_dim3A_93 : vector<16xf32> to vector<1x16xf32>
      tpu.vector_store %arg7[%swap3A_94, %swap3A_95], %swap3A_98 {strides = array<i32>} : memref<128x128xf32, #tpu.memory_space<vmem>>, vector<1x16xf32>,
      %broadcast_in_dim3A_99 = arith.constant 1.000000e+00 : f32
      %broadcast_in_dim3A_100 = vector.broadcast %broadcast_in_dim3A_99 : f32 to vector<16xf32>
      %swap3A_101 = arith.index_cast %scan3A_29 : i32 to index
      %swap3A_102 = arith.constant 80 : index
      %swap3A_103 = tpu.vector_load %arg6[%swap3A_101, %swap3A_102] {strides = array<i32>} : memref<128x128xf32, #tpu.memory_space<vmem>>, vector<1x16xf32>,
      %swap3A_104 = vector.shape_cast %swap3A_103 : vector<1x16xf32> to vector<16xf32>
      %swap3A_105 = vector.shape_cast %broadcast_in_dim3A_100 : vector<16xf32> to vector<1x16xf32>
      tpu.vector_store %arg6[%swap3A_101, %swap3A_102], %swap3A_105 {strides = array<i32>} : memref<128x128xf32, #tpu.memory_space<vmem>>, vector<1x16xf32>,
      %broadcast_in_dim3A_106 = arith.constant 0.000000e+00 : f32
      %broadcast_in_dim3A_107 = vector.broadcast %broadcast_in_dim3A_106 : f32 to vector<16xf32>
      %swap3A_108 = arith.index_cast %scan3A_29 : i32 to index
      %swap3A_109 = arith.constant 80 : index
      %swap3A_110 = tpu.vector_load %arg7[%swap3A_108, %swap3A_109] {strides = array<i32>} : memref<128x128xf32, #tpu.memory_space<vmem>>, vector<1x16xf32>,
      %swap3A_111 = vector.shape_cast %swap3A_110 : vector<1x16xf32> to vector<16xf32>
      %swap3A_112 = vector.shape_cast %broadcast_in_dim3A_107 : vector<16xf32> to vector<1x16xf32>
      tpu.vector_store %arg7[%swap3A_108, %swap3A_109], %swap3A_112 {strides = array<i32>} : memref<128x128xf32, #tpu.memory_space<vmem>>, vector<1x16xf32>,
      %broadcast_in_dim3A_113 = arith.constant 1.000000e+00 : f32
      %broadcast_in_dim3A_114 = vector.broadcast %broadcast_in_dim3A_113 : f32 to vector<16xf32>
      %swap3A_115 = arith.index_cast %scan3A_29 : i32 to index
      %swap3A_116 = arith.constant 96 : index
      %swap3A_117 = tpu.vector_load %arg6[%swap3A_115, %swap3A_116] {strides = array<i32>} : memref<128x128xf32, #tpu.memory_space<vmem>>, vector<1x16xf32>,
      %swap3A_118 = vector.shape_cast %swap3A_117 : vector<1x16xf32> to vector<16xf32>
      %swap3A_119 = vector.shape_cast %broadcast_in_dim3A_114 : vector<16xf32> to vector<1x16xf32>
      tpu.vector_store %arg6[%swap3A_115, %swap3A_116], %swap3A_119 {strides = array<i32>} : memref<128x128xf32, #tpu.memory_space<vmem>>, vector<1x16xf32>,
      %broadcast_in_dim3A_120 = arith.constant 0.000000e+00 : f32
      %broadcast_in_dim3A_121 = vector.broadcast %broadcast_in_dim3A_120 : f32 to vector<16xf32>
      %swap3A_122 = arith.index_cast %scan3A_29 : i32 to index
      %swap3A_123 = arith.constant 96 : index
      %swap3A_124 = tpu.vector_load %arg7[%swap3A_122, %swap3A_123] {strides = array<i32>} : memref<128x128xf32, #tpu.memory_space<vmem>>, vector<1x16xf32>,
      %swap3A_125 = vector.shape_cast %swap3A_124 : vector<1x16xf32> to vector<16xf32>
      %swap3A_126 = vector.shape_cast %broadcast_in_dim3A_121 : vector<16xf32> to vector<1x16xf32>
      tpu.vector_store %arg7[%swap3A_122, %swap3A_123], %swap3A_126 {strides = array<i32>} : memref<128x128xf32, #tpu.memory_space<vmem>>, vector<1x16xf32>,
      %broadcast_in_dim3A_127 = arith.constant 1.000000e+00 : f32
      %broadcast_in_dim3A_128 = vector.broadcast %broadcast_in_dim3A_127 : f32 to vector<16xf32>
      %swap3A_129 = arith.index_cast %scan3A_29 : i32 to index
      %swap3A_130 = arith.constant 112 : index
      %swap3A_131 = tpu.vector_load %arg6[%swap3A_129, %swap3A_130] {strides = array<i32>} : memref<128x128xf32, #tpu.memory_space<vmem>>, vector<1x16xf32>,
      %swap3A_132 = vector.shape_cast %swap3A_131 : vector<1x16xf32> to vector<16xf32>
      %swap3A_133 = vector.shape_cast %broadcast_in_dim3A_128 : vector<16xf32> to vector<1x16xf32>
      tpu.vector_store %arg6[%swap3A_129, %swap3A_130], %swap3A_133 {strides = array<i32>} : memref<128x128xf32, #tpu.memory_space<vmem>>, vector<1x16xf32>,
      %broadcast_in_dim3A_134 = arith.constant 0.000000e+00 : f32
      %broadcast_in_dim3A_135 = vector.broadcast %broadcast_in_dim3A_134 : f32 to vector<16xf32>
      %swap3A_136 = arith.index_cast %scan3A_29 : i32 to index
      %swap3A_137 = arith.constant 112 : index
      %swap3A_138 = tpu.vector_load %arg7[%swap3A_136, %swap3A_137] {strides = array<i32>} : memref<128x128xf32, #tpu.memory_space<vmem>>, vector<1x16xf32>,
      %swap3A_139 = vector.shape_cast %swap3A_138 : vector<1x16xf32> to vector<16xf32>
      %swap3A_140 = vector.shape_cast %broadcast_in_dim3A_135 : vector<16xf32> to vector<1x16xf32>
      tpu.vector_store %arg7[%swap3A_136, %swap3A_137], %swap3A_140 {strides = array<i32>} : memref<128x128xf32, #tpu.memory_space<vmem>>, vector<1x16xf32>,
      %scan3A_141 = arith.constant 0 : i32
      scf.yield %scan3A_141 : i32
    }
    %scan3A_6 = arith.constant 128 : i32
    %scan3A_7 = arith.constant 0 : i32
    %scan3A_8 = arith.constant 0 : i32
    %scan3A_9 = arith.constant 5 : i32
    %scan3A_10 = arith.addi %scan3A_8, %scan3A_9 : i32
    %scan3A_11 = arith.constant 1 : i32
    %scan3A_12 = scf.for %scan3A_29 = %scan3A_8 to %scan3A_10 step %scan3A_11 iter_args(%scan3A_30 = %scan3A_7) -> (i32)  : i32 {
      %mul3A_31 = arith.constant 640 : i32
      %mul3A_32 = arith.muli %arg1, %mul3A_31 : i32
      %mul3A_33 = arith.constant 128 : i32
      %mul3A_34 = arith.muli %scan3A_29, %mul3A_33 : i32
      %add3A_35 = arith.addi %mul3A_32, %mul3A_34 : i32
      "tpu.region"() ({
        %run_scoped3A = tpu.sem_alloc : memref<!tpu.dma_semaphore, #tpu.memory_space<semaphore_mem>>
        %dma_start3A = arith.constant 0 : i32
        %dma_start3A_37 = tpu.memref_slice %arg8[%add3A_35, %dma_start3A] : memref<10240x128xf32, #tpu.memory_space<vmem_shared>> -> memref<128x128xf32, #tpu.memory_space<vmem_shared>>
        %dma_start3A_38 = arith.constant 0 : i32
        %dma_start3A_39 = tpu.memref_slice %arg8[%add3A_35, %dma_start3A_38] : memref<10240x128xf32, #tpu.memory_space<vmem_shared>> -> memref<128x128xf32, #tpu.memory_space<vmem_shared>>
        tpu.enqueue_dma source(%arg7 : memref<128x128xf32, #tpu.memory_space<vmem>>) target(%dma_start3A_39 : memref<128x128xf32, #tpu.memory_space<vmem_shared>>) target_semaphore(%run_scoped3A : memref<!tpu.dma_semaphore, #tpu.memory_space<semaphore_mem>>)
        %dma_wait3A = arith.constant 0 : i32
        %dma_wait3A_40 = tpu.memref_slice %arg8[%add3A_35, %dma_wait3A] : memref<10240x128xf32, #tpu.memory_space<vmem_shared>> -> memref<128x128xf32, #tpu.memory_space<vmem_shared>>
        %dma_wait3A_41 = arith.constant 0 : i32
        %dma_wait3A_42 = tpu.memref_slice %arg8[%add3A_35, %dma_wait3A_41] : memref<10240x128xf32, #tpu.memory_space<vmem_shared>> -> memref<128x128xf32, #tpu.memory_space<vmem_shared>>
        tpu.wait_dma2 semaphore(%run_scoped3A : memref<!tpu.dma_semaphore, #tpu.memory_space<semaphore_mem>>) src(%arg7 : memref<128x128xf32, #tpu.memory_space<vmem>>) dst(%dma_wait3A_42 : memref<128x128xf32, #tpu.memory_space<vmem_shared>>)
        tpu.yield
      }) : () -> ()
      %scan3A_36 = arith.constant 0 : i32
      scf.yield %scan3A_36 : i32
    }
    %scan3A_13 = arith.constant 5 : i32
    "tpu.region"() ({
      %run_scoped3A = tpu.sem_alloc : memref<!tpu.dma_semaphore, #tpu.memory_space<semaphore_mem>>
      %dma_start3A = arith.constant 0 : i32
      %dma_start3A_29 = arith.constant 0 : i32
      %dma_start3A_30 = tpu.memref_slice %arg2[%add3A, %dma_start3A, %dma_start3A_29] : memref<32x80x128xi32, #tpu.memory_space<hbm>> -> memref<1x80x128xi32, #tpu.memory_space<hbm>>
      %dma_start3A_31 = tpu.memref_squeeze %dma_start3A_30 : memref<1x80x128xi32, #tpu.memory_space<hbm>> -> memref<80x128xi32, #tpu.memory_space<hbm>>
      %dma_start3A_32 = arith.constant 0 : i32
      %dma_start3A_33 = arith.constant 0 : i32
      %dma_start3A_34 = tpu.memref_slice %arg2[%add3A, %dma_start3A_32, %dma_start3A_33] : memref<32x80x128xi32, #tpu.memory_space<hbm>> -> memref<1x80x128xi32, #tpu.memory_space<hbm>>
      %dma_start3A_35 = tpu.memref_squeeze %dma_start3A_34 : memref<1x80x128xi32, #tpu.memory_space<hbm>> -> memref<80x128xi32, #tpu.memory_space<hbm>>
      tpu.enqueue_dma source(%dma_start3A_35 : memref<80x128xi32, #tpu.memory_space<hbm>>) target(%arg4 : memref<80x128xi32, #tpu.memory_space<vmem>>) target_semaphore(%run_scoped3A : memref<!tpu.dma_semaphore, #tpu.memory_space<semaphore_mem>>)
      %dma_wait3A = arith.constant 0 : i32
      %dma_wait3A_36 = arith.constant 0 : i32
      %dma_wait3A_37 = tpu.memref_slice %arg2[%add3A, %dma_wait3A, %dma_wait3A_36] : memref<32x80x128xi32, #tpu.memory_space<hbm>> -> memref<1x80x128xi32, #tpu.memory_space<hbm>>
      %dma_wait3A_38 = tpu.memref_squeeze %dma_wait3A_37 : memref<1x80x128xi32, #tpu.memory_space<hbm>> -> memref<80x128xi32, #tpu.memory_space<hbm>>
      %dma_wait3A_39 = arith.constant 0 : i32
      %dma_wait3A_40 = arith.constant 0 : i32
      %dma_wait3A_41 = tpu.memref_slice %arg2[%add3A, %dma_wait3A_39, %dma_wait3A_40] : memref<32x80x128xi32, #tpu.memory_space<hbm>> -> memref<1x80x128xi32, #tpu.memory_space<hbm>>
      %dma_wait3A_42 = tpu.memref_squeeze %dma_wait3A_41 : memref<1x80x128xi32, #tpu.memory_space<hbm>> -> memref<80x128xi32, #tpu.memory_space<hbm>>
      tpu.wait_dma2 semaphore(%run_scoped3A : memref<!tpu.dma_semaphore, #tpu.memory_space<semaphore_mem>>) src(%dma_wait3A_42 : memref<80x128xi32, #tpu.memory_space<hbm>>) dst(%arg4 : memref<80x128xi32, #tpu.memory_space<vmem>>)
      tpu.yield
    }) : () -> ()
    %barrier3A = arith.constant 0 : index
    tpu.barrier barrier_id(%barrier3A)
    %scan3A_14 = arith.constant 0 : i32
    %scan3A_15 = arith.constant 0 : i32
    %scan3A_16 = arith.constant 80 : i32
    %scan3A_17 = arith.addi %scan3A_15, %scan3A_16 : i32
    %scan3A_18 = arith.constant 1 : i32
    %scan3A_19 = scf.for %scan3A_29 = %scan3A_15 to %scan3A_17 step %scan3A_18 iter_args(%scan3A_30 = %scan3A_14) -> (i32)  : i32 {
      %get3A = arith.index_cast %scan3A_29 : i32 to index
      %get3A_31 = arith.constant 0 : index
      %get3A_32 = tpu.vector_load %arg4[%get3A, %get3A_31] {strides = array<i32>} : memref<80x128xi32, #tpu.memory_space<vmem>>, vector<1x16xi32>,
      %get3A_33 = vector.shape_cast %get3A_32 : vector<1x16xi32> to vector<16xi32>
      %shift_right_logical3A = arith.constant 16 : i32
      %shift_right_logical3A_34 = vector.broadcast %shift_right_logical3A : i32 to vector<16xi32>
      %shift_right_logical3A_35 = arith.shrui %get3A_33, %shift_right_logical3A_34 : vector<16xi32>
      %swap3A = arith.constant 0 : index
      %swap3A_36 = tpu.vector_load %arg5[%swap3A] {strides = array<i32>} : memref<128xi32, #tpu.memory_space<vmem>>, vector<16xi32>,
      %swap3A_37 = vector.shape_cast %swap3A_36 : vector<16xi32> to vector<16xi32>
      %swap3A_38 = vector.shape_cast %shift_right_logical3A_35 : vector<16xi32> to vector<16xi32>
      tpu.vector_store %arg5[%swap3A], %swap3A_38 {strides = array<i32>} : memref<128xi32, #tpu.memory_space<vmem>>, vector<16xi32>,
      %get3A_39 = arith.index_cast %scan3A_29 : i32 to index
      %get3A_40 = arith.constant 16 : index
      %get3A_41 = tpu.vector_load %arg4[%get3A_39, %get3A_40] {strides = array<i32>} : memref<80x128xi32, #tpu.memory_space<vmem>>, vector<1x16xi32>,
      %get3A_42 = vector.shape_cast %get3A_41 : vector<1x16xi32> to vector<16xi32>
      %shift_right_logical3A_43 = arith.constant 16 : i32
      %shift_right_logical3A_44 = vector.broadcast %shift_right_logical3A_43 : i32 to vector<16xi32>
      %shift_right_logical3A_45 = arith.shrui %get3A_42, %shift_right_logical3A_44 : vector<16xi32>
      %swap3A_46 = arith.constant 16 : index
      %swap3A_47 = tpu.vector_load %arg5[%swap3A_46] {strides = array<i32>} : memref<128xi32, #tpu.memory_space<vmem>>, vector<16xi32>,
      %swap3A_48 = vector.shape_cast %swap3A_47 : vector<16xi32> to vector<16xi32>
      %swap3A_49 = vector.shape_cast %shift_right_logical3A_45 : vector<16xi32> to vector<16xi32>
      tpu.vector_store %arg5[%swap3A_46], %swap3A_49 {strides = array<i32>} : memref<128xi32, #tpu.memory_space<vmem>>, vector<16xi32>,
      %get3A_50 = arith.index_cast %scan3A_29 : i32 to index
      %get3A_51 = arith.constant 32 : index
      %get3A_52 = tpu.vector_load %arg4[%get3A_50, %get3A_51] {strides = array<i32>} : memref<80x128xi32, #tpu.memory_space<vmem>>, vector<1x16xi32>,
      %get3A_53 = vector.shape_cast %get3A_52 : vector<1x16xi32> to vector<16xi32>
      %shift_right_logical3A_54 = arith.constant 16 : i32
      %shift_right_logical3A_55 = vector.broadcast %shift_right_logical3A_54 : i32 to vector<16xi32>
      %shift_right_logical3A_56 = arith.shrui %get3A_53, %shift_right_logical3A_55 : vector<16xi32>
      %swap3A_57 = arith.constant 32 : index
      %swap3A_58 = tpu.vector_load %arg5[%swap3A_57] {strides = array<i32>} : memref<128xi32, #tpu.memory_space<vmem>>, vector<16xi32>,
      %swap3A_59 = vector.shape_cast %swap3A_58 : vector<16xi32> to vector<16xi32>
      %swap3A_60 = vector.shape_cast %shift_right_logical3A_56 : vector<16xi32> to vector<16xi32>
      tpu.vector_store %arg5[%swap3A_57], %swap3A_60 {strides = array<i32>} : memref<128xi32, #tpu.memory_space<vmem>>, vector<16xi32>,
      %get3A_61 = arith.index_cast %scan3A_29 : i32 to index
      %get3A_62 = arith.constant 48 : index
      %get3A_63 = tpu.vector_load %arg4[%get3A_61, %get3A_62] {strides = array<i32>} : memref<80x128xi32, #tpu.memory_space<vmem>>, vector<1x16xi32>,
      %get3A_64 = vector.shape_cast %get3A_63 : vector<1x16xi32> to vector<16xi32>
      %shift_right_logical3A_65 = arith.constant 16 : i32
      %shift_right_logical3A_66 = vector.broadcast %shift_right_logical3A_65 : i32 to vector<16xi32>
      %shift_right_logical3A_67 = arith.shrui %get3A_64, %shift_right_logical3A_66 : vector<16xi32>
      %swap3A_68 = arith.constant 48 : index
      %swap3A_69 = tpu.vector_load %arg5[%swap3A_68] {strides = array<i32>} : memref<128xi32, #tpu.memory_space<vmem>>, vector<16xi32>,
      %swap3A_70 = vector.shape_cast %swap3A_69 : vector<16xi32> to vector<16xi32>
      %swap3A_71 = vector.shape_cast %shift_right_logical3A_67 : vector<16xi32> to vector<16xi32>
      tpu.vector_store %arg5[%swap3A_68], %swap3A_71 {strides = array<i32>} : memref<128xi32, #tpu.memory_space<vmem>>, vector<16xi32>,
      %get3A_72 = arith.index_cast %scan3A_29 : i32 to index
      %get3A_73 = arith.constant 64 : index
      %get3A_74 = tpu.vector_load %arg4[%get3A_72, %get3A_73] {strides = array<i32>} : memref<80x128xi32, #tpu.memory_space<vmem>>, vector<1x16xi32>,
      %get3A_75 = vector.shape_cast %get3A_74 : vector<1x16xi32> to vector<16xi32>
      %shift_right_logical3A_76 = arith.constant 16 : i32
      %shift_right_logical3A_77 = vector.broadcast %shift_right_logical3A_76 : i32 to vector<16xi32>
      %shift_right_logical3A_78 = arith.shrui %get3A_75, %shift_right_logical3A_77 : vector<16xi32>
      %swap3A_79 = arith.constant 64 : index
      %swap3A_80 = tpu.vector_load %arg5[%swap3A_79] {strides = array<i32>} : memref<128xi32, #tpu.memory_space<vmem>>, vector<16xi32>,
      %swap3A_81 = vector.shape_cast %swap3A_80 : vector<16xi32> to vector<16xi32>
      %swap3A_82 = vector.shape_cast %shift_right_logical3A_78 : vector<16xi32> to vector<16xi32>
      tpu.vector_store %arg5[%swap3A_79], %swap3A_82 {strides = array<i32>} : memref<128xi32, #tpu.memory_space<vmem>>, vector<16xi32>,
      %get3A_83 = arith.index_cast %scan3A_29 : i32 to index
      %get3A_84 = arith.constant 80 : index
      %get3A_85 = tpu.vector_load %arg4[%get3A_83, %get3A_84] {strides = array<i32>} : memref<80x128xi32, #tpu.memory_space<vmem>>, vector<1x16xi32>,
      %get3A_86 = vector.shape_cast %get3A_85 : vector<1x16xi32> to vector<16xi32>
      %shift_right_logical3A_87 = arith.constant 16 : i32
      %shift_right_logical3A_88 = vector.broadcast %shift_right_logical3A_87 : i32 to vector<16xi32>
      %shift_right_logical3A_89 = arith.shrui %get3A_86, %shift_right_logical3A_88 : vector<16xi32>
      %swap3A_90 = arith.constant 80 : index
      %swap3A_91 = tpu.vector_load %arg5[%swap3A_90] {strides = array<i32>} : memref<128xi32, #tpu.memory_space<vmem>>, vector<16xi32>,
      %swap3A_92 = vector.shape_cast %swap3A_91 : vector<16xi32> to vector<16xi32>
      %swap3A_93 = vector.shape_cast %shift_right_logical3A_89 : vector<16xi32> to vector<16xi32>
      tpu.vector_store %arg5[%swap3A_90], %swap3A_93 {strides = array<i32>} : memref<128xi32, #tpu.memory_space<vmem>>, vector<16xi32>,
      %get3A_94 = arith.index_cast %scan3A_29 : i32 to index
      %get3A_95 = arith.constant 96 : index
      %get3A_96 = tpu.vector_load %arg4[%get3A_94, %get3A_95] {strides = array<i32>} : memref<80x128xi32, #tpu.memory_space<vmem>>, vector<1x16xi32>,
      %get3A_97 = vector.shape_cast %get3A_96 : vector<1x16xi32> to vector<16xi32>
      %shift_right_logical3A_98 = arith.constant 16 : i32
      %shift_right_logical3A_99 = vector.broadcast %shift_right_logical3A_98 : i32 to vector<16xi32>
      %shift_right_logical3A_100 = arith.shrui %get3A_97, %shift_right_logical3A_99 : vector<16xi32>
      %swap3A_101 = arith.constant 96 : index
      %swap3A_102 = tpu.vector_load %arg5[%swap3A_101] {strides = array<i32>} : memref<128xi32, #tpu.memory_space<vmem>>, vector<16xi32>,
      %swap3A_103 = vector.shape_cast %swap3A_102 : vector<16xi32> to vector<16xi32>
      %swap3A_104 = vector.shape_cast %shift_right_logical3A_100 : vector<16xi32> to vector<16xi32>
      tpu.vector_store %arg5[%swap3A_101], %swap3A_104 {strides = array<i32>} : memref<128xi32, #tpu.memory_space<vmem>>, vector<16xi32>,
      %get3A_105 = arith.index_cast %scan3A_29 : i32 to index
      %get3A_106 = arith.constant 112 : index
      %get3A_107 = tpu.vector_load %arg4[%get3A_105, %get3A_106] {strides = array<i32>} : memref<80x128xi32, #tpu.memory_space<vmem>>, vector<1x16xi32>,
      %get3A_108 = vector.shape_cast %get3A_107 : vector<1x16xi32> to vector<16xi32>
      %shift_right_logical3A_109 = arith.constant 16 : i32
      %shift_right_logical3A_110 = vector.broadcast %shift_right_logical3A_109 : i32 to vector<16xi32>
      %shift_right_logical3A_111 = arith.shrui %get3A_108, %shift_right_logical3A_110 : vector<16xi32>
      %swap3A_112 = arith.constant 112 : index
      %swap3A_113 = tpu.vector_load %arg5[%swap3A_112] {strides = array<i32>} : memref<128xi32, #tpu.memory_space<vmem>>, vector<16xi32>,
      %swap3A_114 = vector.shape_cast %swap3A_113 : vector<16xi32> to vector<16xi32>
      %swap3A_115 = vector.shape_cast %shift_right_logical3A_111 : vector<16xi32> to vector<16xi32>
      tpu.vector_store %arg5[%swap3A_112], %swap3A_115 {strides = array<i32>} : memref<128xi32, #tpu.memory_space<vmem>>, vector<16xi32>,
      "tpu.region"() ({
        %run_scoped3A = tpu.sem_alloc : memref<!tpu.dma_semaphore, #tpu.memory_space<semaphore_mem>>
        %dma_start3A = arith.constant 0 : i32
        %dma_start3A_117 = arith.constant 0 : i32
        %dma_start3A_118 = tpu.memref_slice %arg8[%dma_start3A, %dma_start3A_117] : memref<10240x128xf32, #tpu.memory_space<vmem_shared>> -> memref<10240x128xf32, #tpu.memory_space<vmem_shared>>
        tpu.enqueue_indirect_dma source(%arg6 : memref<128x128xf32, #tpu.memory_space<vmem>>) target(%dma_start3A_118 : memref<10240x128xf32, #tpu.memory_space<vmem_shared>>) offsets(%arg5 : memref<128xi32, #tpu.memory_space<vmem>>) semaphore(%run_scoped3A : memref<!tpu.dma_semaphore, #tpu.memory_space<semaphore_mem>>) {add = true}
        %dma_wait3A = arith.constant 0 : i32
        %dma_wait3A_119 = arith.constant 0 : i32
        %dma_wait3A_120 = tpu.memref_slice %arg8[%dma_wait3A, %dma_wait3A_119] : memref<10240x128xf32, #tpu.memory_space<vmem_shared>> -> memref<10240x128xf32, #tpu.memory_space<vmem_shared>>
        tpu.wait_indirect_dma semaphore(%run_scoped3A : memref<!tpu.dma_semaphore, #tpu.memory_space<semaphore_mem>>) src(%arg6 : memref<128x128xf32, #tpu.memory_space<vmem>>) dst(%dma_wait3A_120 : memref<10240x128xf32, #tpu.memory_space<vmem_shared>>)
        tpu.yield
      }) : () -> ()
      %scan3A_116 = arith.constant 0 : i32
      scf.yield %scan3A_116 : i32
    }
    %scan3A_20 = arith.constant 80 : i32
    %barrier3A_21 = arith.constant 0 : index
    tpu.barrier barrier_id(%barrier3A_21)
    %scan3A_22 = arith.constant 0 : i32
    %scan3A_23 = arith.constant 0 : i32
    %scan3A_24 = arith.constant 5 : i32
    %scan3A_25 = arith.addi %scan3A_23, %scan3A_24 : i32
    %scan3A_26 = arith.constant 1 : i32
    %scan3A_27 = scf.for %scan3A_29 = %scan3A_23 to %scan3A_25 step %scan3A_26 iter_args(%scan3A_30 = %scan3A_22) -> (i32)  : i32 {
      %mul3A_31 = arith.constant 640 : i32
      %mul3A_32 = arith.muli %arg1, %mul3A_31 : i32
      %mul3A_33 = arith.constant 128 : i32
      %mul3A_34 = arith.muli %scan3A_29, %mul3A_33 : i32
      %add3A_35 = arith.addi %mul3A_32, %mul3A_34 : i32
      "tpu.region"() ({
        %run_scoped3A = tpu.sem_alloc : memref<!tpu.dma_semaphore, #tpu.memory_space<semaphore_mem>>
        %dma_start3A = arith.constant 0 : i32
        %dma_start3A_37 = tpu.memref_slice %arg8[%add3A_35, %dma_start3A] : memref<10240x128xf32, #tpu.memory_space<vmem_shared>> -> memref<128x128xf32, #tpu.memory_space<vmem_shared>>
        %dma_start3A_38 = arith.constant 0 : i32
        %dma_start3A_39 = tpu.memref_slice %arg8[%add3A_35, %dma_start3A_38] : memref<10240x128xf32, #tpu.memory_space<vmem_shared>> -> memref<128x128xf32, #tpu.memory_space<vmem_shared>>
        tpu.enqueue_dma source(%dma_start3A_39 : memref<128x128xf32, #tpu.memory_space<vmem_shared>>) target(%arg7 : memref<128x128xf32, #tpu.memory_space<vmem>>) target_semaphore(%run_scoped3A : memref<!tpu.dma_semaphore, #tpu.memory_space<semaphore_mem>>)
        %dma_wait3A = arith.constant 0 : i32
        %dma_wait3A_40 = tpu.memref_slice %arg8[%add3A_35, %dma_wait3A] : memref<10240x128xf32, #tpu.memory_space<vmem_shared>> -> memref<128x128xf32, #tpu.memory_space<vmem_shared>>
        %dma_wait3A_41 = arith.constant 0 : i32
        %dma_wait3A_42 = tpu.memref_slice %arg8[%add3A_35, %dma_wait3A_41] : memref<10240x128xf32, #tpu.memory_space<vmem_shared>> -> memref<128x128xf32, #tpu.memory_space<vmem_shared>>
        tpu.wait_dma2 semaphore(%run_scoped3A : memref<!tpu.dma_semaphore, #tpu.memory_space<semaphore_mem>>) src(%dma_wait3A_42 : memref<128x128xf32, #tpu.memory_space<vmem_shared>>) dst(%arg7 : memref<128x128xf32, #tpu.memory_space<vmem>>)
        tpu.yield
      }) : () -> ()
      "tpu.region"() ({
        %run_scoped3A = tpu.sem_alloc : memref<!tpu.dma_semaphore, #tpu.memory_space<semaphore_mem>>
        %dma_start3A = arith.constant 0 : i32
        %dma_start3A_37 = tpu.memref_slice %arg3[%arg0, %add3A_35, %dma_start3A] : memref<2x10240x128xf32, #tpu.memory_space<hbm>> -> memref<1x128x128xf32, #tpu.memory_space<hbm>>
        %dma_start3A_38 = tpu.memref_squeeze %dma_start3A_37 : memref<1x128x128xf32, #tpu.memory_space<hbm>> -> memref<128x128xf32, #tpu.memory_space<hbm>>
        %dma_start3A_39 = arith.constant 0 : i32
        %dma_start3A_40 = tpu.memref_slice %arg3[%arg0, %add3A_35, %dma_start3A_39] : memref<2x10240x128xf32, #tpu.memory_space<hbm>> -> memref<1x128x128xf32, #tpu.memory_space<hbm>>
        %dma_start3A_41 = tpu.memref_squeeze %dma_start3A_40 : memref<1x128x128xf32, #tpu.memory_space<hbm>> -> memref<128x128xf32, #tpu.memory_space<hbm>>
        tpu.enqueue_dma source(%arg7 : memref<128x128xf32, #tpu.memory_space<vmem>>) target(%dma_start3A_41 : memref<128x128xf32, #tpu.memory_space<hbm>>) target_semaphore(%run_scoped3A : memref<!tpu.dma_semaphore, #tpu.memory_space<semaphore_mem>>)
        %dma_wait3A = arith.constant 0 : i32
        %dma_wait3A_42 = tpu.memref_slice %arg3[%arg0, %add3A_35, %dma_wait3A] : memref<2x10240x128xf32, #tpu.memory_space<hbm>> -> memref<1x128x128xf32, #tpu.memory_space<hbm>>
        %dma_wait3A_43 = tpu.memref_squeeze %dma_wait3A_42 : memref<1x128x128xf32, #tpu.memory_space<hbm>> -> memref<128x128xf32, #tpu.memory_space<hbm>>
        %dma_wait3A_44 = arith.constant 0 : i32
        %dma_wait3A_45 = tpu.memref_slice %arg3[%arg0, %add3A_35, %dma_wait3A_44] : memref<2x10240x128xf32, #tpu.memory_space<hbm>> -> memref<1x128x128xf32, #tpu.memory_space<hbm>>
        %dma_wait3A_46 = tpu.memref_squeeze %dma_wait3A_45 : memref<1x128x128xf32, #tpu.memory_space<hbm>> -> memref<128x128xf32, #tpu.memory_space<hbm>>
        tpu.wait_dma2 semaphore(%run_scoped3A : memref<!tpu.dma_semaphore, #tpu.memory_space<semaphore_mem>>) src(%arg7 : memref<128x128xf32, #tpu.memory_space<vmem>>) dst(%dma_wait3A_46 : memref<128x128xf32, #tpu.memory_space<hbm>>)
        tpu.yield
      }) : () -> ()
      %scan3A_36 = arith.constant 0 : i32
      scf.yield %scan3A_36 : i32
    }
    %scan3A_28 = arith.constant 5 : i32
    return
  }
}

#map = affine_map<(d0, d1) -> (0, 0)>
#map1 = affine_map<(d0, d1) -> (0, 0, 0)>
module attributes {stable_mosaic.version = 14 : i64} {
  func.func @agg_k(%arg0: i32, %arg1: i32, %arg2: memref<10240x128xf32, #tpu.memory_space<hbm>>, %arg3: memref<32x80x128xi32, #tpu.memory_space<hbm>>, %arg4: memref<2x10240x128xf32, #tpu.memory_space<hbm>>, %arg5: memref<80x128xi32, #tpu.memory_space<vmem>>, %arg6: memref<128xi32, #tpu.memory_space<vmem>>, %arg7: memref<128xi32, #tpu.memory_space<vmem>>, %arg8: memref<128xi32, #tpu.memory_space<vmem>>, %arg9: memref<128xi32, #tpu.memory_space<vmem>>, %arg10: memref<128x128xf32, #tpu.memory_space<vmem>>, %arg11: memref<128x128xf32, #tpu.memory_space<vmem>>, %arg12: memref<10240x128xf32, #tpu.memory_space<vmem_shared>>, %arg13: memref<!tpu.dma_semaphore, #tpu.memory_space<semaphore_mem>>, %arg14: memref<!tpu.dma_semaphore, #tpu.memory_space<semaphore_mem>>) attributes {dimension_semantics = [#tpu.dimension_semantics<core_parallel>, #tpu.dimension_semantics<subcore_parallel>], iteration_bounds = array<i64: 2, 16>, scalar_prefetch = 0 : i64, scratch_operands = 10 : i64, tpu.core_type = #tpu.core_type<sc_vector_subcore>, window_params = [{transform_indices = #map}, {transform_indices = #map1}, {transform_indices = #map1}]} {
    %mul3A = arith.constant 2 : i32
    %mul3A_0 = arith.muli %arg1, %mul3A : i32
    %add3A = arith.addi %mul3A_0, %arg0 : i32
    %scan3A = arith.constant 0 : i32
    %scan3A_1 = arith.constant 0 : i32
    %scan3A_2 = arith.constant 128 : i32
    %scan3A_3 = arith.addi %scan3A_1, %scan3A_2 : i32
    %scan3A_4 = arith.constant 1 : i32
    %scan3A_5 = scf.for %scan3A_339 = %scan3A_1 to %scan3A_3 step %scan3A_4 iter_args(%scan3A_340 = %scan3A) -> (i32)  : i32 {
      %broadcast_in_dim3A = arith.constant 0.000000e+00 : f32
      %broadcast_in_dim3A_341 = vector.broadcast %broadcast_in_dim3A : f32 to vector<16xf32>
      %swap3A_342 = arith.index_cast %scan3A_339 : i32 to index
      %swap3A_343 = arith.constant 0 : index
      %swap3A_344 = tpu.vector_load %arg10[%swap3A_342, %swap3A_343] {strides = array<i32>} : memref<128x128xf32, #tpu.memory_space<vmem>>, vector<1x16xf32>,
      %swap3A_345 = vector.shape_cast %swap3A_344 : vector<1x16xf32> to vector<16xf32>
      %swap3A_346 = vector.shape_cast %broadcast_in_dim3A_341 : vector<16xf32> to vector<1x16xf32>
      tpu.vector_store %arg10[%swap3A_342, %swap3A_343], %swap3A_346 {strides = array<i32>} : memref<128x128xf32, #tpu.memory_space<vmem>>, vector<1x16xf32>,
      %broadcast_in_dim3A_347 = arith.constant 0.000000e+00 : f32
      %broadcast_in_dim3A_348 = vector.broadcast %broadcast_in_dim3A_347 : f32 to vector<16xf32>
      %swap3A_349 = arith.index_cast %scan3A_339 : i32 to index
      %swap3A_350 = arith.constant 16 : index
      %swap3A_351 = tpu.vector_load %arg10[%swap3A_349, %swap3A_350] {strides = array<i32>} : memref<128x128xf32, #tpu.memory_space<vmem>>, vector<1x16xf32>,
      %swap3A_352 = vector.shape_cast %swap3A_351 : vector<1x16xf32> to vector<16xf32>
      %swap3A_353 = vector.shape_cast %broadcast_in_dim3A_348 : vector<16xf32> to vector<1x16xf32>
      tpu.vector_store %arg10[%swap3A_349, %swap3A_350], %swap3A_353 {strides = array<i32>} : memref<128x128xf32, #tpu.memory_space<vmem>>, vector<1x16xf32>,
      %broadcast_in_dim3A_354 = arith.constant 0.000000e+00 : f32
      %broadcast_in_dim3A_355 = vector.broadcast %broadcast_in_dim3A_354 : f32 to vector<16xf32>
      %swap3A_356 = arith.index_cast %scan3A_339 : i32 to index
      %swap3A_357 = arith.constant 32 : index
      %swap3A_358 = tpu.vector_load %arg10[%swap3A_356, %swap3A_357] {strides = array<i32>} : memref<128x128xf32, #tpu.memory_space<vmem>>, vector<1x16xf32>,
      %swap3A_359 = vector.shape_cast %swap3A_358 : vector<1x16xf32> to vector<16xf32>
      %swap3A_360 = vector.shape_cast %broadcast_in_dim3A_355 : vector<16xf32> to vector<1x16xf32>
      tpu.vector_store %arg10[%swap3A_356, %swap3A_357], %swap3A_360 {strides = array<i32>} : memref<128x128xf32, #tpu.memory_space<vmem>>, vector<1x16xf32>,
      %broadcast_in_dim3A_361 = arith.constant 0.000000e+00 : f32
      %broadcast_in_dim3A_362 = vector.broadcast %broadcast_in_dim3A_361 : f32 to vector<16xf32>
      %swap3A_363 = arith.index_cast %scan3A_339 : i32 to index
      %swap3A_364 = arith.constant 48 : index
      %swap3A_365 = tpu.vector_load %arg10[%swap3A_363, %swap3A_364] {strides = array<i32>} : memref<128x128xf32, #tpu.memory_space<vmem>>, vector<1x16xf32>,
      %swap3A_366 = vector.shape_cast %swap3A_365 : vector<1x16xf32> to vector<16xf32>
      %swap3A_367 = vector.shape_cast %broadcast_in_dim3A_362 : vector<16xf32> to vector<1x16xf32>
      tpu.vector_store %arg10[%swap3A_363, %swap3A_364], %swap3A_367 {strides = array<i32>} : memref<128x128xf32, #tpu.memory_space<vmem>>, vector<1x16xf32>,
      %broadcast_in_dim3A_368 = arith.constant 0.000000e+00 : f32
      %broadcast_in_dim3A_369 = vector.broadcast %broadcast_in_dim3A_368 : f32 to vector<16xf32>
      %swap3A_370 = arith.index_cast %scan3A_339 : i32 to index
      %swap3A_371 = arith.constant 64 : index
      %swap3A_372 = tpu.vector_load %arg10[%swap3A_370, %swap3A_371] {strides = array<i32>} : memref<128x128xf32, #tpu.memory_space<vmem>>, vector<1x16xf32>,
      %swap3A_373 = vector.shape_cast %swap3A_372 : vector<1x16xf32> to vector<16xf32>
      %swap3A_374 = vector.shape_cast %broadcast_in_dim3A_369 : vector<16xf32> to vector<1x16xf32>
      tpu.vector_store %arg10[%swap3A_370, %swap3A_371], %swap3A_374 {strides = array<i32>} : memref<128x128xf32, #tpu.memory_space<vmem>>, vector<1x16xf32>,
      %broadcast_in_dim3A_375 = arith.constant 0.000000e+00 : f32
      %broadcast_in_dim3A_376 = vector.broadcast %broadcast_in_dim3A_375 : f32 to vector<16xf32>
      %swap3A_377 = arith.index_cast %scan3A_339 : i32 to index
      %swap3A_378 = arith.constant 80 : index
      %swap3A_379 = tpu.vector_load %arg10[%swap3A_377, %swap3A_378] {strides = array<i32>} : memref<128x128xf32, #tpu.memory_space<vmem>>, vector<1x16xf32>,
      %swap3A_380 = vector.shape_cast %swap3A_379 : vector<1x16xf32> to vector<16xf32>
      %swap3A_381 = vector.shape_cast %broadcast_in_dim3A_376 : vector<16xf32> to vector<1x16xf32>
      tpu.vector_store %arg10[%swap3A_377, %swap3A_378], %swap3A_381 {strides = array<i32>} : memref<128x128xf32, #tpu.memory_space<vmem>>, vector<1x16xf32>,
      %broadcast_in_dim3A_382 = arith.constant 0.000000e+00 : f32
      %broadcast_in_dim3A_383 = vector.broadcast %broadcast_in_dim3A_382 : f32 to vector<16xf32>
      %swap3A_384 = arith.index_cast %scan3A_339 : i32 to index
      %swap3A_385 = arith.constant 96 : index
      %swap3A_386 = tpu.vector_load %arg10[%swap3A_384, %swap3A_385] {strides = array<i32>} : memref<128x128xf32, #tpu.memory_space<vmem>>, vector<1x16xf32>,
      %swap3A_387 = vector.shape_cast %swap3A_386 : vector<1x16xf32> to vector<16xf32>
      %swap3A_388 = vector.shape_cast %broadcast_in_dim3A_383 : vector<16xf32> to vector<1x16xf32>
      tpu.vector_store %arg10[%swap3A_384, %swap3A_385], %swap3A_388 {strides = array<i32>} : memref<128x128xf32, #tpu.memory_space<vmem>>, vector<1x16xf32>,
      %broadcast_in_dim3A_389 = arith.constant 0.000000e+00 : f32
      %broadcast_in_dim3A_390 = vector.broadcast %broadcast_in_dim3A_389 : f32 to vector<16xf32>
      %swap3A_391 = arith.index_cast %scan3A_339 : i32 to index
      %swap3A_392 = arith.constant 112 : index
      %swap3A_393 = tpu.vector_load %arg10[%swap3A_391, %swap3A_392] {strides = array<i32>} : memref<128x128xf32, #tpu.memory_space<vmem>>, vector<1x16xf32>,
      %swap3A_394 = vector.shape_cast %swap3A_393 : vector<1x16xf32> to vector<16xf32>
      %swap3A_395 = vector.shape_cast %broadcast_in_dim3A_390 : vector<16xf32> to vector<1x16xf32>
      tpu.vector_store %arg10[%swap3A_391, %swap3A_392], %swap3A_395 {strides = array<i32>} : memref<128x128xf32, #tpu.memory_space<vmem>>, vector<1x16xf32>,
      %scan3A_396 = arith.constant 0 : i32
      scf.yield %scan3A_396 : i32
    }
    %scan3A_6 = arith.constant 128 : i32
    %scan3A_7 = arith.constant 0 : i32
    %scan3A_8 = arith.constant 0 : i32
    %scan3A_9 = arith.constant 5 : i32
    %scan3A_10 = arith.addi %scan3A_8, %scan3A_9 : i32
    %scan3A_11 = arith.constant 1 : i32
    %scan3A_12 = scf.for %scan3A_339 = %scan3A_8 to %scan3A_10 step %scan3A_11 iter_args(%scan3A_340 = %scan3A_7) -> (i32)  : i32 {
      %mul3A_341 = arith.constant 640 : i32
      %mul3A_342 = arith.muli %arg1, %mul3A_341 : i32
      %mul3A_343 = arith.constant 128 : i32
      %mul3A_344 = arith.muli %scan3A_339, %mul3A_343 : i32
      %add3A_345 = arith.addi %mul3A_342, %mul3A_344 : i32
      "tpu.region"() ({
        %run_scoped3A = tpu.sem_alloc : memref<!tpu.dma_semaphore, #tpu.memory_space<semaphore_mem>>
        %dma_start3A_347 = arith.constant 0 : i32
        %dma_start3A_348 = tpu.memref_slice %arg12[%add3A_345, %dma_start3A_347] : memref<10240x128xf32, #tpu.memory_space<vmem_shared>> -> memref<128x128xf32, #tpu.memory_space<vmem_shared>>
        %dma_start3A_349 = arith.constant 0 : i32
        %dma_start3A_350 = tpu.memref_slice %arg12[%add3A_345, %dma_start3A_349] : memref<10240x128xf32, #tpu.memory_space<vmem_shared>> -> memref<128x128xf32, #tpu.memory_space<vmem_shared>>
        tpu.enqueue_dma source(%arg10 : memref<128x128xf32, #tpu.memory_space<vmem>>) target(%dma_start3A_350 : memref<128x128xf32, #tpu.memory_space<vmem_shared>>) target_semaphore(%run_scoped3A : memref<!tpu.dma_semaphore, #tpu.memory_space<semaphore_mem>>)
        %dma_wait3A_351 = arith.constant 0 : i32
        %dma_wait3A_352 = tpu.memref_slice %arg12[%add3A_345, %dma_wait3A_351] : memref<10240x128xf32, #tpu.memory_space<vmem_shared>> -> memref<128x128xf32, #tpu.memory_space<vmem_shared>>
        %dma_wait3A_353 = arith.constant 0 : i32
        %dma_wait3A_354 = tpu.memref_slice %arg12[%add3A_345, %dma_wait3A_353] : memref<10240x128xf32, #tpu.memory_space<vmem_shared>> -> memref<128x128xf32, #tpu.memory_space<vmem_shared>>
        tpu.wait_dma2 semaphore(%run_scoped3A : memref<!tpu.dma_semaphore, #tpu.memory_space<semaphore_mem>>) src(%arg10 : memref<128x128xf32, #tpu.memory_space<vmem>>) dst(%dma_wait3A_354 : memref<128x128xf32, #tpu.memory_space<vmem_shared>>)
        tpu.yield
      }) : () -> ()
      %scan3A_346 = arith.constant 0 : i32
      scf.yield %scan3A_346 : i32
    }
    %scan3A_13 = arith.constant 5 : i32
    "tpu.region"() ({
      %run_scoped3A = tpu.sem_alloc : memref<!tpu.dma_semaphore, #tpu.memory_space<semaphore_mem>>
      %dma_start3A_339 = arith.constant 0 : i32
      %dma_start3A_340 = arith.constant 0 : i32
      %dma_start3A_341 = tpu.memref_slice %arg3[%add3A, %dma_start3A_339, %dma_start3A_340] : memref<32x80x128xi32, #tpu.memory_space<hbm>> -> memref<1x80x128xi32, #tpu.memory_space<hbm>>
      %dma_start3A_342 = tpu.memref_squeeze %dma_start3A_341 : memref<1x80x128xi32, #tpu.memory_space<hbm>> -> memref<80x128xi32, #tpu.memory_space<hbm>>
      %dma_start3A_343 = arith.constant 0 : i32
      %dma_start3A_344 = arith.constant 0 : i32
      %dma_start3A_345 = tpu.memref_slice %arg3[%add3A, %dma_start3A_343, %dma_start3A_344] : memref<32x80x128xi32, #tpu.memory_space<hbm>> -> memref<1x80x128xi32, #tpu.memory_space<hbm>>
      %dma_start3A_346 = tpu.memref_squeeze %dma_start3A_345 : memref<1x80x128xi32, #tpu.memory_space<hbm>> -> memref<80x128xi32, #tpu.memory_space<hbm>>
      tpu.enqueue_dma source(%dma_start3A_346 : memref<80x128xi32, #tpu.memory_space<hbm>>) target(%arg5 : memref<80x128xi32, #tpu.memory_space<vmem>>) target_semaphore(%run_scoped3A : memref<!tpu.dma_semaphore, #tpu.memory_space<semaphore_mem>>)
      %dma_wait3A_347 = arith.constant 0 : i32
      %dma_wait3A_348 = arith.constant 0 : i32
      %dma_wait3A_349 = tpu.memref_slice %arg3[%add3A, %dma_wait3A_347, %dma_wait3A_348] : memref<32x80x128xi32, #tpu.memory_space<hbm>> -> memref<1x80x128xi32, #tpu.memory_space<hbm>>
      %dma_wait3A_350 = tpu.memref_squeeze %dma_wait3A_349 : memref<1x80x128xi32, #tpu.memory_space<hbm>> -> memref<80x128xi32, #tpu.memory_space<hbm>>
      %dma_wait3A_351 = arith.constant 0 : i32
      %dma_wait3A_352 = arith.constant 0 : i32
      %dma_wait3A_353 = tpu.memref_slice %arg3[%add3A, %dma_wait3A_351, %dma_wait3A_352] : memref<32x80x128xi32, #tpu.memory_space<hbm>> -> memref<1x80x128xi32, #tpu.memory_space<hbm>>
      %dma_wait3A_354 = tpu.memref_squeeze %dma_wait3A_353 : memref<1x80x128xi32, #tpu.memory_space<hbm>> -> memref<80x128xi32, #tpu.memory_space<hbm>>
      tpu.wait_dma2 semaphore(%run_scoped3A : memref<!tpu.dma_semaphore, #tpu.memory_space<semaphore_mem>>) src(%dma_wait3A_354 : memref<80x128xi32, #tpu.memory_space<hbm>>) dst(%arg5 : memref<80x128xi32, #tpu.memory_space<vmem>>)
      tpu.yield
    }) : () -> ()
    %barrier3A = arith.constant 0 : index
    tpu.barrier barrier_id(%barrier3A)
    %get3A = arith.constant 0 : i32
    %get3A_14 = arith.index_cast %get3A : i32 to index
    %get3A_15 = arith.constant 0 : index
    %get3A_16 = tpu.vector_load %arg5[%get3A_14, %get3A_15] {strides = array<i32>} : memref<80x128xi32, #tpu.memory_space<vmem>>, vector<1x16xi32>,
    %get3A_17 = vector.shape_cast %get3A_16 : vector<1x16xi32> to vector<16xi32>
    %and3A = arith.constant 65535 : i32
    %and3A_18 = vector.broadcast %and3A : i32 to vector<16xi32>
    %and3A_19 = arith.andi %get3A_17, %and3A_18 : vector<16xi32>
    %swap3A = arith.constant 0 : index
    %swap3A_20 = tpu.vector_load %arg6[%swap3A] {strides = array<i32>} : memref<128xi32, #tpu.memory_space<vmem>>, vector<16xi32>,
    %swap3A_21 = vector.shape_cast %swap3A_20 : vector<16xi32> to vector<16xi32>
    %swap3A_22 = vector.shape_cast %and3A_19 : vector<16xi32> to vector<16xi32>
    tpu.vector_store %arg6[%swap3A], %swap3A_22 {strides = array<i32>} : memref<128xi32, #tpu.memory_space<vmem>>, vector<16xi32>,
    %shift_right_logical3A = arith.constant 16 : i32
    %shift_right_logical3A_23 = vector.broadcast %shift_right_logical3A : i32 to vector<16xi32>
    %shift_right_logical3A_24 = arith.shrui %get3A_17, %shift_right_logical3A_23 : vector<16xi32>
    %swap3A_25 = arith.constant 0 : index
    %swap3A_26 = tpu.vector_load %arg7[%swap3A_25] {strides = array<i32>} : memref<128xi32, #tpu.memory_space<vmem>>, vector<16xi32>,
    %swap3A_27 = vector.shape_cast %swap3A_26 : vector<16xi32> to vector<16xi32>
    %swap3A_28 = vector.shape_cast %shift_right_logical3A_24 : vector<16xi32> to vector<16xi32>
    tpu.vector_store %arg7[%swap3A_25], %swap3A_28 {strides = array<i32>} : memref<128xi32, #tpu.memory_space<vmem>>, vector<16xi32>,
    %get3A_29 = arith.constant 0 : i32
    %get3A_30 = arith.index_cast %get3A_29 : i32 to index
    %get3A_31 = arith.constant 16 : index
    %get3A_32 = tpu.vector_load %arg5[%get3A_30, %get3A_31] {strides = array<i32>} : memref<80x128xi32, #tpu.memory_space<vmem>>, vector<1x16xi32>,
    %get3A_33 = vector.shape_cast %get3A_32 : vector<1x16xi32> to vector<16xi32>
    %and3A_34 = arith.constant 65535 : i32
    %and3A_35 = vector.broadcast %and3A_34 : i32 to vector<16xi32>
    %and3A_36 = arith.andi %get3A_33, %and3A_35 : vector<16xi32>
    %swap3A_37 = arith.constant 16 : index
    %swap3A_38 = tpu.vector_load %arg6[%swap3A_37] {strides = array<i32>} : memref<128xi32, #tpu.memory_space<vmem>>, vector<16xi32>,
    %swap3A_39 = vector.shape_cast %swap3A_38 : vector<16xi32> to vector<16xi32>
    %swap3A_40 = vector.shape_cast %and3A_36 : vector<16xi32> to vector<16xi32>
    tpu.vector_store %arg6[%swap3A_37], %swap3A_40 {strides = array<i32>} : memref<128xi32, #tpu.memory_space<vmem>>, vector<16xi32>,
    %shift_right_logical3A_41 = arith.constant 16 : i32
    %shift_right_logical3A_42 = vector.broadcast %shift_right_logical3A_41 : i32 to vector<16xi32>
    %shift_right_logical3A_43 = arith.shrui %get3A_33, %shift_right_logical3A_42 : vector<16xi32>
    %swap3A_44 = arith.constant 16 : index
    %swap3A_45 = tpu.vector_load %arg7[%swap3A_44] {strides = array<i32>} : memref<128xi32, #tpu.memory_space<vmem>>, vector<16xi32>,
    %swap3A_46 = vector.shape_cast %swap3A_45 : vector<16xi32> to vector<16xi32>
    %swap3A_47 = vector.shape_cast %shift_right_logical3A_43 : vector<16xi32> to vector<16xi32>
    tpu.vector_store %arg7[%swap3A_44], %swap3A_47 {strides = array<i32>} : memref<128xi32, #tpu.memory_space<vmem>>, vector<16xi32>,
    %get3A_48 = arith.constant 0 : i32
    %get3A_49 = arith.index_cast %get3A_48 : i32 to index
    %get3A_50 = arith.constant 32 : index
    %get3A_51 = tpu.vector_load %arg5[%get3A_49, %get3A_50] {strides = array<i32>} : memref<80x128xi32, #tpu.memory_space<vmem>>, vector<1x16xi32>,
    %get3A_52 = vector.shape_cast %get3A_51 : vector<1x16xi32> to vector<16xi32>
    %and3A_53 = arith.constant 65535 : i32
    %and3A_54 = vector.broadcast %and3A_53 : i32 to vector<16xi32>
    %and3A_55 = arith.andi %get3A_52, %and3A_54 : vector<16xi32>
    %swap3A_56 = arith.constant 32 : index
    %swap3A_57 = tpu.vector_load %arg6[%swap3A_56] {strides = array<i32>} : memref<128xi32, #tpu.memory_space<vmem>>, vector<16xi32>,
    %swap3A_58 = vector.shape_cast %swap3A_57 : vector<16xi32> to vector<16xi32>
    %swap3A_59 = vector.shape_cast %and3A_55 : vector<16xi32> to vector<16xi32>
    tpu.vector_store %arg6[%swap3A_56], %swap3A_59 {strides = array<i32>} : memref<128xi32, #tpu.memory_space<vmem>>, vector<16xi32>,
    %shift_right_logical3A_60 = arith.constant 16 : i32
    %shift_right_logical3A_61 = vector.broadcast %shift_right_logical3A_60 : i32 to vector<16xi32>
    %shift_right_logical3A_62 = arith.shrui %get3A_52, %shift_right_logical3A_61 : vector<16xi32>
    %swap3A_63 = arith.constant 32 : index
    %swap3A_64 = tpu.vector_load %arg7[%swap3A_63] {strides = array<i32>} : memref<128xi32, #tpu.memory_space<vmem>>, vector<16xi32>,
    %swap3A_65 = vector.shape_cast %swap3A_64 : vector<16xi32> to vector<16xi32>
    %swap3A_66 = vector.shape_cast %shift_right_logical3A_62 : vector<16xi32> to vector<16xi32>
    tpu.vector_store %arg7[%swap3A_63], %swap3A_66 {strides = array<i32>} : memref<128xi32, #tpu.memory_space<vmem>>, vector<16xi32>,
    %get3A_67 = arith.constant 0 : i32
    %get3A_68 = arith.index_cast %get3A_67 : i32 to index
    %get3A_69 = arith.constant 48 : index
    %get3A_70 = tpu.vector_load %arg5[%get3A_68, %get3A_69] {strides = array<i32>} : memref<80x128xi32, #tpu.memory_space<vmem>>, vector<1x16xi32>,
    %get3A_71 = vector.shape_cast %get3A_70 : vector<1x16xi32> to vector<16xi32>
    %and3A_72 = arith.constant 65535 : i32
    %and3A_73 = vector.broadcast %and3A_72 : i32 to vector<16xi32>
    %and3A_74 = arith.andi %get3A_71, %and3A_73 : vector<16xi32>
    %swap3A_75 = arith.constant 48 : index
    %swap3A_76 = tpu.vector_load %arg6[%swap3A_75] {strides = array<i32>} : memref<128xi32, #tpu.memory_space<vmem>>, vector<16xi32>,
    %swap3A_77 = vector.shape_cast %swap3A_76 : vector<16xi32> to vector<16xi32>
    %swap3A_78 = vector.shape_cast %and3A_74 : vector<16xi32> to vector<16xi32>
    tpu.vector_store %arg6[%swap3A_75], %swap3A_78 {strides = array<i32>} : memref<128xi32, #tpu.memory_space<vmem>>, vector<16xi32>,
    %shift_right_logical3A_79 = arith.constant 16 : i32
    %shift_right_logical3A_80 = vector.broadcast %shift_right_logical3A_79 : i32 to vector<16xi32>
    %shift_right_logical3A_81 = arith.shrui %get3A_71, %shift_right_logical3A_80 : vector<16xi32>
    %swap3A_82 = arith.constant 48 : index
    %swap3A_83 = tpu.vector_load %arg7[%swap3A_82] {strides = array<i32>} : memref<128xi32, #tpu.memory_space<vmem>>, vector<16xi32>,
    %swap3A_84 = vector.shape_cast %swap3A_83 : vector<16xi32> to vector<16xi32>
    %swap3A_85 = vector.shape_cast %shift_right_logical3A_81 : vector<16xi32> to vector<16xi32>
    tpu.vector_store %arg7[%swap3A_82], %swap3A_85 {strides = array<i32>} : memref<128xi32, #tpu.memory_space<vmem>>, vector<16xi32>,
    %get3A_86 = arith.constant 0 : i32
    %get3A_87 = arith.index_cast %get3A_86 : i32 to index
    %get3A_88 = arith.constant 64 : index
    %get3A_89 = tpu.vector_load %arg5[%get3A_87, %get3A_88] {strides = array<i32>} : memref<80x128xi32, #tpu.memory_space<vmem>>, vector<1x16xi32>,
    %get3A_90 = vector.shape_cast %get3A_89 : vector<1x16xi32> to vector<16xi32>
    %and3A_91 = arith.constant 65535 : i32
    %and3A_92 = vector.broadcast %and3A_91 : i32 to vector<16xi32>
    %and3A_93 = arith.andi %get3A_90, %and3A_92 : vector<16xi32>
    %swap3A_94 = arith.constant 64 : index
    %swap3A_95 = tpu.vector_load %arg6[%swap3A_94] {strides = array<i32>} : memref<128xi32, #tpu.memory_space<vmem>>, vector<16xi32>,
    %swap3A_96 = vector.shape_cast %swap3A_95 : vector<16xi32> to vector<16xi32>
    %swap3A_97 = vector.shape_cast %and3A_93 : vector<16xi32> to vector<16xi32>
    tpu.vector_store %arg6[%swap3A_94], %swap3A_97 {strides = array<i32>} : memref<128xi32, #tpu.memory_space<vmem>>, vector<16xi32>,
    %shift_right_logical3A_98 = arith.constant 16 : i32
    %shift_right_logical3A_99 = vector.broadcast %shift_right_logical3A_98 : i32 to vector<16xi32>
    %shift_right_logical3A_100 = arith.shrui %get3A_90, %shift_right_logical3A_99 : vector<16xi32>
    %swap3A_101 = arith.constant 64 : index
    %swap3A_102 = tpu.vector_load %arg7[%swap3A_101] {strides = array<i32>} : memref<128xi32, #tpu.memory_space<vmem>>, vector<16xi32>,
    %swap3A_103 = vector.shape_cast %swap3A_102 : vector<16xi32> to vector<16xi32>
    %swap3A_104 = vector.shape_cast %shift_right_logical3A_100 : vector<16xi32> to vector<16xi32>
    tpu.vector_store %arg7[%swap3A_101], %swap3A_104 {strides = array<i32>} : memref<128xi32, #tpu.memory_space<vmem>>, vector<16xi32>,
    %get3A_105 = arith.constant 0 : i32
    %get3A_106 = arith.index_cast %get3A_105 : i32 to index
    %get3A_107 = arith.constant 80 : index
    %get3A_108 = tpu.vector_load %arg5[%get3A_106, %get3A_107] {strides = array<i32>} : memref<80x128xi32, #tpu.memory_space<vmem>>, vector<1x16xi32>,
    %get3A_109 = vector.shape_cast %get3A_108 : vector<1x16xi32> to vector<16xi32>
    %and3A_110 = arith.constant 65535 : i32
    %and3A_111 = vector.broadcast %and3A_110 : i32 to vector<16xi32>
    %and3A_112 = arith.andi %get3A_109, %and3A_111 : vector<16xi32>
    %swap3A_113 = arith.constant 80 : index
    %swap3A_114 = tpu.vector_load %arg6[%swap3A_113] {strides = array<i32>} : memref<128xi32, #tpu.memory_space<vmem>>, vector<16xi32>,
    %swap3A_115 = vector.shape_cast %swap3A_114 : vector<16xi32> to vector<16xi32>
    %swap3A_116 = vector.shape_cast %and3A_112 : vector<16xi32> to vector<16xi32>
    tpu.vector_store %arg6[%swap3A_113], %swap3A_116 {strides = array<i32>} : memref<128xi32, #tpu.memory_space<vmem>>, vector<16xi32>,
    %shift_right_logical3A_117 = arith.constant 16 : i32
    %shift_right_logical3A_118 = vector.broadcast %shift_right_logical3A_117 : i32 to vector<16xi32>
    %shift_right_logical3A_119 = arith.shrui %get3A_109, %shift_right_logical3A_118 : vector<16xi32>
    %swap3A_120 = arith.constant 80 : index
    %swap3A_121 = tpu.vector_load %arg7[%swap3A_120] {strides = array<i32>} : memref<128xi32, #tpu.memory_space<vmem>>, vector<16xi32>,
    %swap3A_122 = vector.shape_cast %swap3A_121 : vector<16xi32> to vector<16xi32>
    %swap3A_123 = vector.shape_cast %shift_right_logical3A_119 : vector<16xi32> to vector<16xi32>
    tpu.vector_store %arg7[%swap3A_120], %swap3A_123 {strides = array<i32>} : memref<128xi32, #tpu.memory_space<vmem>>, vector<16xi32>,
    %get3A_124 = arith.constant 0 : i32
    %get3A_125 = arith.index_cast %get3A_124 : i32 to index
    %get3A_126 = arith.constant 96 : index
    %get3A_127 = tpu.vector_load %arg5[%get3A_125, %get3A_126] {strides = array<i32>} : memref<80x128xi32, #tpu.memory_space<vmem>>, vector<1x16xi32>,
    %get3A_128 = vector.shape_cast %get3A_127 : vector<1x16xi32> to vector<16xi32>
    %and3A_129 = arith.constant 65535 : i32
    %and3A_130 = vector.broadcast %and3A_129 : i32 to vector<16xi32>
    %and3A_131 = arith.andi %get3A_128, %and3A_130 : vector<16xi32>
    %swap3A_132 = arith.constant 96 : index
    %swap3A_133 = tpu.vector_load %arg6[%swap3A_132] {strides = array<i32>} : memref<128xi32, #tpu.memory_space<vmem>>, vector<16xi32>,
    %swap3A_134 = vector.shape_cast %swap3A_133 : vector<16xi32> to vector<16xi32>
    %swap3A_135 = vector.shape_cast %and3A_131 : vector<16xi32> to vector<16xi32>
    tpu.vector_store %arg6[%swap3A_132], %swap3A_135 {strides = array<i32>} : memref<128xi32, #tpu.memory_space<vmem>>, vector<16xi32>,
    %shift_right_logical3A_136 = arith.constant 16 : i32
    %shift_right_logical3A_137 = vector.broadcast %shift_right_logical3A_136 : i32 to vector<16xi32>
    %shift_right_logical3A_138 = arith.shrui %get3A_128, %shift_right_logical3A_137 : vector<16xi32>
    %swap3A_139 = arith.constant 96 : index
    %swap3A_140 = tpu.vector_load %arg7[%swap3A_139] {strides = array<i32>} : memref<128xi32, #tpu.memory_space<vmem>>, vector<16xi32>,
    %swap3A_141 = vector.shape_cast %swap3A_140 : vector<16xi32> to vector<16xi32>
    %swap3A_142 = vector.shape_cast %shift_right_logical3A_138 : vector<16xi32> to vector<16xi32>
    tpu.vector_store %arg7[%swap3A_139], %swap3A_142 {strides = array<i32>} : memref<128xi32, #tpu.memory_space<vmem>>, vector<16xi32>,
    %get3A_143 = arith.constant 0 : i32
    %get3A_144 = arith.index_cast %get3A_143 : i32 to index
    %get3A_145 = arith.constant 112 : index
    %get3A_146 = tpu.vector_load %arg5[%get3A_144, %get3A_145] {strides = array<i32>} : memref<80x128xi32, #tpu.memory_space<vmem>>, vector<1x16xi32>,
    %get3A_147 = vector.shape_cast %get3A_146 : vector<1x16xi32> to vector<16xi32>
    %and3A_148 = arith.constant 65535 : i32
    %and3A_149 = vector.broadcast %and3A_148 : i32 to vector<16xi32>
    %and3A_150 = arith.andi %get3A_147, %and3A_149 : vector<16xi32>
    %swap3A_151 = arith.constant 112 : index
    %swap3A_152 = tpu.vector_load %arg6[%swap3A_151] {strides = array<i32>} : memref<128xi32, #tpu.memory_space<vmem>>, vector<16xi32>,
    %swap3A_153 = vector.shape_cast %swap3A_152 : vector<16xi32> to vector<16xi32>
    %swap3A_154 = vector.shape_cast %and3A_150 : vector<16xi32> to vector<16xi32>
    tpu.vector_store %arg6[%swap3A_151], %swap3A_154 {strides = array<i32>} : memref<128xi32, #tpu.memory_space<vmem>>, vector<16xi32>,
    %shift_right_logical3A_155 = arith.constant 16 : i32
    %shift_right_logical3A_156 = vector.broadcast %shift_right_logical3A_155 : i32 to vector<16xi32>
    %shift_right_logical3A_157 = arith.shrui %get3A_147, %shift_right_logical3A_156 : vector<16xi32>
    %swap3A_158 = arith.constant 112 : index
    %swap3A_159 = tpu.vector_load %arg7[%swap3A_158] {strides = array<i32>} : memref<128xi32, #tpu.memory_space<vmem>>, vector<16xi32>,
    %swap3A_160 = vector.shape_cast %swap3A_159 : vector<16xi32> to vector<16xi32>
    %swap3A_161 = vector.shape_cast %shift_right_logical3A_157 : vector<16xi32> to vector<16xi32>
    tpu.vector_store %arg7[%swap3A_158], %swap3A_161 {strides = array<i32>} : memref<128xi32, #tpu.memory_space<vmem>>, vector<16xi32>,
    %dma_start3A = arith.constant 0 : i32
    %dma_start3A_162 = arith.constant 0 : i32
    %dma_start3A_163 = tpu.memref_slice %arg2[%dma_start3A, %dma_start3A_162] : memref<10240x128xf32, #tpu.memory_space<hbm>> -> memref<10240x128xf32, #tpu.memory_space<hbm>>
    tpu.enqueue_indirect_dma source(%dma_start3A_163 : memref<10240x128xf32, #tpu.memory_space<hbm>>) target(%arg10 : memref<128x128xf32, #tpu.memory_space<vmem>>) offsets(%arg6 : memref<128xi32, #tpu.memory_space<vmem>>) semaphore(%arg13 : memref<!tpu.dma_semaphore, #tpu.memory_space<semaphore_mem>>)
    %get3A_164 = arith.constant 1 : i32
    %get3A_165 = arith.index_cast %get3A_164 : i32 to index
    %get3A_166 = arith.constant 0 : index
    %get3A_167 = tpu.vector_load %arg5[%get3A_165, %get3A_166] {strides = array<i32>} : memref<80x128xi32, #tpu.memory_space<vmem>>, vector<1x16xi32>,
    %get3A_168 = vector.shape_cast %get3A_167 : vector<1x16xi32> to vector<16xi32>
    %and3A_169 = arith.constant 65535 : i32
    %and3A_170 = vector.broadcast %and3A_169 : i32 to vector<16xi32>
    %and3A_171 = arith.andi %get3A_168, %and3A_170 : vector<16xi32>
    %swap3A_172 = arith.constant 0 : index
    %swap3A_173 = tpu.vector_load %arg8[%swap3A_172] {strides = array<i32>} : memref<128xi32, #tpu.memory_space<vmem>>, vector<16xi32>,
    %swap3A_174 = vector.shape_cast %swap3A_173 : vector<16xi32> to vector<16xi32>
    %swap3A_175 = vector.shape_cast %and3A_171 : vector<16xi32> to vector<16xi32>
    tpu.vector_store %arg8[%swap3A_172], %swap3A_175 {strides = array<i32>} : memref<128xi32, #tpu.memory_space<vmem>>, vector<16xi32>,
    %shift_right_logical3A_176 = arith.constant 16 : i32
    %shift_right_logical3A_177 = vector.broadcast %shift_right_logical3A_176 : i32 to vector<16xi32>
    %shift_right_logical3A_178 = arith.shrui %get3A_168, %shift_right_logical3A_177 : vector<16xi32>
    %swap3A_179 = arith.constant 0 : index
    %swap3A_180 = tpu.vector_load %arg9[%swap3A_179] {strides = array<i32>} : memref<128xi32, #tpu.memory_space<vmem>>, vector<16xi32>,
    %swap3A_181 = vector.shape_cast %swap3A_180 : vector<16xi32> to vector<16xi32>
    %swap3A_182 = vector.shape_cast %shift_right_logical3A_178 : vector<16xi32> to vector<16xi32>
    tpu.vector_store %arg9[%swap3A_179], %swap3A_182 {strides = array<i32>} : memref<128xi32, #tpu.memory_space<vmem>>, vector<16xi32>,
    %get3A_183 = arith.constant 1 : i32
    %get3A_184 = arith.index_cast %get3A_183 : i32 to index
    %get3A_185 = arith.constant 16 : index
    %get3A_186 = tpu.vector_load %arg5[%get3A_184, %get3A_185] {strides = array<i32>} : memref<80x128xi32, #tpu.memory_space<vmem>>, vector<1x16xi32>,
    %get3A_187 = vector.shape_cast %get3A_186 : vector<1x16xi32> to vector<16xi32>
    %and3A_188 = arith.constant 65535 : i32
    %and3A_189 = vector.broadcast %and3A_188 : i32 to vector<16xi32>
    %and3A_190 = arith.andi %get3A_187, %and3A_189 : vector<16xi32>
    %swap3A_191 = arith.constant 16 : index
    %swap3A_192 = tpu.vector_load %arg8[%swap3A_191] {strides = array<i32>} : memref<128xi32, #tpu.memory_space<vmem>>, vector<16xi32>,
    %swap3A_193 = vector.shape_cast %swap3A_192 : vector<16xi32> to vector<16xi32>
    %swap3A_194 = vector.shape_cast %and3A_190 : vector<16xi32> to vector<16xi32>
    tpu.vector_store %arg8[%swap3A_191], %swap3A_194 {strides = array<i32>} : memref<128xi32, #tpu.memory_space<vmem>>, vector<16xi32>,
    %shift_right_logical3A_195 = arith.constant 16 : i32
    %shift_right_logical3A_196 = vector.broadcast %shift_right_logical3A_195 : i32 to vector<16xi32>
    %shift_right_logical3A_197 = arith.shrui %get3A_187, %shift_right_logical3A_196 : vector<16xi32>
    %swap3A_198 = arith.constant 16 : index
    %swap3A_199 = tpu.vector_load %arg9[%swap3A_198] {strides = array<i32>} : memref<128xi32, #tpu.memory_space<vmem>>, vector<16xi32>,
    %swap3A_200 = vector.shape_cast %swap3A_199 : vector<16xi32> to vector<16xi32>
    %swap3A_201 = vector.shape_cast %shift_right_logical3A_197 : vector<16xi32> to vector<16xi32>
    tpu.vector_store %arg9[%swap3A_198], %swap3A_201 {strides = array<i32>} : memref<128xi32, #tpu.memory_space<vmem>>, vector<16xi32>,
    %get3A_202 = arith.constant 1 : i32
    %get3A_203 = arith.index_cast %get3A_202 : i32 to index
    %get3A_204 = arith.constant 32 : index
    %get3A_205 = tpu.vector_load %arg5[%get3A_203, %get3A_204] {strides = array<i32>} : memref<80x128xi32, #tpu.memory_space<vmem>>, vector<1x16xi32>,
    %get3A_206 = vector.shape_cast %get3A_205 : vector<1x16xi32> to vector<16xi32>
    %and3A_207 = arith.constant 65535 : i32
    %and3A_208 = vector.broadcast %and3A_207 : i32 to vector<16xi32>
    %and3A_209 = arith.andi %get3A_206, %and3A_208 : vector<16xi32>
    %swap3A_210 = arith.constant 32 : index
    %swap3A_211 = tpu.vector_load %arg8[%swap3A_210] {strides = array<i32>} : memref<128xi32, #tpu.memory_space<vmem>>, vector<16xi32>,
    %swap3A_212 = vector.shape_cast %swap3A_211 : vector<16xi32> to vector<16xi32>
    %swap3A_213 = vector.shape_cast %and3A_209 : vector<16xi32> to vector<16xi32>
    tpu.vector_store %arg8[%swap3A_210], %swap3A_213 {strides = array<i32>} : memref<128xi32, #tpu.memory_space<vmem>>, vector<16xi32>,
    %shift_right_logical3A_214 = arith.constant 16 : i32
    %shift_right_logical3A_215 = vector.broadcast %shift_right_logical3A_214 : i32 to vector<16xi32>
    %shift_right_logical3A_216 = arith.shrui %get3A_206, %shift_right_logical3A_215 : vector<16xi32>
    %swap3A_217 = arith.constant 32 : index
    %swap3A_218 = tpu.vector_load %arg9[%swap3A_217] {strides = array<i32>} : memref<128xi32, #tpu.memory_space<vmem>>, vector<16xi32>,
    %swap3A_219 = vector.shape_cast %swap3A_218 : vector<16xi32> to vector<16xi32>
    %swap3A_220 = vector.shape_cast %shift_right_logical3A_216 : vector<16xi32> to vector<16xi32>
    tpu.vector_store %arg9[%swap3A_217], %swap3A_220 {strides = array<i32>} : memref<128xi32, #tpu.memory_space<vmem>>, vector<16xi32>,
    %get3A_221 = arith.constant 1 : i32
    %get3A_222 = arith.index_cast %get3A_221 : i32 to index
    %get3A_223 = arith.constant 48 : index
    %get3A_224 = tpu.vector_load %arg5[%get3A_222, %get3A_223] {strides = array<i32>} : memref<80x128xi32, #tpu.memory_space<vmem>>, vector<1x16xi32>,
    %get3A_225 = vector.shape_cast %get3A_224 : vector<1x16xi32> to vector<16xi32>
    %and3A_226 = arith.constant 65535 : i32
    %and3A_227 = vector.broadcast %and3A_226 : i32 to vector<16xi32>
    %and3A_228 = arith.andi %get3A_225, %and3A_227 : vector<16xi32>
    %swap3A_229 = arith.constant 48 : index
    %swap3A_230 = tpu.vector_load %arg8[%swap3A_229] {strides = array<i32>} : memref<128xi32, #tpu.memory_space<vmem>>, vector<16xi32>,
    %swap3A_231 = vector.shape_cast %swap3A_230 : vector<16xi32> to vector<16xi32>
    %swap3A_232 = vector.shape_cast %and3A_228 : vector<16xi32> to vector<16xi32>
    tpu.vector_store %arg8[%swap3A_229], %swap3A_232 {strides = array<i32>} : memref<128xi32, #tpu.memory_space<vmem>>, vector<16xi32>,
    %shift_right_logical3A_233 = arith.constant 16 : i32
    %shift_right_logical3A_234 = vector.broadcast %shift_right_logical3A_233 : i32 to vector<16xi32>
    %shift_right_logical3A_235 = arith.shrui %get3A_225, %shift_right_logical3A_234 : vector<16xi32>
    %swap3A_236 = arith.constant 48 : index
    %swap3A_237 = tpu.vector_load %arg9[%swap3A_236] {strides = array<i32>} : memref<128xi32, #tpu.memory_space<vmem>>, vector<16xi32>,
    %swap3A_238 = vector.shape_cast %swap3A_237 : vector<16xi32> to vector<16xi32>
    %swap3A_239 = vector.shape_cast %shift_right_logical3A_235 : vector<16xi32> to vector<16xi32>
    tpu.vector_store %arg9[%swap3A_236], %swap3A_239 {strides = array<i32>} : memref<128xi32, #tpu.memory_space<vmem>>, vector<16xi32>,
    %get3A_240 = arith.constant 1 : i32
    %get3A_241 = arith.index_cast %get3A_240 : i32 to index
    %get3A_242 = arith.constant 64 : index
    %get3A_243 = tpu.vector_load %arg5[%get3A_241, %get3A_242] {strides = array<i32>} : memref<80x128xi32, #tpu.memory_space<vmem>>, vector<1x16xi32>,
    %get3A_244 = vector.shape_cast %get3A_243 : vector<1x16xi32> to vector<16xi32>
    %and3A_245 = arith.constant 65535 : i32
    %and3A_246 = vector.broadcast %and3A_245 : i32 to vector<16xi32>
    %and3A_247 = arith.andi %get3A_244, %and3A_246 : vector<16xi32>
    %swap3A_248 = arith.constant 64 : index
    %swap3A_249 = tpu.vector_load %arg8[%swap3A_248] {strides = array<i32>} : memref<128xi32, #tpu.memory_space<vmem>>, vector<16xi32>,
    %swap3A_250 = vector.shape_cast %swap3A_249 : vector<16xi32> to vector<16xi32>
    %swap3A_251 = vector.shape_cast %and3A_247 : vector<16xi32> to vector<16xi32>
    tpu.vector_store %arg8[%swap3A_248], %swap3A_251 {strides = array<i32>} : memref<128xi32, #tpu.memory_space<vmem>>, vector<16xi32>,
    %shift_right_logical3A_252 = arith.constant 16 : i32
    %shift_right_logical3A_253 = vector.broadcast %shift_right_logical3A_252 : i32 to vector<16xi32>
    %shift_right_logical3A_254 = arith.shrui %get3A_244, %shift_right_logical3A_253 : vector<16xi32>
    %swap3A_255 = arith.constant 64 : index
    %swap3A_256 = tpu.vector_load %arg9[%swap3A_255] {strides = array<i32>} : memref<128xi32, #tpu.memory_space<vmem>>, vector<16xi32>,
    %swap3A_257 = vector.shape_cast %swap3A_256 : vector<16xi32> to vector<16xi32>
    %swap3A_258 = vector.shape_cast %shift_right_logical3A_254 : vector<16xi32> to vector<16xi32>
    tpu.vector_store %arg9[%swap3A_255], %swap3A_258 {strides = array<i32>} : memref<128xi32, #tpu.memory_space<vmem>>, vector<16xi32>,
    %get3A_259 = arith.constant 1 : i32
    %get3A_260 = arith.index_cast %get3A_259 : i32 to index
    %get3A_261 = arith.constant 80 : index
    %get3A_262 = tpu.vector_load %arg5[%get3A_260, %get3A_261] {strides = array<i32>} : memref<80x128xi32, #tpu.memory_space<vmem>>, vector<1x16xi32>,
    %get3A_263 = vector.shape_cast %get3A_262 : vector<1x16xi32> to vector<16xi32>
    %and3A_264 = arith.constant 65535 : i32
    %and3A_265 = vector.broadcast %and3A_264 : i32 to vector<16xi32>
    %and3A_266 = arith.andi %get3A_263, %and3A_265 : vector<16xi32>
    %swap3A_267 = arith.constant 80 : index
    %swap3A_268 = tpu.vector_load %arg8[%swap3A_267] {strides = array<i32>} : memref<128xi32, #tpu.memory_space<vmem>>, vector<16xi32>,
    %swap3A_269 = vector.shape_cast %swap3A_268 : vector<16xi32> to vector<16xi32>
    %swap3A_270 = vector.shape_cast %and3A_266 : vector<16xi32> to vector<16xi32>
    tpu.vector_store %arg8[%swap3A_267], %swap3A_270 {strides = array<i32>} : memref<128xi32, #tpu.memory_space<vmem>>, vector<16xi32>,
    %shift_right_logical3A_271 = arith.constant 16 : i32
    %shift_right_logical3A_272 = vector.broadcast %shift_right_logical3A_271 : i32 to vector<16xi32>
    %shift_right_logical3A_273 = arith.shrui %get3A_263, %shift_right_logical3A_272 : vector<16xi32>
    %swap3A_274 = arith.constant 80 : index
    %swap3A_275 = tpu.vector_load %arg9[%swap3A_274] {strides = array<i32>} : memref<128xi32, #tpu.memory_space<vmem>>, vector<16xi32>,
    %swap3A_276 = vector.shape_cast %swap3A_275 : vector<16xi32> to vector<16xi32>
    %swap3A_277 = vector.shape_cast %shift_right_logical3A_273 : vector<16xi32> to vector<16xi32>
    tpu.vector_store %arg9[%swap3A_274], %swap3A_277 {strides = array<i32>} : memref<128xi32, #tpu.memory_space<vmem>>, vector<16xi32>,
    %get3A_278 = arith.constant 1 : i32
    %get3A_279 = arith.index_cast %get3A_278 : i32 to index
    %get3A_280 = arith.constant 96 : index
    %get3A_281 = tpu.vector_load %arg5[%get3A_279, %get3A_280] {strides = array<i32>} : memref<80x128xi32, #tpu.memory_space<vmem>>, vector<1x16xi32>,
    %get3A_282 = vector.shape_cast %get3A_281 : vector<1x16xi32> to vector<16xi32>
    %and3A_283 = arith.constant 65535 : i32
    %and3A_284 = vector.broadcast %and3A_283 : i32 to vector<16xi32>
    %and3A_285 = arith.andi %get3A_282, %and3A_284 : vector<16xi32>
    %swap3A_286 = arith.constant 96 : index
    %swap3A_287 = tpu.vector_load %arg8[%swap3A_286] {strides = array<i32>} : memref<128xi32, #tpu.memory_space<vmem>>, vector<16xi32>,
    %swap3A_288 = vector.shape_cast %swap3A_287 : vector<16xi32> to vector<16xi32>
    %swap3A_289 = vector.shape_cast %and3A_285 : vector<16xi32> to vector<16xi32>
    tpu.vector_store %arg8[%swap3A_286], %swap3A_289 {strides = array<i32>} : memref<128xi32, #tpu.memory_space<vmem>>, vector<16xi32>,
    %shift_right_logical3A_290 = arith.constant 16 : i32
    %shift_right_logical3A_291 = vector.broadcast %shift_right_logical3A_290 : i32 to vector<16xi32>
    %shift_right_logical3A_292 = arith.shrui %get3A_282, %shift_right_logical3A_291 : vector<16xi32>
    %swap3A_293 = arith.constant 96 : index
    %swap3A_294 = tpu.vector_load %arg9[%swap3A_293] {strides = array<i32>} : memref<128xi32, #tpu.memory_space<vmem>>, vector<16xi32>,
    %swap3A_295 = vector.shape_cast %swap3A_294 : vector<16xi32> to vector<16xi32>
    %swap3A_296 = vector.shape_cast %shift_right_logical3A_292 : vector<16xi32> to vector<16xi32>
    tpu.vector_store %arg9[%swap3A_293], %swap3A_296 {strides = array<i32>} : memref<128xi32, #tpu.memory_space<vmem>>, vector<16xi32>,
    %get3A_297 = arith.constant 1 : i32
    %get3A_298 = arith.index_cast %get3A_297 : i32 to index
    %get3A_299 = arith.constant 112 : index
    %get3A_300 = tpu.vector_load %arg5[%get3A_298, %get3A_299] {strides = array<i32>} : memref<80x128xi32, #tpu.memory_space<vmem>>, vector<1x16xi32>,
    %get3A_301 = vector.shape_cast %get3A_300 : vector<1x16xi32> to vector<16xi32>
    %and3A_302 = arith.constant 65535 : i32
    %and3A_303 = vector.broadcast %and3A_302 : i32 to vector<16xi32>
    %and3A_304 = arith.andi %get3A_301, %and3A_303 : vector<16xi32>
    %swap3A_305 = arith.constant 112 : index
    %swap3A_306 = tpu.vector_load %arg8[%swap3A_305] {strides = array<i32>} : memref<128xi32, #tpu.memory_space<vmem>>, vector<16xi32>,
    %swap3A_307 = vector.shape_cast %swap3A_306 : vector<16xi32> to vector<16xi32>
    %swap3A_308 = vector.shape_cast %and3A_304 : vector<16xi32> to vector<16xi32>
    tpu.vector_store %arg8[%swap3A_305], %swap3A_308 {strides = array<i32>} : memref<128xi32, #tpu.memory_space<vmem>>, vector<16xi32>,
    %shift_right_logical3A_309 = arith.constant 16 : i32
    %shift_right_logical3A_310 = vector.broadcast %shift_right_logical3A_309 : i32 to vector<16xi32>
    %shift_right_logical3A_311 = arith.shrui %get3A_301, %shift_right_logical3A_310 : vector<16xi32>
    %swap3A_312 = arith.constant 112 : index
    %swap3A_313 = tpu.vector_load %arg9[%swap3A_312] {strides = array<i32>} : memref<128xi32, #tpu.memory_space<vmem>>, vector<16xi32>,
    %swap3A_314 = vector.shape_cast %swap3A_313 : vector<16xi32> to vector<16xi32>
    %swap3A_315 = vector.shape_cast %shift_right_logical3A_311 : vector<16xi32> to vector<16xi32>
    tpu.vector_store %arg9[%swap3A_312], %swap3A_315 {strides = array<i32>} : memref<128xi32, #tpu.memory_space<vmem>>, vector<16xi32>,
    %dma_start3A_316 = arith.constant 0 : i32
    %dma_start3A_317 = arith.constant 0 : i32
    %dma_start3A_318 = tpu.memref_slice %arg2[%dma_start3A_316, %dma_start3A_317] : memref<10240x128xf32, #tpu.memory_space<hbm>> -> memref<10240x128xf32, #tpu.memory_space<hbm>>
    tpu.enqueue_indirect_dma source(%dma_start3A_318 : memref<10240x128xf32, #tpu.memory_space<hbm>>) target(%arg11 : memref<128x128xf32, #tpu.memory_space<vmem>>) offsets(%arg8 : memref<128xi32, #tpu.memory_space<vmem>>) semaphore(%arg14 : memref<!tpu.dma_semaphore, #tpu.memory_space<semaphore_mem>>)
    %scan3A_319 = arith.constant 0 : i32
    %scan3A_320 = arith.constant 0 : i32
    %scan3A_321 = arith.constant 39 : i32
    %scan3A_322 = arith.addi %scan3A_320, %scan3A_321 : i32
    %scan3A_323 = arith.constant 1 : i32
    %scan3A_324 = scf.for %scan3A_339 = %scan3A_320 to %scan3A_322 step %scan3A_323 iter_args(%scan3A_340 = %scan3A_319) -> (i32)  : i32 {
      %mul3A_341 = arith.constant 2 : i32
      %mul3A_342 = arith.muli %mul3A_341, %scan3A_339 : i32
      %add3A_343 = arith.constant 0 : i32
      %add3A_344 = arith.addi %mul3A_342, %add3A_343 : i32
      %dma_wait3A_345 = arith.constant 0 : i32
      %dma_wait3A_346 = arith.constant 0 : i32
      %dma_wait3A_347 = tpu.memref_slice %arg2[%dma_wait3A_345, %dma_wait3A_346] : memref<10240x128xf32, #tpu.memory_space<hbm>> -> memref<10240x128xf32, #tpu.memory_space<hbm>>
      tpu.wait_indirect_dma semaphore(%arg13 : memref<!tpu.dma_semaphore, #tpu.memory_space<semaphore_mem>>) src(%dma_wait3A_347 : memref<10240x128xf32, #tpu.memory_space<hbm>>) dst(%arg10 : memref<128x128xf32, #tpu.memory_space<vmem>>)
      "tpu.region"() ({
        %run_scoped3A = tpu.sem_alloc : memref<!tpu.dma_semaphore, #tpu.memory_space<semaphore_mem>>
        %dma_start3A_654 = arith.constant 0 : i32
        %dma_start3A_655 = arith.constant 0 : i32
        %dma_start3A_656 = tpu.memref_slice %arg12[%dma_start3A_654, %dma_start3A_655] : memref<10240x128xf32, #tpu.memory_space<vmem_shared>> -> memref<10240x128xf32, #tpu.memory_space<vmem_shared>>
        tpu.enqueue_indirect_dma source(%arg10 : memref<128x128xf32, #tpu.memory_space<vmem>>) target(%dma_start3A_656 : memref<10240x128xf32, #tpu.memory_space<vmem_shared>>) offsets(%arg7 : memref<128xi32, #tpu.memory_space<vmem>>) semaphore(%run_scoped3A : memref<!tpu.dma_semaphore, #tpu.memory_space<semaphore_mem>>) {add = true}
        %dma_wait3A_657 = arith.constant 0 : i32
        %dma_wait3A_658 = arith.constant 0 : i32
        %dma_wait3A_659 = tpu.memref_slice %arg12[%dma_wait3A_657, %dma_wait3A_658] : memref<10240x128xf32, #tpu.memory_space<vmem_shared>> -> memref<10240x128xf32, #tpu.memory_space<vmem_shared>>
        tpu.wait_indirect_dma semaphore(%run_scoped3A : memref<!tpu.dma_semaphore, #tpu.memory_space<semaphore_mem>>) src(%arg10 : memref<128x128xf32, #tpu.memory_space<vmem>>) dst(%dma_wait3A_659 : memref<10240x128xf32, #tpu.memory_space<vmem_shared>>)
        tpu.yield
      }) : () -> ()
      %add3A_348 = arith.constant 2 : i32
      %add3A_349 = arith.addi %add3A_344, %add3A_348 : i32
      %get3A_350 = arith.index_cast %add3A_349 : i32 to index
      %get3A_351 = arith.constant 0 : index
      %get3A_352 = tpu.vector_load %arg5[%get3A_350, %get3A_351] {strides = array<i32>} : memref<80x128xi32, #tpu.memory_space<vmem>>, vector<1x16xi32>,
      %get3A_353 = vector.shape_cast %get3A_352 : vector<1x16xi32> to vector<16xi32>
      %and3A_354 = arith.constant 65535 : i32
      %and3A_355 = vector.broadcast %and3A_354 : i32 to vector<16xi32>
      %and3A_356 = arith.andi %get3A_353, %and3A_355 : vector<16xi32>
      %swap3A_357 = arith.constant 0 : index
      %swap3A_358 = tpu.vector_load %arg6[%swap3A_357] {strides = array<i32>} : memref<128xi32, #tpu.memory_space<vmem>>, vector<16xi32>,
      %swap3A_359 = vector.shape_cast %swap3A_358 : vector<16xi32> to vector<16xi32>
      %swap3A_360 = vector.shape_cast %and3A_356 : vector<16xi32> to vector<16xi32>
      tpu.vector_store %arg6[%swap3A_357], %swap3A_360 {strides = array<i32>} : memref<128xi32, #tpu.memory_space<vmem>>, vector<16xi32>,
      %shift_right_logical3A_361 = arith.constant 16 : i32
      %shift_right_logical3A_362 = vector.broadcast %shift_right_logical3A_361 : i32 to vector<16xi32>
      %shift_right_logical3A_363 = arith.shrui %get3A_353, %shift_right_logical3A_362 : vector<16xi32>
      %swap3A_364 = arith.constant 0 : index
      %swap3A_365 = tpu.vector_load %arg7[%swap3A_364] {strides = array<i32>} : memref<128xi32, #tpu.memory_space<vmem>>, vector<16xi32>,
      %swap3A_366 = vector.shape_cast %swap3A_365 : vector<16xi32> to vector<16xi32>
      %swap3A_367 = vector.shape_cast %shift_right_logical3A_363 : vector<16xi32> to vector<16xi32>
      tpu.vector_store %arg7[%swap3A_364], %swap3A_367 {strides = array<i32>} : memref<128xi32, #tpu.memory_space<vmem>>, vector<16xi32>,
      %get3A_368 = arith.index_cast %add3A_349 : i32 to index
      %get3A_369 = arith.constant 16 : index
      %get3A_370 = tpu.vector_load %arg5[%get3A_368, %get3A_369] {strides = array<i32>} : memref<80x128xi32, #tpu.memory_space<vmem>>, vector<1x16xi32>,
      %get3A_371 = vector.shape_cast %get3A_370 : vector<1x16xi32> to vector<16xi32>
      %and3A_372 = arith.constant 65535 : i32
      %and3A_373 = vector.broadcast %and3A_372 : i32 to vector<16xi32>
      %and3A_374 = arith.andi %get3A_371, %and3A_373 : vector<16xi32>
      %swap3A_375 = arith.constant 16 : index
      %swap3A_376 = tpu.vector_load %arg6[%swap3A_375] {strides = array<i32>} : memref<128xi32, #tpu.memory_space<vmem>>, vector<16xi32>,
      %swap3A_377 = vector.shape_cast %swap3A_376 : vector<16xi32> to vector<16xi32>
      %swap3A_378 = vector.shape_cast %and3A_374 : vector<16xi32> to vector<16xi32>
      tpu.vector_store %arg6[%swap3A_375], %swap3A_378 {strides = array<i32>} : memref<128xi32, #tpu.memory_space<vmem>>, vector<16xi32>,
      %shift_right_logical3A_379 = arith.constant 16 : i32
      %shift_right_logical3A_380 = vector.broadcast %shift_right_logical3A_379 : i32 to vector<16xi32>
      %shift_right_logical3A_381 = arith.shrui %get3A_371, %shift_right_logical3A_380 : vector<16xi32>
      %swap3A_382 = arith.constant 16 : index
      %swap3A_383 = tpu.vector_load %arg7[%swap3A_382] {strides = array<i32>} : memref<128xi32, #tpu.memory_space<vmem>>, vector<16xi32>,
      %swap3A_384 = vector.shape_cast %swap3A_383 : vector<16xi32> to vector<16xi32>
      %swap3A_385 = vector.shape_cast %shift_right_logical3A_381 : vector<16xi32> to vector<16xi32>
      tpu.vector_store %arg7[%swap3A_382], %swap3A_385 {strides = array<i32>} : memref<128xi32, #tpu.memory_space<vmem>>, vector<16xi32>,
      %get3A_386 = arith.index_cast %add3A_349 : i32 to index
      %get3A_387 = arith.constant 32 : index
      %get3A_388 = tpu.vector_load %arg5[%get3A_386, %get3A_387] {strides = array<i32>} : memref<80x128xi32, #tpu.memory_space<vmem>>, vector<1x16xi32>,
      %get3A_389 = vector.shape_cast %get3A_388 : vector<1x16xi32> to vector<16xi32>
      %and3A_390 = arith.constant 65535 : i32
      %and3A_391 = vector.broadcast %and3A_390 : i32 to vector<16xi32>
      %and3A_392 = arith.andi %get3A_389, %and3A_391 : vector<16xi32>
      %swap3A_393 = arith.constant 32 : index
      %swap3A_394 = tpu.vector_load %arg6[%swap3A_393] {strides = array<i32>} : memref<128xi32, #tpu.memory_space<vmem>>, vector<16xi32>,
      %swap3A_395 = vector.shape_cast %swap3A_394 : vector<16xi32> to vector<16xi32>
      %swap3A_396 = vector.shape_cast %and3A_392 : vector<16xi32> to vector<16xi32>
      tpu.vector_store %arg6[%swap3A_393], %swap3A_396 {strides = array<i32>} : memref<128xi32, #tpu.memory_space<vmem>>, vector<16xi32>,
      %shift_right_logical3A_397 = arith.constant 16 : i32
      %shift_right_logical3A_398 = vector.broadcast %shift_right_logical3A_397 : i32 to vector<16xi32>
      %shift_right_logical3A_399 = arith.shrui %get3A_389, %shift_right_logical3A_398 : vector<16xi32>
      %swap3A_400 = arith.constant 32 : index
      %swap3A_401 = tpu.vector_load %arg7[%swap3A_400] {strides = array<i32>} : memref<128xi32, #tpu.memory_space<vmem>>, vector<16xi32>,
      %swap3A_402 = vector.shape_cast %swap3A_401 : vector<16xi32> to vector<16xi32>
      %swap3A_403 = vector.shape_cast %shift_right_logical3A_399 : vector<16xi32> to vector<16xi32>
      tpu.vector_store %arg7[%swap3A_400], %swap3A_403 {strides = array<i32>} : memref<128xi32, #tpu.memory_space<vmem>>, vector<16xi32>,
      %get3A_404 = arith.index_cast %add3A_349 : i32 to index
      %get3A_405 = arith.constant 48 : index
      %get3A_406 = tpu.vector_load %arg5[%get3A_404, %get3A_405] {strides = array<i32>} : memref<80x128xi32, #tpu.memory_space<vmem>>, vector<1x16xi32>,
      %get3A_407 = vector.shape_cast %get3A_406 : vector<1x16xi32> to vector<16xi32>
      %and3A_408 = arith.constant 65535 : i32
      %and3A_409 = vector.broadcast %and3A_408 : i32 to vector<16xi32>
      %and3A_410 = arith.andi %get3A_407, %and3A_409 : vector<16xi32>
      %swap3A_411 = arith.constant 48 : index
      %swap3A_412 = tpu.vector_load %arg6[%swap3A_411] {strides = array<i32>} : memref<128xi32, #tpu.memory_space<vmem>>, vector<16xi32>,
      %swap3A_413 = vector.shape_cast %swap3A_412 : vector<16xi32> to vector<16xi32>
      %swap3A_414 = vector.shape_cast %and3A_410 : vector<16xi32> to vector<16xi32>
      tpu.vector_store %arg6[%swap3A_411], %swap3A_414 {strides = array<i32>} : memref<128xi32, #tpu.memory_space<vmem>>, vector<16xi32>,
      %shift_right_logical3A_415 = arith.constant 16 : i32
      %shift_right_logical3A_416 = vector.broadcast %shift_right_logical3A_415 : i32 to vector<16xi32>
      %shift_right_logical3A_417 = arith.shrui %get3A_407, %shift_right_logical3A_416 : vector<16xi32>
      %swap3A_418 = arith.constant 48 : index
      %swap3A_419 = tpu.vector_load %arg7[%swap3A_418] {strides = array<i32>} : memref<128xi32, #tpu.memory_space<vmem>>, vector<16xi32>,
      %swap3A_420 = vector.shape_cast %swap3A_419 : vector<16xi32> to vector<16xi32>
      %swap3A_421 = vector.shape_cast %shift_right_logical3A_417 : vector<16xi32> to vector<16xi32>
      tpu.vector_store %arg7[%swap3A_418], %swap3A_421 {strides = array<i32>} : memref<128xi32, #tpu.memory_space<vmem>>, vector<16xi32>,
      %get3A_422 = arith.index_cast %add3A_349 : i32 to index
      %get3A_423 = arith.constant 64 : index
      %get3A_424 = tpu.vector_load %arg5[%get3A_422, %get3A_423] {strides = array<i32>} : memref<80x128xi32, #tpu.memory_space<vmem>>, vector<1x16xi32>,
      %get3A_425 = vector.shape_cast %get3A_424 : vector<1x16xi32> to vector<16xi32>
      %and3A_426 = arith.constant 65535 : i32
      %and3A_427 = vector.broadcast %and3A_426 : i32 to vector<16xi32>
      %and3A_428 = arith.andi %get3A_425, %and3A_427 : vector<16xi32>
      %swap3A_429 = arith.constant 64 : index
      %swap3A_430 = tpu.vector_load %arg6[%swap3A_429] {strides = array<i32>} : memref<128xi32, #tpu.memory_space<vmem>>, vector<16xi32>,
      %swap3A_431 = vector.shape_cast %swap3A_430 : vector<16xi32> to vector<16xi32>
      %swap3A_432 = vector.shape_cast %and3A_428 : vector<16xi32> to vector<16xi32>
      tpu.vector_store %arg6[%swap3A_429], %swap3A_432 {strides = array<i32>} : memref<128xi32, #tpu.memory_space<vmem>>, vector<16xi32>,
      %shift_right_logical3A_433 = arith.constant 16 : i32
      %shift_right_logical3A_434 = vector.broadcast %shift_right_logical3A_433 : i32 to vector<16xi32>
      %shift_right_logical3A_435 = arith.shrui %get3A_425, %shift_right_logical3A_434 : vector<16xi32>
      %swap3A_436 = arith.constant 64 : index
      %swap3A_437 = tpu.vector_load %arg7[%swap3A_436] {strides = array<i32>} : memref<128xi32, #tpu.memory_space<vmem>>, vector<16xi32>,
      %swap3A_438 = vector.shape_cast %swap3A_437 : vector<16xi32> to vector<16xi32>
      %swap3A_439 = vector.shape_cast %shift_right_logical3A_435 : vector<16xi32> to vector<16xi32>
      tpu.vector_store %arg7[%swap3A_436], %swap3A_439 {strides = array<i32>} : memref<128xi32, #tpu.memory_space<vmem>>, vector<16xi32>,
      %get3A_440 = arith.index_cast %add3A_349 : i32 to index
      %get3A_441 = arith.constant 80 : index
      %get3A_442 = tpu.vector_load %arg5[%get3A_440, %get3A_441] {strides = array<i32>} : memref<80x128xi32, #tpu.memory_space<vmem>>, vector<1x16xi32>,
      %get3A_443 = vector.shape_cast %get3A_442 : vector<1x16xi32> to vector<16xi32>
      %and3A_444 = arith.constant 65535 : i32
      %and3A_445 = vector.broadcast %and3A_444 : i32 to vector<16xi32>
      %and3A_446 = arith.andi %get3A_443, %and3A_445 : vector<16xi32>
      %swap3A_447 = arith.constant 80 : index
      %swap3A_448 = tpu.vector_load %arg6[%swap3A_447] {strides = array<i32>} : memref<128xi32, #tpu.memory_space<vmem>>, vector<16xi32>,
      %swap3A_449 = vector.shape_cast %swap3A_448 : vector<16xi32> to vector<16xi32>
      %swap3A_450 = vector.shape_cast %and3A_446 : vector<16xi32> to vector<16xi32>
      tpu.vector_store %arg6[%swap3A_447], %swap3A_450 {strides = array<i32>} : memref<128xi32, #tpu.memory_space<vmem>>, vector<16xi32>,
      %shift_right_logical3A_451 = arith.constant 16 : i32
      %shift_right_logical3A_452 = vector.broadcast %shift_right_logical3A_451 : i32 to vector<16xi32>
      %shift_right_logical3A_453 = arith.shrui %get3A_443, %shift_right_logical3A_452 : vector<16xi32>
      %swap3A_454 = arith.constant 80 : index
      %swap3A_455 = tpu.vector_load %arg7[%swap3A_454] {strides = array<i32>} : memref<128xi32, #tpu.memory_space<vmem>>, vector<16xi32>,
      %swap3A_456 = vector.shape_cast %swap3A_455 : vector<16xi32> to vector<16xi32>
      %swap3A_457 = vector.shape_cast %shift_right_logical3A_453 : vector<16xi32> to vector<16xi32>
      tpu.vector_store %arg7[%swap3A_454], %swap3A_457 {strides = array<i32>} : memref<128xi32, #tpu.memory_space<vmem>>, vector<16xi32>,
      %get3A_458 = arith.index_cast %add3A_349 : i32 to index
      %get3A_459 = arith.constant 96 : index
      %get3A_460 = tpu.vector_load %arg5[%get3A_458, %get3A_459] {strides = array<i32>} : memref<80x128xi32, #tpu.memory_space<vmem>>, vector<1x16xi32>,
      %get3A_461 = vector.shape_cast %get3A_460 : vector<1x16xi32> to vector<16xi32>
      %and3A_462 = arith.constant 65535 : i32
      %and3A_463 = vector.broadcast %and3A_462 : i32 to vector<16xi32>
      %and3A_464 = arith.andi %get3A_461, %and3A_463 : vector<16xi32>
      %swap3A_465 = arith.constant 96 : index
      %swap3A_466 = tpu.vector_load %arg6[%swap3A_465] {strides = array<i32>} : memref<128xi32, #tpu.memory_space<vmem>>, vector<16xi32>,
      %swap3A_467 = vector.shape_cast %swap3A_466 : vector<16xi32> to vector<16xi32>
      %swap3A_468 = vector.shape_cast %and3A_464 : vector<16xi32> to vector<16xi32>
      tpu.vector_store %arg6[%swap3A_465], %swap3A_468 {strides = array<i32>} : memref<128xi32, #tpu.memory_space<vmem>>, vector<16xi32>,
      %shift_right_logical3A_469 = arith.constant 16 : i32
      %shift_right_logical3A_470 = vector.broadcast %shift_right_logical3A_469 : i32 to vector<16xi32>
      %shift_right_logical3A_471 = arith.shrui %get3A_461, %shift_right_logical3A_470 : vector<16xi32>
      %swap3A_472 = arith.constant 96 : index
      %swap3A_473 = tpu.vector_load %arg7[%swap3A_472] {strides = array<i32>} : memref<128xi32, #tpu.memory_space<vmem>>, vector<16xi32>,
      %swap3A_474 = vector.shape_cast %swap3A_473 : vector<16xi32> to vector<16xi32>
      %swap3A_475 = vector.shape_cast %shift_right_logical3A_471 : vector<16xi32> to vector<16xi32>
      tpu.vector_store %arg7[%swap3A_472], %swap3A_475 {strides = array<i32>} : memref<128xi32, #tpu.memory_space<vmem>>, vector<16xi32>,
      %get3A_476 = arith.index_cast %add3A_349 : i32 to index
      %get3A_477 = arith.constant 112 : index
      %get3A_478 = tpu.vector_load %arg5[%get3A_476, %get3A_477] {strides = array<i32>} : memref<80x128xi32, #tpu.memory_space<vmem>>, vector<1x16xi32>,
      %get3A_479 = vector.shape_cast %get3A_478 : vector<1x16xi32> to vector<16xi32>
      %and3A_480 = arith.constant 65535 : i32
      %and3A_481 = vector.broadcast %and3A_480 : i32 to vector<16xi32>
      %and3A_482 = arith.andi %get3A_479, %and3A_481 : vector<16xi32>
      %swap3A_483 = arith.constant 112 : index
      %swap3A_484 = tpu.vector_load %arg6[%swap3A_483] {strides = array<i32>} : memref<128xi32, #tpu.memory_space<vmem>>, vector<16xi32>,
      %swap3A_485 = vector.shape_cast %swap3A_484 : vector<16xi32> to vector<16xi32>
      %swap3A_486 = vector.shape_cast %and3A_482 : vector<16xi32> to vector<16xi32>
      tpu.vector_store %arg6[%swap3A_483], %swap3A_486 {strides = array<i32>} : memref<128xi32, #tpu.memory_space<vmem>>, vector<16xi32>,
      %shift_right_logical3A_487 = arith.constant 16 : i32
      %shift_right_logical3A_488 = vector.broadcast %shift_right_logical3A_487 : i32 to vector<16xi32>
      %shift_right_logical3A_489 = arith.shrui %get3A_479, %shift_right_logical3A_488 : vector<16xi32>
      %swap3A_490 = arith.constant 112 : index
      %swap3A_491 = tpu.vector_load %arg7[%swap3A_490] {strides = array<i32>} : memref<128xi32, #tpu.memory_space<vmem>>, vector<16xi32>,
      %swap3A_492 = vector.shape_cast %swap3A_491 : vector<16xi32> to vector<16xi32>
      %swap3A_493 = vector.shape_cast %shift_right_logical3A_489 : vector<16xi32> to vector<16xi32>
      tpu.vector_store %arg7[%swap3A_490], %swap3A_493 {strides = array<i32>} : memref<128xi32, #tpu.memory_space<vmem>>, vector<16xi32>,
      %dma_start3A_494 = arith.constant 0 : i32
      %dma_start3A_495 = arith.constant 0 : i32
      %dma_start3A_496 = tpu.memref_slice %arg2[%dma_start3A_494, %dma_start3A_495] : memref<10240x128xf32, #tpu.memory_space<hbm>> -> memref<10240x128xf32, #tpu.memory_space<hbm>>
      tpu.enqueue_indirect_dma source(%dma_start3A_496 : memref<10240x128xf32, #tpu.memory_space<hbm>>) target(%arg10 : memref<128x128xf32, #tpu.memory_space<vmem>>) offsets(%arg6 : memref<128xi32, #tpu.memory_space<vmem>>) semaphore(%arg13 : memref<!tpu.dma_semaphore, #tpu.memory_space<semaphore_mem>>)
      %mul3A_497 = arith.constant 2 : i32
      %mul3A_498 = arith.muli %mul3A_497, %scan3A_339 : i32
      %add3A_499 = arith.constant 1 : i32
      %add3A_500 = arith.addi %mul3A_498, %add3A_499 : i32
      %dma_wait3A_501 = arith.constant 0 : i32
      %dma_wait3A_502 = arith.constant 0 : i32
      %dma_wait3A_503 = tpu.memref_slice %arg2[%dma_wait3A_501, %dma_wait3A_502] : memref<10240x128xf32, #tpu.memory_space<hbm>> -> memref<10240x128xf32, #tpu.memory_space<hbm>>
      tpu.wait_indirect_dma semaphore(%arg14 : memref<!tpu.dma_semaphore, #tpu.memory_space<semaphore_mem>>) src(%dma_wait3A_503 : memref<10240x128xf32, #tpu.memory_space<hbm>>) dst(%arg11 : memref<128x128xf32, #tpu.memory_space<vmem>>)
      "tpu.region"() ({
        %run_scoped3A = tpu.sem_alloc : memref<!tpu.dma_semaphore, #tpu.memory_space<semaphore_mem>>
        %dma_start3A_654 = arith.constant 0 : i32
        %dma_start3A_655 = arith.constant 0 : i32
        %dma_start3A_656 = tpu.memref_slice %arg12[%dma_start3A_654, %dma_start3A_655] : memref<10240x128xf32, #tpu.memory_space<vmem_shared>> -> memref<10240x128xf32, #tpu.memory_space<vmem_shared>>
        tpu.enqueue_indirect_dma source(%arg11 : memref<128x128xf32, #tpu.memory_space<vmem>>) target(%dma_start3A_656 : memref<10240x128xf32, #tpu.memory_space<vmem_shared>>) offsets(%arg9 : memref<128xi32, #tpu.memory_space<vmem>>) semaphore(%run_scoped3A : memref<!tpu.dma_semaphore, #tpu.memory_space<semaphore_mem>>) {add = true}
        %dma_wait3A_657 = arith.constant 0 : i32
        %dma_wait3A_658 = arith.constant 0 : i32
        %dma_wait3A_659 = tpu.memref_slice %arg12[%dma_wait3A_657, %dma_wait3A_658] : memref<10240x128xf32, #tpu.memory_space<vmem_shared>> -> memref<10240x128xf32, #tpu.memory_space<vmem_shared>>
        tpu.wait_indirect_dma semaphore(%run_scoped3A : memref<!tpu.dma_semaphore, #tpu.memory_space<semaphore_mem>>) src(%arg11 : memref<128x128xf32, #tpu.memory_space<vmem>>) dst(%dma_wait3A_659 : memref<10240x128xf32, #tpu.memory_space<vmem_shared>>)
        tpu.yield
      }) : () -> ()
      %add3A_504 = arith.constant 2 : i32
      %add3A_505 = arith.addi %add3A_500, %add3A_504 : i32
      %get3A_506 = arith.index_cast %add3A_505 : i32 to index
      %get3A_507 = arith.constant 0 : index
      %get3A_508 = tpu.vector_load %arg5[%get3A_506, %get3A_507] {strides = array<i32>} : memref<80x128xi32, #tpu.memory_space<vmem>>, vector<1x16xi32>,
      %get3A_509 = vector.shape_cast %get3A_508 : vector<1x16xi32> to vector<16xi32>
      %and3A_510 = arith.constant 65535 : i32
      %and3A_511 = vector.broadcast %and3A_510 : i32 to vector<16xi32>
      %and3A_512 = arith.andi %get3A_509, %and3A_511 : vector<16xi32>
      %swap3A_513 = arith.constant 0 : index
      %swap3A_514 = tpu.vector_load %arg8[%swap3A_513] {strides = array<i32>} : memref<128xi32, #tpu.memory_space<vmem>>, vector<16xi32>,
      %swap3A_515 = vector.shape_cast %swap3A_514 : vector<16xi32> to vector<16xi32>
      %swap3A_516 = vector.shape_cast %and3A_512 : vector<16xi32> to vector<16xi32>
      tpu.vector_store %arg8[%swap3A_513], %swap3A_516 {strides = array<i32>} : memref<128xi32, #tpu.memory_space<vmem>>, vector<16xi32>,
      %shift_right_logical3A_517 = arith.constant 16 : i32
      %shift_right_logical3A_518 = vector.broadcast %shift_right_logical3A_517 : i32 to vector<16xi32>
      %shift_right_logical3A_519 = arith.shrui %get3A_509, %shift_right_logical3A_518 : vector<16xi32>
      %swap3A_520 = arith.constant 0 : index
      %swap3A_521 = tpu.vector_load %arg9[%swap3A_520] {strides = array<i32>} : memref<128xi32, #tpu.memory_space<vmem>>, vector<16xi32>,
      %swap3A_522 = vector.shape_cast %swap3A_521 : vector<16xi32> to vector<16xi32>
      %swap3A_523 = vector.shape_cast %shift_right_logical3A_519 : vector<16xi32> to vector<16xi32>
      tpu.vector_store %arg9[%swap3A_520], %swap3A_523 {strides = array<i32>} : memref<128xi32, #tpu.memory_space<vmem>>, vector<16xi32>,
      %get3A_524 = arith.index_cast %add3A_505 : i32 to index
      %get3A_525 = arith.constant 16 : index
      %get3A_526 = tpu.vector_load %arg5[%get3A_524, %get3A_525] {strides = array<i32>} : memref<80x128xi32, #tpu.memory_space<vmem>>, vector<1x16xi32>,
      %get3A_527 = vector.shape_cast %get3A_526 : vector<1x16xi32> to vector<16xi32>
      %and3A_528 = arith.constant 65535 : i32
      %and3A_529 = vector.broadcast %and3A_528 : i32 to vector<16xi32>
      %and3A_530 = arith.andi %get3A_527, %and3A_529 : vector<16xi32>
      %swap3A_531 = arith.constant 16 : index
      %swap3A_532 = tpu.vector_load %arg8[%swap3A_531] {strides = array<i32>} : memref<128xi32, #tpu.memory_space<vmem>>, vector<16xi32>,
      %swap3A_533 = vector.shape_cast %swap3A_532 : vector<16xi32> to vector<16xi32>
      %swap3A_534 = vector.shape_cast %and3A_530 : vector<16xi32> to vector<16xi32>
      tpu.vector_store %arg8[%swap3A_531], %swap3A_534 {strides = array<i32>} : memref<128xi32, #tpu.memory_space<vmem>>, vector<16xi32>,
      %shift_right_logical3A_535 = arith.constant 16 : i32
      %shift_right_logical3A_536 = vector.broadcast %shift_right_logical3A_535 : i32 to vector<16xi32>
      %shift_right_logical3A_537 = arith.shrui %get3A_527, %shift_right_logical3A_536 : vector<16xi32>
      %swap3A_538 = arith.constant 16 : index
      %swap3A_539 = tpu.vector_load %arg9[%swap3A_538] {strides = array<i32>} : memref<128xi32, #tpu.memory_space<vmem>>, vector<16xi32>,
      %swap3A_540 = vector.shape_cast %swap3A_539 : vector<16xi32> to vector<16xi32>
      %swap3A_541 = vector.shape_cast %shift_right_logical3A_537 : vector<16xi32> to vector<16xi32>
      tpu.vector_store %arg9[%swap3A_538], %swap3A_541 {strides = array<i32>} : memref<128xi32, #tpu.memory_space<vmem>>, vector<16xi32>,
      %get3A_542 = arith.index_cast %add3A_505 : i32 to index
      %get3A_543 = arith.constant 32 : index
      %get3A_544 = tpu.vector_load %arg5[%get3A_542, %get3A_543] {strides = array<i32>} : memref<80x128xi32, #tpu.memory_space<vmem>>, vector<1x16xi32>,
      %get3A_545 = vector.shape_cast %get3A_544 : vector<1x16xi32> to vector<16xi32>
      %and3A_546 = arith.constant 65535 : i32
      %and3A_547 = vector.broadcast %and3A_546 : i32 to vector<16xi32>
      %and3A_548 = arith.andi %get3A_545, %and3A_547 : vector<16xi32>
      %swap3A_549 = arith.constant 32 : index
      %swap3A_550 = tpu.vector_load %arg8[%swap3A_549] {strides = array<i32>} : memref<128xi32, #tpu.memory_space<vmem>>, vector<16xi32>,
      %swap3A_551 = vector.shape_cast %swap3A_550 : vector<16xi32> to vector<16xi32>
      %swap3A_552 = vector.shape_cast %and3A_548 : vector<16xi32> to vector<16xi32>
      tpu.vector_store %arg8[%swap3A_549], %swap3A_552 {strides = array<i32>} : memref<128xi32, #tpu.memory_space<vmem>>, vector<16xi32>,
      %shift_right_logical3A_553 = arith.constant 16 : i32
      %shift_right_logical3A_554 = vector.broadcast %shift_right_logical3A_553 : i32 to vector<16xi32>
      %shift_right_logical3A_555 = arith.shrui %get3A_545, %shift_right_logical3A_554 : vector<16xi32>
      %swap3A_556 = arith.constant 32 : index
      %swap3A_557 = tpu.vector_load %arg9[%swap3A_556] {strides = array<i32>} : memref<128xi32, #tpu.memory_space<vmem>>, vector<16xi32>,
      %swap3A_558 = vector.shape_cast %swap3A_557 : vector<16xi32> to vector<16xi32>
      %swap3A_559 = vector.shape_cast %shift_right_logical3A_555 : vector<16xi32> to vector<16xi32>
      tpu.vector_store %arg9[%swap3A_556], %swap3A_559 {strides = array<i32>} : memref<128xi32, #tpu.memory_space<vmem>>, vector<16xi32>,
      %get3A_560 = arith.index_cast %add3A_505 : i32 to index
      %get3A_561 = arith.constant 48 : index
      %get3A_562 = tpu.vector_load %arg5[%get3A_560, %get3A_561] {strides = array<i32>} : memref<80x128xi32, #tpu.memory_space<vmem>>, vector<1x16xi32>,
      %get3A_563 = vector.shape_cast %get3A_562 : vector<1x16xi32> to vector<16xi32>
      %and3A_564 = arith.constant 65535 : i32
      %and3A_565 = vector.broadcast %and3A_564 : i32 to vector<16xi32>
      %and3A_566 = arith.andi %get3A_563, %and3A_565 : vector<16xi32>
      %swap3A_567 = arith.constant 48 : index
      %swap3A_568 = tpu.vector_load %arg8[%swap3A_567] {strides = array<i32>} : memref<128xi32, #tpu.memory_space<vmem>>, vector<16xi32>,
      %swap3A_569 = vector.shape_cast %swap3A_568 : vector<16xi32> to vector<16xi32>
      %swap3A_570 = vector.shape_cast %and3A_566 : vector<16xi32> to vector<16xi32>
      tpu.vector_store %arg8[%swap3A_567], %swap3A_570 {strides = array<i32>} : memref<128xi32, #tpu.memory_space<vmem>>, vector<16xi32>,
      %shift_right_logical3A_571 = arith.constant 16 : i32
      %shift_right_logical3A_572 = vector.broadcast %shift_right_logical3A_571 : i32 to vector<16xi32>
      %shift_right_logical3A_573 = arith.shrui %get3A_563, %shift_right_logical3A_572 : vector<16xi32>
      %swap3A_574 = arith.constant 48 : index
      %swap3A_575 = tpu.vector_load %arg9[%swap3A_574] {strides = array<i32>} : memref<128xi32, #tpu.memory_space<vmem>>, vector<16xi32>,
      %swap3A_576 = vector.shape_cast %swap3A_575 : vector<16xi32> to vector<16xi32>
      %swap3A_577 = vector.shape_cast %shift_right_logical3A_573 : vector<16xi32> to vector<16xi32>
      tpu.vector_store %arg9[%swap3A_574], %swap3A_577 {strides = array<i32>} : memref<128xi32, #tpu.memory_space<vmem>>, vector<16xi32>,
      %get3A_578 = arith.index_cast %add3A_505 : i32 to index
      %get3A_579 = arith.constant 64 : index
      %get3A_580 = tpu.vector_load %arg5[%get3A_578, %get3A_579] {strides = array<i32>} : memref<80x128xi32, #tpu.memory_space<vmem>>, vector<1x16xi32>,
      %get3A_581 = vector.shape_cast %get3A_580 : vector<1x16xi32> to vector<16xi32>
      %and3A_582 = arith.constant 65535 : i32
      %and3A_583 = vector.broadcast %and3A_582 : i32 to vector<16xi32>
      %and3A_584 = arith.andi %get3A_581, %and3A_583 : vector<16xi32>
      %swap3A_585 = arith.constant 64 : index
      %swap3A_586 = tpu.vector_load %arg8[%swap3A_585] {strides = array<i32>} : memref<128xi32, #tpu.memory_space<vmem>>, vector<16xi32>,
      %swap3A_587 = vector.shape_cast %swap3A_586 : vector<16xi32> to vector<16xi32>
      %swap3A_588 = vector.shape_cast %and3A_584 : vector<16xi32> to vector<16xi32>
      tpu.vector_store %arg8[%swap3A_585], %swap3A_588 {strides = array<i32>} : memref<128xi32, #tpu.memory_space<vmem>>, vector<16xi32>,
      %shift_right_logical3A_589 = arith.constant 16 : i32
      %shift_right_logical3A_590 = vector.broadcast %shift_right_logical3A_589 : i32 to vector<16xi32>
      %shift_right_logical3A_591 = arith.shrui %get3A_581, %shift_right_logical3A_590 : vector<16xi32>
      %swap3A_592 = arith.constant 64 : index
      %swap3A_593 = tpu.vector_load %arg9[%swap3A_592] {strides = array<i32>} : memref<128xi32, #tpu.memory_space<vmem>>, vector<16xi32>,
      %swap3A_594 = vector.shape_cast %swap3A_593 : vector<16xi32> to vector<16xi32>
      %swap3A_595 = vector.shape_cast %shift_right_logical3A_591 : vector<16xi32> to vector<16xi32>
      tpu.vector_store %arg9[%swap3A_592], %swap3A_595 {strides = array<i32>} : memref<128xi32, #tpu.memory_space<vmem>>, vector<16xi32>,
      %get3A_596 = arith.index_cast %add3A_505 : i32 to index
      %get3A_597 = arith.constant 80 : index
      %get3A_598 = tpu.vector_load %arg5[%get3A_596, %get3A_597] {strides = array<i32>} : memref<80x128xi32, #tpu.memory_space<vmem>>, vector<1x16xi32>,
      %get3A_599 = vector.shape_cast %get3A_598 : vector<1x16xi32> to vector<16xi32>
      %and3A_600 = arith.constant 65535 : i32
      %and3A_601 = vector.broadcast %and3A_600 : i32 to vector<16xi32>
      %and3A_602 = arith.andi %get3A_599, %and3A_601 : vector<16xi32>
      %swap3A_603 = arith.constant 80 : index
      %swap3A_604 = tpu.vector_load %arg8[%swap3A_603] {strides = array<i32>} : memref<128xi32, #tpu.memory_space<vmem>>, vector<16xi32>,
      %swap3A_605 = vector.shape_cast %swap3A_604 : vector<16xi32> to vector<16xi32>
      %swap3A_606 = vector.shape_cast %and3A_602 : vector<16xi32> to vector<16xi32>
      tpu.vector_store %arg8[%swap3A_603], %swap3A_606 {strides = array<i32>} : memref<128xi32, #tpu.memory_space<vmem>>, vector<16xi32>,
      %shift_right_logical3A_607 = arith.constant 16 : i32
      %shift_right_logical3A_608 = vector.broadcast %shift_right_logical3A_607 : i32 to vector<16xi32>
      %shift_right_logical3A_609 = arith.shrui %get3A_599, %shift_right_logical3A_608 : vector<16xi32>
      %swap3A_610 = arith.constant 80 : index
      %swap3A_611 = tpu.vector_load %arg9[%swap3A_610] {strides = array<i32>} : memref<128xi32, #tpu.memory_space<vmem>>, vector<16xi32>,
      %swap3A_612 = vector.shape_cast %swap3A_611 : vector<16xi32> to vector<16xi32>
      %swap3A_613 = vector.shape_cast %shift_right_logical3A_609 : vector<16xi32> to vector<16xi32>
      tpu.vector_store %arg9[%swap3A_610], %swap3A_613 {strides = array<i32>} : memref<128xi32, #tpu.memory_space<vmem>>, vector<16xi32>,
      %get3A_614 = arith.index_cast %add3A_505 : i32 to index
      %get3A_615 = arith.constant 96 : index
      %get3A_616 = tpu.vector_load %arg5[%get3A_614, %get3A_615] {strides = array<i32>} : memref<80x128xi32, #tpu.memory_space<vmem>>, vector<1x16xi32>,
      %get3A_617 = vector.shape_cast %get3A_616 : vector<1x16xi32> to vector<16xi32>
      %and3A_618 = arith.constant 65535 : i32
      %and3A_619 = vector.broadcast %and3A_618 : i32 to vector<16xi32>
      %and3A_620 = arith.andi %get3A_617, %and3A_619 : vector<16xi32>
      %swap3A_621 = arith.constant 96 : index
      %swap3A_622 = tpu.vector_load %arg8[%swap3A_621] {strides = array<i32>} : memref<128xi32, #tpu.memory_space<vmem>>, vector<16xi32>,
      %swap3A_623 = vector.shape_cast %swap3A_622 : vector<16xi32> to vector<16xi32>
      %swap3A_624 = vector.shape_cast %and3A_620 : vector<16xi32> to vector<16xi32>
      tpu.vector_store %arg8[%swap3A_621], %swap3A_624 {strides = array<i32>} : memref<128xi32, #tpu.memory_space<vmem>>, vector<16xi32>,
      %shift_right_logical3A_625 = arith.constant 16 : i32
      %shift_right_logical3A_626 = vector.broadcast %shift_right_logical3A_625 : i32 to vector<16xi32>
      %shift_right_logical3A_627 = arith.shrui %get3A_617, %shift_right_logical3A_626 : vector<16xi32>
      %swap3A_628 = arith.constant 96 : index
      %swap3A_629 = tpu.vector_load %arg9[%swap3A_628] {strides = array<i32>} : memref<128xi32, #tpu.memory_space<vmem>>, vector<16xi32>,
      %swap3A_630 = vector.shape_cast %swap3A_629 : vector<16xi32> to vector<16xi32>
      %swap3A_631 = vector.shape_cast %shift_right_logical3A_627 : vector<16xi32> to vector<16xi32>
      tpu.vector_store %arg9[%swap3A_628], %swap3A_631 {strides = array<i32>} : memref<128xi32, #tpu.memory_space<vmem>>, vector<16xi32>,
      %get3A_632 = arith.index_cast %add3A_505 : i32 to index
      %get3A_633 = arith.constant 112 : index
      %get3A_634 = tpu.vector_load %arg5[%get3A_632, %get3A_633] {strides = array<i32>} : memref<80x128xi32, #tpu.memory_space<vmem>>, vector<1x16xi32>,
      %get3A_635 = vector.shape_cast %get3A_634 : vector<1x16xi32> to vector<16xi32>
      %and3A_636 = arith.constant 65535 : i32
      %and3A_637 = vector.broadcast %and3A_636 : i32 to vector<16xi32>
      %and3A_638 = arith.andi %get3A_635, %and3A_637 : vector<16xi32>
      %swap3A_639 = arith.constant 112 : index
      %swap3A_640 = tpu.vector_load %arg8[%swap3A_639] {strides = array<i32>} : memref<128xi32, #tpu.memory_space<vmem>>, vector<16xi32>,
      %swap3A_641 = vector.shape_cast %swap3A_640 : vector<16xi32> to vector<16xi32>
      %swap3A_642 = vector.shape_cast %and3A_638 : vector<16xi32> to vector<16xi32>
      tpu.vector_store %arg8[%swap3A_639], %swap3A_642 {strides = array<i32>} : memref<128xi32, #tpu.memory_space<vmem>>, vector<16xi32>,
      %shift_right_logical3A_643 = arith.constant 16 : i32
      %shift_right_logical3A_644 = vector.broadcast %shift_right_logical3A_643 : i32 to vector<16xi32>
      %shift_right_logical3A_645 = arith.shrui %get3A_635, %shift_right_logical3A_644 : vector<16xi32>
      %swap3A_646 = arith.constant 112 : index
      %swap3A_647 = tpu.vector_load %arg9[%swap3A_646] {strides = array<i32>} : memref<128xi32, #tpu.memory_space<vmem>>, vector<16xi32>,
      %swap3A_648 = vector.shape_cast %swap3A_647 : vector<16xi32> to vector<16xi32>
      %swap3A_649 = vector.shape_cast %shift_right_logical3A_645 : vector<16xi32> to vector<16xi32>
      tpu.vector_store %arg9[%swap3A_646], %swap3A_649 {strides = array<i32>} : memref<128xi32, #tpu.memory_space<vmem>>, vector<16xi32>,
      %dma_start3A_650 = arith.constant 0 : i32
      %dma_start3A_651 = arith.constant 0 : i32
      %dma_start3A_652 = tpu.memref_slice %arg2[%dma_start3A_650, %dma_start3A_651] : memref<10240x128xf32, #tpu.memory_space<hbm>> -> memref<10240x128xf32, #tpu.memory_space<hbm>>
      tpu.enqueue_indirect_dma source(%dma_start3A_652 : memref<10240x128xf32, #tpu.memory_space<hbm>>) target(%arg11 : memref<128x128xf32, #tpu.memory_space<vmem>>) offsets(%arg8 : memref<128xi32, #tpu.memory_space<vmem>>) semaphore(%arg14 : memref<!tpu.dma_semaphore, #tpu.memory_space<semaphore_mem>>)
      %scan3A_653 = arith.constant 0 : i32
      scf.yield %scan3A_653 : i32
    }
    %scan3A_325 = arith.constant 39 : i32
    %dma_wait3A = arith.constant 0 : i32
    %dma_wait3A_326 = arith.constant 0 : i32
    %dma_wait3A_327 = tpu.memref_slice %arg2[%dma_wait3A, %dma_wait3A_326] : memref<10240x128xf32, #tpu.memory_space<hbm>> -> memref<10240x128xf32, #tpu.memory_space<hbm>>
    tpu.wait_indirect_dma semaphore(%arg13 : memref<!tpu.dma_semaphore, #tpu.memory_space<semaphore_mem>>) src(%dma_wait3A_327 : memref<10240x128xf32, #tpu.memory_space<hbm>>) dst(%arg10 : memref<128x128xf32, #tpu.memory_space<vmem>>)
    "tpu.region"() ({
      %run_scoped3A = tpu.sem_alloc : memref<!tpu.dma_semaphore, #tpu.memory_space<semaphore_mem>>
      %dma_start3A_339 = arith.constant 0 : i32
      %dma_start3A_340 = arith.constant 0 : i32
      %dma_start3A_341 = tpu.memref_slice %arg12[%dma_start3A_339, %dma_start3A_340] : memref<10240x128xf32, #tpu.memory_space<vmem_shared>> -> memref<10240x128xf32, #tpu.memory_space<vmem_shared>>
      tpu.enqueue_indirect_dma source(%arg10 : memref<128x128xf32, #tpu.memory_space<vmem>>) target(%dma_start3A_341 : memref<10240x128xf32, #tpu.memory_space<vmem_shared>>) offsets(%arg7 : memref<128xi32, #tpu.memory_space<vmem>>) semaphore(%run_scoped3A : memref<!tpu.dma_semaphore, #tpu.memory_space<semaphore_mem>>) {add = true}
      %dma_wait3A_342 = arith.constant 0 : i32
      %dma_wait3A_343 = arith.constant 0 : i32
      %dma_wait3A_344 = tpu.memref_slice %arg12[%dma_wait3A_342, %dma_wait3A_343] : memref<10240x128xf32, #tpu.memory_space<vmem_shared>> -> memref<10240x128xf32, #tpu.memory_space<vmem_shared>>
      tpu.wait_indirect_dma semaphore(%run_scoped3A : memref<!tpu.dma_semaphore, #tpu.memory_space<semaphore_mem>>) src(%arg10 : memref<128x128xf32, #tpu.memory_space<vmem>>) dst(%dma_wait3A_344 : memref<10240x128xf32, #tpu.memory_space<vmem_shared>>)
      tpu.yield
    }) : () -> ()
    %dma_wait3A_328 = arith.constant 0 : i32
    %dma_wait3A_329 = arith.constant 0 : i32
    %dma_wait3A_330 = tpu.memref_slice %arg2[%dma_wait3A_328, %dma_wait3A_329] : memref<10240x128xf32, #tpu.memory_space<hbm>> -> memref<10240x128xf32, #tpu.memory_space<hbm>>
    tpu.wait_indirect_dma semaphore(%arg14 : memref<!tpu.dma_semaphore, #tpu.memory_space<semaphore_mem>>) src(%dma_wait3A_330 : memref<10240x128xf32, #tpu.memory_space<hbm>>) dst(%arg11 : memref<128x128xf32, #tpu.memory_space<vmem>>)
    "tpu.region"() ({
      %run_scoped3A = tpu.sem_alloc : memref<!tpu.dma_semaphore, #tpu.memory_space<semaphore_mem>>
      %dma_start3A_339 = arith.constant 0 : i32
      %dma_start3A_340 = arith.constant 0 : i32
      %dma_start3A_341 = tpu.memref_slice %arg12[%dma_start3A_339, %dma_start3A_340] : memref<10240x128xf32, #tpu.memory_space<vmem_shared>> -> memref<10240x128xf32, #tpu.memory_space<vmem_shared>>
      tpu.enqueue_indirect_dma source(%arg11 : memref<128x128xf32, #tpu.memory_space<vmem>>) target(%dma_start3A_341 : memref<10240x128xf32, #tpu.memory_space<vmem_shared>>) offsets(%arg9 : memref<128xi32, #tpu.memory_space<vmem>>) semaphore(%run_scoped3A : memref<!tpu.dma_semaphore, #tpu.memory_space<semaphore_mem>>) {add = true}
      %dma_wait3A_342 = arith.constant 0 : i32
      %dma_wait3A_343 = arith.constant 0 : i32
      %dma_wait3A_344 = tpu.memref_slice %arg12[%dma_wait3A_342, %dma_wait3A_343] : memref<10240x128xf32, #tpu.memory_space<vmem_shared>> -> memref<10240x128xf32, #tpu.memory_space<vmem_shared>>
      tpu.wait_indirect_dma semaphore(%run_scoped3A : memref<!tpu.dma_semaphore, #tpu.memory_space<semaphore_mem>>) src(%arg11 : memref<128x128xf32, #tpu.memory_space<vmem>>) dst(%dma_wait3A_344 : memref<10240x128xf32, #tpu.memory_space<vmem_shared>>)
      tpu.yield
    }) : () -> ()
    %barrier3A_331 = arith.constant 0 : index
    tpu.barrier barrier_id(%barrier3A_331)
    %scan3A_332 = arith.constant 0 : i32
    %scan3A_333 = arith.constant 0 : i32
    %scan3A_334 = arith.constant 5 : i32
    %scan3A_335 = arith.addi %scan3A_333, %scan3A_334 : i32
    %scan3A_336 = arith.constant 1 : i32
    %scan3A_337 = scf.for %scan3A_339 = %scan3A_333 to %scan3A_335 step %scan3A_336 iter_args(%scan3A_340 = %scan3A_332) -> (i32)  : i32 {
      %mul3A_341 = arith.constant 640 : i32
      %mul3A_342 = arith.muli %arg1, %mul3A_341 : i32
      %mul3A_343 = arith.constant 128 : i32
      %mul3A_344 = arith.muli %scan3A_339, %mul3A_343 : i32
      %add3A_345 = arith.addi %mul3A_342, %mul3A_344 : i32
      "tpu.region"() ({
        %run_scoped3A = tpu.sem_alloc : memref<!tpu.dma_semaphore, #tpu.memory_space<semaphore_mem>>
        %dma_start3A_347 = arith.constant 0 : i32
        %dma_start3A_348 = tpu.memref_slice %arg12[%add3A_345, %dma_start3A_347] : memref<10240x128xf32, #tpu.memory_space<vmem_shared>> -> memref<128x128xf32, #tpu.memory_space<vmem_shared>>
        %dma_start3A_349 = arith.constant 0 : i32
        %dma_start3A_350 = tpu.memref_slice %arg12[%add3A_345, %dma_start3A_349] : memref<10240x128xf32, #tpu.memory_space<vmem_shared>> -> memref<128x128xf32, #tpu.memory_space<vmem_shared>>
        tpu.enqueue_dma source(%dma_start3A_350 : memref<128x128xf32, #tpu.memory_space<vmem_shared>>) target(%arg11 : memref<128x128xf32, #tpu.memory_space<vmem>>) target_semaphore(%run_scoped3A : memref<!tpu.dma_semaphore, #tpu.memory_space<semaphore_mem>>)
        %dma_wait3A_351 = arith.constant 0 : i32
        %dma_wait3A_352 = tpu.memref_slice %arg12[%add3A_345, %dma_wait3A_351] : memref<10240x128xf32, #tpu.memory_space<vmem_shared>> -> memref<128x128xf32, #tpu.memory_space<vmem_shared>>
        %dma_wait3A_353 = arith.constant 0 : i32
        %dma_wait3A_354 = tpu.memref_slice %arg12[%add3A_345, %dma_wait3A_353] : memref<10240x128xf32, #tpu.memory_space<vmem_shared>> -> memref<128x128xf32, #tpu.memory_space<vmem_shared>>
        tpu.wait_dma2 semaphore(%run_scoped3A : memref<!tpu.dma_semaphore, #tpu.memory_space<semaphore_mem>>) src(%dma_wait3A_354 : memref<128x128xf32, #tpu.memory_space<vmem_shared>>) dst(%arg11 : memref<128x128xf32, #tpu.memory_space<vmem>>)
        tpu.yield
      }) : () -> ()
      "tpu.region"() ({
        %run_scoped3A = tpu.sem_alloc : memref<!tpu.dma_semaphore, #tpu.memory_space<semaphore_mem>>
        %dma_start3A_347 = arith.constant 0 : i32
        %dma_start3A_348 = tpu.memref_slice %arg4[%arg0, %add3A_345, %dma_start3A_347] : memref<2x10240x128xf32, #tpu.memory_space<hbm>> -> memref<1x128x128xf32, #tpu.memory_space<hbm>>
        %dma_start3A_349 = tpu.memref_squeeze %dma_start3A_348 : memref<1x128x128xf32, #tpu.memory_space<hbm>> -> memref<128x128xf32, #tpu.memory_space<hbm>>
        %dma_start3A_350 = arith.constant 0 : i32
        %dma_start3A_351 = tpu.memref_slice %arg4[%arg0, %add3A_345, %dma_start3A_350] : memref<2x10240x128xf32, #tpu.memory_space<hbm>> -> memref<1x128x128xf32, #tpu.memory_space<hbm>>
        %dma_start3A_352 = tpu.memref_squeeze %dma_start3A_351 : memref<1x128x128xf32, #tpu.memory_space<hbm>> -> memref<128x128xf32, #tpu.memory_space<hbm>>
        tpu.enqueue_dma source(%arg11 : memref<128x128xf32, #tpu.memory_space<vmem>>) target(%dma_start3A_352 : memref<128x128xf32, #tpu.memory_space<hbm>>) target_semaphore(%run_scoped3A : memref<!tpu.dma_semaphore, #tpu.memory_space<semaphore_mem>>)
        %dma_wait3A_353 = arith.constant 0 : i32
        %dma_wait3A_354 = tpu.memref_slice %arg4[%arg0, %add3A_345, %dma_wait3A_353] : memref<2x10240x128xf32, #tpu.memory_space<hbm>> -> memref<1x128x128xf32, #tpu.memory_space<hbm>>
        %dma_wait3A_355 = tpu.memref_squeeze %dma_wait3A_354 : memref<1x128x128xf32, #tpu.memory_space<hbm>> -> memref<128x128xf32, #tpu.memory_space<hbm>>
        %dma_wait3A_356 = arith.constant 0 : i32
        %dma_wait3A_357 = tpu.memref_slice %arg4[%arg0, %add3A_345, %dma_wait3A_356] : memref<2x10240x128xf32, #tpu.memory_space<hbm>> -> memref<1x128x128xf32, #tpu.memory_space<hbm>>
        %dma_wait3A_358 = tpu.memref_squeeze %dma_wait3A_357 : memref<1x128x128xf32, #tpu.memory_space<hbm>> -> memref<128x128xf32, #tpu.memory_space<hbm>>
        tpu.wait_dma2 semaphore(%run_scoped3A : memref<!tpu.dma_semaphore, #tpu.memory_space<semaphore_mem>>) src(%arg11 : memref<128x128xf32, #tpu.memory_space<vmem>>) dst(%dma_wait3A_358 : memref<128x128xf32, #tpu.memory_space<hbm>>)
        tpu.yield
      }) : () -> ()
      %scan3A_346 = arith.constant 0 : i32
      scf.yield %scan3A_346 : i32
    }
    %scan3A_338 = arith.constant 5 : i32
    return
  }
}

#map = affine_map<(d0, d1) -> (0, 0)>
#map1 = affine_map<(d0, d1) -> (0, 0, 0)>
module attributes {stable_mosaic.version = 14 : i64} {
  func.func @agg_k(%arg0: i32, %arg1: i32, %arg2: memref<10240x128xf32, #tpu.memory_space<hbm>>, %arg3: memref<32x80x128xi32, #tpu.memory_space<hbm>>, %arg4: memref<2x10240x128xf32, #tpu.memory_space<hbm>>, %arg5: memref<80x128xi32, #tpu.memory_space<vmem>>, %arg6: memref<128xi32, #tpu.memory_space<vmem>>, %arg7: memref<128xi32, #tpu.memory_space<vmem>>, %arg8: memref<128xi32, #tpu.memory_space<vmem>>, %arg9: memref<128xi32, #tpu.memory_space<vmem>>, %arg10: memref<128x128xf32, #tpu.memory_space<vmem>>, %arg11: memref<128x128xf32, #tpu.memory_space<vmem>>, %arg12: memref<10240x128xf32, #tpu.memory_space<vmem_shared>>, %arg13: memref<!tpu.dma_semaphore, #tpu.memory_space<semaphore_mem>>, %arg14: memref<!tpu.dma_semaphore, #tpu.memory_space<semaphore_mem>>) attributes {dimension_semantics = [#tpu.dimension_semantics<core_parallel>, #tpu.dimension_semantics<subcore_parallel>], iteration_bounds = array<i64: 2, 16>, scalar_prefetch = 0 : i64, scratch_operands = 10 : i64, tpu.core_type = #tpu.core_type<sc_vector_subcore>, window_params = [{transform_indices = #map}, {transform_indices = #map1}, {transform_indices = #map1}]} {
    %mul3A = arith.constant 2 : i32
    %mul3A_0 = arith.muli %arg1, %mul3A : i32
    %add3A = arith.addi %mul3A_0, %arg0 : i32
    %scan3A = arith.constant 0 : i32
    %scan3A_1 = arith.constant 0 : i32
    %scan3A_2 = arith.constant 128 : i32
    %scan3A_3 = arith.addi %scan3A_1, %scan3A_2 : i32
    %scan3A_4 = arith.constant 1 : i32
    %scan3A_5 = scf.for %scan3A_339 = %scan3A_1 to %scan3A_3 step %scan3A_4 iter_args(%scan3A_340 = %scan3A) -> (i32)  : i32 {
      %broadcast_in_dim3A = arith.constant 0.000000e+00 : f32
      %broadcast_in_dim3A_341 = vector.broadcast %broadcast_in_dim3A : f32 to vector<16xf32>
      %swap3A_342 = arith.index_cast %scan3A_339 : i32 to index
      %swap3A_343 = arith.constant 0 : index
      %swap3A_344 = tpu.vector_load %arg10[%swap3A_342, %swap3A_343] {strides = array<i32>} : memref<128x128xf32, #tpu.memory_space<vmem>>, vector<1x16xf32>,
      %swap3A_345 = vector.shape_cast %swap3A_344 : vector<1x16xf32> to vector<16xf32>
      %swap3A_346 = vector.shape_cast %broadcast_in_dim3A_341 : vector<16xf32> to vector<1x16xf32>
      tpu.vector_store %arg10[%swap3A_342, %swap3A_343], %swap3A_346 {strides = array<i32>} : memref<128x128xf32, #tpu.memory_space<vmem>>, vector<1x16xf32>,
      %broadcast_in_dim3A_347 = arith.constant 0.000000e+00 : f32
      %broadcast_in_dim3A_348 = vector.broadcast %broadcast_in_dim3A_347 : f32 to vector<16xf32>
      %swap3A_349 = arith.index_cast %scan3A_339 : i32 to index
      %swap3A_350 = arith.constant 16 : index
      %swap3A_351 = tpu.vector_load %arg10[%swap3A_349, %swap3A_350] {strides = array<i32>} : memref<128x128xf32, #tpu.memory_space<vmem>>, vector<1x16xf32>,
      %swap3A_352 = vector.shape_cast %swap3A_351 : vector<1x16xf32> to vector<16xf32>
      %swap3A_353 = vector.shape_cast %broadcast_in_dim3A_348 : vector<16xf32> to vector<1x16xf32>
      tpu.vector_store %arg10[%swap3A_349, %swap3A_350], %swap3A_353 {strides = array<i32>} : memref<128x128xf32, #tpu.memory_space<vmem>>, vector<1x16xf32>,
      %broadcast_in_dim3A_354 = arith.constant 0.000000e+00 : f32
      %broadcast_in_dim3A_355 = vector.broadcast %broadcast_in_dim3A_354 : f32 to vector<16xf32>
      %swap3A_356 = arith.index_cast %scan3A_339 : i32 to index
      %swap3A_357 = arith.constant 32 : index
      %swap3A_358 = tpu.vector_load %arg10[%swap3A_356, %swap3A_357] {strides = array<i32>} : memref<128x128xf32, #tpu.memory_space<vmem>>, vector<1x16xf32>,
      %swap3A_359 = vector.shape_cast %swap3A_358 : vector<1x16xf32> to vector<16xf32>
      %swap3A_360 = vector.shape_cast %broadcast_in_dim3A_355 : vector<16xf32> to vector<1x16xf32>
      tpu.vector_store %arg10[%swap3A_356, %swap3A_357], %swap3A_360 {strides = array<i32>} : memref<128x128xf32, #tpu.memory_space<vmem>>, vector<1x16xf32>,
      %broadcast_in_dim3A_361 = arith.constant 0.000000e+00 : f32
      %broadcast_in_dim3A_362 = vector.broadcast %broadcast_in_dim3A_361 : f32 to vector<16xf32>
      %swap3A_363 = arith.index_cast %scan3A_339 : i32 to index
      %swap3A_364 = arith.constant 48 : index
      %swap3A_365 = tpu.vector_load %arg10[%swap3A_363, %swap3A_364] {strides = array<i32>} : memref<128x128xf32, #tpu.memory_space<vmem>>, vector<1x16xf32>,
      %swap3A_366 = vector.shape_cast %swap3A_365 : vector<1x16xf32> to vector<16xf32>
      %swap3A_367 = vector.shape_cast %broadcast_in_dim3A_362 : vector<16xf32> to vector<1x16xf32>
      tpu.vector_store %arg10[%swap3A_363, %swap3A_364], %swap3A_367 {strides = array<i32>} : memref<128x128xf32, #tpu.memory_space<vmem>>, vector<1x16xf32>,
      %broadcast_in_dim3A_368 = arith.constant 0.000000e+00 : f32
      %broadcast_in_dim3A_369 = vector.broadcast %broadcast_in_dim3A_368 : f32 to vector<16xf32>
      %swap3A_370 = arith.index_cast %scan3A_339 : i32 to index
      %swap3A_371 = arith.constant 64 : index
      %swap3A_372 = tpu.vector_load %arg10[%swap3A_370, %swap3A_371] {strides = array<i32>} : memref<128x128xf32, #tpu.memory_space<vmem>>, vector<1x16xf32>,
      %swap3A_373 = vector.shape_cast %swap3A_372 : vector<1x16xf32> to vector<16xf32>
      %swap3A_374 = vector.shape_cast %broadcast_in_dim3A_369 : vector<16xf32> to vector<1x16xf32>
      tpu.vector_store %arg10[%swap3A_370, %swap3A_371], %swap3A_374 {strides = array<i32>} : memref<128x128xf32, #tpu.memory_space<vmem>>, vector<1x16xf32>,
      %broadcast_in_dim3A_375 = arith.constant 0.000000e+00 : f32
      %broadcast_in_dim3A_376 = vector.broadcast %broadcast_in_dim3A_375 : f32 to vector<16xf32>
      %swap3A_377 = arith.index_cast %scan3A_339 : i32 to index
      %swap3A_378 = arith.constant 80 : index
      %swap3A_379 = tpu.vector_load %arg10[%swap3A_377, %swap3A_378] {strides = array<i32>} : memref<128x128xf32, #tpu.memory_space<vmem>>, vector<1x16xf32>,
      %swap3A_380 = vector.shape_cast %swap3A_379 : vector<1x16xf32> to vector<16xf32>
      %swap3A_381 = vector.shape_cast %broadcast_in_dim3A_376 : vector<16xf32> to vector<1x16xf32>
      tpu.vector_store %arg10[%swap3A_377, %swap3A_378], %swap3A_381 {strides = array<i32>} : memref<128x128xf32, #tpu.memory_space<vmem>>, vector<1x16xf32>,
      %broadcast_in_dim3A_382 = arith.constant 0.000000e+00 : f32
      %broadcast_in_dim3A_383 = vector.broadcast %broadcast_in_dim3A_382 : f32 to vector<16xf32>
      %swap3A_384 = arith.index_cast %scan3A_339 : i32 to index
      %swap3A_385 = arith.constant 96 : index
      %swap3A_386 = tpu.vector_load %arg10[%swap3A_384, %swap3A_385] {strides = array<i32>} : memref<128x128xf32, #tpu.memory_space<vmem>>, vector<1x16xf32>,
      %swap3A_387 = vector.shape_cast %swap3A_386 : vector<1x16xf32> to vector<16xf32>
      %swap3A_388 = vector.shape_cast %broadcast_in_dim3A_383 : vector<16xf32> to vector<1x16xf32>
      tpu.vector_store %arg10[%swap3A_384, %swap3A_385], %swap3A_388 {strides = array<i32>} : memref<128x128xf32, #tpu.memory_space<vmem>>, vector<1x16xf32>,
      %broadcast_in_dim3A_389 = arith.constant 0.000000e+00 : f32
      %broadcast_in_dim3A_390 = vector.broadcast %broadcast_in_dim3A_389 : f32 to vector<16xf32>
      %swap3A_391 = arith.index_cast %scan3A_339 : i32 to index
      %swap3A_392 = arith.constant 112 : index
      %swap3A_393 = tpu.vector_load %arg10[%swap3A_391, %swap3A_392] {strides = array<i32>} : memref<128x128xf32, #tpu.memory_space<vmem>>, vector<1x16xf32>,
      %swap3A_394 = vector.shape_cast %swap3A_393 : vector<1x16xf32> to vector<16xf32>
      %swap3A_395 = vector.shape_cast %broadcast_in_dim3A_390 : vector<16xf32> to vector<1x16xf32>
      tpu.vector_store %arg10[%swap3A_391, %swap3A_392], %swap3A_395 {strides = array<i32>} : memref<128x128xf32, #tpu.memory_space<vmem>>, vector<1x16xf32>,
      %scan3A_396 = arith.constant 0 : i32
      scf.yield %scan3A_396 : i32
    }
    %scan3A_6 = arith.constant 128 : i32
    %scan3A_7 = arith.constant 0 : i32
    %scan3A_8 = arith.constant 0 : i32
    %scan3A_9 = arith.constant 5 : i32
    %scan3A_10 = arith.addi %scan3A_8, %scan3A_9 : i32
    %scan3A_11 = arith.constant 1 : i32
    %scan3A_12 = scf.for %scan3A_339 = %scan3A_8 to %scan3A_10 step %scan3A_11 iter_args(%scan3A_340 = %scan3A_7) -> (i32)  : i32 {
      %mul3A_341 = arith.constant 640 : i32
      %mul3A_342 = arith.muli %arg1, %mul3A_341 : i32
      %mul3A_343 = arith.constant 128 : i32
      %mul3A_344 = arith.muli %scan3A_339, %mul3A_343 : i32
      %add3A_345 = arith.addi %mul3A_342, %mul3A_344 : i32
      "tpu.region"() ({
        %run_scoped3A = tpu.sem_alloc : memref<!tpu.dma_semaphore, #tpu.memory_space<semaphore_mem>>
        %dma_start3A_347 = arith.constant 0 : i32
        %dma_start3A_348 = tpu.memref_slice %arg12[%add3A_345, %dma_start3A_347] : memref<10240x128xf32, #tpu.memory_space<vmem_shared>> -> memref<128x128xf32, #tpu.memory_space<vmem_shared>>
        %dma_start3A_349 = arith.constant 0 : i32
        %dma_start3A_350 = tpu.memref_slice %arg12[%add3A_345, %dma_start3A_349] : memref<10240x128xf32, #tpu.memory_space<vmem_shared>> -> memref<128x128xf32, #tpu.memory_space<vmem_shared>>
        tpu.enqueue_dma source(%arg10 : memref<128x128xf32, #tpu.memory_space<vmem>>) target(%dma_start3A_350 : memref<128x128xf32, #tpu.memory_space<vmem_shared>>) target_semaphore(%run_scoped3A : memref<!tpu.dma_semaphore, #tpu.memory_space<semaphore_mem>>)
        %dma_wait3A_351 = arith.constant 0 : i32
        %dma_wait3A_352 = tpu.memref_slice %arg12[%add3A_345, %dma_wait3A_351] : memref<10240x128xf32, #tpu.memory_space<vmem_shared>> -> memref<128x128xf32, #tpu.memory_space<vmem_shared>>
        %dma_wait3A_353 = arith.constant 0 : i32
        %dma_wait3A_354 = tpu.memref_slice %arg12[%add3A_345, %dma_wait3A_353] : memref<10240x128xf32, #tpu.memory_space<vmem_shared>> -> memref<128x128xf32, #tpu.memory_space<vmem_shared>>
        tpu.wait_dma2 semaphore(%run_scoped3A : memref<!tpu.dma_semaphore, #tpu.memory_space<semaphore_mem>>) src(%arg10 : memref<128x128xf32, #tpu.memory_space<vmem>>) dst(%dma_wait3A_354 : memref<128x128xf32, #tpu.memory_space<vmem_shared>>)
        tpu.yield
      }) : () -> ()
      %scan3A_346 = arith.constant 0 : i32
      scf.yield %scan3A_346 : i32
    }
    %scan3A_13 = arith.constant 5 : i32
    "tpu.region"() ({
      %run_scoped3A = tpu.sem_alloc : memref<!tpu.dma_semaphore, #tpu.memory_space<semaphore_mem>>
      %dma_start3A_339 = arith.constant 0 : i32
      %dma_start3A_340 = arith.constant 0 : i32
      %dma_start3A_341 = tpu.memref_slice %arg3[%add3A, %dma_start3A_339, %dma_start3A_340] : memref<32x80x128xi32, #tpu.memory_space<hbm>> -> memref<1x80x128xi32, #tpu.memory_space<hbm>>
      %dma_start3A_342 = tpu.memref_squeeze %dma_start3A_341 : memref<1x80x128xi32, #tpu.memory_space<hbm>> -> memref<80x128xi32, #tpu.memory_space<hbm>>
      %dma_start3A_343 = arith.constant 0 : i32
      %dma_start3A_344 = arith.constant 0 : i32
      %dma_start3A_345 = tpu.memref_slice %arg3[%add3A, %dma_start3A_343, %dma_start3A_344] : memref<32x80x128xi32, #tpu.memory_space<hbm>> -> memref<1x80x128xi32, #tpu.memory_space<hbm>>
      %dma_start3A_346 = tpu.memref_squeeze %dma_start3A_345 : memref<1x80x128xi32, #tpu.memory_space<hbm>> -> memref<80x128xi32, #tpu.memory_space<hbm>>
      tpu.enqueue_dma source(%dma_start3A_346 : memref<80x128xi32, #tpu.memory_space<hbm>>) target(%arg5 : memref<80x128xi32, #tpu.memory_space<vmem>>) target_semaphore(%run_scoped3A : memref<!tpu.dma_semaphore, #tpu.memory_space<semaphore_mem>>)
      %dma_wait3A_347 = arith.constant 0 : i32
      %dma_wait3A_348 = arith.constant 0 : i32
      %dma_wait3A_349 = tpu.memref_slice %arg3[%add3A, %dma_wait3A_347, %dma_wait3A_348] : memref<32x80x128xi32, #tpu.memory_space<hbm>> -> memref<1x80x128xi32, #tpu.memory_space<hbm>>
      %dma_wait3A_350 = tpu.memref_squeeze %dma_wait3A_349 : memref<1x80x128xi32, #tpu.memory_space<hbm>> -> memref<80x128xi32, #tpu.memory_space<hbm>>
      %dma_wait3A_351 = arith.constant 0 : i32
      %dma_wait3A_352 = arith.constant 0 : i32
      %dma_wait3A_353 = tpu.memref_slice %arg3[%add3A, %dma_wait3A_351, %dma_wait3A_352] : memref<32x80x128xi32, #tpu.memory_space<hbm>> -> memref<1x80x128xi32, #tpu.memory_space<hbm>>
      %dma_wait3A_354 = tpu.memref_squeeze %dma_wait3A_353 : memref<1x80x128xi32, #tpu.memory_space<hbm>> -> memref<80x128xi32, #tpu.memory_space<hbm>>
      tpu.wait_dma2 semaphore(%run_scoped3A : memref<!tpu.dma_semaphore, #tpu.memory_space<semaphore_mem>>) src(%dma_wait3A_354 : memref<80x128xi32, #tpu.memory_space<hbm>>) dst(%arg5 : memref<80x128xi32, #tpu.memory_space<vmem>>)
      tpu.yield
    }) : () -> ()
    %barrier3A = arith.constant 0 : index
    tpu.barrier barrier_id(%barrier3A)
    %get3A = arith.constant 0 : i32
    %get3A_14 = arith.index_cast %get3A : i32 to index
    %get3A_15 = arith.constant 0 : index
    %get3A_16 = tpu.vector_load %arg5[%get3A_14, %get3A_15] {strides = array<i32>} : memref<80x128xi32, #tpu.memory_space<vmem>>, vector<1x16xi32>,
    %get3A_17 = vector.shape_cast %get3A_16 : vector<1x16xi32> to vector<16xi32>
    %and3A = arith.constant 65535 : i32
    %and3A_18 = vector.broadcast %and3A : i32 to vector<16xi32>
    %and3A_19 = arith.andi %get3A_17, %and3A_18 : vector<16xi32>
    %swap3A = arith.constant 0 : index
    %swap3A_20 = tpu.vector_load %arg6[%swap3A] {strides = array<i32>} : memref<128xi32, #tpu.memory_space<vmem>>, vector<16xi32>,
    %swap3A_21 = vector.shape_cast %swap3A_20 : vector<16xi32> to vector<16xi32>
    %swap3A_22 = vector.shape_cast %and3A_19 : vector<16xi32> to vector<16xi32>
    tpu.vector_store %arg6[%swap3A], %swap3A_22 {strides = array<i32>} : memref<128xi32, #tpu.memory_space<vmem>>, vector<16xi32>,
    %shift_right_logical3A = arith.constant 16 : i32
    %shift_right_logical3A_23 = vector.broadcast %shift_right_logical3A : i32 to vector<16xi32>
    %shift_right_logical3A_24 = arith.shrui %get3A_17, %shift_right_logical3A_23 : vector<16xi32>
    %swap3A_25 = arith.constant 0 : index
    %swap3A_26 = tpu.vector_load %arg7[%swap3A_25] {strides = array<i32>} : memref<128xi32, #tpu.memory_space<vmem>>, vector<16xi32>,
    %swap3A_27 = vector.shape_cast %swap3A_26 : vector<16xi32> to vector<16xi32>
    %swap3A_28 = vector.shape_cast %shift_right_logical3A_24 : vector<16xi32> to vector<16xi32>
    tpu.vector_store %arg7[%swap3A_25], %swap3A_28 {strides = array<i32>} : memref<128xi32, #tpu.memory_space<vmem>>, vector<16xi32>,
    %get3A_29 = arith.constant 0 : i32
    %get3A_30 = arith.index_cast %get3A_29 : i32 to index
    %get3A_31 = arith.constant 16 : index
    %get3A_32 = tpu.vector_load %arg5[%get3A_30, %get3A_31] {strides = array<i32>} : memref<80x128xi32, #tpu.memory_space<vmem>>, vector<1x16xi32>,
    %get3A_33 = vector.shape_cast %get3A_32 : vector<1x16xi32> to vector<16xi32>
    %and3A_34 = arith.constant 65535 : i32
    %and3A_35 = vector.broadcast %and3A_34 : i32 to vector<16xi32>
    %and3A_36 = arith.andi %get3A_33, %and3A_35 : vector<16xi32>
    %swap3A_37 = arith.constant 16 : index
    %swap3A_38 = tpu.vector_load %arg6[%swap3A_37] {strides = array<i32>} : memref<128xi32, #tpu.memory_space<vmem>>, vector<16xi32>,
    %swap3A_39 = vector.shape_cast %swap3A_38 : vector<16xi32> to vector<16xi32>
    %swap3A_40 = vector.shape_cast %and3A_36 : vector<16xi32> to vector<16xi32>
    tpu.vector_store %arg6[%swap3A_37], %swap3A_40 {strides = array<i32>} : memref<128xi32, #tpu.memory_space<vmem>>, vector<16xi32>,
    %shift_right_logical3A_41 = arith.constant 16 : i32
    %shift_right_logical3A_42 = vector.broadcast %shift_right_logical3A_41 : i32 to vector<16xi32>
    %shift_right_logical3A_43 = arith.shrui %get3A_33, %shift_right_logical3A_42 : vector<16xi32>
    %swap3A_44 = arith.constant 16 : index
    %swap3A_45 = tpu.vector_load %arg7[%swap3A_44] {strides = array<i32>} : memref<128xi32, #tpu.memory_space<vmem>>, vector<16xi32>,
    %swap3A_46 = vector.shape_cast %swap3A_45 : vector<16xi32> to vector<16xi32>
    %swap3A_47 = vector.shape_cast %shift_right_logical3A_43 : vector<16xi32> to vector<16xi32>
    tpu.vector_store %arg7[%swap3A_44], %swap3A_47 {strides = array<i32>} : memref<128xi32, #tpu.memory_space<vmem>>, vector<16xi32>,
    %get3A_48 = arith.constant 0 : i32
    %get3A_49 = arith.index_cast %get3A_48 : i32 to index
    %get3A_50 = arith.constant 32 : index
    %get3A_51 = tpu.vector_load %arg5[%get3A_49, %get3A_50] {strides = array<i32>} : memref<80x128xi32, #tpu.memory_space<vmem>>, vector<1x16xi32>,
    %get3A_52 = vector.shape_cast %get3A_51 : vector<1x16xi32> to vector<16xi32>
    %and3A_53 = arith.constant 65535 : i32
    %and3A_54 = vector.broadcast %and3A_53 : i32 to vector<16xi32>
    %and3A_55 = arith.andi %get3A_52, %and3A_54 : vector<16xi32>
    %swap3A_56 = arith.constant 32 : index
    %swap3A_57 = tpu.vector_load %arg6[%swap3A_56] {strides = array<i32>} : memref<128xi32, #tpu.memory_space<vmem>>, vector<16xi32>,
    %swap3A_58 = vector.shape_cast %swap3A_57 : vector<16xi32> to vector<16xi32>
    %swap3A_59 = vector.shape_cast %and3A_55 : vector<16xi32> to vector<16xi32>
    tpu.vector_store %arg6[%swap3A_56], %swap3A_59 {strides = array<i32>} : memref<128xi32, #tpu.memory_space<vmem>>, vector<16xi32>,
    %shift_right_logical3A_60 = arith.constant 16 : i32
    %shift_right_logical3A_61 = vector.broadcast %shift_right_logical3A_60 : i32 to vector<16xi32>
    %shift_right_logical3A_62 = arith.shrui %get3A_52, %shift_right_logical3A_61 : vector<16xi32>
    %swap3A_63 = arith.constant 32 : index
    %swap3A_64 = tpu.vector_load %arg7[%swap3A_63] {strides = array<i32>} : memref<128xi32, #tpu.memory_space<vmem>>, vector<16xi32>,
    %swap3A_65 = vector.shape_cast %swap3A_64 : vector<16xi32> to vector<16xi32>
    %swap3A_66 = vector.shape_cast %shift_right_logical3A_62 : vector<16xi32> to vector<16xi32>
    tpu.vector_store %arg7[%swap3A_63], %swap3A_66 {strides = array<i32>} : memref<128xi32, #tpu.memory_space<vmem>>, vector<16xi32>,
    %get3A_67 = arith.constant 0 : i32
    %get3A_68 = arith.index_cast %get3A_67 : i32 to index
    %get3A_69 = arith.constant 48 : index
    %get3A_70 = tpu.vector_load %arg5[%get3A_68, %get3A_69] {strides = array<i32>} : memref<80x128xi32, #tpu.memory_space<vmem>>, vector<1x16xi32>,
    %get3A_71 = vector.shape_cast %get3A_70 : vector<1x16xi32> to vector<16xi32>
    %and3A_72 = arith.constant 65535 : i32
    %and3A_73 = vector.broadcast %and3A_72 : i32 to vector<16xi32>
    %and3A_74 = arith.andi %get3A_71, %and3A_73 : vector<16xi32>
    %swap3A_75 = arith.constant 48 : index
    %swap3A_76 = tpu.vector_load %arg6[%swap3A_75] {strides = array<i32>} : memref<128xi32, #tpu.memory_space<vmem>>, vector<16xi32>,
    %swap3A_77 = vector.shape_cast %swap3A_76 : vector<16xi32> to vector<16xi32>
    %swap3A_78 = vector.shape_cast %and3A_74 : vector<16xi32> to vector<16xi32>
    tpu.vector_store %arg6[%swap3A_75], %swap3A_78 {strides = array<i32>} : memref<128xi32, #tpu.memory_space<vmem>>, vector<16xi32>,
    %shift_right_logical3A_79 = arith.constant 16 : i32
    %shift_right_logical3A_80 = vector.broadcast %shift_right_logical3A_79 : i32 to vector<16xi32>
    %shift_right_logical3A_81 = arith.shrui %get3A_71, %shift_right_logical3A_80 : vector<16xi32>
    %swap3A_82 = arith.constant 48 : index
    %swap3A_83 = tpu.vector_load %arg7[%swap3A_82] {strides = array<i32>} : memref<128xi32, #tpu.memory_space<vmem>>, vector<16xi32>,
    %swap3A_84 = vector.shape_cast %swap3A_83 : vector<16xi32> to vector<16xi32>
    %swap3A_85 = vector.shape_cast %shift_right_logical3A_81 : vector<16xi32> to vector<16xi32>
    tpu.vector_store %arg7[%swap3A_82], %swap3A_85 {strides = array<i32>} : memref<128xi32, #tpu.memory_space<vmem>>, vector<16xi32>,
    %get3A_86 = arith.constant 0 : i32
    %get3A_87 = arith.index_cast %get3A_86 : i32 to index
    %get3A_88 = arith.constant 64 : index
    %get3A_89 = tpu.vector_load %arg5[%get3A_87, %get3A_88] {strides = array<i32>} : memref<80x128xi32, #tpu.memory_space<vmem>>, vector<1x16xi32>,
    %get3A_90 = vector.shape_cast %get3A_89 : vector<1x16xi32> to vector<16xi32>
    %and3A_91 = arith.constant 65535 : i32
    %and3A_92 = vector.broadcast %and3A_91 : i32 to vector<16xi32>
    %and3A_93 = arith.andi %get3A_90, %and3A_92 : vector<16xi32>
    %swap3A_94 = arith.constant 64 : index
    %swap3A_95 = tpu.vector_load %arg6[%swap3A_94] {strides = array<i32>} : memref<128xi32, #tpu.memory_space<vmem>>, vector<16xi32>,
    %swap3A_96 = vector.shape_cast %swap3A_95 : vector<16xi32> to vector<16xi32>
    %swap3A_97 = vector.shape_cast %and3A_93 : vector<16xi32> to vector<16xi32>
    tpu.vector_store %arg6[%swap3A_94], %swap3A_97 {strides = array<i32>} : memref<128xi32, #tpu.memory_space<vmem>>, vector<16xi32>,
    %shift_right_logical3A_98 = arith.constant 16 : i32
    %shift_right_logical3A_99 = vector.broadcast %shift_right_logical3A_98 : i32 to vector<16xi32>
    %shift_right_logical3A_100 = arith.shrui %get3A_90, %shift_right_logical3A_99 : vector<16xi32>
    %swap3A_101 = arith.constant 64 : index
    %swap3A_102 = tpu.vector_load %arg7[%swap3A_101] {strides = array<i32>} : memref<128xi32, #tpu.memory_space<vmem>>, vector<16xi32>,
    %swap3A_103 = vector.shape_cast %swap3A_102 : vector<16xi32> to vector<16xi32>
    %swap3A_104 = vector.shape_cast %shift_right_logical3A_100 : vector<16xi32> to vector<16xi32>
    tpu.vector_store %arg7[%swap3A_101], %swap3A_104 {strides = array<i32>} : memref<128xi32, #tpu.memory_space<vmem>>, vector<16xi32>,
    %get3A_105 = arith.constant 0 : i32
    %get3A_106 = arith.index_cast %get3A_105 : i32 to index
    %get3A_107 = arith.constant 80 : index
    %get3A_108 = tpu.vector_load %arg5[%get3A_106, %get3A_107] {strides = array<i32>} : memref<80x128xi32, #tpu.memory_space<vmem>>, vector<1x16xi32>,
    %get3A_109 = vector.shape_cast %get3A_108 : vector<1x16xi32> to vector<16xi32>
    %and3A_110 = arith.constant 65535 : i32
    %and3A_111 = vector.broadcast %and3A_110 : i32 to vector<16xi32>
    %and3A_112 = arith.andi %get3A_109, %and3A_111 : vector<16xi32>
    %swap3A_113 = arith.constant 80 : index
    %swap3A_114 = tpu.vector_load %arg6[%swap3A_113] {strides = array<i32>} : memref<128xi32, #tpu.memory_space<vmem>>, vector<16xi32>,
    %swap3A_115 = vector.shape_cast %swap3A_114 : vector<16xi32> to vector<16xi32>
    %swap3A_116 = vector.shape_cast %and3A_112 : vector<16xi32> to vector<16xi32>
    tpu.vector_store %arg6[%swap3A_113], %swap3A_116 {strides = array<i32>} : memref<128xi32, #tpu.memory_space<vmem>>, vector<16xi32>,
    %shift_right_logical3A_117 = arith.constant 16 : i32
    %shift_right_logical3A_118 = vector.broadcast %shift_right_logical3A_117 : i32 to vector<16xi32>
    %shift_right_logical3A_119 = arith.shrui %get3A_109, %shift_right_logical3A_118 : vector<16xi32>
    %swap3A_120 = arith.constant 80 : index
    %swap3A_121 = tpu.vector_load %arg7[%swap3A_120] {strides = array<i32>} : memref<128xi32, #tpu.memory_space<vmem>>, vector<16xi32>,
    %swap3A_122 = vector.shape_cast %swap3A_121 : vector<16xi32> to vector<16xi32>
    %swap3A_123 = vector.shape_cast %shift_right_logical3A_119 : vector<16xi32> to vector<16xi32>
    tpu.vector_store %arg7[%swap3A_120], %swap3A_123 {strides = array<i32>} : memref<128xi32, #tpu.memory_space<vmem>>, vector<16xi32>,
    %get3A_124 = arith.constant 0 : i32
    %get3A_125 = arith.index_cast %get3A_124 : i32 to index
    %get3A_126 = arith.constant 96 : index
    %get3A_127 = tpu.vector_load %arg5[%get3A_125, %get3A_126] {strides = array<i32>} : memref<80x128xi32, #tpu.memory_space<vmem>>, vector<1x16xi32>,
    %get3A_128 = vector.shape_cast %get3A_127 : vector<1x16xi32> to vector<16xi32>
    %and3A_129 = arith.constant 65535 : i32
    %and3A_130 = vector.broadcast %and3A_129 : i32 to vector<16xi32>
    %and3A_131 = arith.andi %get3A_128, %and3A_130 : vector<16xi32>
    %swap3A_132 = arith.constant 96 : index
    %swap3A_133 = tpu.vector_load %arg6[%swap3A_132] {strides = array<i32>} : memref<128xi32, #tpu.memory_space<vmem>>, vector<16xi32>,
    %swap3A_134 = vector.shape_cast %swap3A_133 : vector<16xi32> to vector<16xi32>
    %swap3A_135 = vector.shape_cast %and3A_131 : vector<16xi32> to vector<16xi32>
    tpu.vector_store %arg6[%swap3A_132], %swap3A_135 {strides = array<i32>} : memref<128xi32, #tpu.memory_space<vmem>>, vector<16xi32>,
    %shift_right_logical3A_136 = arith.constant 16 : i32
    %shift_right_logical3A_137 = vector.broadcast %shift_right_logical3A_136 : i32 to vector<16xi32>
    %shift_right_logical3A_138 = arith.shrui %get3A_128, %shift_right_logical3A_137 : vector<16xi32>
    %swap3A_139 = arith.constant 96 : index
    %swap3A_140 = tpu.vector_load %arg7[%swap3A_139] {strides = array<i32>} : memref<128xi32, #tpu.memory_space<vmem>>, vector<16xi32>,
    %swap3A_141 = vector.shape_cast %swap3A_140 : vector<16xi32> to vector<16xi32>
    %swap3A_142 = vector.shape_cast %shift_right_logical3A_138 : vector<16xi32> to vector<16xi32>
    tpu.vector_store %arg7[%swap3A_139], %swap3A_142 {strides = array<i32>} : memref<128xi32, #tpu.memory_space<vmem>>, vector<16xi32>,
    %get3A_143 = arith.constant 0 : i32
    %get3A_144 = arith.index_cast %get3A_143 : i32 to index
    %get3A_145 = arith.constant 112 : index
    %get3A_146 = tpu.vector_load %arg5[%get3A_144, %get3A_145] {strides = array<i32>} : memref<80x128xi32, #tpu.memory_space<vmem>>, vector<1x16xi32>,
    %get3A_147 = vector.shape_cast %get3A_146 : vector<1x16xi32> to vector<16xi32>
    %and3A_148 = arith.constant 65535 : i32
    %and3A_149 = vector.broadcast %and3A_148 : i32 to vector<16xi32>
    %and3A_150 = arith.andi %get3A_147, %and3A_149 : vector<16xi32>
    %swap3A_151 = arith.constant 112 : index
    %swap3A_152 = tpu.vector_load %arg6[%swap3A_151] {strides = array<i32>} : memref<128xi32, #tpu.memory_space<vmem>>, vector<16xi32>,
    %swap3A_153 = vector.shape_cast %swap3A_152 : vector<16xi32> to vector<16xi32>
    %swap3A_154 = vector.shape_cast %and3A_150 : vector<16xi32> to vector<16xi32>
    tpu.vector_store %arg6[%swap3A_151], %swap3A_154 {strides = array<i32>} : memref<128xi32, #tpu.memory_space<vmem>>, vector<16xi32>,
    %shift_right_logical3A_155 = arith.constant 16 : i32
    %shift_right_logical3A_156 = vector.broadcast %shift_right_logical3A_155 : i32 to vector<16xi32>
    %shift_right_logical3A_157 = arith.shrui %get3A_147, %shift_right_logical3A_156 : vector<16xi32>
    %swap3A_158 = arith.constant 112 : index
    %swap3A_159 = tpu.vector_load %arg7[%swap3A_158] {strides = array<i32>} : memref<128xi32, #tpu.memory_space<vmem>>, vector<16xi32>,
    %swap3A_160 = vector.shape_cast %swap3A_159 : vector<16xi32> to vector<16xi32>
    %swap3A_161 = vector.shape_cast %shift_right_logical3A_157 : vector<16xi32> to vector<16xi32>
    tpu.vector_store %arg7[%swap3A_158], %swap3A_161 {strides = array<i32>} : memref<128xi32, #tpu.memory_space<vmem>>, vector<16xi32>,
    %dma_start3A = arith.constant 0 : i32
    %dma_start3A_162 = arith.constant 0 : i32
    %dma_start3A_163 = tpu.memref_slice %arg2[%dma_start3A, %dma_start3A_162] : memref<10240x128xf32, #tpu.memory_space<hbm>> -> memref<10240x128xf32, #tpu.memory_space<hbm>>
    tpu.enqueue_indirect_dma source(%dma_start3A_163 : memref<10240x128xf32, #tpu.memory_space<hbm>>) target(%arg10 : memref<128x128xf32, #tpu.memory_space<vmem>>) offsets(%arg6 : memref<128xi32, #tpu.memory_space<vmem>>) semaphore(%arg13 : memref<!tpu.dma_semaphore, #tpu.memory_space<semaphore_mem>>)
    %get3A_164 = arith.constant 1 : i32
    %get3A_165 = arith.index_cast %get3A_164 : i32 to index
    %get3A_166 = arith.constant 0 : index
    %get3A_167 = tpu.vector_load %arg5[%get3A_165, %get3A_166] {strides = array<i32>} : memref<80x128xi32, #tpu.memory_space<vmem>>, vector<1x16xi32>,
    %get3A_168 = vector.shape_cast %get3A_167 : vector<1x16xi32> to vector<16xi32>
    %and3A_169 = arith.constant 65535 : i32
    %and3A_170 = vector.broadcast %and3A_169 : i32 to vector<16xi32>
    %and3A_171 = arith.andi %get3A_168, %and3A_170 : vector<16xi32>
    %swap3A_172 = arith.constant 0 : index
    %swap3A_173 = tpu.vector_load %arg8[%swap3A_172] {strides = array<i32>} : memref<128xi32, #tpu.memory_space<vmem>>, vector<16xi32>,
    %swap3A_174 = vector.shape_cast %swap3A_173 : vector<16xi32> to vector<16xi32>
    %swap3A_175 = vector.shape_cast %and3A_171 : vector<16xi32> to vector<16xi32>
    tpu.vector_store %arg8[%swap3A_172], %swap3A_175 {strides = array<i32>} : memref<128xi32, #tpu.memory_space<vmem>>, vector<16xi32>,
    %shift_right_logical3A_176 = arith.constant 16 : i32
    %shift_right_logical3A_177 = vector.broadcast %shift_right_logical3A_176 : i32 to vector<16xi32>
    %shift_right_logical3A_178 = arith.shrui %get3A_168, %shift_right_logical3A_177 : vector<16xi32>
    %swap3A_179 = arith.constant 0 : index
    %swap3A_180 = tpu.vector_load %arg9[%swap3A_179] {strides = array<i32>} : memref<128xi32, #tpu.memory_space<vmem>>, vector<16xi32>,
    %swap3A_181 = vector.shape_cast %swap3A_180 : vector<16xi32> to vector<16xi32>
    %swap3A_182 = vector.shape_cast %shift_right_logical3A_178 : vector<16xi32> to vector<16xi32>
    tpu.vector_store %arg9[%swap3A_179], %swap3A_182 {strides = array<i32>} : memref<128xi32, #tpu.memory_space<vmem>>, vector<16xi32>,
    %get3A_183 = arith.constant 1 : i32
    %get3A_184 = arith.index_cast %get3A_183 : i32 to index
    %get3A_185 = arith.constant 16 : index
    %get3A_186 = tpu.vector_load %arg5[%get3A_184, %get3A_185] {strides = array<i32>} : memref<80x128xi32, #tpu.memory_space<vmem>>, vector<1x16xi32>,
    %get3A_187 = vector.shape_cast %get3A_186 : vector<1x16xi32> to vector<16xi32>
    %and3A_188 = arith.constant 65535 : i32
    %and3A_189 = vector.broadcast %and3A_188 : i32 to vector<16xi32>
    %and3A_190 = arith.andi %get3A_187, %and3A_189 : vector<16xi32>
    %swap3A_191 = arith.constant 16 : index
    %swap3A_192 = tpu.vector_load %arg8[%swap3A_191] {strides = array<i32>} : memref<128xi32, #tpu.memory_space<vmem>>, vector<16xi32>,
    %swap3A_193 = vector.shape_cast %swap3A_192 : vector<16xi32> to vector<16xi32>
    %swap3A_194 = vector.shape_cast %and3A_190 : vector<16xi32> to vector<16xi32>
    tpu.vector_store %arg8[%swap3A_191], %swap3A_194 {strides = array<i32>} : memref<128xi32, #tpu.memory_space<vmem>>, vector<16xi32>,
    %shift_right_logical3A_195 = arith.constant 16 : i32
    %shift_right_logical3A_196 = vector.broadcast %shift_right_logical3A_195 : i32 to vector<16xi32>
    %shift_right_logical3A_197 = arith.shrui %get3A_187, %shift_right_logical3A_196 : vector<16xi32>
    %swap3A_198 = arith.constant 16 : index
    %swap3A_199 = tpu.vector_load %arg9[%swap3A_198] {strides = array<i32>} : memref<128xi32, #tpu.memory_space<vmem>>, vector<16xi32>,
    %swap3A_200 = vector.shape_cast %swap3A_199 : vector<16xi32> to vector<16xi32>
    %swap3A_201 = vector.shape_cast %shift_right_logical3A_197 : vector<16xi32> to vector<16xi32>
    tpu.vector_store %arg9[%swap3A_198], %swap3A_201 {strides = array<i32>} : memref<128xi32, #tpu.memory_space<vmem>>, vector<16xi32>,
    %get3A_202 = arith.constant 1 : i32
    %get3A_203 = arith.index_cast %get3A_202 : i32 to index
    %get3A_204 = arith.constant 32 : index
    %get3A_205 = tpu.vector_load %arg5[%get3A_203, %get3A_204] {strides = array<i32>} : memref<80x128xi32, #tpu.memory_space<vmem>>, vector<1x16xi32>,
    %get3A_206 = vector.shape_cast %get3A_205 : vector<1x16xi32> to vector<16xi32>
    %and3A_207 = arith.constant 65535 : i32
    %and3A_208 = vector.broadcast %and3A_207 : i32 to vector<16xi32>
    %and3A_209 = arith.andi %get3A_206, %and3A_208 : vector<16xi32>
    %swap3A_210 = arith.constant 32 : index
    %swap3A_211 = tpu.vector_load %arg8[%swap3A_210] {strides = array<i32>} : memref<128xi32, #tpu.memory_space<vmem>>, vector<16xi32>,
    %swap3A_212 = vector.shape_cast %swap3A_211 : vector<16xi32> to vector<16xi32>
    %swap3A_213 = vector.shape_cast %and3A_209 : vector<16xi32> to vector<16xi32>
    tpu.vector_store %arg8[%swap3A_210], %swap3A_213 {strides = array<i32>} : memref<128xi32, #tpu.memory_space<vmem>>, vector<16xi32>,
    %shift_right_logical3A_214 = arith.constant 16 : i32
    %shift_right_logical3A_215 = vector.broadcast %shift_right_logical3A_214 : i32 to vector<16xi32>
    %shift_right_logical3A_216 = arith.shrui %get3A_206, %shift_right_logical3A_215 : vector<16xi32>
    %swap3A_217 = arith.constant 32 : index
    %swap3A_218 = tpu.vector_load %arg9[%swap3A_217] {strides = array<i32>} : memref<128xi32, #tpu.memory_space<vmem>>, vector<16xi32>,
    %swap3A_219 = vector.shape_cast %swap3A_218 : vector<16xi32> to vector<16xi32>
    %swap3A_220 = vector.shape_cast %shift_right_logical3A_216 : vector<16xi32> to vector<16xi32>
    tpu.vector_store %arg9[%swap3A_217], %swap3A_220 {strides = array<i32>} : memref<128xi32, #tpu.memory_space<vmem>>, vector<16xi32>,
    %get3A_221 = arith.constant 1 : i32
    %get3A_222 = arith.index_cast %get3A_221 : i32 to index
    %get3A_223 = arith.constant 48 : index
    %get3A_224 = tpu.vector_load %arg5[%get3A_222, %get3A_223] {strides = array<i32>} : memref<80x128xi32, #tpu.memory_space<vmem>>, vector<1x16xi32>,
    %get3A_225 = vector.shape_cast %get3A_224 : vector<1x16xi32> to vector<16xi32>
    %and3A_226 = arith.constant 65535 : i32
    %and3A_227 = vector.broadcast %and3A_226 : i32 to vector<16xi32>
    %and3A_228 = arith.andi %get3A_225, %and3A_227 : vector<16xi32>
    %swap3A_229 = arith.constant 48 : index
    %swap3A_230 = tpu.vector_load %arg8[%swap3A_229] {strides = array<i32>} : memref<128xi32, #tpu.memory_space<vmem>>, vector<16xi32>,
    %swap3A_231 = vector.shape_cast %swap3A_230 : vector<16xi32> to vector<16xi32>
    %swap3A_232 = vector.shape_cast %and3A_228 : vector<16xi32> to vector<16xi32>
    tpu.vector_store %arg8[%swap3A_229], %swap3A_232 {strides = array<i32>} : memref<128xi32, #tpu.memory_space<vmem>>, vector<16xi32>,
    %shift_right_logical3A_233 = arith.constant 16 : i32
    %shift_right_logical3A_234 = vector.broadcast %shift_right_logical3A_233 : i32 to vector<16xi32>
    %shift_right_logical3A_235 = arith.shrui %get3A_225, %shift_right_logical3A_234 : vector<16xi32>
    %swap3A_236 = arith.constant 48 : index
    %swap3A_237 = tpu.vector_load %arg9[%swap3A_236] {strides = array<i32>} : memref<128xi32, #tpu.memory_space<vmem>>, vector<16xi32>,
    %swap3A_238 = vector.shape_cast %swap3A_237 : vector<16xi32> to vector<16xi32>
    %swap3A_239 = vector.shape_cast %shift_right_logical3A_235 : vector<16xi32> to vector<16xi32>
    tpu.vector_store %arg9[%swap3A_236], %swap3A_239 {strides = array<i32>} : memref<128xi32, #tpu.memory_space<vmem>>, vector<16xi32>,
    %get3A_240 = arith.constant 1 : i32
    %get3A_241 = arith.index_cast %get3A_240 : i32 to index
    %get3A_242 = arith.constant 64 : index
    %get3A_243 = tpu.vector_load %arg5[%get3A_241, %get3A_242] {strides = array<i32>} : memref<80x128xi32, #tpu.memory_space<vmem>>, vector<1x16xi32>,
    %get3A_244 = vector.shape_cast %get3A_243 : vector<1x16xi32> to vector<16xi32>
    %and3A_245 = arith.constant 65535 : i32
    %and3A_246 = vector.broadcast %and3A_245 : i32 to vector<16xi32>
    %and3A_247 = arith.andi %get3A_244, %and3A_246 : vector<16xi32>
    %swap3A_248 = arith.constant 64 : index
    %swap3A_249 = tpu.vector_load %arg8[%swap3A_248] {strides = array<i32>} : memref<128xi32, #tpu.memory_space<vmem>>, vector<16xi32>,
    %swap3A_250 = vector.shape_cast %swap3A_249 : vector<16xi32> to vector<16xi32>
    %swap3A_251 = vector.shape_cast %and3A_247 : vector<16xi32> to vector<16xi32>
    tpu.vector_store %arg8[%swap3A_248], %swap3A_251 {strides = array<i32>} : memref<128xi32, #tpu.memory_space<vmem>>, vector<16xi32>,
    %shift_right_logical3A_252 = arith.constant 16 : i32
    %shift_right_logical3A_253 = vector.broadcast %shift_right_logical3A_252 : i32 to vector<16xi32>
    %shift_right_logical3A_254 = arith.shrui %get3A_244, %shift_right_logical3A_253 : vector<16xi32>
    %swap3A_255 = arith.constant 64 : index
    %swap3A_256 = tpu.vector_load %arg9[%swap3A_255] {strides = array<i32>} : memref<128xi32, #tpu.memory_space<vmem>>, vector<16xi32>,
    %swap3A_257 = vector.shape_cast %swap3A_256 : vector<16xi32> to vector<16xi32>
    %swap3A_258 = vector.shape_cast %shift_right_logical3A_254 : vector<16xi32> to vector<16xi32>
    tpu.vector_store %arg9[%swap3A_255], %swap3A_258 {strides = array<i32>} : memref<128xi32, #tpu.memory_space<vmem>>, vector<16xi32>,
    %get3A_259 = arith.constant 1 : i32
    %get3A_260 = arith.index_cast %get3A_259 : i32 to index
    %get3A_261 = arith.constant 80 : index
    %get3A_262 = tpu.vector_load %arg5[%get3A_260, %get3A_261] {strides = array<i32>} : memref<80x128xi32, #tpu.memory_space<vmem>>, vector<1x16xi32>,
    %get3A_263 = vector.shape_cast %get3A_262 : vector<1x16xi32> to vector<16xi32>
    %and3A_264 = arith.constant 65535 : i32
    %and3A_265 = vector.broadcast %and3A_264 : i32 to vector<16xi32>
    %and3A_266 = arith.andi %get3A_263, %and3A_265 : vector<16xi32>
    %swap3A_267 = arith.constant 80 : index
    %swap3A_268 = tpu.vector_load %arg8[%swap3A_267] {strides = array<i32>} : memref<128xi32, #tpu.memory_space<vmem>>, vector<16xi32>,
    %swap3A_269 = vector.shape_cast %swap3A_268 : vector<16xi32> to vector<16xi32>
    %swap3A_270 = vector.shape_cast %and3A_266 : vector<16xi32> to vector<16xi32>
    tpu.vector_store %arg8[%swap3A_267], %swap3A_270 {strides = array<i32>} : memref<128xi32, #tpu.memory_space<vmem>>, vector<16xi32>,
    %shift_right_logical3A_271 = arith.constant 16 : i32
    %shift_right_logical3A_272 = vector.broadcast %shift_right_logical3A_271 : i32 to vector<16xi32>
    %shift_right_logical3A_273 = arith.shrui %get3A_263, %shift_right_logical3A_272 : vector<16xi32>
    %swap3A_274 = arith.constant 80 : index
    %swap3A_275 = tpu.vector_load %arg9[%swap3A_274] {strides = array<i32>} : memref<128xi32, #tpu.memory_space<vmem>>, vector<16xi32>,
    %swap3A_276 = vector.shape_cast %swap3A_275 : vector<16xi32> to vector<16xi32>
    %swap3A_277 = vector.shape_cast %shift_right_logical3A_273 : vector<16xi32> to vector<16xi32>
    tpu.vector_store %arg9[%swap3A_274], %swap3A_277 {strides = array<i32>} : memref<128xi32, #tpu.memory_space<vmem>>, vector<16xi32>,
    %get3A_278 = arith.constant 1 : i32
    %get3A_279 = arith.index_cast %get3A_278 : i32 to index
    %get3A_280 = arith.constant 96 : index
    %get3A_281 = tpu.vector_load %arg5[%get3A_279, %get3A_280] {strides = array<i32>} : memref<80x128xi32, #tpu.memory_space<vmem>>, vector<1x16xi32>,
    %get3A_282 = vector.shape_cast %get3A_281 : vector<1x16xi32> to vector<16xi32>
    %and3A_283 = arith.constant 65535 : i32
    %and3A_284 = vector.broadcast %and3A_283 : i32 to vector<16xi32>
    %and3A_285 = arith.andi %get3A_282, %and3A_284 : vector<16xi32>
    %swap3A_286 = arith.constant 96 : index
    %swap3A_287 = tpu.vector_load %arg8[%swap3A_286] {strides = array<i32>} : memref<128xi32, #tpu.memory_space<vmem>>, vector<16xi32>,
    %swap3A_288 = vector.shape_cast %swap3A_287 : vector<16xi32> to vector<16xi32>
    %swap3A_289 = vector.shape_cast %and3A_285 : vector<16xi32> to vector<16xi32>
    tpu.vector_store %arg8[%swap3A_286], %swap3A_289 {strides = array<i32>} : memref<128xi32, #tpu.memory_space<vmem>>, vector<16xi32>,
    %shift_right_logical3A_290 = arith.constant 16 : i32
    %shift_right_logical3A_291 = vector.broadcast %shift_right_logical3A_290 : i32 to vector<16xi32>
    %shift_right_logical3A_292 = arith.shrui %get3A_282, %shift_right_logical3A_291 : vector<16xi32>
    %swap3A_293 = arith.constant 96 : index
    %swap3A_294 = tpu.vector_load %arg9[%swap3A_293] {strides = array<i32>} : memref<128xi32, #tpu.memory_space<vmem>>, vector<16xi32>,
    %swap3A_295 = vector.shape_cast %swap3A_294 : vector<16xi32> to vector<16xi32>
    %swap3A_296 = vector.shape_cast %shift_right_logical3A_292 : vector<16xi32> to vector<16xi32>
    tpu.vector_store %arg9[%swap3A_293], %swap3A_296 {strides = array<i32>} : memref<128xi32, #tpu.memory_space<vmem>>, vector<16xi32>,
    %get3A_297 = arith.constant 1 : i32
    %get3A_298 = arith.index_cast %get3A_297 : i32 to index
    %get3A_299 = arith.constant 112 : index
    %get3A_300 = tpu.vector_load %arg5[%get3A_298, %get3A_299] {strides = array<i32>} : memref<80x128xi32, #tpu.memory_space<vmem>>, vector<1x16xi32>,
    %get3A_301 = vector.shape_cast %get3A_300 : vector<1x16xi32> to vector<16xi32>
    %and3A_302 = arith.constant 65535 : i32
    %and3A_303 = vector.broadcast %and3A_302 : i32 to vector<16xi32>
    %and3A_304 = arith.andi %get3A_301, %and3A_303 : vector<16xi32>
    %swap3A_305 = arith.constant 112 : index
    %swap3A_306 = tpu.vector_load %arg8[%swap3A_305] {strides = array<i32>} : memref<128xi32, #tpu.memory_space<vmem>>, vector<16xi32>,
    %swap3A_307 = vector.shape_cast %swap3A_306 : vector<16xi32> to vector<16xi32>
    %swap3A_308 = vector.shape_cast %and3A_304 : vector<16xi32> to vector<16xi32>
    tpu.vector_store %arg8[%swap3A_305], %swap3A_308 {strides = array<i32>} : memref<128xi32, #tpu.memory_space<vmem>>, vector<16xi32>,
    %shift_right_logical3A_309 = arith.constant 16 : i32
    %shift_right_logical3A_310 = vector.broadcast %shift_right_logical3A_309 : i32 to vector<16xi32>
    %shift_right_logical3A_311 = arith.shrui %get3A_301, %shift_right_logical3A_310 : vector<16xi32>
    %swap3A_312 = arith.constant 112 : index
    %swap3A_313 = tpu.vector_load %arg9[%swap3A_312] {strides = array<i32>} : memref<128xi32, #tpu.memory_space<vmem>>, vector<16xi32>,
    %swap3A_314 = vector.shape_cast %swap3A_313 : vector<16xi32> to vector<16xi32>
    %swap3A_315 = vector.shape_cast %shift_right_logical3A_311 : vector<16xi32> to vector<16xi32>
    tpu.vector_store %arg9[%swap3A_312], %swap3A_315 {strides = array<i32>} : memref<128xi32, #tpu.memory_space<vmem>>, vector<16xi32>,
    %dma_start3A_316 = arith.constant 0 : i32
    %dma_start3A_317 = arith.constant 0 : i32
    %dma_start3A_318 = tpu.memref_slice %arg2[%dma_start3A_316, %dma_start3A_317] : memref<10240x128xf32, #tpu.memory_space<hbm>> -> memref<10240x128xf32, #tpu.memory_space<hbm>>
    tpu.enqueue_indirect_dma source(%dma_start3A_318 : memref<10240x128xf32, #tpu.memory_space<hbm>>) target(%arg11 : memref<128x128xf32, #tpu.memory_space<vmem>>) offsets(%arg8 : memref<128xi32, #tpu.memory_space<vmem>>) semaphore(%arg14 : memref<!tpu.dma_semaphore, #tpu.memory_space<semaphore_mem>>)
    %scan3A_319 = arith.constant 0 : i32
    %scan3A_320 = arith.constant 0 : i32
    %scan3A_321 = arith.constant 39 : i32
    %scan3A_322 = arith.addi %scan3A_320, %scan3A_321 : i32
    %scan3A_323 = arith.constant 1 : i32
    %scan3A_324 = scf.for %scan3A_339 = %scan3A_320 to %scan3A_322 step %scan3A_323 iter_args(%scan3A_340 = %scan3A_319) -> (i32)  : i32 {
      %mul3A_341 = arith.constant 2 : i32
      %mul3A_342 = arith.muli %mul3A_341, %scan3A_339 : i32
      %add3A_343 = arith.constant 0 : i32
      %add3A_344 = arith.addi %mul3A_342, %add3A_343 : i32
      %dma_wait3A_345 = arith.constant 0 : i32
      %dma_wait3A_346 = arith.constant 0 : i32
      %dma_wait3A_347 = tpu.memref_slice %arg2[%dma_wait3A_345, %dma_wait3A_346] : memref<10240x128xf32, #tpu.memory_space<hbm>> -> memref<10240x128xf32, #tpu.memory_space<hbm>>
      tpu.wait_indirect_dma semaphore(%arg13 : memref<!tpu.dma_semaphore, #tpu.memory_space<semaphore_mem>>) src(%dma_wait3A_347 : memref<10240x128xf32, #tpu.memory_space<hbm>>) dst(%arg10 : memref<128x128xf32, #tpu.memory_space<vmem>>)
      "tpu.region"() ({
        %run_scoped3A = tpu.sem_alloc : memref<!tpu.dma_semaphore, #tpu.memory_space<semaphore_mem>>
        %dma_start3A_654 = arith.constant 0 : i32
        %dma_start3A_655 = arith.constant 0 : i32
        %dma_start3A_656 = tpu.memref_slice %arg12[%dma_start3A_654, %dma_start3A_655] : memref<10240x128xf32, #tpu.memory_space<vmem_shared>> -> memref<10240x128xf32, #tpu.memory_space<vmem_shared>>
        tpu.enqueue_indirect_dma source(%arg10 : memref<128x128xf32, #tpu.memory_space<vmem>>) target(%dma_start3A_656 : memref<10240x128xf32, #tpu.memory_space<vmem_shared>>) offsets(%arg7 : memref<128xi32, #tpu.memory_space<vmem>>) semaphore(%run_scoped3A : memref<!tpu.dma_semaphore, #tpu.memory_space<semaphore_mem>>) {add = true}
        %dma_wait3A_657 = arith.constant 0 : i32
        %dma_wait3A_658 = arith.constant 0 : i32
        %dma_wait3A_659 = tpu.memref_slice %arg12[%dma_wait3A_657, %dma_wait3A_658] : memref<10240x128xf32, #tpu.memory_space<vmem_shared>> -> memref<10240x128xf32, #tpu.memory_space<vmem_shared>>
        tpu.wait_indirect_dma semaphore(%run_scoped3A : memref<!tpu.dma_semaphore, #tpu.memory_space<semaphore_mem>>) src(%arg10 : memref<128x128xf32, #tpu.memory_space<vmem>>) dst(%dma_wait3A_659 : memref<10240x128xf32, #tpu.memory_space<vmem_shared>>)
        tpu.yield
      }) : () -> ()
      %add3A_348 = arith.constant 2 : i32
      %add3A_349 = arith.addi %add3A_344, %add3A_348 : i32
      %get3A_350 = arith.index_cast %add3A_349 : i32 to index
      %get3A_351 = arith.constant 0 : index
      %get3A_352 = tpu.vector_load %arg5[%get3A_350, %get3A_351] {strides = array<i32>} : memref<80x128xi32, #tpu.memory_space<vmem>>, vector<1x16xi32>,
      %get3A_353 = vector.shape_cast %get3A_352 : vector<1x16xi32> to vector<16xi32>
      %and3A_354 = arith.constant 65535 : i32
      %and3A_355 = vector.broadcast %and3A_354 : i32 to vector<16xi32>
      %and3A_356 = arith.andi %get3A_353, %and3A_355 : vector<16xi32>
      %swap3A_357 = arith.constant 0 : index
      %swap3A_358 = tpu.vector_load %arg6[%swap3A_357] {strides = array<i32>} : memref<128xi32, #tpu.memory_space<vmem>>, vector<16xi32>,
      %swap3A_359 = vector.shape_cast %swap3A_358 : vector<16xi32> to vector<16xi32>
      %swap3A_360 = vector.shape_cast %and3A_356 : vector<16xi32> to vector<16xi32>
      tpu.vector_store %arg6[%swap3A_357], %swap3A_360 {strides = array<i32>} : memref<128xi32, #tpu.memory_space<vmem>>, vector<16xi32>,
      %shift_right_logical3A_361 = arith.constant 16 : i32
      %shift_right_logical3A_362 = vector.broadcast %shift_right_logical3A_361 : i32 to vector<16xi32>
      %shift_right_logical3A_363 = arith.shrui %get3A_353, %shift_right_logical3A_362 : vector<16xi32>
      %swap3A_364 = arith.constant 0 : index
      %swap3A_365 = tpu.vector_load %arg7[%swap3A_364] {strides = array<i32>} : memref<128xi32, #tpu.memory_space<vmem>>, vector<16xi32>,
      %swap3A_366 = vector.shape_cast %swap3A_365 : vector<16xi32> to vector<16xi32>
      %swap3A_367 = vector.shape_cast %shift_right_logical3A_363 : vector<16xi32> to vector<16xi32>
      tpu.vector_store %arg7[%swap3A_364], %swap3A_367 {strides = array<i32>} : memref<128xi32, #tpu.memory_space<vmem>>, vector<16xi32>,
      %get3A_368 = arith.index_cast %add3A_349 : i32 to index
      %get3A_369 = arith.constant 16 : index
      %get3A_370 = tpu.vector_load %arg5[%get3A_368, %get3A_369] {strides = array<i32>} : memref<80x128xi32, #tpu.memory_space<vmem>>, vector<1x16xi32>,
      %get3A_371 = vector.shape_cast %get3A_370 : vector<1x16xi32> to vector<16xi32>
      %and3A_372 = arith.constant 65535 : i32
      %and3A_373 = vector.broadcast %and3A_372 : i32 to vector<16xi32>
      %and3A_374 = arith.andi %get3A_371, %and3A_373 : vector<16xi32>
      %swap3A_375 = arith.constant 16 : index
      %swap3A_376 = tpu.vector_load %arg6[%swap3A_375] {strides = array<i32>} : memref<128xi32, #tpu.memory_space<vmem>>, vector<16xi32>,
      %swap3A_377 = vector.shape_cast %swap3A_376 : vector<16xi32> to vector<16xi32>
      %swap3A_378 = vector.shape_cast %and3A_374 : vector<16xi32> to vector<16xi32>
      tpu.vector_store %arg6[%swap3A_375], %swap3A_378 {strides = array<i32>} : memref<128xi32, #tpu.memory_space<vmem>>, vector<16xi32>,
      %shift_right_logical3A_379 = arith.constant 16 : i32
      %shift_right_logical3A_380 = vector.broadcast %shift_right_logical3A_379 : i32 to vector<16xi32>
      %shift_right_logical3A_381 = arith.shrui %get3A_371, %shift_right_logical3A_380 : vector<16xi32>
      %swap3A_382 = arith.constant 16 : index
      %swap3A_383 = tpu.vector_load %arg7[%swap3A_382] {strides = array<i32>} : memref<128xi32, #tpu.memory_space<vmem>>, vector<16xi32>,
      %swap3A_384 = vector.shape_cast %swap3A_383 : vector<16xi32> to vector<16xi32>
      %swap3A_385 = vector.shape_cast %shift_right_logical3A_381 : vector<16xi32> to vector<16xi32>
      tpu.vector_store %arg7[%swap3A_382], %swap3A_385 {strides = array<i32>} : memref<128xi32, #tpu.memory_space<vmem>>, vector<16xi32>,
      %get3A_386 = arith.index_cast %add3A_349 : i32 to index
      %get3A_387 = arith.constant 32 : index
      %get3A_388 = tpu.vector_load %arg5[%get3A_386, %get3A_387] {strides = array<i32>} : memref<80x128xi32, #tpu.memory_space<vmem>>, vector<1x16xi32>,
      %get3A_389 = vector.shape_cast %get3A_388 : vector<1x16xi32> to vector<16xi32>
      %and3A_390 = arith.constant 65535 : i32
      %and3A_391 = vector.broadcast %and3A_390 : i32 to vector<16xi32>
      %and3A_392 = arith.andi %get3A_389, %and3A_391 : vector<16xi32>
      %swap3A_393 = arith.constant 32 : index
      %swap3A_394 = tpu.vector_load %arg6[%swap3A_393] {strides = array<i32>} : memref<128xi32, #tpu.memory_space<vmem>>, vector<16xi32>,
      %swap3A_395 = vector.shape_cast %swap3A_394 : vector<16xi32> to vector<16xi32>
      %swap3A_396 = vector.shape_cast %and3A_392 : vector<16xi32> to vector<16xi32>
      tpu.vector_store %arg6[%swap3A_393], %swap3A_396 {strides = array<i32>} : memref<128xi32, #tpu.memory_space<vmem>>, vector<16xi32>,
      %shift_right_logical3A_397 = arith.constant 16 : i32
      %shift_right_logical3A_398 = vector.broadcast %shift_right_logical3A_397 : i32 to vector<16xi32>
      %shift_right_logical3A_399 = arith.shrui %get3A_389, %shift_right_logical3A_398 : vector<16xi32>
      %swap3A_400 = arith.constant 32 : index
      %swap3A_401 = tpu.vector_load %arg7[%swap3A_400] {strides = array<i32>} : memref<128xi32, #tpu.memory_space<vmem>>, vector<16xi32>,
      %swap3A_402 = vector.shape_cast %swap3A_401 : vector<16xi32> to vector<16xi32>
      %swap3A_403 = vector.shape_cast %shift_right_logical3A_399 : vector<16xi32> to vector<16xi32>
      tpu.vector_store %arg7[%swap3A_400], %swap3A_403 {strides = array<i32>} : memref<128xi32, #tpu.memory_space<vmem>>, vector<16xi32>,
      %get3A_404 = arith.index_cast %add3A_349 : i32 to index
      %get3A_405 = arith.constant 48 : index
      %get3A_406 = tpu.vector_load %arg5[%get3A_404, %get3A_405] {strides = array<i32>} : memref<80x128xi32, #tpu.memory_space<vmem>>, vector<1x16xi32>,
      %get3A_407 = vector.shape_cast %get3A_406 : vector<1x16xi32> to vector<16xi32>
      %and3A_408 = arith.constant 65535 : i32
      %and3A_409 = vector.broadcast %and3A_408 : i32 to vector<16xi32>
      %and3A_410 = arith.andi %get3A_407, %and3A_409 : vector<16xi32>
      %swap3A_411 = arith.constant 48 : index
      %swap3A_412 = tpu.vector_load %arg6[%swap3A_411] {strides = array<i32>} : memref<128xi32, #tpu.memory_space<vmem>>, vector<16xi32>,
      %swap3A_413 = vector.shape_cast %swap3A_412 : vector<16xi32> to vector<16xi32>
      %swap3A_414 = vector.shape_cast %and3A_410 : vector<16xi32> to vector<16xi32>
      tpu.vector_store %arg6[%swap3A_411], %swap3A_414 {strides = array<i32>} : memref<128xi32, #tpu.memory_space<vmem>>, vector<16xi32>,
      %shift_right_logical3A_415 = arith.constant 16 : i32
      %shift_right_logical3A_416 = vector.broadcast %shift_right_logical3A_415 : i32 to vector<16xi32>
      %shift_right_logical3A_417 = arith.shrui %get3A_407, %shift_right_logical3A_416 : vector<16xi32>
      %swap3A_418 = arith.constant 48 : index
      %swap3A_419 = tpu.vector_load %arg7[%swap3A_418] {strides = array<i32>} : memref<128xi32, #tpu.memory_space<vmem>>, vector<16xi32>,
      %swap3A_420 = vector.shape_cast %swap3A_419 : vector<16xi32> to vector<16xi32>
      %swap3A_421 = vector.shape_cast %shift_right_logical3A_417 : vector<16xi32> to vector<16xi32>
      tpu.vector_store %arg7[%swap3A_418], %swap3A_421 {strides = array<i32>} : memref<128xi32, #tpu.memory_space<vmem>>, vector<16xi32>,
      %get3A_422 = arith.index_cast %add3A_349 : i32 to index
      %get3A_423 = arith.constant 64 : index
      %get3A_424 = tpu.vector_load %arg5[%get3A_422, %get3A_423] {strides = array<i32>} : memref<80x128xi32, #tpu.memory_space<vmem>>, vector<1x16xi32>,
      %get3A_425 = vector.shape_cast %get3A_424 : vector<1x16xi32> to vector<16xi32>
      %and3A_426 = arith.constant 65535 : i32
      %and3A_427 = vector.broadcast %and3A_426 : i32 to vector<16xi32>
      %and3A_428 = arith.andi %get3A_425, %and3A_427 : vector<16xi32>
      %swap3A_429 = arith.constant 64 : index
      %swap3A_430 = tpu.vector_load %arg6[%swap3A_429] {strides = array<i32>} : memref<128xi32, #tpu.memory_space<vmem>>, vector<16xi32>,
      %swap3A_431 = vector.shape_cast %swap3A_430 : vector<16xi32> to vector<16xi32>
      %swap3A_432 = vector.shape_cast %and3A_428 : vector<16xi32> to vector<16xi32>
      tpu.vector_store %arg6[%swap3A_429], %swap3A_432 {strides = array<i32>} : memref<128xi32, #tpu.memory_space<vmem>>, vector<16xi32>,
      %shift_right_logical3A_433 = arith.constant 16 : i32
      %shift_right_logical3A_434 = vector.broadcast %shift_right_logical3A_433 : i32 to vector<16xi32>
      %shift_right_logical3A_435 = arith.shrui %get3A_425, %shift_right_logical3A_434 : vector<16xi32>
      %swap3A_436 = arith.constant 64 : index
      %swap3A_437 = tpu.vector_load %arg7[%swap3A_436] {strides = array<i32>} : memref<128xi32, #tpu.memory_space<vmem>>, vector<16xi32>,
      %swap3A_438 = vector.shape_cast %swap3A_437 : vector<16xi32> to vector<16xi32>
      %swap3A_439 = vector.shape_cast %shift_right_logical3A_435 : vector<16xi32> to vector<16xi32>
      tpu.vector_store %arg7[%swap3A_436], %swap3A_439 {strides = array<i32>} : memref<128xi32, #tpu.memory_space<vmem>>, vector<16xi32>,
      %get3A_440 = arith.index_cast %add3A_349 : i32 to index
      %get3A_441 = arith.constant 80 : index
      %get3A_442 = tpu.vector_load %arg5[%get3A_440, %get3A_441] {strides = array<i32>} : memref<80x128xi32, #tpu.memory_space<vmem>>, vector<1x16xi32>,
      %get3A_443 = vector.shape_cast %get3A_442 : vector<1x16xi32> to vector<16xi32>
      %and3A_444 = arith.constant 65535 : i32
      %and3A_445 = vector.broadcast %and3A_444 : i32 to vector<16xi32>
      %and3A_446 = arith.andi %get3A_443, %and3A_445 : vector<16xi32>
      %swap3A_447 = arith.constant 80 : index
      %swap3A_448 = tpu.vector_load %arg6[%swap3A_447] {strides = array<i32>} : memref<128xi32, #tpu.memory_space<vmem>>, vector<16xi32>,
      %swap3A_449 = vector.shape_cast %swap3A_448 : vector<16xi32> to vector<16xi32>
      %swap3A_450 = vector.shape_cast %and3A_446 : vector<16xi32> to vector<16xi32>
      tpu.vector_store %arg6[%swap3A_447], %swap3A_450 {strides = array<i32>} : memref<128xi32, #tpu.memory_space<vmem>>, vector<16xi32>,
      %shift_right_logical3A_451 = arith.constant 16 : i32
      %shift_right_logical3A_452 = vector.broadcast %shift_right_logical3A_451 : i32 to vector<16xi32>
      %shift_right_logical3A_453 = arith.shrui %get3A_443, %shift_right_logical3A_452 : vector<16xi32>
      %swap3A_454 = arith.constant 80 : index
      %swap3A_455 = tpu.vector_load %arg7[%swap3A_454] {strides = array<i32>} : memref<128xi32, #tpu.memory_space<vmem>>, vector<16xi32>,
      %swap3A_456 = vector.shape_cast %swap3A_455 : vector<16xi32> to vector<16xi32>
      %swap3A_457 = vector.shape_cast %shift_right_logical3A_453 : vector<16xi32> to vector<16xi32>
      tpu.vector_store %arg7[%swap3A_454], %swap3A_457 {strides = array<i32>} : memref<128xi32, #tpu.memory_space<vmem>>, vector<16xi32>,
      %get3A_458 = arith.index_cast %add3A_349 : i32 to index
      %get3A_459 = arith.constant 96 : index
      %get3A_460 = tpu.vector_load %arg5[%get3A_458, %get3A_459] {strides = array<i32>} : memref<80x128xi32, #tpu.memory_space<vmem>>, vector<1x16xi32>,
      %get3A_461 = vector.shape_cast %get3A_460 : vector<1x16xi32> to vector<16xi32>
      %and3A_462 = arith.constant 65535 : i32
      %and3A_463 = vector.broadcast %and3A_462 : i32 to vector<16xi32>
      %and3A_464 = arith.andi %get3A_461, %and3A_463 : vector<16xi32>
      %swap3A_465 = arith.constant 96 : index
      %swap3A_466 = tpu.vector_load %arg6[%swap3A_465] {strides = array<i32>} : memref<128xi32, #tpu.memory_space<vmem>>, vector<16xi32>,
      %swap3A_467 = vector.shape_cast %swap3A_466 : vector<16xi32> to vector<16xi32>
      %swap3A_468 = vector.shape_cast %and3A_464 : vector<16xi32> to vector<16xi32>
      tpu.vector_store %arg6[%swap3A_465], %swap3A_468 {strides = array<i32>} : memref<128xi32, #tpu.memory_space<vmem>>, vector<16xi32>,
      %shift_right_logical3A_469 = arith.constant 16 : i32
      %shift_right_logical3A_470 = vector.broadcast %shift_right_logical3A_469 : i32 to vector<16xi32>
      %shift_right_logical3A_471 = arith.shrui %get3A_461, %shift_right_logical3A_470 : vector<16xi32>
      %swap3A_472 = arith.constant 96 : index
      %swap3A_473 = tpu.vector_load %arg7[%swap3A_472] {strides = array<i32>} : memref<128xi32, #tpu.memory_space<vmem>>, vector<16xi32>,
      %swap3A_474 = vector.shape_cast %swap3A_473 : vector<16xi32> to vector<16xi32>
      %swap3A_475 = vector.shape_cast %shift_right_logical3A_471 : vector<16xi32> to vector<16xi32>
      tpu.vector_store %arg7[%swap3A_472], %swap3A_475 {strides = array<i32>} : memref<128xi32, #tpu.memory_space<vmem>>, vector<16xi32>,
      %get3A_476 = arith.index_cast %add3A_349 : i32 to index
      %get3A_477 = arith.constant 112 : index
      %get3A_478 = tpu.vector_load %arg5[%get3A_476, %get3A_477] {strides = array<i32>} : memref<80x128xi32, #tpu.memory_space<vmem>>, vector<1x16xi32>,
      %get3A_479 = vector.shape_cast %get3A_478 : vector<1x16xi32> to vector<16xi32>
      %and3A_480 = arith.constant 65535 : i32
      %and3A_481 = vector.broadcast %and3A_480 : i32 to vector<16xi32>
      %and3A_482 = arith.andi %get3A_479, %and3A_481 : vector<16xi32>
      %swap3A_483 = arith.constant 112 : index
      %swap3A_484 = tpu.vector_load %arg6[%swap3A_483] {strides = array<i32>} : memref<128xi32, #tpu.memory_space<vmem>>, vector<16xi32>,
      %swap3A_485 = vector.shape_cast %swap3A_484 : vector<16xi32> to vector<16xi32>
      %swap3A_486 = vector.shape_cast %and3A_482 : vector<16xi32> to vector<16xi32>
      tpu.vector_store %arg6[%swap3A_483], %swap3A_486 {strides = array<i32>} : memref<128xi32, #tpu.memory_space<vmem>>, vector<16xi32>,
      %shift_right_logical3A_487 = arith.constant 16 : i32
      %shift_right_logical3A_488 = vector.broadcast %shift_right_logical3A_487 : i32 to vector<16xi32>
      %shift_right_logical3A_489 = arith.shrui %get3A_479, %shift_right_logical3A_488 : vector<16xi32>
      %swap3A_490 = arith.constant 112 : index
      %swap3A_491 = tpu.vector_load %arg7[%swap3A_490] {strides = array<i32>} : memref<128xi32, #tpu.memory_space<vmem>>, vector<16xi32>,
      %swap3A_492 = vector.shape_cast %swap3A_491 : vector<16xi32> to vector<16xi32>
      %swap3A_493 = vector.shape_cast %shift_right_logical3A_489 : vector<16xi32> to vector<16xi32>
      tpu.vector_store %arg7[%swap3A_490], %swap3A_493 {strides = array<i32>} : memref<128xi32, #tpu.memory_space<vmem>>, vector<16xi32>,
      %dma_start3A_494 = arith.constant 0 : i32
      %dma_start3A_495 = arith.constant 0 : i32
      %dma_start3A_496 = tpu.memref_slice %arg2[%dma_start3A_494, %dma_start3A_495] : memref<10240x128xf32, #tpu.memory_space<hbm>> -> memref<10240x128xf32, #tpu.memory_space<hbm>>
      tpu.enqueue_indirect_dma source(%dma_start3A_496 : memref<10240x128xf32, #tpu.memory_space<hbm>>) target(%arg10 : memref<128x128xf32, #tpu.memory_space<vmem>>) offsets(%arg6 : memref<128xi32, #tpu.memory_space<vmem>>) semaphore(%arg13 : memref<!tpu.dma_semaphore, #tpu.memory_space<semaphore_mem>>)
      %mul3A_497 = arith.constant 2 : i32
      %mul3A_498 = arith.muli %mul3A_497, %scan3A_339 : i32
      %add3A_499 = arith.constant 1 : i32
      %add3A_500 = arith.addi %mul3A_498, %add3A_499 : i32
      %dma_wait3A_501 = arith.constant 0 : i32
      %dma_wait3A_502 = arith.constant 0 : i32
      %dma_wait3A_503 = tpu.memref_slice %arg2[%dma_wait3A_501, %dma_wait3A_502] : memref<10240x128xf32, #tpu.memory_space<hbm>> -> memref<10240x128xf32, #tpu.memory_space<hbm>>
      tpu.wait_indirect_dma semaphore(%arg14 : memref<!tpu.dma_semaphore, #tpu.memory_space<semaphore_mem>>) src(%dma_wait3A_503 : memref<10240x128xf32, #tpu.memory_space<hbm>>) dst(%arg11 : memref<128x128xf32, #tpu.memory_space<vmem>>)
      "tpu.region"() ({
        %run_scoped3A = tpu.sem_alloc : memref<!tpu.dma_semaphore, #tpu.memory_space<semaphore_mem>>
        %dma_start3A_654 = arith.constant 0 : i32
        %dma_start3A_655 = arith.constant 0 : i32
        %dma_start3A_656 = tpu.memref_slice %arg12[%dma_start3A_654, %dma_start3A_655] : memref<10240x128xf32, #tpu.memory_space<vmem_shared>> -> memref<10240x128xf32, #tpu.memory_space<vmem_shared>>
        tpu.enqueue_indirect_dma source(%arg11 : memref<128x128xf32, #tpu.memory_space<vmem>>) target(%dma_start3A_656 : memref<10240x128xf32, #tpu.memory_space<vmem_shared>>) offsets(%arg9 : memref<128xi32, #tpu.memory_space<vmem>>) semaphore(%run_scoped3A : memref<!tpu.dma_semaphore, #tpu.memory_space<semaphore_mem>>) {add = true}
        %dma_wait3A_657 = arith.constant 0 : i32
        %dma_wait3A_658 = arith.constant 0 : i32
        %dma_wait3A_659 = tpu.memref_slice %arg12[%dma_wait3A_657, %dma_wait3A_658] : memref<10240x128xf32, #tpu.memory_space<vmem_shared>> -> memref<10240x128xf32, #tpu.memory_space<vmem_shared>>
        tpu.wait_indirect_dma semaphore(%run_scoped3A : memref<!tpu.dma_semaphore, #tpu.memory_space<semaphore_mem>>) src(%arg11 : memref<128x128xf32, #tpu.memory_space<vmem>>) dst(%dma_wait3A_659 : memref<10240x128xf32, #tpu.memory_space<vmem_shared>>)
        tpu.yield
      }) : () -> ()
      %add3A_504 = arith.constant 2 : i32
      %add3A_505 = arith.addi %add3A_500, %add3A_504 : i32
      %get3A_506 = arith.index_cast %add3A_505 : i32 to index
      %get3A_507 = arith.constant 0 : index
      %get3A_508 = tpu.vector_load %arg5[%get3A_506, %get3A_507] {strides = array<i32>} : memref<80x128xi32, #tpu.memory_space<vmem>>, vector<1x16xi32>,
      %get3A_509 = vector.shape_cast %get3A_508 : vector<1x16xi32> to vector<16xi32>
      %and3A_510 = arith.constant 65535 : i32
      %and3A_511 = vector.broadcast %and3A_510 : i32 to vector<16xi32>
      %and3A_512 = arith.andi %get3A_509, %and3A_511 : vector<16xi32>
      %swap3A_513 = arith.constant 0 : index
      %swap3A_514 = tpu.vector_load %arg8[%swap3A_513] {strides = array<i32>} : memref<128xi32, #tpu.memory_space<vmem>>, vector<16xi32>,
      %swap3A_515 = vector.shape_cast %swap3A_514 : vector<16xi32> to vector<16xi32>
      %swap3A_516 = vector.shape_cast %and3A_512 : vector<16xi32> to vector<16xi32>
      tpu.vector_store %arg8[%swap3A_513], %swap3A_516 {strides = array<i32>} : memref<128xi32, #tpu.memory_space<vmem>>, vector<16xi32>,
      %shift_right_logical3A_517 = arith.constant 16 : i32
      %shift_right_logical3A_518 = vector.broadcast %shift_right_logical3A_517 : i32 to vector<16xi32>
      %shift_right_logical3A_519 = arith.shrui %get3A_509, %shift_right_logical3A_518 : vector<16xi32>
      %swap3A_520 = arith.constant 0 : index
      %swap3A_521 = tpu.vector_load %arg9[%swap3A_520] {strides = array<i32>} : memref<128xi32, #tpu.memory_space<vmem>>, vector<16xi32>,
      %swap3A_522 = vector.shape_cast %swap3A_521 : vector<16xi32> to vector<16xi32>
      %swap3A_523 = vector.shape_cast %shift_right_logical3A_519 : vector<16xi32> to vector<16xi32>
      tpu.vector_store %arg9[%swap3A_520], %swap3A_523 {strides = array<i32>} : memref<128xi32, #tpu.memory_space<vmem>>, vector<16xi32>,
      %get3A_524 = arith.index_cast %add3A_505 : i32 to index
      %get3A_525 = arith.constant 16 : index
      %get3A_526 = tpu.vector_load %arg5[%get3A_524, %get3A_525] {strides = array<i32>} : memref<80x128xi32, #tpu.memory_space<vmem>>, vector<1x16xi32>,
      %get3A_527 = vector.shape_cast %get3A_526 : vector<1x16xi32> to vector<16xi32>
      %and3A_528 = arith.constant 65535 : i32
      %and3A_529 = vector.broadcast %and3A_528 : i32 to vector<16xi32>
      %and3A_530 = arith.andi %get3A_527, %and3A_529 : vector<16xi32>
      %swap3A_531 = arith.constant 16 : index
      %swap3A_532 = tpu.vector_load %arg8[%swap3A_531] {strides = array<i32>} : memref<128xi32, #tpu.memory_space<vmem>>, vector<16xi32>,
      %swap3A_533 = vector.shape_cast %swap3A_532 : vector<16xi32> to vector<16xi32>
      %swap3A_534 = vector.shape_cast %and3A_530 : vector<16xi32> to vector<16xi32>
      tpu.vector_store %arg8[%swap3A_531], %swap3A_534 {strides = array<i32>} : memref<128xi32, #tpu.memory_space<vmem>>, vector<16xi32>,
      %shift_right_logical3A_535 = arith.constant 16 : i32
      %shift_right_logical3A_536 = vector.broadcast %shift_right_logical3A_535 : i32 to vector<16xi32>
      %shift_right_logical3A_537 = arith.shrui %get3A_527, %shift_right_logical3A_536 : vector<16xi32>
      %swap3A_538 = arith.constant 16 : index
      %swap3A_539 = tpu.vector_load %arg9[%swap3A_538] {strides = array<i32>} : memref<128xi32, #tpu.memory_space<vmem>>, vector<16xi32>,
      %swap3A_540 = vector.shape_cast %swap3A_539 : vector<16xi32> to vector<16xi32>
      %swap3A_541 = vector.shape_cast %shift_right_logical3A_537 : vector<16xi32> to vector<16xi32>
      tpu.vector_store %arg9[%swap3A_538], %swap3A_541 {strides = array<i32>} : memref<128xi32, #tpu.memory_space<vmem>>, vector<16xi32>,
      %get3A_542 = arith.index_cast %add3A_505 : i32 to index
      %get3A_543 = arith.constant 32 : index
      %get3A_544 = tpu.vector_load %arg5[%get3A_542, %get3A_543] {strides = array<i32>} : memref<80x128xi32, #tpu.memory_space<vmem>>, vector<1x16xi32>,
      %get3A_545 = vector.shape_cast %get3A_544 : vector<1x16xi32> to vector<16xi32>
      %and3A_546 = arith.constant 65535 : i32
      %and3A_547 = vector.broadcast %and3A_546 : i32 to vector<16xi32>
      %and3A_548 = arith.andi %get3A_545, %and3A_547 : vector<16xi32>
      %swap3A_549 = arith.constant 32 : index
      %swap3A_550 = tpu.vector_load %arg8[%swap3A_549] {strides = array<i32>} : memref<128xi32, #tpu.memory_space<vmem>>, vector<16xi32>,
      %swap3A_551 = vector.shape_cast %swap3A_550 : vector<16xi32> to vector<16xi32>
      %swap3A_552 = vector.shape_cast %and3A_548 : vector<16xi32> to vector<16xi32>
      tpu.vector_store %arg8[%swap3A_549], %swap3A_552 {strides = array<i32>} : memref<128xi32, #tpu.memory_space<vmem>>, vector<16xi32>,
      %shift_right_logical3A_553 = arith.constant 16 : i32
      %shift_right_logical3A_554 = vector.broadcast %shift_right_logical3A_553 : i32 to vector<16xi32>
      %shift_right_logical3A_555 = arith.shrui %get3A_545, %shift_right_logical3A_554 : vector<16xi32>
      %swap3A_556 = arith.constant 32 : index
      %swap3A_557 = tpu.vector_load %arg9[%swap3A_556] {strides = array<i32>} : memref<128xi32, #tpu.memory_space<vmem>>, vector<16xi32>,
      %swap3A_558 = vector.shape_cast %swap3A_557 : vector<16xi32> to vector<16xi32>
      %swap3A_559 = vector.shape_cast %shift_right_logical3A_555 : vector<16xi32> to vector<16xi32>
      tpu.vector_store %arg9[%swap3A_556], %swap3A_559 {strides = array<i32>} : memref<128xi32, #tpu.memory_space<vmem>>, vector<16xi32>,
      %get3A_560 = arith.index_cast %add3A_505 : i32 to index
      %get3A_561 = arith.constant 48 : index
      %get3A_562 = tpu.vector_load %arg5[%get3A_560, %get3A_561] {strides = array<i32>} : memref<80x128xi32, #tpu.memory_space<vmem>>, vector<1x16xi32>,
      %get3A_563 = vector.shape_cast %get3A_562 : vector<1x16xi32> to vector<16xi32>
      %and3A_564 = arith.constant 65535 : i32
      %and3A_565 = vector.broadcast %and3A_564 : i32 to vector<16xi32>
      %and3A_566 = arith.andi %get3A_563, %and3A_565 : vector<16xi32>
      %swap3A_567 = arith.constant 48 : index
      %swap3A_568 = tpu.vector_load %arg8[%swap3A_567] {strides = array<i32>} : memref<128xi32, #tpu.memory_space<vmem>>, vector<16xi32>,
      %swap3A_569 = vector.shape_cast %swap3A_568 : vector<16xi32> to vector<16xi32>
      %swap3A_570 = vector.shape_cast %and3A_566 : vector<16xi32> to vector<16xi32>
      tpu.vector_store %arg8[%swap3A_567], %swap3A_570 {strides = array<i32>} : memref<128xi32, #tpu.memory_space<vmem>>, vector<16xi32>,
      %shift_right_logical3A_571 = arith.constant 16 : i32
      %shift_right_logical3A_572 = vector.broadcast %shift_right_logical3A_571 : i32 to vector<16xi32>
      %shift_right_logical3A_573 = arith.shrui %get3A_563, %shift_right_logical3A_572 : vector<16xi32>
      %swap3A_574 = arith.constant 48 : index
      %swap3A_575 = tpu.vector_load %arg9[%swap3A_574] {strides = array<i32>} : memref<128xi32, #tpu.memory_space<vmem>>, vector<16xi32>,
      %swap3A_576 = vector.shape_cast %swap3A_575 : vector<16xi32> to vector<16xi32>
      %swap3A_577 = vector.shape_cast %shift_right_logical3A_573 : vector<16xi32> to vector<16xi32>
      tpu.vector_store %arg9[%swap3A_574], %swap3A_577 {strides = array<i32>} : memref<128xi32, #tpu.memory_space<vmem>>, vector<16xi32>,
      %get3A_578 = arith.index_cast %add3A_505 : i32 to index
      %get3A_579 = arith.constant 64 : index
      %get3A_580 = tpu.vector_load %arg5[%get3A_578, %get3A_579] {strides = array<i32>} : memref<80x128xi32, #tpu.memory_space<vmem>>, vector<1x16xi32>,
      %get3A_581 = vector.shape_cast %get3A_580 : vector<1x16xi32> to vector<16xi32>
      %and3A_582 = arith.constant 65535 : i32
      %and3A_583 = vector.broadcast %and3A_582 : i32 to vector<16xi32>
      %and3A_584 = arith.andi %get3A_581, %and3A_583 : vector<16xi32>
      %swap3A_585 = arith.constant 64 : index
      %swap3A_586 = tpu.vector_load %arg8[%swap3A_585] {strides = array<i32>} : memref<128xi32, #tpu.memory_space<vmem>>, vector<16xi32>,
      %swap3A_587 = vector.shape_cast %swap3A_586 : vector<16xi32> to vector<16xi32>
      %swap3A_588 = vector.shape_cast %and3A_584 : vector<16xi32> to vector<16xi32>
      tpu.vector_store %arg8[%swap3A_585], %swap3A_588 {strides = array<i32>} : memref<128xi32, #tpu.memory_space<vmem>>, vector<16xi32>,
      %shift_right_logical3A_589 = arith.constant 16 : i32
      %shift_right_logical3A_590 = vector.broadcast %shift_right_logical3A_589 : i32 to vector<16xi32>
      %shift_right_logical3A_591 = arith.shrui %get3A_581, %shift_right_logical3A_590 : vector<16xi32>
      %swap3A_592 = arith.constant 64 : index
      %swap3A_593 = tpu.vector_load %arg9[%swap3A_592] {strides = array<i32>} : memref<128xi32, #tpu.memory_space<vmem>>, vector<16xi32>,
      %swap3A_594 = vector.shape_cast %swap3A_593 : vector<16xi32> to vector<16xi32>
      %swap3A_595 = vector.shape_cast %shift_right_logical3A_591 : vector<16xi32> to vector<16xi32>
      tpu.vector_store %arg9[%swap3A_592], %swap3A_595 {strides = array<i32>} : memref<128xi32, #tpu.memory_space<vmem>>, vector<16xi32>,
      %get3A_596 = arith.index_cast %add3A_505 : i32 to index
      %get3A_597 = arith.constant 80 : index
      %get3A_598 = tpu.vector_load %arg5[%get3A_596, %get3A_597] {strides = array<i32>} : memref<80x128xi32, #tpu.memory_space<vmem>>, vector<1x16xi32>,
      %get3A_599 = vector.shape_cast %get3A_598 : vector<1x16xi32> to vector<16xi32>
      %and3A_600 = arith.constant 65535 : i32
      %and3A_601 = vector.broadcast %and3A_600 : i32 to vector<16xi32>
      %and3A_602 = arith.andi %get3A_599, %and3A_601 : vector<16xi32>
      %swap3A_603 = arith.constant 80 : index
      %swap3A_604 = tpu.vector_load %arg8[%swap3A_603] {strides = array<i32>} : memref<128xi32, #tpu.memory_space<vmem>>, vector<16xi32>,
      %swap3A_605 = vector.shape_cast %swap3A_604 : vector<16xi32> to vector<16xi32>
      %swap3A_606 = vector.shape_cast %and3A_602 : vector<16xi32> to vector<16xi32>
      tpu.vector_store %arg8[%swap3A_603], %swap3A_606 {strides = array<i32>} : memref<128xi32, #tpu.memory_space<vmem>>, vector<16xi32>,
      %shift_right_logical3A_607 = arith.constant 16 : i32
      %shift_right_logical3A_608 = vector.broadcast %shift_right_logical3A_607 : i32 to vector<16xi32>
      %shift_right_logical3A_609 = arith.shrui %get3A_599, %shift_right_logical3A_608 : vector<16xi32>
      %swap3A_610 = arith.constant 80 : index
      %swap3A_611 = tpu.vector_load %arg9[%swap3A_610] {strides = array<i32>} : memref<128xi32, #tpu.memory_space<vmem>>, vector<16xi32>,
      %swap3A_612 = vector.shape_cast %swap3A_611 : vector<16xi32> to vector<16xi32>
      %swap3A_613 = vector.shape_cast %shift_right_logical3A_609 : vector<16xi32> to vector<16xi32>
      tpu.vector_store %arg9[%swap3A_610], %swap3A_613 {strides = array<i32>} : memref<128xi32, #tpu.memory_space<vmem>>, vector<16xi32>,
      %get3A_614 = arith.index_cast %add3A_505 : i32 to index
      %get3A_615 = arith.constant 96 : index
      %get3A_616 = tpu.vector_load %arg5[%get3A_614, %get3A_615] {strides = array<i32>} : memref<80x128xi32, #tpu.memory_space<vmem>>, vector<1x16xi32>,
      %get3A_617 = vector.shape_cast %get3A_616 : vector<1x16xi32> to vector<16xi32>
      %and3A_618 = arith.constant 65535 : i32
      %and3A_619 = vector.broadcast %and3A_618 : i32 to vector<16xi32>
      %and3A_620 = arith.andi %get3A_617, %and3A_619 : vector<16xi32>
      %swap3A_621 = arith.constant 96 : index
      %swap3A_622 = tpu.vector_load %arg8[%swap3A_621] {strides = array<i32>} : memref<128xi32, #tpu.memory_space<vmem>>, vector<16xi32>,
      %swap3A_623 = vector.shape_cast %swap3A_622 : vector<16xi32> to vector<16xi32>
      %swap3A_624 = vector.shape_cast %and3A_620 : vector<16xi32> to vector<16xi32>
      tpu.vector_store %arg8[%swap3A_621], %swap3A_624 {strides = array<i32>} : memref<128xi32, #tpu.memory_space<vmem>>, vector<16xi32>,
      %shift_right_logical3A_625 = arith.constant 16 : i32
      %shift_right_logical3A_626 = vector.broadcast %shift_right_logical3A_625 : i32 to vector<16xi32>
      %shift_right_logical3A_627 = arith.shrui %get3A_617, %shift_right_logical3A_626 : vector<16xi32>
      %swap3A_628 = arith.constant 96 : index
      %swap3A_629 = tpu.vector_load %arg9[%swap3A_628] {strides = array<i32>} : memref<128xi32, #tpu.memory_space<vmem>>, vector<16xi32>,
      %swap3A_630 = vector.shape_cast %swap3A_629 : vector<16xi32> to vector<16xi32>
      %swap3A_631 = vector.shape_cast %shift_right_logical3A_627 : vector<16xi32> to vector<16xi32>
      tpu.vector_store %arg9[%swap3A_628], %swap3A_631 {strides = array<i32>} : memref<128xi32, #tpu.memory_space<vmem>>, vector<16xi32>,
      %get3A_632 = arith.index_cast %add3A_505 : i32 to index
      %get3A_633 = arith.constant 112 : index
      %get3A_634 = tpu.vector_load %arg5[%get3A_632, %get3A_633] {strides = array<i32>} : memref<80x128xi32, #tpu.memory_space<vmem>>, vector<1x16xi32>,
      %get3A_635 = vector.shape_cast %get3A_634 : vector<1x16xi32> to vector<16xi32>
      %and3A_636 = arith.constant 65535 : i32
      %and3A_637 = vector.broadcast %and3A_636 : i32 to vector<16xi32>
      %and3A_638 = arith.andi %get3A_635, %and3A_637 : vector<16xi32>
      %swap3A_639 = arith.constant 112 : index
      %swap3A_640 = tpu.vector_load %arg8[%swap3A_639] {strides = array<i32>} : memref<128xi32, #tpu.memory_space<vmem>>, vector<16xi32>,
      %swap3A_641 = vector.shape_cast %swap3A_640 : vector<16xi32> to vector<16xi32>
      %swap3A_642 = vector.shape_cast %and3A_638 : vector<16xi32> to vector<16xi32>
      tpu.vector_store %arg8[%swap3A_639], %swap3A_642 {strides = array<i32>} : memref<128xi32, #tpu.memory_space<vmem>>, vector<16xi32>,
      %shift_right_logical3A_643 = arith.constant 16 : i32
      %shift_right_logical3A_644 = vector.broadcast %shift_right_logical3A_643 : i32 to vector<16xi32>
      %shift_right_logical3A_645 = arith.shrui %get3A_635, %shift_right_logical3A_644 : vector<16xi32>
      %swap3A_646 = arith.constant 112 : index
      %swap3A_647 = tpu.vector_load %arg9[%swap3A_646] {strides = array<i32>} : memref<128xi32, #tpu.memory_space<vmem>>, vector<16xi32>,
      %swap3A_648 = vector.shape_cast %swap3A_647 : vector<16xi32> to vector<16xi32>
      %swap3A_649 = vector.shape_cast %shift_right_logical3A_645 : vector<16xi32> to vector<16xi32>
      tpu.vector_store %arg9[%swap3A_646], %swap3A_649 {strides = array<i32>} : memref<128xi32, #tpu.memory_space<vmem>>, vector<16xi32>,
      %dma_start3A_650 = arith.constant 0 : i32
      %dma_start3A_651 = arith.constant 0 : i32
      %dma_start3A_652 = tpu.memref_slice %arg2[%dma_start3A_650, %dma_start3A_651] : memref<10240x128xf32, #tpu.memory_space<hbm>> -> memref<10240x128xf32, #tpu.memory_space<hbm>>
      tpu.enqueue_indirect_dma source(%dma_start3A_652 : memref<10240x128xf32, #tpu.memory_space<hbm>>) target(%arg11 : memref<128x128xf32, #tpu.memory_space<vmem>>) offsets(%arg8 : memref<128xi32, #tpu.memory_space<vmem>>) semaphore(%arg14 : memref<!tpu.dma_semaphore, #tpu.memory_space<semaphore_mem>>)
      %scan3A_653 = arith.constant 0 : i32
      scf.yield %scan3A_653 : i32
    }
    %scan3A_325 = arith.constant 39 : i32
    %dma_wait3A = arith.constant 0 : i32
    %dma_wait3A_326 = arith.constant 0 : i32
    %dma_wait3A_327 = tpu.memref_slice %arg2[%dma_wait3A, %dma_wait3A_326] : memref<10240x128xf32, #tpu.memory_space<hbm>> -> memref<10240x128xf32, #tpu.memory_space<hbm>>
    tpu.wait_indirect_dma semaphore(%arg13 : memref<!tpu.dma_semaphore, #tpu.memory_space<semaphore_mem>>) src(%dma_wait3A_327 : memref<10240x128xf32, #tpu.memory_space<hbm>>) dst(%arg10 : memref<128x128xf32, #tpu.memory_space<vmem>>)
    "tpu.region"() ({
      %run_scoped3A = tpu.sem_alloc : memref<!tpu.dma_semaphore, #tpu.memory_space<semaphore_mem>>
      %dma_start3A_339 = arith.constant 0 : i32
      %dma_start3A_340 = arith.constant 0 : i32
      %dma_start3A_341 = tpu.memref_slice %arg12[%dma_start3A_339, %dma_start3A_340] : memref<10240x128xf32, #tpu.memory_space<vmem_shared>> -> memref<10240x128xf32, #tpu.memory_space<vmem_shared>>
      tpu.enqueue_indirect_dma source(%arg10 : memref<128x128xf32, #tpu.memory_space<vmem>>) target(%dma_start3A_341 : memref<10240x128xf32, #tpu.memory_space<vmem_shared>>) offsets(%arg7 : memref<128xi32, #tpu.memory_space<vmem>>) semaphore(%run_scoped3A : memref<!tpu.dma_semaphore, #tpu.memory_space<semaphore_mem>>) {add = true}
      %dma_wait3A_342 = arith.constant 0 : i32
      %dma_wait3A_343 = arith.constant 0 : i32
      %dma_wait3A_344 = tpu.memref_slice %arg12[%dma_wait3A_342, %dma_wait3A_343] : memref<10240x128xf32, #tpu.memory_space<vmem_shared>> -> memref<10240x128xf32, #tpu.memory_space<vmem_shared>>
      tpu.wait_indirect_dma semaphore(%run_scoped3A : memref<!tpu.dma_semaphore, #tpu.memory_space<semaphore_mem>>) src(%arg10 : memref<128x128xf32, #tpu.memory_space<vmem>>) dst(%dma_wait3A_344 : memref<10240x128xf32, #tpu.memory_space<vmem_shared>>)
      tpu.yield
    }) : () -> ()
    %dma_wait3A_328 = arith.constant 0 : i32
    %dma_wait3A_329 = arith.constant 0 : i32
    %dma_wait3A_330 = tpu.memref_slice %arg2[%dma_wait3A_328, %dma_wait3A_329] : memref<10240x128xf32, #tpu.memory_space<hbm>> -> memref<10240x128xf32, #tpu.memory_space<hbm>>
    tpu.wait_indirect_dma semaphore(%arg14 : memref<!tpu.dma_semaphore, #tpu.memory_space<semaphore_mem>>) src(%dma_wait3A_330 : memref<10240x128xf32, #tpu.memory_space<hbm>>) dst(%arg11 : memref<128x128xf32, #tpu.memory_space<vmem>>)
    "tpu.region"() ({
      %run_scoped3A = tpu.sem_alloc : memref<!tpu.dma_semaphore, #tpu.memory_space<semaphore_mem>>
      %dma_start3A_339 = arith.constant 0 : i32
      %dma_start3A_340 = arith.constant 0 : i32
      %dma_start3A_341 = tpu.memref_slice %arg12[%dma_start3A_339, %dma_start3A_340] : memref<10240x128xf32, #tpu.memory_space<vmem_shared>> -> memref<10240x128xf32, #tpu.memory_space<vmem_shared>>
      tpu.enqueue_indirect_dma source(%arg11 : memref<128x128xf32, #tpu.memory_space<vmem>>) target(%dma_start3A_341 : memref<10240x128xf32, #tpu.memory_space<vmem_shared>>) offsets(%arg9 : memref<128xi32, #tpu.memory_space<vmem>>) semaphore(%run_scoped3A : memref<!tpu.dma_semaphore, #tpu.memory_space<semaphore_mem>>) {add = true}
      %dma_wait3A_342 = arith.constant 0 : i32
      %dma_wait3A_343 = arith.constant 0 : i32
      %dma_wait3A_344 = tpu.memref_slice %arg12[%dma_wait3A_342, %dma_wait3A_343] : memref<10240x128xf32, #tpu.memory_space<vmem_shared>> -> memref<10240x128xf32, #tpu.memory_space<vmem_shared>>
      tpu.wait_indirect_dma semaphore(%run_scoped3A : memref<!tpu.dma_semaphore, #tpu.memory_space<semaphore_mem>>) src(%arg11 : memref<128x128xf32, #tpu.memory_space<vmem>>) dst(%dma_wait3A_344 : memref<10240x128xf32, #tpu.memory_space<vmem_shared>>)
      tpu.yield
    }) : () -> ()
    %barrier3A_331 = arith.constant 0 : index
    tpu.barrier barrier_id(%barrier3A_331)
    %scan3A_332 = arith.constant 0 : i32
    %scan3A_333 = arith.constant 0 : i32
    %scan3A_334 = arith.constant 5 : i32
    %scan3A_335 = arith.addi %scan3A_333, %scan3A_334 : i32
    %scan3A_336 = arith.constant 1 : i32
    %scan3A_337 = scf.for %scan3A_339 = %scan3A_333 to %scan3A_335 step %scan3A_336 iter_args(%scan3A_340 = %scan3A_332) -> (i32)  : i32 {
      %mul3A_341 = arith.constant 640 : i32
      %mul3A_342 = arith.muli %arg1, %mul3A_341 : i32
      %mul3A_343 = arith.constant 128 : i32
      %mul3A_344 = arith.muli %scan3A_339, %mul3A_343 : i32
      %add3A_345 = arith.addi %mul3A_342, %mul3A_344 : i32
      "tpu.region"() ({
        %run_scoped3A = tpu.sem_alloc : memref<!tpu.dma_semaphore, #tpu.memory_space<semaphore_mem>>
        %dma_start3A_347 = arith.constant 0 : i32
        %dma_start3A_348 = tpu.memref_slice %arg12[%add3A_345, %dma_start3A_347] : memref<10240x128xf32, #tpu.memory_space<vmem_shared>> -> memref<128x128xf32, #tpu.memory_space<vmem_shared>>
        %dma_start3A_349 = arith.constant 0 : i32
        %dma_start3A_350 = tpu.memref_slice %arg12[%add3A_345, %dma_start3A_349] : memref<10240x128xf32, #tpu.memory_space<vmem_shared>> -> memref<128x128xf32, #tpu.memory_space<vmem_shared>>
        tpu.enqueue_dma source(%dma_start3A_350 : memref<128x128xf32, #tpu.memory_space<vmem_shared>>) target(%arg11 : memref<128x128xf32, #tpu.memory_space<vmem>>) target_semaphore(%run_scoped3A : memref<!tpu.dma_semaphore, #tpu.memory_space<semaphore_mem>>)
        %dma_wait3A_351 = arith.constant 0 : i32
        %dma_wait3A_352 = tpu.memref_slice %arg12[%add3A_345, %dma_wait3A_351] : memref<10240x128xf32, #tpu.memory_space<vmem_shared>> -> memref<128x128xf32, #tpu.memory_space<vmem_shared>>
        %dma_wait3A_353 = arith.constant 0 : i32
        %dma_wait3A_354 = tpu.memref_slice %arg12[%add3A_345, %dma_wait3A_353] : memref<10240x128xf32, #tpu.memory_space<vmem_shared>> -> memref<128x128xf32, #tpu.memory_space<vmem_shared>>
        tpu.wait_dma2 semaphore(%run_scoped3A : memref<!tpu.dma_semaphore, #tpu.memory_space<semaphore_mem>>) src(%dma_wait3A_354 : memref<128x128xf32, #tpu.memory_space<vmem_shared>>) dst(%arg11 : memref<128x128xf32, #tpu.memory_space<vmem>>)
        tpu.yield
      }) : () -> ()
      "tpu.region"() ({
        %run_scoped3A = tpu.sem_alloc : memref<!tpu.dma_semaphore, #tpu.memory_space<semaphore_mem>>
        %dma_start3A_347 = arith.constant 0 : i32
        %dma_start3A_348 = tpu.memref_slice %arg4[%arg0, %add3A_345, %dma_start3A_347] : memref<2x10240x128xf32, #tpu.memory_space<hbm>> -> memref<1x128x128xf32, #tpu.memory_space<hbm>>
        %dma_start3A_349 = tpu.memref_squeeze %dma_start3A_348 : memref<1x128x128xf32, #tpu.memory_space<hbm>> -> memref<128x128xf32, #tpu.memory_space<hbm>>
        %dma_start3A_350 = arith.constant 0 : i32
        %dma_start3A_351 = tpu.memref_slice %arg4[%arg0, %add3A_345, %dma_start3A_350] : memref<2x10240x128xf32, #tpu.memory_space<hbm>> -> memref<1x128x128xf32, #tpu.memory_space<hbm>>
        %dma_start3A_352 = tpu.memref_squeeze %dma_start3A_351 : memref<1x128x128xf32, #tpu.memory_space<hbm>> -> memref<128x128xf32, #tpu.memory_space<hbm>>
        tpu.enqueue_dma source(%arg11 : memref<128x128xf32, #tpu.memory_space<vmem>>) target(%dma_start3A_352 : memref<128x128xf32, #tpu.memory_space<hbm>>) target_semaphore(%run_scoped3A : memref<!tpu.dma_semaphore, #tpu.memory_space<semaphore_mem>>)
        %dma_wait3A_353 = arith.constant 0 : i32
        %dma_wait3A_354 = tpu.memref_slice %arg4[%arg0, %add3A_345, %dma_wait3A_353] : memref<2x10240x128xf32, #tpu.memory_space<hbm>> -> memref<1x128x128xf32, #tpu.memory_space<hbm>>
        %dma_wait3A_355 = tpu.memref_squeeze %dma_wait3A_354 : memref<1x128x128xf32, #tpu.memory_space<hbm>> -> memref<128x128xf32, #tpu.memory_space<hbm>>
        %dma_wait3A_356 = arith.constant 0 : i32
        %dma_wait3A_357 = tpu.memref_slice %arg4[%arg0, %add3A_345, %dma_wait3A_356] : memref<2x10240x128xf32, #tpu.memory_space<hbm>> -> memref<1x128x128xf32, #tpu.memory_space<hbm>>
        %dma_wait3A_358 = tpu.memref_squeeze %dma_wait3A_357 : memref<1x128x128xf32, #tpu.memory_space<hbm>> -> memref<128x128xf32, #tpu.memory_space<hbm>>
        tpu.wait_dma2 semaphore(%run_scoped3A : memref<!tpu.dma_semaphore, #tpu.memory_space<semaphore_mem>>) src(%arg11 : memref<128x128xf32, #tpu.memory_space<vmem>>) dst(%dma_wait3A_358 : memref<128x128xf32, #tpu.memory_space<hbm>>)
        tpu.yield
      }) : () -> ()
      %scan3A_346 = arith.constant 0 : i32
      scf.yield %scan3A_346 : i32
    }
    %scan3A_338 = arith.constant 5 : i32
    return
  }
}

module attributes {stable_mosaic.version = 14 : i64} {
  func.func @body(%arg0: i32, %arg1: memref<512x128xf32, #tpu.memory_space<vmem>>, %arg2: memref<128x128xf32, #tpu.memory_space<vmem>>, %arg3: memref<512x128xf32, #tpu.memory_space<vmem>>) attributes {dimension_semantics = [#tpu.dimension_semantics<arbitrary>], iteration_bounds = array<i64: 20>, scalar_prefetch = 0 : i64, scratch_operands = 0 : i64, tpu.core_type = #tpu.core_type<tc>, window_params = [{transform_indices = @transform_0, window_bounds = array<i64: 512, 128>}, {pipeline_mode = #tpu.pipeline_mode<synchronous>, transform_indices = @transform_1, window_bounds = array<i64: 128, 128>}, {transform_indices = @transform_2, window_bounds = array<i64: 512, 128>}]} {
    %get3A = arith.constant 0 : index
    %get3A_0 = arith.constant 0 : index
    %get3A_1 = vector.load %arg1[%get3A, %get3A_0] : memref<512x128xf32, #tpu.memory_space<vmem>>, vector<512x128xf32>
    %get3A_2 = arith.constant 0 : index
    %get3A_3 = arith.constant 0 : index
    %get3A_4 = vector.load %arg2[%get3A_2, %get3A_3] : memref<128x128xf32, #tpu.memory_space<vmem>>, vector<128x128xf32>
    %dot_general3A = arith.constant dense<0.000000e+00> : vector<512x128xf32>
    %dot_general3A_5 = tpu.matmul %get3A_1, %get3A_4, %dot_general3A {dimension_numbers = #tpu.dot_dimension_numbers<[1], [0], [0], [1], [0, 0, 1, 1], [], []>, transpose_lhs_hint = false} : vector<512x128xf32>, vector<128x128xf32>, vector<512x128xf32> -> vector<512x128xf32>
    %swap3A = arith.constant 0 : index
    %swap3A_6 = arith.constant 0 : index
    %swap3A_7 = vector.load %arg3[%swap3A, %swap3A_6] : memref<512x128xf32, #tpu.memory_space<vmem>>, vector<512x128xf32>
    tpu.vector_store %arg3[%swap3A, %swap3A_6], %dot_general3A_5 {strides = array<i32>} : memref<512x128xf32, #tpu.memory_space<vmem>>, vector<512x128xf32>,
    return
  }
  func.func @transform_0(%arg0: i32) -> (i32, i32) {
    %c0_i32 = arith.constant 0 : i32
    %c0_i32_0 = arith.constant 0 : i32
    return %arg0, %c0_i32 : i32, i32
  }
  func.func @transform_1(%arg0: i32) -> (i32, i32) {
    %c0_i32 = arith.constant 0 : i32
    %c0_i32_0 = arith.constant 0 : i32
    %c0_i32_1 = arith.constant 0 : i32
    return %c0_i32, %c0_i32_0 : i32, i32
  }
  func.func @transform_2(%arg0: i32) -> (i32, i32) {
    %c0_i32 = arith.constant 0 : i32
    %c0_i32_0 = arith.constant 0 : i32
    return %arg0, %c0_i32 : i32, i32
  }
}

module attributes {stable_mosaic.version = 14 : i64} {
  func.func @body(%arg0: i32, %arg1: memref<512x128xf32, #tpu.memory_space<vmem>>, %arg2: memref<2x512x128xf32, #tpu.memory_space<vmem>>, %arg3: memref<512x128xf32, #tpu.memory_space<vmem>>, %arg4: memref<512x1xf32, #tpu.memory_space<vmem>>) attributes {dimension_semantics = [#tpu.dimension_semantics<arbitrary>], iteration_bounds = array<i64: 20>, scalar_prefetch = 0 : i64, scratch_operands = 0 : i64, tpu.core_type = #tpu.core_type<tc>, window_params = [{transform_indices = @transform_0, window_bounds = array<i64: 512, 128>}, {transform_indices = @transform_1, window_bounds = array<i64: 2, 512, 128>}, {transform_indices = @transform_2, window_bounds = array<i64: 512, 128>}, {transform_indices = @transform_3, window_bounds = array<i64: 512, 1>}]} {
    %get3A = arith.constant 0 : index
    %get3A_0 = arith.constant 0 : index
    %get3A_1 = arith.constant 0 : index
    %get3A_2 = vector.load %arg2[%get3A, %get3A_0, %get3A_1] : memref<2x512x128xf32, #tpu.memory_space<vmem>>, vector<1x512x1xf32>
    %get3A_3 = vector.shape_cast %get3A_2 : vector<1x512x1xf32> to vector<512x1xf32>
    %get3A_4 = arith.constant 1 : index
    %get3A_5 = arith.constant 0 : index
    %get3A_6 = arith.constant 0 : index
    %get3A_7 = vector.load %arg2[%get3A_4, %get3A_5, %get3A_6] : memref<2x512x128xf32, #tpu.memory_space<vmem>>, vector<1x512x1xf32>
    %get3A_8 = vector.shape_cast %get3A_7 : vector<1x512x1xf32> to vector<512x1xf32>
    %add3A = arith.addf %get3A_3, %get3A_8 : vector<512x1xf32>
    %gt3A = arith.constant 0.000000e+00 : f32
    %gt3A_9 = vector.broadcast %gt3A : f32 to vector<512x1xf32>
    %gt3A_10 = arith.cmpf ogt, %add3A, %gt3A_9 : vector<512x1xf32>
    %gt3A_11 = arith.constant 0.000000e+00 : f32
    %gt3A_12 = vector.broadcast %gt3A_11 : f32 to vector<512x1xf32>
    %gt3A_13 = arith.cmpf ogt, %add3A, %gt3A_12 : vector<512x1xf32>
    %jit3A = arith.constant 1.000000e+00 : f32
    %broadcast_in_dim3A = vector.broadcast %jit3A : f32 to vector<512x1xf32>
    %select_n3A = arith.select %gt3A_13, %add3A, %broadcast_in_dim3A : vector<512x1xi1>, vector<512x1xf32>
    %rsqrt3A = math.rsqrt %select_n3A : vector<512x1xf32>
    %jit3A_14 = arith.constant 0.000000e+00 : f32
    %broadcast_in_dim3A_15 = vector.broadcast %jit3A_14 : f32 to vector<512x1xf32>
    %select_n3A_16 = arith.select %gt3A_10, %rsqrt3A, %broadcast_in_dim3A_15 : vector<512x1xi1>, vector<512x1xf32>
    %swap3A = arith.constant 0 : index
    %swap3A_17 = arith.constant 0 : index
    %swap3A_18 = vector.load %arg4[%swap3A, %swap3A_17] : memref<512x1xf32, #tpu.memory_space<vmem>>, vector<512x1xf32>
    tpu.vector_store %arg4[%swap3A, %swap3A_17], %select_n3A_16 {strides = array<i32>} : memref<512x1xf32, #tpu.memory_space<vmem>>, vector<512x1xf32>,
    %get3A_19 = arith.constant 0 : index
    %get3A_20 = arith.constant 0 : index
    %get3A_21 = vector.load %arg1[%get3A_19, %get3A_20] : memref<512x128xf32, #tpu.memory_space<vmem>>, vector<512x128xf32>
    %mul3A = vector.broadcast %select_n3A_16 : vector<512x1xf32> to vector<512x128xf32>
    %mul3A_22 = arith.mulf %mul3A, %get3A_21 : vector<512x128xf32>
    %swap3A_23 = arith.constant 0 : index
    %swap3A_24 = arith.constant 0 : index
    %swap3A_25 = vector.load %arg3[%swap3A_23, %swap3A_24] : memref<512x128xf32, #tpu.memory_space<vmem>>, vector<512x128xf32>
    tpu.vector_store %arg3[%swap3A_23, %swap3A_24], %mul3A_22 {strides = array<i32>} : memref<512x128xf32, #tpu.memory_space<vmem>>, vector<512x128xf32>,
    return
  }
  func.func @transform_0(%arg0: i32) -> (i32, i32) {
    %c0_i32 = arith.constant 0 : i32
    %c0_i32_0 = arith.constant 0 : i32
    return %arg0, %c0_i32 : i32, i32
  }
  func.func @transform_1(%arg0: i32) -> (i32, i32, i32) {
    %c0_i32 = arith.constant 0 : i32
    %c0_i32_0 = arith.constant 0 : i32
    %c0_i32_1 = arith.constant 0 : i32
    return %c0_i32, %arg0, %c0_i32_0 : i32, i32, i32
  }
  func.func @transform_2(%arg0: i32) -> (i32, i32) {
    %c0_i32 = arith.constant 0 : i32
    %c0_i32_0 = arith.constant 0 : i32
    return %arg0, %c0_i32 : i32, i32
  }
  func.func @transform_3(%arg0: i32) -> (i32, i32) {
    %c0_i32 = arith.constant 0 : i32
    %c0_i32_0 = arith.constant 0 : i32
    return %arg0, %c0_i32 : i32, i32
  }
}

module attributes {stable_mosaic.version = 14 : i64} {
  func.func @body(%arg0: i32, %arg1: memref<2x512x128xf32, #tpu.memory_space<vmem>>, %arg2: memref<512x1xf32, #tpu.memory_space<vmem>>, %arg3: memref<1x128xf32, #tpu.memory_space<vmem>>, %arg4: memref<128x128xf32, #tpu.memory_space<vmem>>, %arg5: memref<512x128xf32, #tpu.memory_space<vmem>>, %arg6: memref<512x128xf32, #tpu.memory_space<vmem>>, %arg7: memref<512x128xf32, #tpu.memory_space<vmem>>) attributes {dimension_semantics = [#tpu.dimension_semantics<arbitrary>], iteration_bounds = array<i64: 20>, scalar_prefetch = 0 : i64, scratch_operands = 0 : i64, tpu.core_type = #tpu.core_type<tc>, window_params = [{transform_indices = @transform_0, window_bounds = array<i64: 2, 512, 128>}, {transform_indices = @transform_1, window_bounds = array<i64: 512, 1>}, {pipeline_mode = #tpu.pipeline_mode<synchronous>, transform_indices = @transform_2, window_bounds = array<i64: 1, 128>}, {pipeline_mode = #tpu.pipeline_mode<synchronous>, transform_indices = @transform_3, window_bounds = array<i64: 128, 128>}, {transform_indices = @transform_4, window_bounds = array<i64: 512, 128>}, {transform_indices = @transform_5, window_bounds = array<i64: 512, 128>}, {transform_indices = @transform_6, window_bounds = array<i64: 512, 128>}]} {
    %get3A = arith.constant 0 : index
    %get3A_0 = arith.constant 0 : index
    %get3A_1 = vector.load %arg2[%get3A, %get3A_0] : memref<512x1xf32, #tpu.memory_space<vmem>>, vector<512x1xf32>
    %get3A_2 = arith.constant 0 : index
    %get3A_3 = arith.constant 0 : index
    %get3A_4 = arith.constant 0 : index
    %get3A_5 = vector.load %arg1[%get3A_2, %get3A_3, %get3A_4] : memref<2x512x128xf32, #tpu.memory_space<vmem>>, vector<1x512x128xf32>
    %get3A_6 = vector.shape_cast %get3A_5 : vector<1x512x128xf32> to vector<512x128xf32>
    %get3A_7 = arith.constant 1 : index
    %get3A_8 = arith.constant 0 : index
    %get3A_9 = arith.constant 0 : index
    %get3A_10 = vector.load %arg1[%get3A_7, %get3A_8, %get3A_9] : memref<2x512x128xf32, #tpu.memory_space<vmem>>, vector<1x512x128xf32>
    %get3A_11 = vector.shape_cast %get3A_10 : vector<1x512x128xf32> to vector<512x128xf32>
    %add3A = arith.addf %get3A_6, %get3A_11 : vector<512x128xf32>
    %mul3A = vector.broadcast %get3A_1 : vector<512x1xf32> to vector<512x128xf32>
    %mul3A_12 = arith.mulf %mul3A, %add3A : vector<512x128xf32>
    %get3A_13 = arith.constant 0 : index
    %get3A_14 = arith.constant 0 : index
    %get3A_15 = vector.load %arg3[%get3A_13, %get3A_14] : memref<1x128xf32, #tpu.memory_space<vmem>>, vector<1x128xf32>
    %add3A_16 = vector.broadcast %get3A_15 : vector<1x128xf32> to vector<512x128xf32>
    %add3A_17 = arith.addf %mul3A_12, %add3A_16 : vector<512x128xf32>
    %swap3A = arith.constant 0 : index
    %swap3A_18 = arith.constant 0 : index
    %swap3A_19 = vector.load %arg5[%swap3A, %swap3A_18] : memref<512x128xf32, #tpu.memory_space<vmem>>, vector<512x128xf32>
    tpu.vector_store %arg5[%swap3A, %swap3A_18], %add3A_17 {strides = array<i32>} : memref<512x128xf32, #tpu.memory_space<vmem>>, vector<512x128xf32>,
    %mul3A_20 = arith.mulf %add3A_17, %add3A_17 : vector<512x128xf32>
    %reduce_sum3A = arith.constant dense<0.000000e+00> : vector<512xf32>
    %reduce_sum3A_21 = vector.multi_reduction <add>, %mul3A_20, %reduce_sum3A [1] : vector<512x128xf32> to vector<512xf32>
    %broadcast_in_dim3A = vector.shape_cast %reduce_sum3A_21 : vector<512xf32> to vector<512x1xf32>
    %max3A = arith.constant 1.000000e-24 : f32
    %max3A_22 = vector.broadcast %max3A : f32 to vector<512x1xf32>
    %max3A_23 = arith.maximumf %broadcast_in_dim3A, %max3A_22 : vector<512x1xf32>
    %rsqrt3A = math.rsqrt %max3A_23 : vector<512x1xf32>
    %mul3A_24 = vector.broadcast %rsqrt3A : vector<512x1xf32> to vector<512x128xf32>
    %mul3A_25 = arith.mulf %add3A_17, %mul3A_24 : vector<512x128xf32>
    %swap3A_26 = arith.constant 0 : index
    %swap3A_27 = arith.constant 0 : index
    %swap3A_28 = vector.load %arg6[%swap3A_26, %swap3A_27] : memref<512x128xf32, #tpu.memory_space<vmem>>, vector<512x128xf32>
    tpu.vector_store %arg6[%swap3A_26, %swap3A_27], %mul3A_25 {strides = array<i32>} : memref<512x128xf32, #tpu.memory_space<vmem>>, vector<512x128xf32>,
    %get3A_29 = arith.constant 0 : index
    %get3A_30 = arith.constant 0 : index
    %get3A_31 = vector.load %arg4[%get3A_29, %get3A_30] : memref<128x128xf32, #tpu.memory_space<vmem>>, vector<128x128xf32>
    %dot_general3A = arith.constant dense<0.000000e+00> : vector<512x128xf32>
    %dot_general3A_32 = tpu.matmul %mul3A_25, %get3A_31, %dot_general3A {dimension_numbers = #tpu.dot_dimension_numbers<[1], [0], [0], [1], [0, 0, 1, 1], [], []>, transpose_lhs_hint = false} : vector<512x128xf32>, vector<128x128xf32>, vector<512x128xf32> -> vector<512x128xf32>
    %mul3A_33 = vector.broadcast %get3A_1 : vector<512x1xf32> to vector<512x128xf32>
    %mul3A_34 = arith.mulf %mul3A_33, %dot_general3A_32 : vector<512x128xf32>
    %swap3A_35 = arith.constant 0 : index
    %swap3A_36 = arith.constant 0 : index
    %swap3A_37 = vector.load %arg7[%swap3A_35, %swap3A_36] : memref<512x128xf32, #tpu.memory_space<vmem>>, vector<512x128xf32>
    tpu.vector_store %arg7[%swap3A_35, %swap3A_36], %mul3A_34 {strides = array<i32>} : memref<512x128xf32, #tpu.memory_space<vmem>>, vector<512x128xf32>,
    return
  }
  func.func @transform_0(%arg0: i32) -> (i32, i32, i32) {
    %c0_i32 = arith.constant 0 : i32
    %c0_i32_0 = arith.constant 0 : i32
    %c0_i32_1 = arith.constant 0 : i32
    return %c0_i32, %arg0, %c0_i32_0 : i32, i32, i32
  }
  func.func @transform_1(%arg0: i32) -> (i32, i32) {
    %c0_i32 = arith.constant 0 : i32
    %c0_i32_0 = arith.constant 0 : i32
    return %arg0, %c0_i32 : i32, i32
  }
  func.func @transform_2(%arg0: i32) -> (i32, i32) {
    %c0_i32 = arith.constant 0 : i32
    %c0_i32_0 = arith.constant 0 : i32
    %c0_i32_1 = arith.constant 0 : i32
    return %c0_i32, %c0_i32_0 : i32, i32
  }
  func.func @transform_3(%arg0: i32) -> (i32, i32) {
    %c0_i32 = arith.constant 0 : i32
    %c0_i32_0 = arith.constant 0 : i32
    %c0_i32_1 = arith.constant 0 : i32
    return %c0_i32, %c0_i32_0 : i32, i32
  }
  func.func @transform_4(%arg0: i32) -> (i32, i32) {
    %c0_i32 = arith.constant 0 : i32
    %c0_i32_0 = arith.constant 0 : i32
    return %arg0, %c0_i32 : i32, i32
  }
  func.func @transform_5(%arg0: i32) -> (i32, i32) {
    %c0_i32 = arith.constant 0 : i32
    %c0_i32_0 = arith.constant 0 : i32
    return %arg0, %c0_i32 : i32, i32
  }
  func.func @transform_6(%arg0: i32) -> (i32, i32) {
    %c0_i32 = arith.constant 0 : i32
    %c0_i32_0 = arith.constant 0 : i32
    return %arg0, %c0_i32 : i32, i32
  }
}

module attributes {stable_mosaic.version = 14 : i64} {
  func.func @body(%arg0: i32, %arg1: memref<2x512x128xf32, #tpu.memory_space<vmem>>, %arg2: memref<512x1xf32, #tpu.memory_space<vmem>>, %arg3: memref<1x128xf32, #tpu.memory_space<vmem>>, %arg4: memref<512x128xf32, #tpu.memory_space<vmem>>, %arg5: memref<512x128xf32, #tpu.memory_space<vmem>>, %arg6: memref<512x128xf32, #tpu.memory_space<vmem>>, %arg7: memref<512x128xf32, #tpu.memory_space<vmem>>, %arg8: memref<512x128xf32, #tpu.memory_space<vmem>>, %arg9: memref<512x128xf32, #tpu.memory_space<vmem>>, %arg10: memref<512x128xf32, #tpu.memory_space<vmem>>, %arg11: memref<512x128xf32, #tpu.memory_space<vmem>>) attributes {dimension_semantics = [#tpu.dimension_semantics<arbitrary>], iteration_bounds = array<i64: 20>, scalar_prefetch = 0 : i64, scratch_operands = 0 : i64, tpu.core_type = #tpu.core_type<tc>, window_params = [{transform_indices = @transform_0, window_bounds = array<i64: 2, 512, 128>}, {transform_indices = @transform_1, window_bounds = array<i64: 512, 1>}, {pipeline_mode = #tpu.pipeline_mode<synchronous>, transform_indices = @transform_2, window_bounds = array<i64: 1, 128>}, {transform_indices = @transform_3, window_bounds = array<i64: 512, 128>}, {transform_indices = @transform_4, window_bounds = array<i64: 512, 128>}, {transform_indices = @transform_5, window_bounds = array<i64: 512, 128>}, {transform_indices = @transform_6, window_bounds = array<i64: 512, 128>}, {transform_indices = @transform_7, window_bounds = array<i64: 512, 128>}, {transform_indices = @transform_8, window_bounds = array<i64: 512, 128>}, {transform_indices = @transform_9, window_bounds = array<i64: 512, 128>}, {transform_indices = @transform_10, window_bounds = array<i64: 512, 128>}]} {
    %get3A = arith.constant 0 : index
    %get3A_0 = arith.constant 0 : index
    %get3A_1 = vector.load %arg2[%get3A, %get3A_0] : memref<512x1xf32, #tpu.memory_space<vmem>>, vector<512x1xf32>
    %get3A_2 = arith.constant 0 : index
    %get3A_3 = arith.constant 0 : index
    %get3A_4 = arith.constant 0 : index
    %get3A_5 = vector.load %arg1[%get3A_2, %get3A_3, %get3A_4] : memref<2x512x128xf32, #tpu.memory_space<vmem>>, vector<1x512x128xf32>
    %get3A_6 = vector.shape_cast %get3A_5 : vector<1x512x128xf32> to vector<512x128xf32>
    %get3A_7 = arith.constant 1 : index
    %get3A_8 = arith.constant 0 : index
    %get3A_9 = arith.constant 0 : index
    %get3A_10 = vector.load %arg1[%get3A_7, %get3A_8, %get3A_9] : memref<2x512x128xf32, #tpu.memory_space<vmem>>, vector<1x512x128xf32>
    %get3A_11 = vector.shape_cast %get3A_10 : vector<1x512x128xf32> to vector<512x128xf32>
    %add3A = arith.addf %get3A_6, %get3A_11 : vector<512x128xf32>
    %mul3A = vector.broadcast %get3A_1 : vector<512x1xf32> to vector<512x128xf32>
    %mul3A_12 = arith.mulf %mul3A, %add3A : vector<512x128xf32>
    %get3A_13 = arith.constant 0 : index
    %get3A_14 = arith.constant 0 : index
    %get3A_15 = vector.load %arg3[%get3A_13, %get3A_14] : memref<1x128xf32, #tpu.memory_space<vmem>>, vector<1x128xf32>
    %add3A_16 = vector.broadcast %get3A_15 : vector<1x128xf32> to vector<512x128xf32>
    %add3A_17 = arith.addf %mul3A_12, %add3A_16 : vector<512x128xf32>
    %swap3A = arith.constant 0 : index
    %swap3A_18 = arith.constant 0 : index
    %swap3A_19 = vector.load %arg9[%swap3A, %swap3A_18] : memref<512x128xf32, #tpu.memory_space<vmem>>, vector<512x128xf32>
    tpu.vector_store %arg9[%swap3A, %swap3A_18], %add3A_17 {strides = array<i32>} : memref<512x128xf32, #tpu.memory_space<vmem>>, vector<512x128xf32>,
    %mul3A_20 = arith.mulf %add3A_17, %add3A_17 : vector<512x128xf32>
    %reduce_sum3A = arith.constant dense<0.000000e+00> : vector<512xf32>
    %reduce_sum3A_21 = vector.multi_reduction <add>, %mul3A_20, %reduce_sum3A [1] : vector<512x128xf32> to vector<512xf32>
    %broadcast_in_dim3A = vector.shape_cast %reduce_sum3A_21 : vector<512xf32> to vector<512x1xf32>
    %max3A = arith.constant 1.000000e-24 : f32
    %max3A_22 = vector.broadcast %max3A : f32 to vector<512x1xf32>
    %max3A_23 = arith.maximumf %broadcast_in_dim3A, %max3A_22 : vector<512x1xf32>
    %rsqrt3A = math.rsqrt %max3A_23 : vector<512x1xf32>
    %mul3A_24 = vector.broadcast %rsqrt3A : vector<512x1xf32> to vector<512x128xf32>
    %mul3A_25 = arith.mulf %add3A_17, %mul3A_24 : vector<512x128xf32>
    %get3A_26 = arith.constant 0 : index
    %get3A_27 = arith.constant 0 : index
    %get3A_28 = vector.load %arg4[%get3A_26, %get3A_27] : memref<512x128xf32, #tpu.memory_space<vmem>>, vector<512x128xf32>
    %get3A_29 = arith.constant 0 : index
    %get3A_30 = arith.constant 0 : index
    %get3A_31 = vector.load %arg5[%get3A_29, %get3A_30] : memref<512x128xf32, #tpu.memory_space<vmem>>, vector<512x128xf32>
    %add3A_32 = arith.addf %get3A_28, %get3A_31 : vector<512x128xf32>
    %get3A_33 = arith.constant 0 : index
    %get3A_34 = arith.constant 0 : index
    %get3A_35 = vector.load %arg6[%get3A_33, %get3A_34] : memref<512x128xf32, #tpu.memory_space<vmem>>, vector<512x128xf32>
    %mul3A_36 = arith.constant 5.000000e-01 : f32
    %mul3A_37 = vector.broadcast %mul3A_36 : f32 to vector<512x128xf32>
    %mul3A_38 = arith.mulf %mul3A_37, %get3A_35 : vector<512x128xf32>
    %add3A_39 = arith.addf %add3A_32, %mul3A_38 : vector<512x128xf32>
    %mul3A_40 = arith.constant 0.333333343 : f32
    %mul3A_41 = vector.broadcast %mul3A_40 : f32 to vector<512x128xf32>
    %mul3A_42 = arith.mulf %mul3A_41, %mul3A_25 : vector<512x128xf32>
    %add3A_43 = arith.addf %add3A_39, %mul3A_42 : vector<512x128xf32>
    %swap3A_44 = arith.constant 0 : index
    %swap3A_45 = arith.constant 0 : index
    %swap3A_46 = vector.load %arg10[%swap3A_44, %swap3A_45] : memref<512x128xf32, #tpu.memory_space<vmem>>, vector<512x128xf32>
    tpu.vector_store %arg10[%swap3A_44, %swap3A_45], %add3A_43 {strides = array<i32>} : memref<512x128xf32, #tpu.memory_space<vmem>>, vector<512x128xf32>,
    %get3A_47 = arith.constant 0 : index
    %get3A_48 = arith.constant 0 : index
    %get3A_49 = vector.load %arg7[%get3A_47, %get3A_48] : memref<512x128xf32, #tpu.memory_space<vmem>>, vector<512x128xf32>
    %get3A_50 = arith.constant 0 : index
    %get3A_51 = arith.constant 0 : index
    %get3A_52 = vector.load %arg8[%get3A_50, %get3A_51] : memref<512x128xf32, #tpu.memory_space<vmem>>, vector<512x128xf32>
    %add3A_53 = arith.addf %get3A_49, %get3A_52 : vector<512x128xf32>
    %add3A_54 = arith.addf %add3A_53, %add3A_17 : vector<512x128xf32>
    %mul3A_55 = arith.constant 0.333333343 : f32
    %mul3A_56 = vector.broadcast %mul3A_55 : f32 to vector<512x128xf32>
    %mul3A_57 = arith.mulf %add3A_54, %mul3A_56 : vector<512x128xf32>
    %swap3A_58 = arith.constant 0 : index
    %swap3A_59 = arith.constant 0 : index
    %swap3A_60 = vector.load %arg11[%swap3A_58, %swap3A_59] : memref<512x128xf32, #tpu.memory_space<vmem>>, vector<512x128xf32>
    tpu.vector_store %arg11[%swap3A_58, %swap3A_59], %mul3A_57 {strides = array<i32>} : memref<512x128xf32, #tpu.memory_space<vmem>>, vector<512x128xf32>,
    return
  }
  func.func @transform_0(%arg0: i32) -> (i32, i32, i32) {
    %c0_i32 = arith.constant 0 : i32
    %c0_i32_0 = arith.constant 0 : i32
    %c0_i32_1 = arith.constant 0 : i32
    return %c0_i32, %arg0, %c0_i32_0 : i32, i32, i32
  }
  func.func @transform_1(%arg0: i32) -> (i32, i32) {
    %c0_i32 = arith.constant 0 : i32
    %c0_i32_0 = arith.constant 0 : i32
    return %arg0, %c0_i32 : i32, i32
  }
  func.func @transform_2(%arg0: i32) -> (i32, i32) {
    %c0_i32 = arith.constant 0 : i32
    %c0_i32_0 = arith.constant 0 : i32
    %c0_i32_1 = arith.constant 0 : i32
    return %c0_i32, %c0_i32_0 : i32, i32
  }
  func.func @transform_3(%arg0: i32) -> (i32, i32) {
    %c0_i32 = arith.constant 0 : i32
    %c0_i32_0 = arith.constant 0 : i32
    return %arg0, %c0_i32 : i32, i32
  }
  func.func @transform_4(%arg0: i32) -> (i32, i32) {
    %c0_i32 = arith.constant 0 : i32
    %c0_i32_0 = arith.constant 0 : i32
    return %arg0, %c0_i32 : i32, i32
  }
  func.func @transform_5(%arg0: i32) -> (i32, i32) {
    %c0_i32 = arith.constant 0 : i32
    %c0_i32_0 = arith.constant 0 : i32
    return %arg0, %c0_i32 : i32, i32
  }
  func.func @transform_6(%arg0: i32) -> (i32, i32) {
    %c0_i32 = arith.constant 0 : i32
    %c0_i32_0 = arith.constant 0 : i32
    return %arg0, %c0_i32 : i32, i32
  }
  func.func @transform_7(%arg0: i32) -> (i32, i32) {
    %c0_i32 = arith.constant 0 : i32
    %c0_i32_0 = arith.constant 0 : i32
    return %arg0, %c0_i32 : i32, i32
  }
  func.func @transform_8(%arg0: i32) -> (i32, i32) {
    %c0_i32 = arith.constant 0 : i32
    %c0_i32_0 = arith.constant 0 : i32
    return %arg0, %c0_i32 : i32, i32
  }
  func.func @transform_9(%arg0: i32) -> (i32, i32) {
    %c0_i32 = arith.constant 0 : i32
    %c0_i32_0 = arith.constant 0 : i32
    return %arg0, %c0_i32 : i32, i32
  }
  func.func @transform_10(%arg0: i32) -> (i32, i32) {
    %c0_i32 = arith.constant 0 : i32
    %c0_i32_0 = arith.constant 0 : i32
    return %arg0, %c0_i32 : i32, i32
  }
}

</mosaic_0001>

<sc_bundles>
// kernel: kernel.11.cloned.1.call-start
scs
__scs_entry_jumppad:
0x0: {  	(pc) =	sbr.rel $0x88, $3  }
0x1: {  	(tag) =	ssettag $0x0;
	lr =	simm.s32 $0x1  }
0x2: {  	[smem:$0x3F99] =	sst lr;
	_ =	strace $0xD0000000  }
0x3: {  	_ = 	snop  }
0x4: {  	_ = 	snop  }
0x5: {  	_ = 	snop  }
0x6: {  	_ = 	snop  }
0x7: {  	_ = 	snop  }
__scs_overlays_trampoline_lowered:
0x8: {  	[smem:$0x3FA8] =	sst s0  }
0x9: {  	[smem:$0x3FA9] =	sst s1  }
0xa: {  	[smem:$0x3FAA] =	sst s2  }
0xb: {  	[smem:$0x3FAB] =	sst s3  }
0xc: {  	[smem:$0x3FAC] =	sst s4  }
0xd: {  	[smem:$0x3FAD] =	sst s5  }
0xe: {  	[smem:$0x3FAE] =	sst s6  }
0xf: {  	[smem:$0x3FAF] =	sst s7  }
0x10: {  	[smem:$0x3FB0] =	sst s8  }
0x11: {  	[smem:$0x3FB1] =	sst s9;
	s0 =	simm.s32 @!p0 $0x0  }
0x12: {  	s1 =	sld [smem:$0x3F97];
	s0 =	simm.s32 @p0 $0x1  }
0x13: {  	[smem:$0x3FB2] =	sst s0;
	s0 =	simm.s32 @!p1 $0x0  }
0x14: {  	s2 =	sld [smem:$0x3F96];
	s0 =	simm.s32 @p1 $0x1  }
0x15: {  	[smem:$0x3FB3] =	sst s0;
	s0 =	simm.s32 @!p2 $0x0  }
0x16: {  	s3 =	sld [smem:$0x3FDB];
	s0 =	simm.s32 @p2 $0x1  }
0x17: {  	s4 =	simm.s32 $0x1BF5;
	[smem:$0x3FB5] =	sst s0  }
0x18: {  	s0 =	sld [smem:$0x3F98];
	_ =	swait.ge [sflag:s4], $0x0  }
0x19: {  	s7 =	sld [smem:$0x3F99]  }
0x1a: {  	s8 =	sadd.s32 $0xFFFFE003, lr  }
0x1b: {  	s9 =	sadd.s32 $0xFFFFFEF7, lr;
	s5 =	simm.s32 $0xFFFFFFFF;
	p2 =	slt.u32 s8, $0xFFFFF086  }
0x1c: {  	p1 =	slt.u32 s9, $0xF7A;
	s5 =	simm.s32 @!p2 $0x0  }
0x1d: {  	s5 =	simm.s32 @p1 $0x1;
	p0 =	seq.s32 s7, s2  }
0x1e: {  	s7 =	smul.u32 @!p0 $0xF7A, s2;
	p2 =	seq.s32 @!p0 s5, $0x0  }
0x1f: {  	s9 =	smul.u32 $0xF7A, s1;
	s8 =	simm.s32 @!p0 $0x1BF5;
	p2 =	por !p2, p0  }
0x20: {  	[sflag:s8] =	ssyncset.s32 @!p0 $0xFFFFF086;
	s6 =	sadd.s32 @!p0 s3, s7;
	s7 =	simm.s32 @!p0 $0x108  }
0x21: {  	s3 =	sadd.s32 s3, s9;
	s6 =	sadd.s32 @!p0 $0x88, s6;
	s7 =	simm.s32 @p2 $0x1082  }
0x22: {  	[simem:s7], [sflag:s8] =	dma.local @!p0 [hbm:s6], $0xF7A  }
0x23: {  	s9 =	sor.u32 $0xD0000000, s2;
	s6 =	simm.s32 $0x108;
	_ =	swait.ge @!p0 [sflag:s8], $0x0  }
0x24: {  	s3 =	sadd.s32 $0x88, s3;
	s6 =	simm.s32 @!p1 $0x1082;
	[sflag:s4] =	ssyncset.s32 $0xFFFFF086  }
0x25: {  	[simem:s6], [sflag:s4] =	dma.local [hbm:s3], $0xF7A  }
0x26: {  	[smem:$0x3F99] =	sst s1;
	(tag) =	ssettag s2;
	_ =	strace s9  }
0x27: {  	s1 =	sld [smem:$0x3FA9]  }
0x28: {  	s2 =	sld [smem:$0x3FAA]  }
0x29: {  	s4 =	sld [smem:$0x3FAC]  }
0x2a: {  	p0 =	seq.s32 s5, $0x0;
	s5 =	sld [smem:$0x3FAD]  }
0x2b: {  	s6 =	sld [smem:$0x3FAE]  }
0x2c: {  	s7 =	sld [smem:$0x3FAF]  }
0x2d: {  	s3 =	simm.s32 $0x108;
	s8 =	sld [smem:$0x3FB0]  }
0x2e: {  	s3 =	simm.s32 @!p0 $0x1082;
	s9 =	sld [smem:$0x3FB1]  }
0x2f: {  	lr =	sadd.s32 s0, s3;
	s0 =	sld [smem:$0x3FA8]  }
0x30: {  	s3 =	sld [smem:$0x3FAB]  }
0x31: {  	[smem:$0x3FB4] =	sst s10  }
0x32: {  	s10 =	sld [smem:$0x3FB2];
	_ =	sdelay $0x3  }
0x33: {  	p0 =	seq.s32 s10, $0x1;
	s10 =	sld [smem:$0x3FB4];
	_ =	sdelay $0x3  }
0x34: {  	[smem:$0x3FB4] =	sst s10  }
0x35: {  	s10 =	sld [smem:$0x3FB3];
	_ =	sdelay $0x3  }
0x36: {  	p1 =	seq.s32 s10, $0x1;
	s10 =	sld [smem:$0x3FB4];
	_ =	sdelay $0x3  }
0x37: {  	[smem:$0x3FB4] =	sst s10  }
0x38: {  	s10 =	sld [smem:$0x3FB5]  }
0x39: {  	_ = 	snop;
	(pc) =	sbr.ind lr, $3  }
0x3a: {  	_ = 	snop  }
0x3b: {  	_ = 	snop  }
0x3c: {  	p2 =	seq.s32 s10, $0x1;
	s10 =	sld [smem:$0x3FB4]  }
0x3d: {  	_ =	shalt  }
0x3e: {  	_ =	shalt  }
0x3f: {  	_ =	shalt  }
0x40: {  	_ =	shalt  }
0x41: {  	_ =	shalt  }
0x42: {  	_ =	shalt  }
0x43: {  	_ =	shalt  }
0x44: {  	_ =	shalt  }
0x45: {  	_ =	shalt  }
0x46: {  	_ =	shalt  }
0x47: {  	_ =	shalt  }
0x48: {  	_ =	shalt  }
0x49: {  	_ =	shalt  }
0x4a: {  	_ =	shalt  }
0x4b: {  	_ =	shalt  }
0x4c: {  	_ =	shalt  }
0x4d: {  	_ =	shalt  }
0x4e: {  	_ =	shalt  }
0x4f: {  	_ =	shalt  }
0x50: {  	_ =	shalt  }
0x51: {  	_ =	shalt  }
0x52: {  	_ =	shalt  }
0x53: {  	_ =	shalt  }
0x54: {  	_ =	shalt  }
0x55: {  	_ =	shalt  }
0x56: {  	_ =	shalt  }
0x57: {  	_ =	shalt  }
0x58: {  	_ =	shalt  }
0x59: {  	_ =	shalt  }
0x5a: {  	_ =	shalt  }
0x5b: {  	_ =	shalt  }
0x5c: {  	_ =	shalt  }
0x5d: {  	_ =	shalt  }
0x5e: {  	_ =	shalt  }
0x5f: {  	_ =	shalt  }
0x60: {  	_ =	shalt  }
0x61: {  	_ =	shalt  }
0x62: {  	_ =	shalt  }
0x63: {  	_ =	shalt  }
0x64: {  	_ =	shalt  }
0x65: {  	_ =	shalt  }
0x66: {  	_ =	shalt  }
0x67: {  	_ =	shalt  }
0x68: {  	_ =	shalt  }
0x69: {  	_ =	shalt  }
0x6a: {  	_ =	shalt  }
0x6b: {  	_ =	shalt  }
0x6c: {  	_ =	shalt  }
0x6d: {  	_ =	shalt  }
0x6e: {  	_ =	shalt  }
0x6f: {  	_ =	shalt  }
0x70: {  	_ =	shalt  }
0x71: {  	_ =	shalt  }
0x72: {  	_ =	shalt  }
0x73: {  	_ =	shalt  }
0x74: {  	_ =	shalt  }
0x75: {  	_ =	shalt  }
0x76: {  	_ =	shalt  }
0x77: {  	_ =	shalt  }
0x78: {  	_ =	shalt  }
0x79: {  	_ =	shalt  }
0x7a: {  	_ =	shalt  }
0x7b: {  	_ =	shalt  }
0x7c: {  	_ =	shalt  }
0x7d: {  	_ =	shalt  }
0x7e: {  	_ =	shalt  }
0x7f: {  	_ =	shalt  }
0x80: {  	_ =	shalt  }
0x81: {  	_ =	shalt  }
0x82: {  	_ =	shalt  }
0x83: {  	_ =	shalt  }
0x84: {  	_ =	shalt  }
0x85: {  	_ =	shalt  }
0x86: {  	_ =	shalt  }
0x87: {  	_ =	shalt  }
.Lfunc_end0:
.L_simem_size_0:
called_computation_lowered:
.L_overlay_start_0:
0x88: {  	s2 =	sld [smem:$0x3FD9]  }
0x89: {  	s3 =	sld [smem:$0x3FFE];
	_ =	sdelay $0x1  }
0x8a: {  	s1 =	srdreg.scid  }
0x8b: {  	s0 =	sand.u32 $0x1, s1  }
0x8c: {  	s14 =	sshll.u32 s0, $0xA;
	s2 =	sadd.s32 s3, s2  }
0x8d: {  	s2 =	sadd.s32 s2, s14  }
0x8e: {  	[smem:$0x3FC0] =	sst s2  }
0x8f: {  	_ = 	snop  }
0x90: {  	s2 =	sld [smem:$0x3FD0];
	_ =	sdelay $0x2  }
0x91: {  	s15 =	simm.s32 $0xA;
	s4 =	simm.s32 $0x10  }
0x92: {  	[smem:s4], [sflag:s15] =	dma.local [hbm:s2], $0x1  }
0x93: {  	_ =	swait.eq [sflag:s15], $0x1  }
0x94: {  	[sflag:s15] =	ssyncset.done $0x0  }
0x95: {  	[sflag:s15] =	ssyncadd.s32 $0xFFFFFFFF  }
0x96: {  	s16 =	sld [smem:$0x12];
	(tm) =	ssettm $0x1  }
0x97: {  	s17 =	sld [smem:$0x3FFB];
	_ =	sdelay $0x3  }
0x98: {  	_ =	strace s17  }
0x99: {  	s3 =	sld [smem:$0x3FFC];
	_ =	sdelay $0x3  }
0x9a: {  	_ =	strace s3  }
0x9b: {  	s3 =	sld [smem:$0x3FFD];
	_ =	sdelay $0x3  }
0x9c: {  	_ =	strace s3  }
0x9d: {  	_ =	strace $0x8FFFFFFF  }
0x9e: {  	s18 =	sld [smem:$0x3FDB];
	_ =	sdelay $0x1  }
0x9f: {  	s19 =	simm.s32 $_scs_section_size  }
0xa0: {  	s5 =	simm.s32 $_size__tile_overlayer_lowered;
	s6 =	simm.s32 $_tile_overlayer_lowered  }
0xa1: {  	s22 =	simm.s32 $0x1BFF;
	s21 =	sshll.u32 s6, $0x1;
	s3 =	sadd.s32 s19, s18  }
0xa2: {  	s7 =	simm.s32 $0x0;
	s20 =	sshll.u32 s5, $0x1;
	s5 =	sadd.s32 s21, s3  }
0xa3: {  	[timem:s7], [sflag:s22] =	dma.local [hbm:s5], s20  }
0xa4: {  	_ =	swait.ge [sflag:s22], s20  }
0xa5: {  	s4 =	ssub.s32 $0x0, s20;
	[sflag:s22] =	ssyncset.done $0x0  }
0xa6: {  	[sflag:s22] =	ssyncadd.s32 s4;
	_ =	sdelay $0x1  }
0xa7: {  	s23 =	simm.s32 $0x1B8B  }
0xa8: {  	_ =	swait.ge [sflag:s23], $0x1  }
0xa9: {  	[sflag:s23] =	ssyncset.done $0x0  }
0xaa: {  	s25 =	simm.s32 $0x1B8E;
	s24 =	sld [smem:$0x3FFE];
	[sflag:s23] =	ssyncadd.s32 $0xFFFFFFFF  }
0xab: {  	s26 =	simm.s32 $execute0_lowered;
	[smem:$0x3FD2] =	sst s25  }
0xac: {  	s5 =	sshll.u32 s26, $0x1;
	_ =	strace $0x80000046;
	[dreg:$0x1] =	wrdreg $0xFFFFFFFF  }
0xad: {  	s28 =	simm.s32 $_size_execute0_lowered;
	s3 =	sadd.s32 s3, s5;
	[dreg:$0x0] =	wrdreg $0x0  }
0xae: {  	s5 =	sshll.u32 s28, $0x1;
	[dreg:$0x2] =	wrdreg s3  }
0xaf: {  	[dreg:$0x3] =	wrdreg s5  }
0xb0: {  	[dreg:$0x4] =	wrdreg $0xC0  }
0xb1: {  	_ =	task [dreg:s7], $0x5FFFF  }
0xb2: {  	[dreg:$0x1] =	wrdreg $0xFFFFFFFF  }
0xb3: {  	[dreg:$0x0] =	wrdreg $0x60  }
0xb4: {  	[dreg:$0x2] =	wrdreg s16  }
0xb5: {  	[dreg:$0x3] =	wrdreg s24  }
0xb6: {  	[dreg:$0x4] =	wrdreg $0xA8800  }
0xb7: {  	[dreg:$0x5] =	wrdreg $0x9  }
0xb8: {  	_ =	task.clear_ibuf [dreg:s7], $0x6FFFF;
	_ =	strace $0x90000046  }
0xb9: {  	s29 =	simm.s32 $0x9;
	_ =	strace $0x80000048  }
0xba: {  	_ =	swait.ge [sflag:s29], $0x1  }
0xbb: {  	[sflag:s29] =	ssyncadd.s32 $0xFFFFFFFF  }
0xbc: {  	_ =	strace $0x90000048  }
0xbd: {  	_ =	sfence  }
0xbe: {  	s30 =	sld [smem:$0x0];
	_ =	sdelay $0x2  }
0xbf: {  	s31 =	sshll.u32 s1, $0xD;
	s1 =	sshrl.u32 s1, $0x2  }
0xc0: {  	s3 =	sand.u32 $0x4000, s31;
	s1 =	sadd.s32 s1, s30  }
0xc1: {  	s0 =	sor.u32 s3, s0;
	s1 =	sshll.u32 s1, $0x11  }
0xc2: {  	s0 =	sor.u32 s1, s0  }
0xc3: {  	s0 =	sadd.s32 $0x8F2B, s0  }
0xc4: {  	[sflag:s0] =	ssyncadd.remote.s32 $0x1  }
0xc5: {  	_ =	sfence.sel $0xFFFF  }
0xc6: {  	[dreg:$0x0] =	wrdreg $0xFFFFFFFF;
	(pc) =	sbr.abs _section_cstart, $3  }
0xc7: {  	[dreg:$0x1] =	wrdreg $0xFFFFFFFF  }
0xc8: {  	_ =	task.clear_ibuf [dreg:s7], $0x2FFFF;
	_ =	strace $0x9FFFFFFF  }
0xc9: {  	(tm) =	ssettm $0x7FFFFFFF  }
tec
execute0_lowered:
.L_overlay_start_1:
0x0: {  	(tag) =	ssettag $0x1  }
0x1: {  	s5 =	rddreg [dreg:$0x0]  }
0x2: {  	s4 =	rddreg [dreg:$0x1]  }
0x3: {  	s2 =	rddreg [dreg:$0x2]  }
0x4: {  	s0 =	rddreg [dreg:$0x3]  }
0x5: {  	s6 =	srdreg.scid;
	s1 =	stileid.u32  }
0x6: {  	s3 =	simm.s32 $0x0;
	s22 =	simm.s32 $0x80;
	s23 =	simm.s32 $0x2800  }
0x7: {  	s24 =	simm.s32 $0x2880;
	s25 =	simm.s32 $0x0;
	s6 =	sand.u32 $0x1, s6  }
0x8: {  	s7 =	sshll.u32 s1, $0x1;
	[smem:$0x7FF] =	sst s3;
	s8 =	smul.u32 $0x50000, s1  }
0x9: {  	s19 =	sadd.s32 $0x3400, s4;
	s15 =	smul.u32 $0x14000, s1;
	s7 =	sor.u32 s6, s7  }
0xa: {  	_ =	strace $0x80000047;
	s9 =	ssub.s32 $0x2, s6;
	s16 =	smul.u32 $0x140000, s6  }
0xb: {  	s7 =	smul.u32 $0x500, s7;
	s28 =	sshrl.u32 s9, $0x1;
	s30 =	sshrl.u32 s8, $0x2  }
0xc: {  	s12 =	sadd.s32 $0x4000, s15;
	s17 =	sadd.s32 $0x8000, s15;
	s18 =	sadd.s32 $0xC000, s15  }
0xd: {  	s20 =	sadd.s32 $0x10000, s15;
	s29 =	ssub.s32 s9, s28;
	s4 =	sadd.s32 s30, s2  }
0xe: {  	s10 =	sadd.s32 s16, s15;
	s13 =	sadd.s32 s16, s12;
	s12 =	sadd.s32 s12, s2  }
0xf: {  	s14 =	sadd.s32 s17, s2;
	s17 =	sadd.s32 s16, s17;
	s31 =	sadd.s32 s16, s18  }
0x10: {  	s21 =	sadd.s32 s16, s20;
	s16 =	sadd.s32 s18, s2;
	s18 =	sadd.s32 s20, s2  }
0x11: {  	s20 =	simm.s32 $0x6880;
	s5 =	sadd.s32 s5, s7;
	s6 =	smax.u32 s29, $0x1  }
0x12: {  	s7 =	sadd.s32 $0x4000, s4;
	s8 =	sadd.s32 $0x8000, s4;
	s9 =	sadd.s32 $0xC000, s4  }
0x13: {  	s11 =	sshrl.u32 s10, $0x3;
	s10 =	sadd.s32 $0x10000, s4;
	s13 =	sshrl.u32 s13, $0x3  }
0x14: {  	s17 =	sshrl.u32 s17, $0x3;
	s21 =	sshrl.u32 s21, $0x3;
	s11 =	sadd.s32 s19, s11  }
0x15: {  	s13 =	sadd.s32 s19, s13;
	s15 =	sadd.s32 s19, s17;
	s17 =	sshrl.u32 s31, $0x3  }
0x16: {  	v0 =	vimm.f32 $1.000000000e+00;
	v1 =	vimm.f32 $0.0e+00;
	s17 =	sadd.s32 s19, s17;
	s19 =	sadd.s32 s19, s21;
	s21 =	simm.s32 $0x1  }
.LBB2_1:
0x17: {  	s26 =	simm.s32 $0x0;
	s28 =	simm.s32 $0x200  }
.LBB2_2:
0x18: {  	p0 =	sne.s32 s28, $0xFE00;
	[tilespmem:s26+$0x68F0] =	vst v1  }
0x19: {  	[tilespmem:s26+$0x2880] =	vst v0  }
0x1a: {  	[tilespmem:s26+$0x6880] =	vst v1  }
0x1b: {  	[tilespmem:s26+$0x2890] =	vst v0  }
0x1c: {  	[tilespmem:s26+$0x6890] =	vst v1  }
0x1d: {  	[tilespmem:s26+$0x28A0] =	vst v0  }
0x1e: {  	[tilespmem:s26+$0x68A0] =	vst v1  }
0x1f: {  	[tilespmem:s26+$0x28B0] =	vst v0  }
0x20: {  	[tilespmem:s26+$0x68B0] =	vst v1  }
0x21: {  	[tilespmem:s26+$0x28C0] =	vst v0  }
0x22: {  	[tilespmem:s26+$0x68C0] =	vst v1  }
.Ltmp0:
0x23: {  	[tilespmem:s26+$0x28D0] =	vst v0;
	(pc) =	sbr.rel @p0 .LBB2_2-.Ltmp0, $4  }
0x24: {  	[tilespmem:s26+$0x68D0] =	vst v1  }
0x25: {  	[tilespmem:s26+$0x28E0] =	vst v0  }
0x26: {  	[tilespmem:s26+$0x68E0] =	vst v1  }
0x27: {  	[tilespmem:s26+$0x28F0] =	vst v0;
	s26 =	sshra.s32 s28, $0x2;
	s28 =	sadd.s32 $0x200, s28  }
0x28: {  	[tilespmem:s26+$0x68F0] =	vst v1  }
0x29: {  	[tilespmem:s26+$0x2880] =	vst v0  }
0x2a: {  	[tilespmem:s26+$0x6880] =	vst v1  }
0x2b: {  	[tilespmem:s26+$0x2890] =	vst v0  }
0x2c: {  	[tilespmem:s26+$0x6890] =	vst v1  }
0x2d: {  	[tilespmem:s26+$0x28A0] =	vst v0  }
0x2e: {  	[tilespmem:s26+$0x68A0] =	vst v1  }
0x2f: {  	[tilespmem:s26+$0x28B0] =	vst v0  }
0x30: {  	[tilespmem:s26+$0x68B0] =	vst v1  }
0x31: {  	[tilespmem:s26+$0x28C0] =	vst v0  }
0x32: {  	[tilespmem:s26+$0x68C0] =	vst v1  }
0x33: {  	[tilespmem:s26+$0x28D0] =	vst v0  }
0x34: {  	[tilespmem:s26+$0x68D0] =	vst v1  }
0x35: {  	[tilespmem:s26+$0x28E0] =	vst v0  }
0x36: {  	[tilespmem:s26+$0x68E0] =	vst v1  }
0x37: {  	[tilespmem:s26+$0x28F0] =	vst v0  }
0x38: {  	[spmem:s4] =	stream.linear.scatter [tilespmem:s20], [sflag:$0x1], $0x4000, $0x38;
	[tilespmem:$0x1E880] =	vst v63  }
0x39: {  	_ =	swait.ge [sflag:s21], $0x4000  }
0x3a: {  	[sflag:s21] =	ssyncset.done $0x0  }
0x3b: {  	[sflag:s21] =	ssyncadd.s32 $0xFFFFC000  }
0x3c: {  	[spmem:s7] =	stream.linear.scatter [tilespmem:s20], [sflag:$0x1], $0x4000, $0x38;
	[tilespmem:$0x1E880] =	vst v63  }
0x3d: {  	_ =	swait.ge [sflag:s21], $0x4000  }
0x3e: {  	[sflag:s21] =	ssyncset.done $0x0  }
0x3f: {  	[sflag:s21] =	ssyncadd.s32 $0xFFFFC000  }
0x40: {  	[spmem:s8] =	stream.linear.scatter [tilespmem:s20], [sflag:$0x1], $0x4000, $0x38;
	[tilespmem:$0x1E880] =	vst v63  }
0x41: {  	_ =	swait.ge [sflag:s21], $0x4000  }
0x42: {  	[sflag:s21] =	ssyncset.done $0x0  }
0x43: {  	[sflag:s21] =	ssyncadd.s32 $0xFFFFC000  }
0x44: {  	[spmem:s9] =	stream.linear.scatter [tilespmem:s20], [sflag:$0x1], $0x4000, $0x38;
	[tilespmem:$0x1E880] =	vst v63  }
0x45: {  	_ =	swait.ge [sflag:s21], $0x4000  }
0x46: {  	[sflag:s21] =	ssyncset.done $0x0  }
0x47: {  	[sflag:s21] =	ssyncadd.s32 $0xFFFFC000  }
0x48: {  	[spmem:s10] =	stream.linear.scatter [tilespmem:s20], [sflag:$0x1], $0x4000, $0x38;
	[tilespmem:$0x1E880] =	vst v63  }
0x49: {  	_ =	swait.ge [sflag:s21], $0x4000  }
0x4a: {  	[sflag:s21] =	ssyncset.done $0x0  }
0x4b: {  	s29 =	simm.s32 $0x0;
	[sflag:s21] =	ssyncadd.s32 $0xFFFFC000  }
0x4c: {  	[tilespmem:s29], [sflag:$0x1] =	stream.linear.gather [hbm4b:s5+s29], $0x2800, $0x38;
	[tilespmem:$0x1E880] =	vst v63  }
0x4d: {  	_ =	swait.ge [sflag:s21], $0x2800  }
0x4e: {  	[sflag:s21] =	ssyncset.done $0x0  }
0x4f: {  	[sflag:s21] =	ssyncadd.s32 $0xFFFFD800  }
0x50: {  	s31 =	simm.s32 $0x0;
	[bflag:$0x0] =	sbarrier.arrive $0xFFFF  }
0x51: {  	v2 =	vld [tilespmem:s31+$0x0];
	_ =	sdelay $0x4  }
0x52: {  	v2 =	vshrl.u32 v2, $0x10  }
0x53: {  	[tilespmem:$0x2800] =	vst v2  }
0x54: {  	v2 =	vld [tilespmem:s31+$0x10];
	_ =	sdelay $0x4  }
0x55: {  	v2 =	vshrl.u32 v2, $0x10  }
0x56: {  	[tilespmem:$0x2810] =	vst v2  }
0x57: {  	v2 =	vld [tilespmem:s31+$0x20];
	_ =	sdelay $0x4  }
0x58: {  	v2 =	vshrl.u32 v2, $0x10  }
0x59: {  	[tilespmem:$0x2820] =	vst v2  }
0x5a: {  	v2 =	vld [tilespmem:s31+$0x30];
	_ =	sdelay $0x4  }
0x5b: {  	v2 =	vshrl.u32 v2, $0x10  }
0x5c: {  	[tilespmem:$0x2830] =	vst v2  }
0x5d: {  	v2 =	vld [tilespmem:s31+$0x40];
	_ =	sdelay $0x4  }
0x5e: {  	v2 =	vshrl.u32 v2, $0x10  }
0x5f: {  	[tilespmem:$0x2840] =	vst v2  }
0x60: {  	v2 =	vld [tilespmem:s31+$0x50];
	_ =	sdelay $0x4  }
0x61: {  	v2 =	vshrl.u32 v2, $0x10  }
0x62: {  	[tilespmem:$0x2850] =	vst v2  }
0x63: {  	v2 =	vld [tilespmem:s31+$0x60];
	_ =	sdelay $0x4  }
0x64: {  	v2 =	vshrl.u32 v2, $0x10  }
0x65: {  	[tilespmem:$0x2860] =	vst v2  }
0x66: {  	v2 =	vld [tilespmem:s31+$0x70];
	_ =	sdelay $0x4  }
0x67: {  	v2 =	vshrl.u32 v2, $0x10  }
0x68: {  	[tilespmem:$0x2870] =	vst v2  }
0x69: {  	[spmem:s2] =	stream.indirect.scatter.add.f32 [tilespmem:s24], [sflag:$0x1], $0x80, s23, s22, $0xb8;
	[tilespmem:$0x1E880] =	vst v63  }
0x6a: {  	_ =	swait.ge [sflag:s21], $0x4000  }
0x6b: {  	s26 =	simm.s32 $0x200;
	s30 =	simm.s32 $0x400;
	[sflag:s21] =	ssyncset.done $0x0  }
.LBB2_4:
0x6c: {  	s29 =	sshra.s32 s26, $0x2  }
0x6d: {  	[sflag:s21] =	ssyncadd.s32 $0xFFFFC000;
	s26 =	smov.u32 s30;
	s28 =	sadd.s32 $0x200, s30  }
0x6e: {  	p0 =	sne.s32 s30, $0x9E00;
	v2 =	vld [tilespmem:s29+$0x0];
	_ =	sdelay $0x4  }
0x6f: {  	v2 =	vshrl.u32 v2, $0x10  }
0x70: {  	[tilespmem:$0x2800] =	vst v2  }
0x71: {  	v2 =	vld [tilespmem:s29+$0x10];
	_ =	sdelay $0x4  }
0x72: {  	v2 =	vshrl.u32 v2, $0x10  }
0x73: {  	[tilespmem:$0x2810] =	vst v2  }
0x74: {  	v2 =	vld [tilespmem:s29+$0x20];
	_ =	sdelay $0x4  }
0x75: {  	v2 =	vshrl.u32 v2, $0x10  }
0x76: {  	[tilespmem:$0x2820] =	vst v2  }
0x77: {  	v2 =	vld [tilespmem:s29+$0x30];
	_ =	sdelay $0x4  }
0x78: {  	v2 =	vshrl.u32 v2, $0x10  }
0x79: {  	[tilespmem:$0x2830] =	vst v2  }
0x7a: {  	v2 =	vld [tilespmem:s29+$0x40];
	_ =	sdelay $0x4  }
0x7b: {  	v2 =	vshrl.u32 v2, $0x10  }
0x7c: {  	[tilespmem:$0x2840] =	vst v2  }
0x7d: {  	v2 =	vld [tilespmem:s29+$0x50];
	_ =	sdelay $0x4  }
0x7e: {  	v2 =	vshrl.u32 v2, $0x10  }
0x7f: {  	[tilespmem:$0x2850] =	vst v2  }
0x80: {  	v2 =	vld [tilespmem:s29+$0x60];
	_ =	sdelay $0x4  }
0x81: {  	v2 =	vshrl.u32 v2, $0x10  }
0x82: {  	[tilespmem:$0x2860] =	vst v2  }
0x83: {  	v2 =	vld [tilespmem:s29+$0x70];
	_ =	sdelay $0x4  }
.Ltmp1:
0x84: {  	v2 =	vshrl.u32 v2, $0x10;
	(pc) =	sbr.rel @p0 .LBB2_4-.Ltmp1, $4  }
0x85: {  	[tilespmem:$0x2870] =	vst v2  }
0x86: {  	[spmem:s2] =	stream.indirect.scatter.add.f32 [tilespmem:s24], [sflag:$0x1], $0x80, s23, s22, $0xb8;
	[tilespmem:$0x1E880] =	vst v63  }
0x87: {  	_ =	swait.ge [sflag:s21], $0x4000  }
0x88: {  	s30 =	smov.u32 s28;
	[sflag:s21] =	ssyncset.done $0x0  }
0x89: {  	s26 =	sshra.s32 s26, $0x2;
	[sflag:s21] =	ssyncadd.s32 $0xFFFFC000  }
0x8a: {  	v2 =	vld [tilespmem:s26+$0x0];
	_ =	sdelay $0x4  }
0x8b: {  	v2 =	vshrl.u32 v2, $0x10  }
0x8c: {  	[tilespmem:$0x2800] =	vst v2  }
0x8d: {  	v2 =	vld [tilespmem:s26+$0x10];
	_ =	sdelay $0x4  }
0x8e: {  	v2 =	vshrl.u32 v2, $0x10  }
0x8f: {  	[tilespmem:$0x2810] =	vst v2  }
0x90: {  	v2 =	vld [tilespmem:s26+$0x20];
	_ =	sdelay $0x4  }
0x91: {  	v2 =	vshrl.u32 v2, $0x10  }
0x92: {  	[tilespmem:$0x2820] =	vst v2  }
0x93: {  	v2 =	vld [tilespmem:s26+$0x30];
	_ =	sdelay $0x4  }
0x94: {  	v2 =	vshrl.u32 v2, $0x10  }
0x95: {  	[tilespmem:$0x2830] =	vst v2  }
0x96: {  	v2 =	vld [tilespmem:s26+$0x40];
	_ =	sdelay $0x4  }
0x97: {  	v2 =	vshrl.u32 v2, $0x10  }
0x98: {  	[tilespmem:$0x2840] =	vst v2  }
0x99: {  	v2 =	vld [tilespmem:s26+$0x50];
	_ =	sdelay $0x4  }
0x9a: {  	v2 =	vshrl.u32 v2, $0x10  }
0x9b: {  	[tilespmem:$0x2850] =	vst v2  }
0x9c: {  	v2 =	vld [tilespmem:s26+$0x60];
	_ =	sdelay $0x4  }
0x9d: {  	v2 =	vshrl.u32 v2, $0x10  }
0x9e: {  	[tilespmem:$0x2860] =	vst v2  }
0x9f: {  	v2 =	vld [tilespmem:s26+$0x70];
	_ =	sdelay $0x4  }
0xa0: {  	v2 =	vshrl.u32 v2, $0x10  }
0xa1: {  	[tilespmem:$0x2870] =	vst v2  }
0xa2: {  	[spmem:s2] =	stream.indirect.scatter.add.f32 [tilespmem:s24], [sflag:$0x1], $0x80, s23, s22, $0xb8;
	[tilespmem:$0x1E880] =	vst v63  }
0xa3: {  	_ =	swait.ge [sflag:s21], $0x4000  }
0xa4: {  	[sflag:s21] =	ssyncset.done $0x0  }
0xa5: {  	[sflag:s21] =	ssyncadd.s32 $0xFFFFC000  }
0xa6: {  	[bflag:$0x0] =	sbarrier.arrive $0xFFFF  }
0xa7: {  	[tilespmem:s20], [sflag:$0x1] =	stream.linear.gather [spmem:s4], $0x4000, $0x38;
	[tilespmem:$0x1E880] =	vst v63  }
0xa8: {  	_ =	swait.ge [sflag:s21], $0x4000  }
0xa9: {  	[sflag:s21] =	ssyncset.done $0x0  }
0xaa: {  	[sflag:s21] =	ssyncadd.s32 $0xFFFFC000  }
0xab: {  	[hbm4b:s11+s3] =	stream.linear.scatter [tilespmem:s20], [sflag:$0x1], $0x4000, $0x38;
	[tilespmem:$0x1E880] =	vst v63  }
0xac: {  	_ =	swait.ge [sflag:s21], $0x4000  }
0xad: {  	[sflag:s21] =	ssyncset.done $0x0  }
0xae: {  	[sflag:s21] =	ssyncadd.s32 $0xFFFFC000  }
0xaf: {  	[tilespmem:s20], [sflag:$0x1] =	stream.linear.gather [spmem:s12], $0x4000, $0x38;
	[tilespmem:$0x1E880] =	vst v63  }
0xb0: {  	_ =	swait.ge [sflag:s21], $0x4000  }
0xb1: {  	[sflag:s21] =	ssyncset.done $0x0  }
0xb2: {  	[sflag:s21] =	ssyncadd.s32 $0xFFFFC000  }
0xb3: {  	[hbm4b:s13+s3] =	stream.linear.scatter [tilespmem:s20], [sflag:$0x1], $0x4000, $0x38;
	[tilespmem:$0x1E880] =	vst v63  }
0xb4: {  	_ =	swait.ge [sflag:s21], $0x4000  }
0xb5: {  	[sflag:s21] =	ssyncset.done $0x0  }
0xb6: {  	[sflag:s21] =	ssyncadd.s32 $0xFFFFC000  }
0xb7: {  	[tilespmem:s20], [sflag:$0x1] =	stream.linear.gather [spmem:s14], $0x4000, $0x38;
	[tilespmem:$0x1E880] =	vst v63  }
0xb8: {  	_ =	swait.ge [sflag:s21], $0x4000  }
0xb9: {  	[sflag:s21] =	ssyncset.done $0x0  }
0xba: {  	[sflag:s21] =	ssyncadd.s32 $0xFFFFC000  }
0xbb: {  	[hbm4b:s15+s3] =	stream.linear.scatter [tilespmem:s20], [sflag:$0x1], $0x4000, $0x38;
	[tilespmem:$0x1E880] =	vst v63  }
0xbc: {  	_ =	swait.ge [sflag:s21], $0x4000  }
0xbd: {  	[sflag:s21] =	ssyncset.done $0x0  }
0xbe: {  	[sflag:s21] =	ssyncadd.s32 $0xFFFFC000  }
0xbf: {  	[tilespmem:s20], [sflag:$0x1] =	stream.linear.gather [spmem:s16], $0x4000, $0x38;
	[tilespmem:$0x1E880] =	vst v63  }
0xc0: {  	_ =	swait.ge [sflag:s21], $0x4000  }
0xc1: {  	[sflag:s21] =	ssyncset.done $0x0  }
0xc2: {  	[sflag:s21] =	ssyncadd.s32 $0xFFFFC000  }
0xc3: {  	[hbm4b:s17+s3] =	stream.linear.scatter [tilespmem:s20], [sflag:$0x1], $0x4000, $0x38;
	[tilespmem:$0x1E880] =	vst v63  }
0xc4: {  	_ =	swait.ge [sflag:s21], $0x4000  }
0xc5: {  	[sflag:s21] =	ssyncset.done $0x0  }
0xc6: {  	[sflag:s21] =	ssyncadd.s32 $0xFFFFC000  }
0xc7: {  	[tilespmem:s20], [sflag:$0x1] =	stream.linear.gather [spmem:s18], $0x4000, $0x38;
	[tilespmem:$0x1E880] =	vst v63  }
0xc8: {  	s25 =	sadd.s32 $0x1, s25;
	_ =	swait.ge [sflag:s21], $0x4000  }
0xc9: {  	p0 =	sne.s32 s25, s6;
	[sflag:s21] =	ssyncset.done $0x0  }
.Ltmp2:
0xca: {  	[sflag:s21] =	ssyncadd.s32 $0xFFFFC000;
	(pc) =	sbr.rel @p0 .LBB2_1-.Ltmp2, $4  }
0xcb: {  	[hbm4b:s19+s3] =	stream.linear.scatter [tilespmem:s20], [sflag:$0x1], $0x4000, $0x38;
	[tilespmem:$0x1E880] =	vst v63  }
0xcc: {  	_ =	swait.ge [sflag:s21], $0x4000  }
0xcd: {  	[sflag:s21] =	ssyncset.done $0x0  }
0xce: {  	[sflag:s21] =	ssyncadd.s32 $0xFFFFC000  }
0xcf: {  	_ =	sfence.sel $0x180000  }
0xd0: {  	[bflag:$0x0] =	sbarrier.arrive $0xFFFF  }
0xd1: {  	p0 =	sne.s32 s1, $0x0;
	_ =	strace $0x90000047  }
0xd2: {  	s0 =	sadd.s32 @!p0 $0x100000, s0;
	[bflag:$0x2] =	sbarrier.arrive $0xFFFF  }
0xd3: {  	[sflag:s0] =	ssyncadd.tile.s32 @!p0 $0x1;
	_ =	shalt  }
.Lfunc_end2:
_tile_overlayer_lowered:
.L_overlay_start_2:
0xd4: {  	(tag) =	ssettag $0x2  }
0xd5: {  	s0 =	rddreg [dreg:$0x0];
	s2 =	stileid.u32  }
0xd6: {  	s1 =	rddreg [dreg:$0x1];
	p0 =	sne.s32 s2, $0x0  }
0xd7: {  	s3 =	rddreg [dreg:$0x2];
	[bflag:$0x3] =	sbarrier.arrive $0xFFFF;
	s2 =	simm.s32 @!p0 $0x1C01  }
0xd8: {  	[timem:s3], [sflag:s2] =	dma.local @!p0 [hbm:s0], s1  }
0xd9: {  	s0 =	simm.s32 @!p0 $0x1  }
0xda: {  	_ =	swait.ge @!p0 [sflag:s0], s1  }
0xdb: {  	s1 =	ssub.s32 @!p0 $0x0, s1;
	[sflag:s0] =	ssyncset.done @!p0 $0x0  }
0xdc: {  	[sflag:s0] =	ssyncadd.s32 @!p0 s1  }
0xdd: {  	[bflag:$0x3] =	sbarrier.arrive $0xFFFF  }
0xde: {  	_ =	shalt  }

// kernel: kernel.14.cloned.1.call-start
scs
__scs_entry_jumppad:
0x0: {  	(pc) =	sbr.rel $0x88, $3  }
0x1: {  	(tag) =	ssettag $0x0;
	lr =	simm.s32 $0x1  }
0x2: {  	[smem:$0x3F99] =	sst lr;
	_ =	strace $0xD0000000  }
0x3: {  	_ = 	snop  }
0x4: {  	_ = 	snop  }
0x5: {  	_ = 	snop  }
0x6: {  	_ = 	snop  }
0x7: {  	_ = 	snop  }
__scs_overlays_trampoline_lowered:
0x8: {  	[smem:$0x3FA8] =	sst s0  }
0x9: {  	[smem:$0x3FA9] =	sst s1  }
0xa: {  	[smem:$0x3FAA] =	sst s2  }
0xb: {  	[smem:$0x3FAB] =	sst s3  }
0xc: {  	[smem:$0x3FAC] =	sst s4  }
0xd: {  	[smem:$0x3FAD] =	sst s5  }
0xe: {  	[smem:$0x3FAE] =	sst s6  }
0xf: {  	[smem:$0x3FAF] =	sst s7  }
0x10: {  	[smem:$0x3FB0] =	sst s8  }
0x11: {  	[smem:$0x3FB1] =	sst s9;
	s0 =	simm.s32 @!p0 $0x0  }
0x12: {  	s1 =	sld [smem:$0x3F97];
	s0 =	simm.s32 @p0 $0x1  }
0x13: {  	[smem:$0x3FB2] =	sst s0;
	s0 =	simm.s32 @!p1 $0x0  }
0x14: {  	s2 =	sld [smem:$0x3F96];
	s0 =	simm.s32 @p1 $0x1  }
0x15: {  	[smem:$0x3FB3] =	sst s0;
	s0 =	simm.s32 @!p2 $0x0  }
0x16: {  	s3 =	sld [smem:$0x3FDB];
	s0 =	simm.s32 @p2 $0x1  }
0x17: {  	s4 =	simm.s32 $0x1BF5;
	[smem:$0x3FB5] =	sst s0  }
0x18: {  	s0 =	sld [smem:$0x3F98];
	_ =	swait.ge [sflag:s4], $0x0  }
0x19: {  	s7 =	sld [smem:$0x3F99]  }
0x1a: {  	s8 =	sadd.s32 $0xFFFFE003, lr  }
0x1b: {  	s9 =	sadd.s32 $0xFFFFFEF7, lr;
	s5 =	simm.s32 $0xFFFFFFFF;
	p2 =	slt.u32 s8, $0xFFFFF086  }
0x1c: {  	p1 =	slt.u32 s9, $0xF7A;
	s5 =	simm.s32 @!p2 $0x0  }
0x1d: {  	s5 =	simm.s32 @p1 $0x1;
	p0 =	seq.s32 s7, s2  }
0x1e: {  	s7 =	smul.u32 @!p0 $0xF7A, s2;
	p2 =	seq.s32 @!p0 s5, $0x0  }
0x1f: {  	s9 =	smul.u32 $0xF7A, s1;
	s8 =	simm.s32 @!p0 $0x1BF5;
	p2 =	por !p2, p0  }
0x20: {  	[sflag:s8] =	ssyncset.s32 @!p0 $0xFFFFF086;
	s6 =	sadd.s32 @!p0 s3, s7;
	s7 =	simm.s32 @!p0 $0x108  }
0x21: {  	s3 =	sadd.s32 s3, s9;
	s6 =	sadd.s32 @!p0 $0x88, s6;
	s7 =	simm.s32 @p2 $0x1082  }
0x22: {  	[simem:s7], [sflag:s8] =	dma.local @!p0 [hbm:s6], $0xF7A  }
0x23: {  	s9 =	sor.u32 $0xD0000000, s2;
	s6 =	simm.s32 $0x108;
	_ =	swait.ge @!p0 [sflag:s8], $0x0  }
0x24: {  	s3 =	sadd.s32 $0x88, s3;
	s6 =	simm.s32 @!p1 $0x1082;
	[sflag:s4] =	ssyncset.s32 $0xFFFFF086  }
0x25: {  	[simem:s6], [sflag:s4] =	dma.local [hbm:s3], $0xF7A  }
0x26: {  	[smem:$0x3F99] =	sst s1;
	(tag) =	ssettag s2;
	_ =	strace s9  }
0x27: {  	s1 =	sld [smem:$0x3FA9]  }
0x28: {  	s2 =	sld [smem:$0x3FAA]  }
0x29: {  	s4 =	sld [smem:$0x3FAC]  }
0x2a: {  	p0 =	seq.s32 s5, $0x0;
	s5 =	sld [smem:$0x3FAD]  }
0x2b: {  	s6 =	sld [smem:$0x3FAE]  }
0x2c: {  	s7 =	sld [smem:$0x3FAF]  }
0x2d: {  	s3 =	simm.s32 $0x108;
	s8 =	sld [smem:$0x3FB0]  }
0x2e: {  	s3 =	simm.s32 @!p0 $0x1082;
	s9 =	sld [smem:$0x3FB1]  }
0x2f: {  	lr =	sadd.s32 s0, s3;
	s0 =	sld [smem:$0x3FA8]  }
0x30: {  	s3 =	sld [smem:$0x3FAB]  }
0x31: {  	[smem:$0x3FB4] =	sst s10  }
0x32: {  	s10 =	sld [smem:$0x3FB2];
	_ =	sdelay $0x3  }
0x33: {  	p0 =	seq.s32 s10, $0x1;
	s10 =	sld [smem:$0x3FB4];
	_ =	sdelay $0x3  }
0x34: {  	[smem:$0x3FB4] =	sst s10  }
0x35: {  	s10 =	sld [smem:$0x3FB3];
	_ =	sdelay $0x3  }
0x36: {  	p1 =	seq.s32 s10, $0x1;
	s10 =	sld [smem:$0x3FB4];
	_ =	sdelay $0x3  }
0x37: {  	[smem:$0x3FB4] =	sst s10  }
0x38: {  	s10 =	sld [smem:$0x3FB5]  }
0x39: {  	_ = 	snop;
	(pc) =	sbr.ind lr, $3  }
0x3a: {  	_ = 	snop  }
0x3b: {  	_ = 	snop  }
0x3c: {  	p2 =	seq.s32 s10, $0x1;
	s10 =	sld [smem:$0x3FB4]  }
0x3d: {  	_ =	shalt  }
0x3e: {  	_ =	shalt  }
0x3f: {  	_ =	shalt  }
0x40: {  	_ =	shalt  }
0x41: {  	_ =	shalt  }
0x42: {  	_ =	shalt  }
0x43: {  	_ =	shalt  }
0x44: {  	_ =	shalt  }
0x45: {  	_ =	shalt  }
0x46: {  	_ =	shalt  }
0x47: {  	_ =	shalt  }
0x48: {  	_ =	shalt  }
0x49: {  	_ =	shalt  }
0x4a: {  	_ =	shalt  }
0x4b: {  	_ =	shalt  }
0x4c: {  	_ =	shalt  }
0x4d: {  	_ =	shalt  }
0x4e: {  	_ =	shalt  }
0x4f: {  	_ =	shalt  }
0x50: {  	_ =	shalt  }
0x51: {  	_ =	shalt  }
0x52: {  	_ =	shalt  }
0x53: {  	_ =	shalt  }
0x54: {  	_ =	shalt  }
0x55: {  	_ =	shalt  }
0x56: {  	_ =	shalt  }
0x57: {  	_ =	shalt  }
0x58: {  	_ =	shalt  }
0x59: {  	_ =	shalt  }
0x5a: {  	_ =	shalt  }
0x5b: {  	_ =	shalt  }
0x5c: {  	_ =	shalt  }
0x5d: {  	_ =	shalt  }
0x5e: {  	_ =	shalt  }
0x5f: {  	_ =	shalt  }
0x60: {  	_ =	shalt  }
0x61: {  	_ =	shalt  }
0x62: {  	_ =	shalt  }
0x63: {  	_ =	shalt  }
0x64: {  	_ =	shalt  }
0x65: {  	_ =	shalt  }
0x66: {  	_ =	shalt  }
0x67: {  	_ =	shalt  }
0x68: {  	_ =	shalt  }
0x69: {  	_ =	shalt  }
0x6a: {  	_ =	shalt  }
0x6b: {  	_ =	shalt  }
0x6c: {  	_ =	shalt  }
0x6d: {  	_ =	shalt  }
0x6e: {  	_ =	shalt  }
0x6f: {  	_ =	shalt  }
0x70: {  	_ =	shalt  }
0x71: {  	_ =	shalt  }
0x72: {  	_ =	shalt  }
0x73: {  	_ =	shalt  }
0x74: {  	_ =	shalt  }
0x75: {  	_ =	shalt  }
0x76: {  	_ =	shalt  }
0x77: {  	_ =	shalt  }
0x78: {  	_ =	shalt  }
0x79: {  	_ =	shalt  }
0x7a: {  	_ =	shalt  }
0x7b: {  	_ =	shalt  }
0x7c: {  	_ =	shalt  }
0x7d: {  	_ =	shalt  }
0x7e: {  	_ =	shalt  }
0x7f: {  	_ =	shalt  }
0x80: {  	_ =	shalt  }
0x81: {  	_ =	shalt  }
0x82: {  	_ =	shalt  }
0x83: {  	_ =	shalt  }
0x84: {  	_ =	shalt  }
0x85: {  	_ =	shalt  }
0x86: {  	_ =	shalt  }
0x87: {  	_ =	shalt  }
.Lfunc_end0:
.L_simem_size_0:
called_computation.1_lowered:
.L_overlay_start_0:
0x88: {  	s2 =	sld [smem:$0x3FD9]  }
0x89: {  	s3 =	sld [smem:$0x3FFE];
	_ =	sdelay $0x1  }
0x8a: {  	s1 =	srdreg.scid  }
0x8b: {  	s0 =	sand.u32 $0x1, s1  }
0x8c: {  	s14 =	sshll.u32 s0, $0xA;
	s2 =	sadd.s32 s3, s2  }
0x8d: {  	s2 =	sadd.s32 s2, s14  }
0x8e: {  	[smem:$0x3FC0] =	sst s2  }
0x8f: {  	_ = 	snop  }
0x90: {  	s2 =	sld [smem:$0x3FD0];
	_ =	sdelay $0x2  }
0x91: {  	s15 =	simm.s32 $0xA;
	s4 =	simm.s32 $0x10  }
0x92: {  	[smem:s4], [sflag:s15] =	dma.local [hbm:s2], $0x1  }
0x93: {  	_ =	swait.eq [sflag:s15], $0x1  }
0x94: {  	[sflag:s15] =	ssyncset.done $0x0  }
0x95: {  	[sflag:s15] =	ssyncadd.s32 $0xFFFFFFFF  }
0x96: {  	s16 =	sld [smem:$0x12];
	(tm) =	ssettm $0x1  }
0x97: {  	s17 =	sld [smem:$0x3FFB];
	_ =	sdelay $0x3  }
0x98: {  	_ =	strace s17  }
0x99: {  	s3 =	sld [smem:$0x3FFC];
	_ =	sdelay $0x3  }
0x9a: {  	_ =	strace s3  }
0x9b: {  	s3 =	sld [smem:$0x3FFD];
	_ =	sdelay $0x3  }
0x9c: {  	_ =	strace s3  }
0x9d: {  	_ =	strace $0x8FFFFFFF  }
0x9e: {  	s18 =	sld [smem:$0x3FDB];
	_ =	sdelay $0x1  }
0x9f: {  	s19 =	simm.s32 $_scs_section_size  }
0xa0: {  	s5 =	simm.s32 $_size__tile_overlayer_lowered;
	s6 =	simm.s32 $_tile_overlayer_lowered  }
0xa1: {  	s22 =	simm.s32 $0x1BFF;
	s21 =	sshll.u32 s6, $0x1;
	s3 =	sadd.s32 s19, s18  }
0xa2: {  	s7 =	simm.s32 $0x0;
	s20 =	sshll.u32 s5, $0x1;
	s5 =	sadd.s32 s21, s3  }
0xa3: {  	[timem:s7], [sflag:s22] =	dma.local [hbm:s5], s20  }
0xa4: {  	_ =	swait.ge [sflag:s22], s20  }
0xa5: {  	s4 =	ssub.s32 $0x0, s20;
	[sflag:s22] =	ssyncset.done $0x0  }
0xa6: {  	[sflag:s22] =	ssyncadd.s32 s4;
	_ =	sdelay $0x1  }
0xa7: {  	s23 =	simm.s32 $0x1B8B  }
0xa8: {  	_ =	swait.ge [sflag:s23], $0x1  }
0xa9: {  	[sflag:s23] =	ssyncset.done $0x0  }
0xaa: {  	s25 =	simm.s32 $0x1B8E;
	s24 =	sld [smem:$0x3FFE];
	[sflag:s23] =	ssyncadd.s32 $0xFFFFFFFF  }
0xab: {  	s26 =	simm.s32 $execute0_lowered;
	[smem:$0x3FD2] =	sst s25  }
0xac: {  	s5 =	sshll.u32 s26, $0x1;
	_ =	strace $0x80000049;
	[dreg:$0x1] =	wrdreg $0xFFFFFFFF  }
0xad: {  	s28 =	simm.s32 $_size_execute0_lowered;
	s3 =	sadd.s32 s3, s5;
	[dreg:$0x0] =	wrdreg $0x0  }
0xae: {  	s5 =	sshll.u32 s28, $0x1;
	[dreg:$0x2] =	wrdreg s3  }
0xaf: {  	[dreg:$0x3] =	wrdreg s5  }
0xb0: {  	[dreg:$0x4] =	wrdreg $0xC0  }
0xb1: {  	_ =	task [dreg:s7], $0x5FFFF  }
0xb2: {  	[dreg:$0x1] =	wrdreg $0xFFFFFFFF  }
0xb3: {  	[dreg:$0x0] =	wrdreg $0x60  }
0xb4: {  	[dreg:$0x2] =	wrdreg s24  }
0xb5: {  	[dreg:$0x3] =	wrdreg s16  }
0xb6: {  	[dreg:$0x4] =	wrdreg $0xAA000  }
0xb7: {  	[dreg:$0x5] =	wrdreg $0x9  }
0xb8: {  	_ =	task.clear_ibuf [dreg:s7], $0x6FFFF;
	_ =	strace $0x90000049  }
0xb9: {  	s29 =	simm.s32 $0x9;
	_ =	strace $0x8000004B  }
0xba: {  	_ =	swait.ge [sflag:s29], $0x1  }
0xbb: {  	[sflag:s29] =	ssyncadd.s32 $0xFFFFFFFF  }
0xbc: {  	_ =	strace $0x9000004B  }
0xbd: {  	_ =	sfence  }
0xbe: {  	s30 =	sld [smem:$0x0];
	_ =	sdelay $0x2  }
0xbf: {  	s31 =	sshll.u32 s1, $0xD;
	s1 =	sshrl.u32 s1, $0x2  }
0xc0: {  	s3 =	sand.u32 $0x4000, s31;
	s1 =	sadd.s32 s1, s30  }
0xc1: {  	s0 =	sor.u32 s3, s0;
	s1 =	sshll.u32 s1, $0x11  }
0xc2: {  	s0 =	sor.u32 s1, s0  }
0xc3: {  	s0 =	sadd.s32 $0x8F2B, s0  }
0xc4: {  	[sflag:s0] =	ssyncadd.remote.s32 $0x1  }
0xc5: {  	_ =	sfence.sel $0xFFFF  }
0xc6: {  	[dreg:$0x0] =	wrdreg $0xFFFFFFFF;
	(pc) =	sbr.abs _section_cstart, $3  }
0xc7: {  	[dreg:$0x1] =	wrdreg $0xFFFFFFFF  }
0xc8: {  	_ =	task.clear_ibuf [dreg:s7], $0x2FFFF;
	_ =	strace $0x9FFFFFFF  }
0xc9: {  	(tm) =	ssettm $0x7FFFFFFF  }
tec
execute0_lowered:
.L_overlay_start_1:
0x0: {  	(tag) =	ssettag $0x1  }
0x1: {  	s0 =	rddreg [dreg:$0x0]  }
0x2: {  	s2 =	rddreg [dreg:$0x1]  }
0x3: {  	s1 =	rddreg [dreg:$0x2];
	s3 =	simm.s32 $0x0  }
0x4: {  	s5 =	srdreg.scid;
	s10 =	stileid.u32;
	s28 =	simm.s32 $0x1  }
0x5: {  	s29 =	simm.s32 $0x2880;
	s30 =	simm.s32 $0x2;
	s31 =	simm.s32 $0x2980  }
0x6: {  	[smem:$0x7FF] =	sst s3;
	s4 =	sadd.s32 $0x3400, s0;
	s5 =	sand.u32 $0x1, s5  }
0x7: {  	s6 =	sshll.u32 s10, $0x1;
	s8 =	smul.u32 $0x50000, s10;
	s0 =	sadd.s32 $0x7B400, s0  }
0x8: {  	s20 =	smul.u32 $0x14000, s10;
	_ =	strace $0x8000004A;
	s7 =	ssub.s32 $0x2, s5  }
0x9: {  	s6 =	sor.u32 s5, s6;
	s18 =	smul.u32 $0x140000, s5;
	s9 =	sshrl.u32 s7, $0x1  }
0xa: {  	s6 =	smul.u32 $0x500, s6;
	s8 =	sshrl.u32 s8, $0x2;
	s13 =	sadd.s32 $0x4000, s20  }
0xb: {  	s15 =	sadd.s32 $0x8000, s20;
	s17 =	sadd.s32 $0xC000, s20;
	s7 =	ssub.s32 s7, s9  }
0xc: {  	s5 =	sadd.s32 s8, s1;
	s22 =	sadd.s32 s18, s20;
	s14 =	sadd.s32 s18, s13  }
0xd: {  	s13 =	sadd.s32 s13, s1;
	s24 =	sadd.s32 s18, s15;
	s15 =	sadd.s32 s15, s1  }
0xe: {  	s25 =	sadd.s32 s18, s17;
	s17 =	sadd.s32 s17, s1;
	s2 =	sadd.s32 s2, s6  }
0xf: {  	s21 =	smax.u32 s7, $0x1;
	s8 =	sadd.s32 $0x4000, s5;
	s9 =	sadd.s32 $0x8000, s5  }
0x10: {  	s10 =	sadd.s32 $0xC000, s5;
	s11 =	sadd.s32 $0x10000, s5;
	s6 =	sshrl.u32 s22, $0x3  }
0x11: {  	s23 =	sshrl.u32 s14, $0x3;
	s22 =	simm.s32 $0x3;
	[dreg:$0x4] =	wrdreg s2  }
0x12: {  	[dreg:$0x5] =	wrdreg s21;
	s12 =	sadd.s32 s0, s6;
	s14 =	sadd.s32 s0, s23  }
0x13: {  	s6 =	sshrl.u32 s24, $0x3;
	s2 =	sadd.s32 $0x10000, s20;
	s21 =	simm.s32 $0x2A00  }
0x14: {  	s23 =	simm.s32 $0x80;
	s24 =	simm.s32 $0x2800;
	s16 =	sadd.s32 s0, s6  }
0x15: {  	s6 =	sshrl.u32 s25, $0x3;
	s20 =	sadd.s32 s18, s2;
	s19 =	sadd.s32 s2, s1  }
0x16: {  	s25 =	simm.s32 $0x2900;
	s18 =	sadd.s32 s0, s6;
	s26 =	sshrl.u32 s20, $0x3  }
0x17: {  	v0 =	vimm.f32 $0.0e+00;
	s20 =	sadd.s32 s0, s26;
	s26 =	simm.s32 $0x6A00;
	s0 =	simm.s32 $0x0  }
.LBB2_1:
0x18: {  	s2 =	simm.s32 $0x0;
	s6 =	simm.s32 $0x200  }
.LBB2_2:
0x19: {  	p0 =	sne.s32 s6, $0xFE00;
	[tilespmem:s2+$0x2A70] =	vst v0  }
0x1a: {  	[tilespmem:s2+$0x2A00] =	vst v0  }
0x1b: {  	[tilespmem:s2+$0x2A10] =	vst v0  }
.Ltmp0:
0x1c: {  	[tilespmem:s2+$0x2A20] =	vst v0;
	(pc) =	sbr.rel @p0 .LBB2_2-.Ltmp0, $4  }
0x1d: {  	[tilespmem:s2+$0x2A30] =	vst v0  }
0x1e: {  	[tilespmem:s2+$0x2A40] =	vst v0  }
0x1f: {  	[tilespmem:s2+$0x2A50] =	vst v0  }
0x20: {  	[tilespmem:s2+$0x2A60] =	vst v0;
	s2 =	sshra.s32 s6, $0x2;
	s6 =	sadd.s32 $0x200, s6  }
0x21: {  	[tilespmem:s2+$0x2A70] =	vst v0  }
0x22: {  	[tilespmem:s2+$0x2A00] =	vst v0  }
0x23: {  	[tilespmem:s2+$0x2A10] =	vst v0  }
0x24: {  	[tilespmem:s2+$0x2A20] =	vst v0  }
0x25: {  	[tilespmem:s2+$0x2A30] =	vst v0  }
0x26: {  	[tilespmem:s2+$0x2A40] =	vst v0  }
0x27: {  	[tilespmem:s2+$0x2A50] =	vst v0  }
0x28: {  	[tilespmem:s2+$0x2A60] =	vst v0  }
0x29: {  	[spmem:s5] =	stream.linear.scatter [tilespmem:s21], [sflag:$0x3], $0x4000, $0x38;
	[tilespmem:$0x1EA00] =	vst v63  }
0x2a: {  	_ =	swait.ge [sflag:s22], $0x4000  }
0x2b: {  	[sflag:s22] =	ssyncset.done $0x0  }
0x2c: {  	[sflag:s22] =	ssyncadd.s32 $0xFFFFC000  }
0x2d: {  	[spmem:s8] =	stream.linear.scatter [tilespmem:s21], [sflag:$0x3], $0x4000, $0x38;
	[tilespmem:$0x1EA00] =	vst v63  }
0x2e: {  	_ =	swait.ge [sflag:s22], $0x4000  }
0x2f: {  	[sflag:s22] =	ssyncset.done $0x0  }
0x30: {  	[sflag:s22] =	ssyncadd.s32 $0xFFFFC000  }
0x31: {  	[spmem:s9] =	stream.linear.scatter [tilespmem:s21], [sflag:$0x3], $0x4000, $0x38;
	[tilespmem:$0x1EA00] =	vst v63  }
0x32: {  	_ =	swait.ge [sflag:s22], $0x4000  }
0x33: {  	[sflag:s22] =	ssyncset.done $0x0  }
0x34: {  	[sflag:s22] =	ssyncadd.s32 $0xFFFFC000  }
0x35: {  	[spmem:s10] =	stream.linear.scatter [tilespmem:s21], [sflag:$0x3], $0x4000, $0x38;
	[tilespmem:$0x1EA00] =	vst v63  }
0x36: {  	_ =	swait.ge [sflag:s22], $0x4000  }
0x37: {  	[sflag:s22] =	ssyncset.done $0x0  }
0x38: {  	[sflag:s22] =	ssyncadd.s32 $0xFFFFC000  }
0x39: {  	[spmem:s11] =	stream.linear.scatter [tilespmem:s21], [sflag:$0x3], $0x4000, $0x38;
	[tilespmem:$0x1EA00] =	vst v63  }
0x3a: {  	_ =	swait.ge [sflag:s22], $0x4000  }
0x3b: {  	[sflag:s22] =	ssyncset.done $0x0  }
0x3c: {  	s7 =	rddreg [dreg:$0x4];
	[sflag:s22] =	ssyncadd.s32 $0xFFFFC000  }
0x3d: {  	[tilespmem:s3], [sflag:$0x3] =	stream.linear.gather [hbm4b:s7+s3], $0x2800, $0x38;
	[tilespmem:$0x1EA00] =	vst v63  }
0x3e: {  	_ =	swait.ge [sflag:s22], $0x2800  }
0x3f: {  	[sflag:s22] =	ssyncset.done $0x0  }
0x40: {  	[sflag:s22] =	ssyncadd.s32 $0xFFFFD800  }
0x41: {  	[bflag:$0x0] =	sbarrier.arrive $0xFFFF  }
0x42: {  	v1 =	vld [tilespmem:$0x0];
	_ =	sdelay $0x1  }
0x43: {  	v2 =	vld [tilespmem:$0x10];
	_ =	sdelay $0x1  }
0x44: {  	v3 =	vld [tilespmem:$0x20]  }
0x45: {  	v4 =	vand.u32 $0xFFFF, v1  }
0x46: {  	v59 =	vld [tilespmem:$0x30];
	v1 =	vshrl.u32 v1, $0x10;
	[tilespmem:$0x2800] =	vst v4  }
0x47: {  	[tilespmem:$0x2880] =	vst v1;
	v1 =	vand.u32 $0xFFFF, v2  }
0x48: {  	[tilespmem:$0x2810] =	vst v1;
	v1 =	vshrl.u32 v2, $0x10;
	v2 =	vld [tilespmem:$0x40]  }
0x49: {  	[tilespmem:$0x2890] =	vst v1;
	v1 =	vand.u32 $0xFFFF, v3  }
0x4a: {  	[tilespmem:$0x2820] =	vst v1;
	v1 =	vshrl.u32 v3, $0x10;
	v3 =	vld [tilespmem:$0x50]  }
0x4b: {  	[tilespmem:$0x28A0] =	vst v1;
	v1 =	vand.u32 $0xFFFF, v59  }
0x4c: {  	v60 =	vld [tilespmem:$0x60];
	[tilespmem:$0x2830] =	vst v1;
	v1 =	vshrl.u32 v59, $0x10  }
0x4d: {  	[tilespmem:$0x28B0] =	vst v1;
	v1 =	vand.u32 $0xFFFF, v2  }
0x4e: {  	[tilespmem:$0x2840] =	vst v1;
	v1 =	vshrl.u32 v2, $0x10;
	v2 =	vld [tilespmem:$0x70]  }
0x4f: {  	[tilespmem:$0x28C0] =	vst v1;
	v1 =	vand.u32 $0xFFFF, v3  }
0x50: {  	[tilespmem:$0x2850] =	vst v1;
	v1 =	vshrl.u32 v3, $0x10  }
0x51: {  	[tilespmem:$0x28D0] =	vst v1;
	v1 =	vand.u32 $0xFFFF, v60  }
0x52: {  	[tilespmem:$0x2860] =	vst v1;
	v1 =	vshrl.u32 v60, $0x10  }
0x53: {  	[tilespmem:$0x28E0] =	vst v1;
	v1 =	vand.u32 $0xFFFF, v2  }
0x54: {  	[tilespmem:$0x2870] =	vst v1;
	v1 =	vshrl.u32 v2, $0x10  }
0x55: {  	[tilespmem:$0x28F0] =	vst v1  }
0x56: {  	[tilespmem:s21], [sflag:$0x1] =	stream.indirect.gather [hbm4b:s4+s23], $0x80, s24, s23, $0xb8;
	[tilespmem:$0x1EA00] =	vst v63  }
0x57: {  	v1 =	vld [tilespmem:$0x80];
	_ =	sdelay $0x1  }
0x58: {  	v2 =	vld [tilespmem:$0x90];
	_ =	sdelay $0x1  }
0x59: {  	v3 =	vld [tilespmem:$0xA0]  }
0x5a: {  	v61 =	vand.u32 $0xFFFF, v1  }
0x5b: {  	v62 =	vld [tilespmem:$0xB0];
	v1 =	vshrl.u32 v1, $0x10;
	[tilespmem:$0x2900] =	vst v61  }
0x5c: {  	[tilespmem:$0x2980] =	vst v1;
	v1 =	vand.u32 $0xFFFF, v2  }
0x5d: {  	[tilespmem:$0x2910] =	vst v1;
	v1 =	vshrl.u32 v2, $0x10;
	v2 =	vld [tilespmem:$0xC0]  }
0x5e: {  	[tilespmem:$0x2990] =	vst v1;
	v1 =	vand.u32 $0xFFFF, v3  }
0x5f: {  	[tilespmem:$0x2920] =	vst v1;
	v1 =	vshrl.u32 v3, $0x10;
	v3 =	vld [tilespmem:$0xD0]  }
0x60: {  	[tilespmem:$0x29A0] =	vst v1;
	v1 =	vand.u32 $0xFFFF, v62  }
0x61: {  	v63 =	vld [tilespmem:$0xE0];
	[tilespmem:$0x2930] =	vst v1;
	v1 =	vshrl.u32 v62, $0x10  }
0x62: {  	[tilespmem:$0x29B0] =	vst v1;
	v1 =	vand.u32 $0xFFFF, v2  }
0x63: {  	[tilespmem:$0x2940] =	vst v1;
	v1 =	vshrl.u32 v2, $0x10;
	v2 =	vld [tilespmem:$0xF0]  }
0x64: {  	[tilespmem:$0x29C0] =	vst v1;
	v1 =	vand.u32 $0xFFFF, v3  }
0x65: {  	[tilespmem:$0x2950] =	vst v1;
	v1 =	vshrl.u32 v3, $0x10  }
0x66: {  	[tilespmem:$0x29D0] =	vst v1;
	v1 =	vand.u32 $0xFFFF, v63  }
0x67: {  	[tilespmem:$0x2960] =	vst v1;
	v1 =	vshrl.u32 v63, $0x10  }
0x68: {  	[tilespmem:$0x29E0] =	vst v1;
	v1 =	vand.u32 $0xFFFF, v2  }
0x69: {  	[tilespmem:$0x2970] =	vst v1;
	v1 =	vshrl.u32 v2, $0x10  }
0x6a: {  	[tilespmem:$0x29F0] =	vst v1  }
0x6b: {  	[tilespmem:s26], [sflag:$0x2] =	stream.indirect.gather [hbm4b:s4+s23], $0x80, s25, s23, $0xb8;
	[tilespmem:$0x1EA00] =	vst v63  }
0x6c: {  	_ =	swait.ge [sflag:s28], $0x4000  }
0x6d: {  	[sflag:s28] =	ssyncset.done $0x0  }
0x6e: {  	[sflag:s28] =	ssyncadd.s32 $0xFFFFC000  }
0x6f: {  	[spmem:s1] =	stream.indirect.scatter.add.f32 [tilespmem:s21], [sflag:$0x3], $0x80, s29, s23, $0xb8;
	[tilespmem:$0x1EA00] =	vst v63  }
0x70: {  	_ =	swait.ge [sflag:s22], $0x4000  }
0x71: {  	[sflag:s22] =	ssyncset.done $0x0  }
0x72: {  	s2 =	simm.s32 $0x1F0;
	[sflag:s22] =	ssyncadd.s32 $0xFFFFC000  }
0x73: {  	v1 =	vld [tilespmem:s2+$0xFFFFFF10];
	_ =	sdelay $0x4  }
0x74: {  	v2 =	vand.u32 $0xFFFF, v1  }
0x75: {  	v1 =	vshrl.u32 v1, $0x10;
	[tilespmem:$0x2800] =	vst v2  }
0x76: {  	[tilespmem:$0x2880] =	vst v1  }
0x77: {  	v1 =	vld [tilespmem:s2+$0xFFFFFF20];
	_ =	sdelay $0x4  }
0x78: {  	v2 =	vand.u32 $0xFFFF, v1  }
0x79: {  	v1 =	vshrl.u32 v1, $0x10;
	[tilespmem:$0x2810] =	vst v2  }
0x7a: {  	[tilespmem:$0x2890] =	vst v1  }
0x7b: {  	v1 =	vld [tilespmem:s2+$0xFFFFFF30];
	_ =	sdelay $0x4  }
0x7c: {  	v2 =	vand.u32 $0xFFFF, v1  }
0x7d: {  	v1 =	vshrl.u32 v1, $0x10;
	[tilespmem:$0x2820] =	vst v2  }
0x7e: {  	[tilespmem:$0x28A0] =	vst v1  }
0x7f: {  	v1 =	vld [tilespmem:s2+$0xFFFFFF40];
	_ =	sdelay $0x4  }
0x80: {  	v2 =	vand.u32 $0xFFFF, v1  }
0x81: {  	v1 =	vshrl.u32 v1, $0x10;
	[tilespmem:$0x2830] =	vst v2  }
0x82: {  	[tilespmem:$0x28B0] =	vst v1  }
0x83: {  	v1 =	vld [tilespmem:s2+$0xFFFFFF50];
	_ =	sdelay $0x4  }
0x84: {  	v2 =	vand.u32 $0xFFFF, v1  }
0x85: {  	v1 =	vshrl.u32 v1, $0x10;
	[tilespmem:$0x2840] =	vst v2  }
0x86: {  	[tilespmem:$0x28C0] =	vst v1  }
0x87: {  	v1 =	vld [tilespmem:s2+$0xFFFFFF60];
	_ =	sdelay $0x4  }
0x88: {  	v2 =	vand.u32 $0xFFFF, v1  }
0x89: {  	v1 =	vshrl.u32 v1, $0x10;
	[tilespmem:$0x2850] =	vst v2  }
0x8a: {  	[tilespmem:$0x28D0] =	vst v1  }
0x8b: {  	v1 =	vld [tilespmem:s2+$0xFFFFFF70];
	_ =	sdelay $0x4  }
0x8c: {  	v2 =	vand.u32 $0xFFFF, v1  }
0x8d: {  	v1 =	vshrl.u32 v1, $0x10;
	[tilespmem:$0x2860] =	vst v2  }
0x8e: {  	[tilespmem:$0x28E0] =	vst v1  }
0x8f: {  	v1 =	vld [tilespmem:s2+$0xFFFFFF80];
	_ =	sdelay $0x4  }
0x90: {  	v2 =	vand.u32 $0xFFFF, v1  }
0x91: {  	v1 =	vshrl.u32 v1, $0x10;
	[tilespmem:$0x2870] =	vst v2  }
0x92: {  	[tilespmem:$0x28F0] =	vst v1  }
0x93: {  	[tilespmem:s21], [sflag:$0x1] =	stream.indirect.gather [hbm4b:s4+s23], $0x80, s24, s23, $0xb8;
	[tilespmem:$0x1EA00] =	vst v63  }
0x94: {  	_ =	swait.ge [sflag:s30], $0x4000  }
0x95: {  	[sflag:s30] =	ssyncset.done $0x0  }
0x96: {  	[sflag:s30] =	ssyncadd.s32 $0xFFFFC000  }
0x97: {  	[spmem:s1] =	stream.indirect.scatter.add.f32 [tilespmem:s26], [sflag:$0x3], $0x80, s31, s23, $0xb8;
	[tilespmem:$0x1EA00] =	vst v63  }
0x98: {  	_ =	swait.ge [sflag:s22], $0x4000  }
0x99: {  	[sflag:s22] =	ssyncset.done $0x0  }
0x9a: {  	[sflag:s22] =	ssyncadd.s32 $0xFFFFC000  }
0x9b: {  	v1 =	vld [tilespmem:s2+$0xFFFFFF90];
	_ =	sdelay $0x4  }
0x9c: {  	v2 =	vand.u32 $0xFFFF, v1  }
0x9d: {  	v1 =	vshrl.u32 v1, $0x10;
	[tilespmem:$0x2900] =	vst v2  }
0x9e: {  	[tilespmem:$0x2980] =	vst v1  }
0x9f: {  	v1 =	vld [tilespmem:s2+$0xFFFFFFA0];
	_ =	sdelay $0x4  }
0xa0: {  	v2 =	vand.u32 $0xFFFF, v1  }
0xa1: {  	v1 =	vshrl.u32 v1, $0x10;
	[tilespmem:$0x2910] =	vst v2  }
0xa2: {  	[tilespmem:$0x2990] =	vst v1  }
0xa3: {  	v1 =	vld [tilespmem:s2+$0xFFFFFFB0];
	_ =	sdelay $0x4  }
0xa4: {  	v2 =	vand.u32 $0xFFFF, v1  }
0xa5: {  	v1 =	vshrl.u32 v1, $0x10;
	[tilespmem:$0x2920] =	vst v2  }
0xa6: {  	[tilespmem:$0x29A0] =	vst v1  }
0xa7: {  	v1 =	vld [tilespmem:s2+$0xFFFFFFC0];
	_ =	sdelay $0x4  }
0xa8: {  	v2 =	vand.u32 $0xFFFF, v1  }
0xa9: {  	v1 =	vshrl.u32 v1, $0x10;
	[tilespmem:$0x2930] =	vst v2  }
0xaa: {  	[tilespmem:$0x29B0] =	vst v1  }
0xab: {  	v1 =	vld [tilespmem:s2+$0xFFFFFFD0];
	_ =	sdelay $0x4  }
0xac: {  	v2 =	vand.u32 $0xFFFF, v1  }
0xad: {  	v1 =	vshrl.u32 v1, $0x10;
	[tilespmem:$0x2940] =	vst v2  }
0xae: {  	[tilespmem:$0x29C0] =	vst v1  }
0xaf: {  	v1 =	vld [tilespmem:s2+$0xFFFFFFE0];
	_ =	sdelay $0x4  }
0xb0: {  	v2 =	vand.u32 $0xFFFF, v1  }
0xb1: {  	v1 =	vshrl.u32 v1, $0x10;
	[tilespmem:$0x2950] =	vst v2  }
0xb2: {  	s6 =	simm.s32 $0xBC0;
	[tilespmem:$0x29D0] =	vst v1  }
.LBB2_4:
0xb3: {  	p0 =	sne.s32 s6, $0x9FC0;
	v1 =	vld [tilespmem:s2+$0xFFFFFFF0];
	s7 =	smov.u32 s6;
	s6 =	sadd.s32 $0x400, s6  }
0xb4: {  	_ =	sdelay $0x3  }
0xb5: {  	v2 =	vand.u32 $0xFFFF, v1;
	v1 =	vshrl.u32 v1, $0x10  }
0xb6: {  	[tilespmem:$0x2960] =	vst v2  }
0xb7: {  	[tilespmem:$0x29E0] =	vst v1  }
0xb8: {  	v1 =	vld [tilespmem:s2+$0x0];
	_ =	sdelay $0x4  }
0xb9: {  	v2 =	vand.u32 $0xFFFF, v1;
	v1 =	vshrl.u32 v1, $0x10  }
0xba: {  	[tilespmem:$0x2970] =	vst v2  }
0xbb: {  	[tilespmem:$0x29F0] =	vst v1  }
0xbc: {  	[tilespmem:s26], [sflag:$0x2] =	stream.indirect.gather [hbm4b:s4+s23], $0x80, s25, s23, $0xb8;
	[tilespmem:$0x1EA00] =	vst v63  }
0xbd: {  	_ =	swait.ge [sflag:s28], $0x4000  }
0xbe: {  	[sflag:s28] =	ssyncset.done $0x0  }
0xbf: {  	[sflag:s28] =	ssyncadd.s32 $0xFFFFC000  }
0xc0: {  	[spmem:s1] =	stream.indirect.scatter.add.f32 [tilespmem:s21], [sflag:$0x3], $0x80, s29, s23, $0xb8;
	[tilespmem:$0x1EA00] =	vst v63  }
0xc1: {  	_ =	swait.ge [sflag:s22], $0x4000  }
0xc2: {  	[sflag:s22] =	ssyncset.done $0x0  }
0xc3: {  	s2 =	sshra.s32 s7, $0x2;
	[sflag:s22] =	ssyncadd.s32 $0xFFFFC000  }
0xc4: {  	v1 =	vld [tilespmem:s2+$0xFFFFFF10];
	_ =	sdelay $0x4  }
0xc5: {  	v2 =	vand.u32 $0xFFFF, v1;
	v1 =	vshrl.u32 v1, $0x10  }
0xc6: {  	[tilespmem:$0x2800] =	vst v2  }
0xc7: {  	[tilespmem:$0x2880] =	vst v1  }
0xc8: {  	v1 =	vld [tilespmem:s2+$0xFFFFFF20];
	_ =	sdelay $0x4  }
0xc9: {  	v2 =	vand.u32 $0xFFFF, v1;
	v1 =	vshrl.u32 v1, $0x10  }
0xca: {  	[tilespmem:$0x2810] =	vst v2  }
0xcb: {  	[tilespmem:$0x2890] =	vst v1  }
0xcc: {  	v1 =	vld [tilespmem:s2+$0xFFFFFF30];
	_ =	sdelay $0x4  }
0xcd: {  	v2 =	vand.u32 $0xFFFF, v1;
	v1 =	vshrl.u32 v1, $0x10  }
0xce: {  	[tilespmem:$0x2820] =	vst v2  }
0xcf: {  	[tilespmem:$0x28A0] =	vst v1  }
0xd0: {  	v1 =	vld [tilespmem:s2+$0xFFFFFF40];
	_ =	sdelay $0x4  }
0xd1: {  	v2 =	vand.u32 $0xFFFF, v1;
	v1 =	vshrl.u32 v1, $0x10  }
0xd2: {  	[tilespmem:$0x2830] =	vst v2  }
0xd3: {  	[tilespmem:$0x28B0] =	vst v1  }
0xd4: {  	v1 =	vld [tilespmem:s2+$0xFFFFFF50];
	_ =	sdelay $0x4  }
0xd5: {  	v2 =	vand.u32 $0xFFFF, v1;
	v1 =	vshrl.u32 v1, $0x10  }
0xd6: {  	[tilespmem:$0x2840] =	vst v2  }
0xd7: {  	[tilespmem:$0x28C0] =	vst v1  }
0xd8: {  	v1 =	vld [tilespmem:s2+$0xFFFFFF60];
	_ =	sdelay $0x4  }
0xd9: {  	v2 =	vand.u32 $0xFFFF, v1;
	v1 =	vshrl.u32 v1, $0x10  }
0xda: {  	[tilespmem:$0x2850] =	vst v2  }
0xdb: {  	[tilespmem:$0x28D0] =	vst v1  }
0xdc: {  	v1 =	vld [tilespmem:s2+$0xFFFFFF70];
	_ =	sdelay $0x4  }
0xdd: {  	v2 =	vand.u32 $0xFFFF, v1;
	v1 =	vshrl.u32 v1, $0x10  }
0xde: {  	[tilespmem:$0x2860] =	vst v2  }
0xdf: {  	[tilespmem:$0x28E0] =	vst v1  }
0xe0: {  	v1 =	vld [tilespmem:s2+$0xFFFFFF80];
	_ =	sdelay $0x4  }
0xe1: {  	v2 =	vand.u32 $0xFFFF, v1;
	v1 =	vshrl.u32 v1, $0x10  }
0xe2: {  	[tilespmem:$0x2870] =	vst v2  }
0xe3: {  	[tilespmem:$0x28F0] =	vst v1  }
0xe4: {  	[tilespmem:s21], [sflag:$0x1] =	stream.indirect.gather [hbm4b:s4+s23], $0x80, s24, s23, $0xb8;
	[tilespmem:$0x1EA00] =	vst v63  }
0xe5: {  	_ =	swait.ge [sflag:s30], $0x4000  }
0xe6: {  	[sflag:s30] =	ssyncset.done $0x0  }
0xe7: {  	[sflag:s30] =	ssyncadd.s32 $0xFFFFC000  }
0xe8: {  	[spmem:s1] =	stream.indirect.scatter.add.f32 [tilespmem:s26], [sflag:$0x3], $0x80, s31, s23, $0xb8;
	[tilespmem:$0x1EA00] =	vst v63  }
0xe9: {  	_ =	swait.ge [sflag:s22], $0x4000  }
0xea: {  	[sflag:s22] =	ssyncset.done $0x0  }
0xeb: {  	[sflag:s22] =	ssyncadd.s32 $0xFFFFC000  }
0xec: {  	v1 =	vld [tilespmem:s2+$0xFFFFFF90];
	_ =	sdelay $0x4  }
0xed: {  	v2 =	vand.u32 $0xFFFF, v1;
	v1 =	vshrl.u32 v1, $0x10  }
0xee: {  	[tilespmem:$0x2900] =	vst v2  }
0xef: {  	[tilespmem:$0x2980] =	vst v1  }
0xf0: {  	v1 =	vld [tilespmem:s2+$0xFFFFFFA0];
	_ =	sdelay $0x4  }
0xf1: {  	v2 =	vand.u32 $0xFFFF, v1;
	v1 =	vshrl.u32 v1, $0x10  }
0xf2: {  	[tilespmem:$0x2910] =	vst v2  }
0xf3: {  	[tilespmem:$0x2990] =	vst v1  }
0xf4: {  	v1 =	vld [tilespmem:s2+$0xFFFFFFB0];
	_ =	sdelay $0x4  }
0xf5: {  	v2 =	vand.u32 $0xFFFF, v1;
	v1 =	vshrl.u32 v1, $0x10  }
0xf6: {  	[tilespmem:$0x2920] =	vst v2  }
0xf7: {  	[tilespmem:$0x29A0] =	vst v1  }
0xf8: {  	v1 =	vld [tilespmem:s2+$0xFFFFFFC0];
	_ =	sdelay $0x4  }
0xf9: {  	v2 =	vand.u32 $0xFFFF, v1;
	v1 =	vshrl.u32 v1, $0x10  }
0xfa: {  	[tilespmem:$0x2930] =	vst v2  }
0xfb: {  	[tilespmem:$0x29B0] =	vst v1  }
0xfc: {  	v1 =	vld [tilespmem:s2+$0xFFFFFFD0];
	_ =	sdelay $0x4  }
0xfd: {  	v2 =	vand.u32 $0xFFFF, v1;
	v1 =	vshrl.u32 v1, $0x10  }
0xfe: {  	[tilespmem:$0x2940] =	vst v2  }
0xff: {  	[tilespmem:$0x29C0] =	vst v1  }
0x100: {  	v1 =	vld [tilespmem:s2+$0xFFFFFFE0];
	_ =	sdelay $0x2  }
.Ltmp1:
0x101: {  	(pc) =	sbr.rel @p0 .LBB2_4-.Ltmp1, $4  }
0x102: {  	_ = 	snop  }
0x103: {  	v2 =	vand.u32 $0xFFFF, v1;
	v1 =	vshrl.u32 v1, $0x10  }
0x104: {  	[tilespmem:$0x2950] =	vst v2  }
0x105: {  	[tilespmem:$0x29D0] =	vst v1  }
0x106: {  	v1 =	vld [tilespmem:s2+$0xFFFFFFF0];
	_ =	sdelay $0x4  }
0x107: {  	v2 =	vand.u32 $0xFFFF, v1  }
0x108: {  	v1 =	vshrl.u32 v1, $0x10;
	[tilespmem:$0x2960] =	vst v2  }
0x109: {  	[tilespmem:$0x29E0] =	vst v1  }
0x10a: {  	v1 =	vld [tilespmem:s2+$0x0];
	_ =	sdelay $0x4  }
0x10b: {  	v2 =	vand.u32 $0xFFFF, v1  }
0x10c: {  	v1 =	vshrl.u32 v1, $0x10;
	[tilespmem:$0x2970] =	vst v2  }
0x10d: {  	[tilespmem:$0x29F0] =	vst v1  }
0x10e: {  	[tilespmem:s26], [sflag:$0x2] =	stream.indirect.gather [hbm4b:s4+s23], $0x80, s25, s23, $0xb8;
	[tilespmem:$0x1EA00] =	vst v63  }
0x10f: {  	_ =	swait.ge [sflag:s28], $0x4000  }
0x110: {  	[sflag:s28] =	ssyncset.done $0x0  }
0x111: {  	[sflag:s28] =	ssyncadd.s32 $0xFFFFC000  }
0x112: {  	[spmem:s1] =	stream.indirect.scatter.add.f32 [tilespmem:s21], [sflag:$0x3], $0x80, s29, s23, $0xb8;
	[tilespmem:$0x1EA00] =	vst v63  }
0x113: {  	_ =	swait.ge [sflag:s22], $0x4000  }
0x114: {  	[sflag:s22] =	ssyncset.done $0x0  }
0x115: {  	[sflag:s22] =	ssyncadd.s32 $0xFFFFC000  }
0x116: {  	_ =	swait.ge [sflag:s30], $0x4000  }
0x117: {  	[sflag:s30] =	ssyncset.done $0x0  }
0x118: {  	[sflag:s30] =	ssyncadd.s32 $0xFFFFC000  }
0x119: {  	[spmem:s1] =	stream.indirect.scatter.add.f32 [tilespmem:s26], [sflag:$0x3], $0x80, s31, s23, $0xb8;
	[tilespmem:$0x1EA00] =	vst v63  }
0x11a: {  	_ =	swait.ge [sflag:s22], $0x4000  }
0x11b: {  	[sflag:s22] =	ssyncset.done $0x0  }
0x11c: {  	[sflag:s22] =	ssyncadd.s32 $0xFFFFC000  }
0x11d: {  	[bflag:$0x0] =	sbarrier.arrive $0xFFFF  }
0x11e: {  	[tilespmem:s26], [sflag:$0x3] =	stream.linear.gather [spmem:s5], $0x4000, $0x38;
	[tilespmem:$0x1EA00] =	vst v63  }
0x11f: {  	_ =	swait.ge [sflag:s22], $0x4000  }
0x120: {  	[sflag:s22] =	ssyncset.done $0x0  }
0x121: {  	[sflag:s22] =	ssyncadd.s32 $0xFFFFC000  }
0x122: {  	[hbm4b:s12+s3] =	stream.linear.scatter [tilespmem:s26], [sflag:$0x3], $0x4000, $0x38;
	[tilespmem:$0x1EA00] =	vst v63  }
0x123: {  	_ =	swait.ge [sflag:s22], $0x4000  }
0x124: {  	[sflag:s22] =	ssyncset.done $0x0  }
0x125: {  	[sflag:s22] =	ssyncadd.s32 $0xFFFFC000  }
0x126: {  	[tilespmem:s26], [sflag:$0x3] =	stream.linear.gather [spmem:s13], $0x4000, $0x38;
	[tilespmem:$0x1EA00] =	vst v63  }
0x127: {  	_ =	swait.ge [sflag:s22], $0x4000  }
0x128: {  	[sflag:s22] =	ssyncset.done $0x0  }
0x129: {  	[sflag:s22] =	ssyncadd.s32 $0xFFFFC000  }
0x12a: {  	[hbm4b:s14+s3] =	stream.linear.scatter [tilespmem:s26], [sflag:$0x3], $0x4000, $0x38;
	[tilespmem:$0x1EA00] =	vst v63  }
0x12b: {  	_ =	swait.ge [sflag:s22], $0x4000  }
0x12c: {  	[sflag:s22] =	ssyncset.done $0x0  }
0x12d: {  	[sflag:s22] =	ssyncadd.s32 $0xFFFFC000  }
0x12e: {  	[tilespmem:s26], [sflag:$0x3] =	stream.linear.gather [spmem:s15], $0x4000, $0x38;
	[tilespmem:$0x1EA00] =	vst v63  }
0x12f: {  	_ =	swait.ge [sflag:s22], $0x4000  }
0x130: {  	[sflag:s22] =	ssyncset.done $0x0  }
0x131: {  	[sflag:s22] =	ssyncadd.s32 $0xFFFFC000  }
0x132: {  	[hbm4b:s16+s3] =	stream.linear.scatter [tilespmem:s26], [sflag:$0x3], $0x4000, $0x38;
	[tilespmem:$0x1EA00] =	vst v63  }
0x133: {  	_ =	swait.ge [sflag:s22], $0x4000  }
0x134: {  	[sflag:s22] =	ssyncset.done $0x0  }
0x135: {  	[sflag:s22] =	ssyncadd.s32 $0xFFFFC000  }
0x136: {  	[tilespmem:s26], [sflag:$0x3] =	stream.linear.gather [spmem:s17], $0x4000, $0x38;
	[tilespmem:$0x1EA00] =	vst v63  }
0x137: {  	_ =	swait.ge [sflag:s22], $0x4000  }
0x138: {  	[sflag:s22] =	ssyncset.done $0x0  }
0x139: {  	[sflag:s22] =	ssyncadd.s32 $0xFFFFC000  }
0x13a: {  	[hbm4b:s18+s3] =	stream.linear.scatter [tilespmem:s26], [sflag:$0x3], $0x4000, $0x38;
	[tilespmem:$0x1EA00] =	vst v63  }
0x13b: {  	_ =	swait.ge [sflag:s22], $0x4000  }
0x13c: {  	[sflag:s22] =	ssyncset.done $0x0  }
0x13d: {  	[sflag:s22] =	ssyncadd.s32 $0xFFFFC000  }
0x13e: {  	[tilespmem:s26], [sflag:$0x3] =	stream.linear.gather [spmem:s19], $0x4000, $0x38;
	[tilespmem:$0x1EA00] =	vst v63  }
0x13f: {  	_ =	swait.ge [sflag:s22], $0x4000  }
0x140: {  	[sflag:s22] =	ssyncset.done $0x0  }
0x141: {  	[sflag:s22] =	ssyncadd.s32 $0xFFFFC000  }
0x142: {  	[hbm4b:s20+s3] =	stream.linear.scatter [tilespmem:s26], [sflag:$0x3], $0x4000, $0x38;
	[tilespmem:$0x1EA00] =	vst v63  }
0x143: {  	_ =	swait.ge [sflag:s22], $0x4000  }
0x144: {  	s0 =	sadd.s32 $0x1, s0;
	s7 =	rddreg [dreg:$0x5]  }
0x145: {  	p0 =	sne.s32 s0, s7  }
.Ltmp2:
0x146: {  	_ = 	snop;
	(pc) =	sbr.rel @p0 .LBB2_1-.Ltmp2, $3  }
0x147: {  	_ =	sdelay $0x1  }
0x148: {  	[sflag:s22] =	ssyncset.done $0x0  }
0x149: {  	[sflag:s22] =	ssyncadd.s32 $0xFFFFC000  }
0x14a: {  	_ =	sfence.sel $0x180000  }
0x14b: {  	[bflag:$0x0] =	sbarrier.arrive $0xFFFF  }
0x14c: {  	_ =	strace $0x9000004A  }
0x14d: {  	s0 =	stileid.u32;
	[bflag:$0x2] =	sbarrier.arrive $0xFFFF  }
0x14e: {  	p0 =	sne.s32 s0, $0x0;
	s0 =	rddreg [dreg:$0x3]  }
0x14f: {  	s0 =	sadd.s32 @!p0 $0x100000, s0  }
0x150: {  	[sflag:s0] =	ssyncadd.tile.s32 @!p0 $0x1;
	_ =	shalt  }
.Lfunc_end2:
_tile_overlayer_lowered:
.L_overlay_start_2:
0x151: {  	(tag) =	ssettag $0x2  }
0x152: {  	s0 =	rddreg [dreg:$0x0];
	s2 =	stileid.u32  }
0x153: {  	s1 =	rddreg [dreg:$0x1];
	p0 =	sne.s32 s2, $0x0  }
0x154: {  	s3 =	rddreg [dreg:$0x2];
	[bflag:$0x3] =	sbarrier.arrive $0xFFFF;
	s2 =	simm.s32 @!p0 $0x1C03  }
0x155: {  	[timem:s3], [sflag:s2] =	dma.local @!p0 [hbm:s0], s1  }
0x156: {  	s0 =	simm.s32 @!p0 $0x3  }
0x157: {  	_ =	swait.ge @!p0 [sflag:s0], s1  }
0x158: {  	s1 =	ssub.s32 @!p0 $0x0, s1;
	[sflag:s0] =	ssyncset.done @!p0 $0x0  }
0x159: {  	[sflag:s0] =	ssyncadd.s32 @!p0 s1  }
0x15a: {  	[bflag:$0x3] =	sbarrier.arrive $0xFFFF  }
0x15b: {  	_ =	shalt  }

// kernel: kernel.17.cloned.1.call-start
scs
__scs_entry_jumppad:
0x0: {  	(pc) =	sbr.rel $0x88, $3  }
0x1: {  	(tag) =	ssettag $0x0;
	lr =	simm.s32 $0x1  }
0x2: {  	[smem:$0x3F99] =	sst lr;
	_ =	strace $0xD0000000  }
0x3: {  	_ = 	snop  }
0x4: {  	_ = 	snop  }
0x5: {  	_ = 	snop  }
0x6: {  	_ = 	snop  }
0x7: {  	_ = 	snop  }
__scs_overlays_trampoline_lowered:
0x8: {  	[smem:$0x3FA8] =	sst s0  }
0x9: {  	[smem:$0x3FA9] =	sst s1  }
0xa: {  	[smem:$0x3FAA] =	sst s2  }
0xb: {  	[smem:$0x3FAB] =	sst s3  }
0xc: {  	[smem:$0x3FAC] =	sst s4  }
0xd: {  	[smem:$0x3FAD] =	sst s5  }
0xe: {  	[smem:$0x3FAE] =	sst s6  }
0xf: {  	[smem:$0x3FAF] =	sst s7  }
0x10: {  	[smem:$0x3FB0] =	sst s8  }
0x11: {  	[smem:$0x3FB1] =	sst s9;
	s0 =	simm.s32 @!p0 $0x0  }
0x12: {  	s1 =	sld [smem:$0x3F97];
	s0 =	simm.s32 @p0 $0x1  }
0x13: {  	[smem:$0x3FB2] =	sst s0;
	s0 =	simm.s32 @!p1 $0x0  }
0x14: {  	s2 =	sld [smem:$0x3F96];
	s0 =	simm.s32 @p1 $0x1  }
0x15: {  	[smem:$0x3FB3] =	sst s0;
	s0 =	simm.s32 @!p2 $0x0  }
0x16: {  	s3 =	sld [smem:$0x3FDB];
	s0 =	simm.s32 @p2 $0x1  }
0x17: {  	s4 =	simm.s32 $0x1BF5;
	[smem:$0x3FB5] =	sst s0  }
0x18: {  	s0 =	sld [smem:$0x3F98];
	_ =	swait.ge [sflag:s4], $0x0  }
0x19: {  	s7 =	sld [smem:$0x3F99]  }
0x1a: {  	s8 =	sadd.s32 $0xFFFFE003, lr  }
0x1b: {  	s9 =	sadd.s32 $0xFFFFFEF7, lr;
	s5 =	simm.s32 $0xFFFFFFFF;
	p2 =	slt.u32 s8, $0xFFFFF086  }
0x1c: {  	p1 =	slt.u32 s9, $0xF7A;
	s5 =	simm.s32 @!p2 $0x0  }
0x1d: {  	s5 =	simm.s32 @p1 $0x1;
	p0 =	seq.s32 s7, s2  }
0x1e: {  	s7 =	smul.u32 @!p0 $0xF7A, s2;
	p2 =	seq.s32 @!p0 s5, $0x0  }
0x1f: {  	s9 =	smul.u32 $0xF7A, s1;
	s8 =	simm.s32 @!p0 $0x1BF5;
	p2 =	por !p2, p0  }
0x20: {  	[sflag:s8] =	ssyncset.s32 @!p0 $0xFFFFF086;
	s6 =	sadd.s32 @!p0 s3, s7;
	s7 =	simm.s32 @!p0 $0x108  }
0x21: {  	s3 =	sadd.s32 s3, s9;
	s6 =	sadd.s32 @!p0 $0x88, s6;
	s7 =	simm.s32 @p2 $0x1082  }
0x22: {  	[simem:s7], [sflag:s8] =	dma.local @!p0 [hbm:s6], $0xF7A  }
0x23: {  	s9 =	sor.u32 $0xD0000000, s2;
	s6 =	simm.s32 $0x108;
	_ =	swait.ge @!p0 [sflag:s8], $0x0  }
0x24: {  	s3 =	sadd.s32 $0x88, s3;
	s6 =	simm.s32 @!p1 $0x1082;
	[sflag:s4] =	ssyncset.s32 $0xFFFFF086  }
0x25: {  	[simem:s6], [sflag:s4] =	dma.local [hbm:s3], $0xF7A  }
0x26: {  	[smem:$0x3F99] =	sst s1;
	(tag) =	ssettag s2;
	_ =	strace s9  }
0x27: {  	s1 =	sld [smem:$0x3FA9]  }
0x28: {  	s2 =	sld [smem:$0x3FAA]  }
0x29: {  	s4 =	sld [smem:$0x3FAC]  }
0x2a: {  	p0 =	seq.s32 s5, $0x0;
	s5 =	sld [smem:$0x3FAD]  }
0x2b: {  	s6 =	sld [smem:$0x3FAE]  }
0x2c: {  	s7 =	sld [smem:$0x3FAF]  }
0x2d: {  	s3 =	simm.s32 $0x108;
	s8 =	sld [smem:$0x3FB0]  }
0x2e: {  	s3 =	simm.s32 @!p0 $0x1082;
	s9 =	sld [smem:$0x3FB1]  }
0x2f: {  	lr =	sadd.s32 s0, s3;
	s0 =	sld [smem:$0x3FA8]  }
0x30: {  	s3 =	sld [smem:$0x3FAB]  }
0x31: {  	[smem:$0x3FB4] =	sst s10  }
0x32: {  	s10 =	sld [smem:$0x3FB2];
	_ =	sdelay $0x3  }
0x33: {  	p0 =	seq.s32 s10, $0x1;
	s10 =	sld [smem:$0x3FB4];
	_ =	sdelay $0x3  }
0x34: {  	[smem:$0x3FB4] =	sst s10  }
0x35: {  	s10 =	sld [smem:$0x3FB3];
	_ =	sdelay $0x3  }
0x36: {  	p1 =	seq.s32 s10, $0x1;
	s10 =	sld [smem:$0x3FB4];
	_ =	sdelay $0x3  }
0x37: {  	[smem:$0x3FB4] =	sst s10  }
0x38: {  	s10 =	sld [smem:$0x3FB5]  }
0x39: {  	_ = 	snop;
	(pc) =	sbr.ind lr, $3  }
0x3a: {  	_ = 	snop  }
0x3b: {  	_ = 	snop  }
0x3c: {  	p2 =	seq.s32 s10, $0x1;
	s10 =	sld [smem:$0x3FB4]  }
0x3d: {  	_ =	shalt  }
0x3e: {  	_ =	shalt  }
0x3f: {  	_ =	shalt  }
0x40: {  	_ =	shalt  }
0x41: {  	_ =	shalt  }
0x42: {  	_ =	shalt  }
0x43: {  	_ =	shalt  }
0x44: {  	_ =	shalt  }
0x45: {  	_ =	shalt  }
0x46: {  	_ =	shalt  }
0x47: {  	_ =	shalt  }
0x48: {  	_ =	shalt  }
0x49: {  	_ =	shalt  }
0x4a: {  	_ =	shalt  }
0x4b: {  	_ =	shalt  }
0x4c: {  	_ =	shalt  }
0x4d: {  	_ =	shalt  }
0x4e: {  	_ =	shalt  }
0x4f: {  	_ =	shalt  }
0x50: {  	_ =	shalt  }
0x51: {  	_ =	shalt  }
0x52: {  	_ =	shalt  }
0x53: {  	_ =	shalt  }
0x54: {  	_ =	shalt  }
0x55: {  	_ =	shalt  }
0x56: {  	_ =	shalt  }
0x57: {  	_ =	shalt  }
0x58: {  	_ =	shalt  }
0x59: {  	_ =	shalt  }
0x5a: {  	_ =	shalt  }
0x5b: {  	_ =	shalt  }
0x5c: {  	_ =	shalt  }
0x5d: {  	_ =	shalt  }
0x5e: {  	_ =	shalt  }
0x5f: {  	_ =	shalt  }
0x60: {  	_ =	shalt  }
0x61: {  	_ =	shalt  }
0x62: {  	_ =	shalt  }
0x63: {  	_ =	shalt  }
0x64: {  	_ =	shalt  }
0x65: {  	_ =	shalt  }
0x66: {  	_ =	shalt  }
0x67: {  	_ =	shalt  }
0x68: {  	_ =	shalt  }
0x69: {  	_ =	shalt  }
0x6a: {  	_ =	shalt  }
0x6b: {  	_ =	shalt  }
0x6c: {  	_ =	shalt  }
0x6d: {  	_ =	shalt  }
0x6e: {  	_ =	shalt  }
0x6f: {  	_ =	shalt  }
0x70: {  	_ =	shalt  }
0x71: {  	_ =	shalt  }
0x72: {  	_ =	shalt  }
0x73: {  	_ =	shalt  }
0x74: {  	_ =	shalt  }
0x75: {  	_ =	shalt  }
0x76: {  	_ =	shalt  }
0x77: {  	_ =	shalt  }
0x78: {  	_ =	shalt  }
0x79: {  	_ =	shalt  }
0x7a: {  	_ =	shalt  }
0x7b: {  	_ =	shalt  }
0x7c: {  	_ =	shalt  }
0x7d: {  	_ =	shalt  }
0x7e: {  	_ =	shalt  }
0x7f: {  	_ =	shalt  }
0x80: {  	_ =	shalt  }
0x81: {  	_ =	shalt  }
0x82: {  	_ =	shalt  }
0x83: {  	_ =	shalt  }
0x84: {  	_ =	shalt  }
0x85: {  	_ =	shalt  }
0x86: {  	_ =	shalt  }
0x87: {  	_ =	shalt  }
.Lfunc_end0:
.L_simem_size_0:
called_computation.2_lowered:
.L_overlay_start_0:
0x88: {  	s2 =	sld [smem:$0x3FD9]  }
0x89: {  	s3 =	sld [smem:$0x3FFE];
	_ =	sdelay $0x1  }
0x8a: {  	s1 =	srdreg.scid  }
0x8b: {  	s0 =	sand.u32 $0x1, s1  }
0x8c: {  	s14 =	sshll.u32 s0, $0xA;
	s2 =	sadd.s32 s3, s2  }
0x8d: {  	s2 =	sadd.s32 s2, s14  }
0x8e: {  	[smem:$0x3FC0] =	sst s2  }
0x8f: {  	_ = 	snop  }
0x90: {  	s2 =	sld [smem:$0x3FD0];
	_ =	sdelay $0x2  }
0x91: {  	s15 =	simm.s32 $0xA;
	s4 =	simm.s32 $0x10  }
0x92: {  	[smem:s4], [sflag:s15] =	dma.local [hbm:s2], $0x1  }
0x93: {  	_ =	swait.eq [sflag:s15], $0x1  }
0x94: {  	[sflag:s15] =	ssyncset.done $0x0  }
0x95: {  	[sflag:s15] =	ssyncadd.s32 $0xFFFFFFFF  }
0x96: {  	s16 =	sld [smem:$0x12];
	(tm) =	ssettm $0x1  }
0x97: {  	s17 =	sld [smem:$0x3FFB];
	_ =	sdelay $0x3  }
0x98: {  	_ =	strace s17  }
0x99: {  	s3 =	sld [smem:$0x3FFC];
	_ =	sdelay $0x3  }
0x9a: {  	_ =	strace s3  }
0x9b: {  	s3 =	sld [smem:$0x3FFD];
	_ =	sdelay $0x3  }
0x9c: {  	_ =	strace s3  }
0x9d: {  	_ =	strace $0x8FFFFFFF  }
0x9e: {  	s18 =	sld [smem:$0x3FDB];
	_ =	sdelay $0x1  }
0x9f: {  	s19 =	simm.s32 $_scs_section_size  }
0xa0: {  	s5 =	simm.s32 $_size__tile_overlayer_lowered;
	s6 =	simm.s32 $_tile_overlayer_lowered  }
0xa1: {  	s22 =	simm.s32 $0x1BFF;
	s21 =	sshll.u32 s6, $0x1;
	s3 =	sadd.s32 s19, s18  }
0xa2: {  	s7 =	simm.s32 $0x0;
	s20 =	sshll.u32 s5, $0x1;
	s5 =	sadd.s32 s21, s3  }
0xa3: {  	[timem:s7], [sflag:s22] =	dma.local [hbm:s5], s20  }
0xa4: {  	_ =	swait.ge [sflag:s22], s20  }
0xa5: {  	s4 =	ssub.s32 $0x0, s20;
	[sflag:s22] =	ssyncset.done $0x0  }
0xa6: {  	[sflag:s22] =	ssyncadd.s32 s4;
	_ =	sdelay $0x1  }
0xa7: {  	s23 =	simm.s32 $0x1B8B  }
0xa8: {  	_ =	swait.ge [sflag:s23], $0x1  }
0xa9: {  	[sflag:s23] =	ssyncset.done $0x0  }
0xaa: {  	s25 =	simm.s32 $0x1B8E;
	s24 =	sld [smem:$0x3FFE];
	[sflag:s23] =	ssyncadd.s32 $0xFFFFFFFF  }
0xab: {  	s26 =	simm.s32 $execute0_lowered;
	[smem:$0x3FD2] =	sst s25  }
0xac: {  	s5 =	sshll.u32 s26, $0x1;
	_ =	strace $0x8000004C;
	[dreg:$0x1] =	wrdreg $0xFFFFFFFF  }
0xad: {  	s28 =	simm.s32 $_size_execute0_lowered;
	s3 =	sadd.s32 s3, s5;
	[dreg:$0x0] =	wrdreg $0x0  }
0xae: {  	s5 =	sshll.u32 s28, $0x1;
	[dreg:$0x2] =	wrdreg s3  }
0xaf: {  	[dreg:$0x3] =	wrdreg s5  }
0xb0: {  	[dreg:$0x4] =	wrdreg $0xC0  }
0xb1: {  	_ =	task [dreg:s7], $0x5FFFF  }
0xb2: {  	[dreg:$0x1] =	wrdreg $0xFFFFFFFF  }
0xb3: {  	[dreg:$0x0] =	wrdreg $0x60  }
0xb4: {  	[dreg:$0x2] =	wrdreg s24  }
0xb5: {  	[dreg:$0x3] =	wrdreg s16  }
0xb6: {  	[dreg:$0x4] =	wrdreg $0xAA000  }
0xb7: {  	[dreg:$0x5] =	wrdreg $0x9  }
0xb8: {  	_ =	task.clear_ibuf [dreg:s7], $0x6FFFF;
	_ =	strace $0x9000004C  }
0xb9: {  	s29 =	simm.s32 $0x9;
	_ =	strace $0x8000004E  }
0xba: {  	_ =	swait.ge [sflag:s29], $0x1  }
0xbb: {  	[sflag:s29] =	ssyncadd.s32 $0xFFFFFFFF  }
0xbc: {  	_ =	strace $0x9000004E  }
0xbd: {  	_ =	sfence  }
0xbe: {  	s30 =	sld [smem:$0x0];
	_ =	sdelay $0x2  }
0xbf: {  	s31 =	sshll.u32 s1, $0xD;
	s1 =	sshrl.u32 s1, $0x2  }
0xc0: {  	s3 =	sand.u32 $0x4000, s31;
	s1 =	sadd.s32 s1, s30  }
0xc1: {  	s0 =	sor.u32 s3, s0;
	s1 =	sshll.u32 s1, $0x11  }
0xc2: {  	s0 =	sor.u32 s1, s0  }
0xc3: {  	s0 =	sadd.s32 $0x8F2B, s0  }
0xc4: {  	[sflag:s0] =	ssyncadd.remote.s32 $0x1  }
0xc5: {  	_ =	sfence.sel $0xFFFF  }
0xc6: {  	[dreg:$0x0] =	wrdreg $0xFFFFFFFF;
	(pc) =	sbr.abs _section_cstart, $3  }
0xc7: {  	[dreg:$0x1] =	wrdreg $0xFFFFFFFF  }
0xc8: {  	_ =	task.clear_ibuf [dreg:s7], $0x2FFFF;
	_ =	strace $0x9FFFFFFF  }
0xc9: {  	(tm) =	ssettm $0x7FFFFFFF  }
tec
execute0_lowered:
.L_overlay_start_1:
0x0: {  	(tag) =	ssettag $0x1  }
0x1: {  	s0 =	rddreg [dreg:$0x0]  }
0x2: {  	s2 =	rddreg [dreg:$0x1]  }
0x3: {  	s1 =	rddreg [dreg:$0x2];
	s3 =	simm.s32 $0x0  }
0x4: {  	s5 =	srdreg.scid;
	s10 =	stileid.u32;
	s28 =	simm.s32 $0x1  }
0x5: {  	s29 =	simm.s32 $0x2880;
	s30 =	simm.s32 $0x2;
	s31 =	simm.s32 $0x2980  }
0x6: {  	[smem:$0x7FF] =	sst s3;
	s4 =	sadd.s32 $0x3400, s0;
	s5 =	sand.u32 $0x1, s5  }
0x7: {  	s6 =	sshll.u32 s10, $0x1;
	s8 =	smul.u32 $0x50000, s10;
	s0 =	sadd.s32 $0xA3400, s0  }
0x8: {  	s20 =	smul.u32 $0x14000, s10;
	_ =	strace $0x8000004D;
	s7 =	ssub.s32 $0x2, s5  }
0x9: {  	s6 =	sor.u32 s5, s6;
	s18 =	smul.u32 $0x140000, s5;
	s9 =	sshrl.u32 s7, $0x1  }
0xa: {  	s6 =	smul.u32 $0x500, s6;
	s8 =	sshrl.u32 s8, $0x2;
	s13 =	sadd.s32 $0x4000, s20  }
0xb: {  	s15 =	sadd.s32 $0x8000, s20;
	s17 =	sadd.s32 $0xC000, s20;
	s7 =	ssub.s32 s7, s9  }
0xc: {  	s5 =	sadd.s32 s8, s1;
	s22 =	sadd.s32 s18, s20;
	s14 =	sadd.s32 s18, s13  }
0xd: {  	s13 =	sadd.s32 s13, s1;
	s24 =	sadd.s32 s18, s15;
	s15 =	sadd.s32 s15, s1  }
0xe: {  	s25 =	sadd.s32 s18, s17;
	s17 =	sadd.s32 s17, s1;
	s2 =	sadd.s32 s2, s6  }
0xf: {  	s21 =	smax.u32 s7, $0x1;
	s8 =	sadd.s32 $0x4000, s5;
	s9 =	sadd.s32 $0x8000, s5  }
0x10: {  	s10 =	sadd.s32 $0xC000, s5;
	s11 =	sadd.s32 $0x10000, s5;
	s6 =	sshrl.u32 s22, $0x3  }
0x11: {  	s23 =	sshrl.u32 s14, $0x3;
	s22 =	simm.s32 $0x3;
	[dreg:$0x4] =	wrdreg s2  }
0x12: {  	[dreg:$0x5] =	wrdreg s21;
	s12 =	sadd.s32 s0, s6;
	s14 =	sadd.s32 s0, s23  }
0x13: {  	s6 =	sshrl.u32 s24, $0x3;
	s2 =	sadd.s32 $0x10000, s20;
	s21 =	simm.s32 $0x2A00  }
0x14: {  	s23 =	simm.s32 $0x80;
	s24 =	simm.s32 $0x2800;
	s16 =	sadd.s32 s0, s6  }
0x15: {  	s6 =	sshrl.u32 s25, $0x3;
	s20 =	sadd.s32 s18, s2;
	s19 =	sadd.s32 s2, s1  }
0x16: {  	s25 =	simm.s32 $0x2900;
	s18 =	sadd.s32 s0, s6;
	s26 =	sshrl.u32 s20, $0x3  }
0x17: {  	v0 =	vimm.f32 $0.0e+00;
	s20 =	sadd.s32 s0, s26;
	s26 =	simm.s32 $0x6A00;
	s0 =	simm.s32 $0x0  }
.LBB2_1:
0x18: {  	s2 =	simm.s32 $0x0;
	s6 =	simm.s32 $0x200  }
.LBB2_2:
0x19: {  	p0 =	sne.s32 s6, $0xFE00;
	[tilespmem:s2+$0x2A70] =	vst v0  }
0x1a: {  	[tilespmem:s2+$0x2A00] =	vst v0  }
0x1b: {  	[tilespmem:s2+$0x2A10] =	vst v0  }
.Ltmp0:
0x1c: {  	[tilespmem:s2+$0x2A20] =	vst v0;
	(pc) =	sbr.rel @p0 .LBB2_2-.Ltmp0, $4  }
0x1d: {  	[tilespmem:s2+$0x2A30] =	vst v0  }
0x1e: {  	[tilespmem:s2+$0x2A40] =	vst v0  }
0x1f: {  	[tilespmem:s2+$0x2A50] =	vst v0  }
0x20: {  	[tilespmem:s2+$0x2A60] =	vst v0;
	s2 =	sshra.s32 s6, $0x2;
	s6 =	sadd.s32 $0x200, s6  }
0x21: {  	[tilespmem:s2+$0x2A70] =	vst v0  }
0x22: {  	[tilespmem:s2+$0x2A00] =	vst v0  }
0x23: {  	[tilespmem:s2+$0x2A10] =	vst v0  }
0x24: {  	[tilespmem:s2+$0x2A20] =	vst v0  }
0x25: {  	[tilespmem:s2+$0x2A30] =	vst v0  }
0x26: {  	[tilespmem:s2+$0x2A40] =	vst v0  }
0x27: {  	[tilespmem:s2+$0x2A50] =	vst v0  }
0x28: {  	[tilespmem:s2+$0x2A60] =	vst v0  }
0x29: {  	[spmem:s5] =	stream.linear.scatter [tilespmem:s21], [sflag:$0x3], $0x4000, $0x38;
	[tilespmem:$0x1EA00] =	vst v63  }
0x2a: {  	_ =	swait.ge [sflag:s22], $0x4000  }
0x2b: {  	[sflag:s22] =	ssyncset.done $0x0  }
0x2c: {  	[sflag:s22] =	ssyncadd.s32 $0xFFFFC000  }
0x2d: {  	[spmem:s8] =	stream.linear.scatter [tilespmem:s21], [sflag:$0x3], $0x4000, $0x38;
	[tilespmem:$0x1EA00] =	vst v63  }
0x2e: {  	_ =	swait.ge [sflag:s22], $0x4000  }
0x2f: {  	[sflag:s22] =	ssyncset.done $0x0  }
0x30: {  	[sflag:s22] =	ssyncadd.s32 $0xFFFFC000  }
0x31: {  	[spmem:s9] =	stream.linear.scatter [tilespmem:s21], [sflag:$0x3], $0x4000, $0x38;
	[tilespmem:$0x1EA00] =	vst v63  }
0x32: {  	_ =	swait.ge [sflag:s22], $0x4000  }
0x33: {  	[sflag:s22] =	ssyncset.done $0x0  }
0x34: {  	[sflag:s22] =	ssyncadd.s32 $0xFFFFC000  }
0x35: {  	[spmem:s10] =	stream.linear.scatter [tilespmem:s21], [sflag:$0x3], $0x4000, $0x38;
	[tilespmem:$0x1EA00] =	vst v63  }
0x36: {  	_ =	swait.ge [sflag:s22], $0x4000  }
0x37: {  	[sflag:s22] =	ssyncset.done $0x0  }
0x38: {  	[sflag:s22] =	ssyncadd.s32 $0xFFFFC000  }
0x39: {  	[spmem:s11] =	stream.linear.scatter [tilespmem:s21], [sflag:$0x3], $0x4000, $0x38;
	[tilespmem:$0x1EA00] =	vst v63  }
0x3a: {  	_ =	swait.ge [sflag:s22], $0x4000  }
0x3b: {  	[sflag:s22] =	ssyncset.done $0x0  }
0x3c: {  	s7 =	rddreg [dreg:$0x4];
	[sflag:s22] =	ssyncadd.s32 $0xFFFFC000  }
0x3d: {  	[tilespmem:s3], [sflag:$0x3] =	stream.linear.gather [hbm4b:s7+s3], $0x2800, $0x38;
	[tilespmem:$0x1EA00] =	vst v63  }
0x3e: {  	_ =	swait.ge [sflag:s22], $0x2800  }
0x3f: {  	[sflag:s22] =	ssyncset.done $0x0  }
0x40: {  	[sflag:s22] =	ssyncadd.s32 $0xFFFFD800  }
0x41: {  	[bflag:$0x0] =	sbarrier.arrive $0xFFFF  }
0x42: {  	v1 =	vld [tilespmem:$0x0];
	_ =	sdelay $0x1  }
0x43: {  	v2 =	vld [tilespmem:$0x10];
	_ =	sdelay $0x1  }
0x44: {  	v3 =	vld [tilespmem:$0x20]  }
0x45: {  	v4 =	vand.u32 $0xFFFF, v1  }
0x46: {  	v59 =	vld [tilespmem:$0x30];
	v1 =	vshrl.u32 v1, $0x10;
	[tilespmem:$0x2800] =	vst v4  }
0x47: {  	[tilespmem:$0x2880] =	vst v1;
	v1 =	vand.u32 $0xFFFF, v2  }
0x48: {  	[tilespmem:$0x2810] =	vst v1;
	v1 =	vshrl.u32 v2, $0x10;
	v2 =	vld [tilespmem:$0x40]  }
0x49: {  	[tilespmem:$0x2890] =	vst v1;
	v1 =	vand.u32 $0xFFFF, v3  }
0x4a: {  	[tilespmem:$0x2820] =	vst v1;
	v1 =	vshrl.u32 v3, $0x10;
	v3 =	vld [tilespmem:$0x50]  }
0x4b: {  	[tilespmem:$0x28A0] =	vst v1;
	v1 =	vand.u32 $0xFFFF, v59  }
0x4c: {  	v60 =	vld [tilespmem:$0x60];
	[tilespmem:$0x2830] =	vst v1;
	v1 =	vshrl.u32 v59, $0x10  }
0x4d: {  	[tilespmem:$0x28B0] =	vst v1;
	v1 =	vand.u32 $0xFFFF, v2  }
0x4e: {  	[tilespmem:$0x2840] =	vst v1;
	v1 =	vshrl.u32 v2, $0x10;
	v2 =	vld [tilespmem:$0x70]  }
0x4f: {  	[tilespmem:$0x28C0] =	vst v1;
	v1 =	vand.u32 $0xFFFF, v3  }
0x50: {  	[tilespmem:$0x2850] =	vst v1;
	v1 =	vshrl.u32 v3, $0x10  }
0x51: {  	[tilespmem:$0x28D0] =	vst v1;
	v1 =	vand.u32 $0xFFFF, v60  }
0x52: {  	[tilespmem:$0x2860] =	vst v1;
	v1 =	vshrl.u32 v60, $0x10  }
0x53: {  	[tilespmem:$0x28E0] =	vst v1;
	v1 =	vand.u32 $0xFFFF, v2  }
0x54: {  	[tilespmem:$0x2870] =	vst v1;
	v1 =	vshrl.u32 v2, $0x10  }
0x55: {  	[tilespmem:$0x28F0] =	vst v1  }
0x56: {  	[tilespmem:s21], [sflag:$0x1] =	stream.indirect.gather [hbm4b:s4+s23], $0x80, s24, s23, $0xb8;
	[tilespmem:$0x1EA00] =	vst v63  }
0x57: {  	v1 =	vld [tilespmem:$0x80];
	_ =	sdelay $0x1  }
0x58: {  	v2 =	vld [tilespmem:$0x90];
	_ =	sdelay $0x1  }
0x59: {  	v3 =	vld [tilespmem:$0xA0]  }
0x5a: {  	v61 =	vand.u32 $0xFFFF, v1  }
0x5b: {  	v62 =	vld [tilespmem:$0xB0];
	v1 =	vshrl.u32 v1, $0x10;
	[tilespmem:$0x2900] =	vst v61  }
0x5c: {  	[tilespmem:$0x2980] =	vst v1;
	v1 =	vand.u32 $0xFFFF, v2  }
0x5d: {  	[tilespmem:$0x2910] =	vst v1;
	v1 =	vshrl.u32 v2, $0x10;
	v2 =	vld [tilespmem:$0xC0]  }
0x5e: {  	[tilespmem:$0x2990] =	vst v1;
	v1 =	vand.u32 $0xFFFF, v3  }
0x5f: {  	[tilespmem:$0x2920] =	vst v1;
	v1 =	vshrl.u32 v3, $0x10;
	v3 =	vld [tilespmem:$0xD0]  }
0x60: {  	[tilespmem:$0x29A0] =	vst v1;
	v1 =	vand.u32 $0xFFFF, v62  }
0x61: {  	v63 =	vld [tilespmem:$0xE0];
	[tilespmem:$0x2930] =	vst v1;
	v1 =	vshrl.u32 v62, $0x10  }
0x62: {  	[tilespmem:$0x29B0] =	vst v1;
	v1 =	vand.u32 $0xFFFF, v2  }
0x63: {  	[tilespmem:$0x2940] =	vst v1;
	v1 =	vshrl.u32 v2, $0x10;
	v2 =	vld [tilespmem:$0xF0]  }
0x64: {  	[tilespmem:$0x29C0] =	vst v1;
	v1 =	vand.u32 $0xFFFF, v3  }
0x65: {  	[tilespmem:$0x2950] =	vst v1;
	v1 =	vshrl.u32 v3, $0x10  }
0x66: {  	[tilespmem:$0x29D0] =	vst v1;
	v1 =	vand.u32 $0xFFFF, v63  }
0x67: {  	[tilespmem:$0x2960] =	vst v1;
	v1 =	vshrl.u32 v63, $0x10  }
0x68: {  	[tilespmem:$0x29E0] =	vst v1;
	v1 =	vand.u32 $0xFFFF, v2  }
0x69: {  	[tilespmem:$0x2970] =	vst v1;
	v1 =	vshrl.u32 v2, $0x10  }
0x6a: {  	[tilespmem:$0x29F0] =	vst v1  }
0x6b: {  	[tilespmem:s26], [sflag:$0x2] =	stream.indirect.gather [hbm4b:s4+s23], $0x80, s25, s23, $0xb8;
	[tilespmem:$0x1EA00] =	vst v63  }
0x6c: {  	_ =	swait.ge [sflag:s28], $0x4000  }
0x6d: {  	[sflag:s28] =	ssyncset.done $0x0  }
0x6e: {  	[sflag:s28] =	ssyncadd.s32 $0xFFFFC000  }
0x6f: {  	[spmem:s1] =	stream.indirect.scatter.add.f32 [tilespmem:s21], [sflag:$0x3], $0x80, s29, s23, $0xb8;
	[tilespmem:$0x1EA00] =	vst v63  }
0x70: {  	_ =	swait.ge [sflag:s22], $0x4000  }
0x71: {  	[sflag:s22] =	ssyncset.done $0x0  }
0x72: {  	s2 =	simm.s32 $0x1F0;
	[sflag:s22] =	ssyncadd.s32 $0xFFFFC000  }
0x73: {  	v1 =	vld [tilespmem:s2+$0xFFFFFF10];
	_ =	sdelay $0x4  }
0x74: {  	v2 =	vand.u32 $0xFFFF, v1  }
0x75: {  	v1 =	vshrl.u32 v1, $0x10;
	[tilespmem:$0x2800] =	vst v2  }
0x76: {  	[tilespmem:$0x2880] =	vst v1  }
0x77: {  	v1 =	vld [tilespmem:s2+$0xFFFFFF20];
	_ =	sdelay $0x4  }
0x78: {  	v2 =	vand.u32 $0xFFFF, v1  }
0x79: {  	v1 =	vshrl.u32 v1, $0x10;
	[tilespmem:$0x2810] =	vst v2  }
0x7a: {  	[tilespmem:$0x2890] =	vst v1  }
0x7b: {  	v1 =	vld [tilespmem:s2+$0xFFFFFF30];
	_ =	sdelay $0x4  }
0x7c: {  	v2 =	vand.u32 $0xFFFF, v1  }
0x7d: {  	v1 =	vshrl.u32 v1, $0x10;
	[tilespmem:$0x2820] =	vst v2  }
0x7e: {  	[tilespmem:$0x28A0] =	vst v1  }
0x7f: {  	v1 =	vld [tilespmem:s2+$0xFFFFFF40];
	_ =	sdelay $0x4  }
0x80: {  	v2 =	vand.u32 $0xFFFF, v1  }
0x81: {  	v1 =	vshrl.u32 v1, $0x10;
	[tilespmem:$0x2830] =	vst v2  }
0x82: {  	[tilespmem:$0x28B0] =	vst v1  }
0x83: {  	v1 =	vld [tilespmem:s2+$0xFFFFFF50];
	_ =	sdelay $0x4  }
0x84: {  	v2 =	vand.u32 $0xFFFF, v1  }
0x85: {  	v1 =	vshrl.u32 v1, $0x10;
	[tilespmem:$0x2840] =	vst v2  }
0x86: {  	[tilespmem:$0x28C0] =	vst v1  }
0x87: {  	v1 =	vld [tilespmem:s2+$0xFFFFFF60];
	_ =	sdelay $0x4  }
0x88: {  	v2 =	vand.u32 $0xFFFF, v1  }
0x89: {  	v1 =	vshrl.u32 v1, $0x10;
	[tilespmem:$0x2850] =	vst v2  }
0x8a: {  	[tilespmem:$0x28D0] =	vst v1  }
0x8b: {  	v1 =	vld [tilespmem:s2+$0xFFFFFF70];
	_ =	sdelay $0x4  }
0x8c: {  	v2 =	vand.u32 $0xFFFF, v1  }
0x8d: {  	v1 =	vshrl.u32 v1, $0x10;
	[tilespmem:$0x2860] =	vst v2  }
0x8e: {  	[tilespmem:$0x28E0] =	vst v1  }
0x8f: {  	v1 =	vld [tilespmem:s2+$0xFFFFFF80];
	_ =	sdelay $0x4  }
0x90: {  	v2 =	vand.u32 $0xFFFF, v1  }
0x91: {  	v1 =	vshrl.u32 v1, $0x10;
	[tilespmem:$0x2870] =	vst v2  }
0x92: {  	[tilespmem:$0x28F0] =	vst v1  }
0x93: {  	[tilespmem:s21], [sflag:$0x1] =	stream.indirect.gather [hbm4b:s4+s23], $0x80, s24, s23, $0xb8;
	[tilespmem:$0x1EA00] =	vst v63  }
0x94: {  	_ =	swait.ge [sflag:s30], $0x4000  }
0x95: {  	[sflag:s30] =	ssyncset.done $0x0  }
0x96: {  	[sflag:s30] =	ssyncadd.s32 $0xFFFFC000  }
0x97: {  	[spmem:s1] =	stream.indirect.scatter.add.f32 [tilespmem:s26], [sflag:$0x3], $0x80, s31, s23, $0xb8;
	[tilespmem:$0x1EA00] =	vst v63  }
0x98: {  	_ =	swait.ge [sflag:s22], $0x4000  }
0x99: {  	[sflag:s22] =	ssyncset.done $0x0  }
0x9a: {  	[sflag:s22] =	ssyncadd.s32 $0xFFFFC000  }
0x9b: {  	v1 =	vld [tilespmem:s2+$0xFFFFFF90];
	_ =	sdelay $0x4  }
0x9c: {  	v2 =	vand.u32 $0xFFFF, v1  }
0x9d: {  	v1 =	vshrl.u32 v1, $0x10;
	[tilespmem:$0x2900] =	vst v2  }
0x9e: {  	[tilespmem:$0x2980] =	vst v1  }
0x9f: {  	v1 =	vld [tilespmem:s2+$0xFFFFFFA0];
	_ =	sdelay $0x4  }
0xa0: {  	v2 =	vand.u32 $0xFFFF, v1  }
0xa1: {  	v1 =	vshrl.u32 v1, $0x10;
	[tilespmem:$0x2910] =	vst v2  }
0xa2: {  	[tilespmem:$0x2990] =	vst v1  }
0xa3: {  	v1 =	vld [tilespmem:s2+$0xFFFFFFB0];
	_ =	sdelay $0x4  }
0xa4: {  	v2 =	vand.u32 $0xFFFF, v1  }
0xa5: {  	v1 =	vshrl.u32 v1, $0x10;
	[tilespmem:$0x2920] =	vst v2  }
0xa6: {  	[tilespmem:$0x29A0] =	vst v1  }
0xa7: {  	v1 =	vld [tilespmem:s2+$0xFFFFFFC0];
	_ =	sdelay $0x4  }
0xa8: {  	v2 =	vand.u32 $0xFFFF, v1  }
0xa9: {  	v1 =	vshrl.u32 v1, $0x10;
	[tilespmem:$0x2930] =	vst v2  }
0xaa: {  	[tilespmem:$0x29B0] =	vst v1  }
0xab: {  	v1 =	vld [tilespmem:s2+$0xFFFFFFD0];
	_ =	sdelay $0x4  }
0xac: {  	v2 =	vand.u32 $0xFFFF, v1  }
0xad: {  	v1 =	vshrl.u32 v1, $0x10;
	[tilespmem:$0x2940] =	vst v2  }
0xae: {  	[tilespmem:$0x29C0] =	vst v1  }
0xaf: {  	v1 =	vld [tilespmem:s2+$0xFFFFFFE0];
	_ =	sdelay $0x4  }
0xb0: {  	v2 =	vand.u32 $0xFFFF, v1  }
0xb1: {  	v1 =	vshrl.u32 v1, $0x10;
	[tilespmem:$0x2950] =	vst v2  }
0xb2: {  	s6 =	simm.s32 $0xBC0;
	[tilespmem:$0x29D0] =	vst v1  }
.LBB2_4:
0xb3: {  	p0 =	sne.s32 s6, $0x9FC0;
	v1 =	vld [tilespmem:s2+$0xFFFFFFF0];
	s7 =	smov.u32 s6;
	s6 =	sadd.s32 $0x400, s6  }
0xb4: {  	_ =	sdelay $0x3  }
0xb5: {  	v2 =	vand.u32 $0xFFFF, v1;
	v1 =	vshrl.u32 v1, $0x10  }
0xb6: {  	[tilespmem:$0x2960] =	vst v2  }
0xb7: {  	[tilespmem:$0x29E0] =	vst v1  }
0xb8: {  	v1 =	vld [tilespmem:s2+$0x0];
	_ =	sdelay $0x4  }
0xb9: {  	v2 =	vand.u32 $0xFFFF, v1;
	v1 =	vshrl.u32 v1, $0x10  }
0xba: {  	[tilespmem:$0x2970] =	vst v2  }
0xbb: {  	[tilespmem:$0x29F0] =	vst v1  }
0xbc: {  	[tilespmem:s26], [sflag:$0x2] =	stream.indirect.gather [hbm4b:s4+s23], $0x80, s25, s23, $0xb8;
	[tilespmem:$0x1EA00] =	vst v63  }
0xbd: {  	_ =	swait.ge [sflag:s28], $0x4000  }
0xbe: {  	[sflag:s28] =	ssyncset.done $0x0  }
0xbf: {  	[sflag:s28] =	ssyncadd.s32 $0xFFFFC000  }
0xc0: {  	[spmem:s1] =	stream.indirect.scatter.add.f32 [tilespmem:s21], [sflag:$0x3], $0x80, s29, s23, $0xb8;
	[tilespmem:$0x1EA00] =	vst v63  }
0xc1: {  	_ =	swait.ge [sflag:s22], $0x4000  }
0xc2: {  	[sflag:s22] =	ssyncset.done $0x0  }
0xc3: {  	s2 =	sshra.s32 s7, $0x2;
	[sflag:s22] =	ssyncadd.s32 $0xFFFFC000  }
0xc4: {  	v1 =	vld [tilespmem:s2+$0xFFFFFF10];
	_ =	sdelay $0x4  }
0xc5: {  	v2 =	vand.u32 $0xFFFF, v1;
	v1 =	vshrl.u32 v1, $0x10  }
0xc6: {  	[tilespmem:$0x2800] =	vst v2  }
0xc7: {  	[tilespmem:$0x2880] =	vst v1  }
0xc8: {  	v1 =	vld [tilespmem:s2+$0xFFFFFF20];
	_ =	sdelay $0x4  }
0xc9: {  	v2 =	vand.u32 $0xFFFF, v1;
	v1 =	vshrl.u32 v1, $0x10  }
0xca: {  	[tilespmem:$0x2810] =	vst v2  }
0xcb: {  	[tilespmem:$0x2890] =	vst v1  }
0xcc: {  	v1 =	vld [tilespmem:s2+$0xFFFFFF30];
	_ =	sdelay $0x4  }
0xcd: {  	v2 =	vand.u32 $0xFFFF, v1;
	v1 =	vshrl.u32 v1, $0x10  }
0xce: {  	[tilespmem:$0x2820] =	vst v2  }
0xcf: {  	[tilespmem:$0x28A0] =	vst v1  }
0xd0: {  	v1 =	vld [tilespmem:s2+$0xFFFFFF40];
	_ =	sdelay $0x4  }
0xd1: {  	v2 =	vand.u32 $0xFFFF, v1;
	v1 =	vshrl.u32 v1, $0x10  }
0xd2: {  	[tilespmem:$0x2830] =	vst v2  }
0xd3: {  	[tilespmem:$0x28B0] =	vst v1  }
0xd4: {  	v1 =	vld [tilespmem:s2+$0xFFFFFF50];
	_ =	sdelay $0x4  }
0xd5: {  	v2 =	vand.u32 $0xFFFF, v1;
	v1 =	vshrl.u32 v1, $0x10  }
0xd6: {  	[tilespmem:$0x2840] =	vst v2  }
0xd7: {  	[tilespmem:$0x28C0] =	vst v1  }
0xd8: {  	v1 =	vld [tilespmem:s2+$0xFFFFFF60];
	_ =	sdelay $0x4  }
0xd9: {  	v2 =	vand.u32 $0xFFFF, v1;
	v1 =	vshrl.u32 v1, $0x10  }
0xda: {  	[tilespmem:$0x2850] =	vst v2  }
0xdb: {  	[tilespmem:$0x28D0] =	vst v1  }
0xdc: {  	v1 =	vld [tilespmem:s2+$0xFFFFFF70];
	_ =	sdelay $0x4  }
0xdd: {  	v2 =	vand.u32 $0xFFFF, v1;
	v1 =	vshrl.u32 v1, $0x10  }
0xde: {  	[tilespmem:$0x2860] =	vst v2  }
0xdf: {  	[tilespmem:$0x28E0] =	vst v1  }
0xe0: {  	v1 =	vld [tilespmem:s2+$0xFFFFFF80];
	_ =	sdelay $0x4  }
0xe1: {  	v2 =	vand.u32 $0xFFFF, v1;
	v1 =	vshrl.u32 v1, $0x10  }
0xe2: {  	[tilespmem:$0x2870] =	vst v2  }
0xe3: {  	[tilespmem:$0x28F0] =	vst v1  }
0xe4: {  	[tilespmem:s21], [sflag:$0x1] =	stream.indirect.gather [hbm4b:s4+s23], $0x80, s24, s23, $0xb8;
	[tilespmem:$0x1EA00] =	vst v63  }
0xe5: {  	_ =	swait.ge [sflag:s30], $0x4000  }
0xe6: {  	[sflag:s30] =	ssyncset.done $0x0  }
0xe7: {  	[sflag:s30] =	ssyncadd.s32 $0xFFFFC000  }
0xe8: {  	[spmem:s1] =	stream.indirect.scatter.add.f32 [tilespmem:s26], [sflag:$0x3], $0x80, s31, s23, $0xb8;
	[tilespmem:$0x1EA00] =	vst v63  }
0xe9: {  	_ =	swait.ge [sflag:s22], $0x4000  }
0xea: {  	[sflag:s22] =	ssyncset.done $0x0  }
0xeb: {  	[sflag:s22] =	ssyncadd.s32 $0xFFFFC000  }
0xec: {  	v1 =	vld [tilespmem:s2+$0xFFFFFF90];
	_ =	sdelay $0x4  }
0xed: {  	v2 =	vand.u32 $0xFFFF, v1;
	v1 =	vshrl.u32 v1, $0x10  }
0xee: {  	[tilespmem:$0x2900] =	vst v2  }
0xef: {  	[tilespmem:$0x2980] =	vst v1  }
0xf0: {  	v1 =	vld [tilespmem:s2+$0xFFFFFFA0];
	_ =	sdelay $0x4  }
0xf1: {  	v2 =	vand.u32 $0xFFFF, v1;
	v1 =	vshrl.u32 v1, $0x10  }
0xf2: {  	[tilespmem:$0x2910] =	vst v2  }
0xf3: {  	[tilespmem:$0x2990] =	vst v1  }
0xf4: {  	v1 =	vld [tilespmem:s2+$0xFFFFFFB0];
	_ =	sdelay $0x4  }
0xf5: {  	v2 =	vand.u32 $0xFFFF, v1;
	v1 =	vshrl.u32 v1, $0x10  }
0xf6: {  	[tilespmem:$0x2920] =	vst v2  }
0xf7: {  	[tilespmem:$0x29A0] =	vst v1  }
0xf8: {  	v1 =	vld [tilespmem:s2+$0xFFFFFFC0];
	_ =	sdelay $0x4  }
0xf9: {  	v2 =	vand.u32 $0xFFFF, v1;
	v1 =	vshrl.u32 v1, $0x10  }
0xfa: {  	[tilespmem:$0x2930] =	vst v2  }
0xfb: {  	[tilespmem:$0x29B0] =	vst v1  }
0xfc: {  	v1 =	vld [tilespmem:s2+$0xFFFFFFD0];
	_ =	sdelay $0x4  }
0xfd: {  	v2 =	vand.u32 $0xFFFF, v1;
	v1 =	vshrl.u32 v1, $0x10  }
0xfe: {  	[tilespmem:$0x2940] =	vst v2  }
0xff: {  	[tilespmem:$0x29C0] =	vst v1  }
0x100: {  	v1 =	vld [tilespmem:s2+$0xFFFFFFE0];
	_ =	sdelay $0x2  }
.Ltmp1:
0x101: {  	(pc) =	sbr.rel @p0 .LBB2_4-.Ltmp1, $4  }
0x102: {  	_ = 	snop  }
0x103: {  	v2 =	vand.u32 $0xFFFF, v1;
	v1 =	vshrl.u32 v1, $0x10  }
0x104: {  	[tilespmem:$0x2950] =	vst v2  }
0x105: {  	[tilespmem:$0x29D0] =	vst v1  }
0x106: {  	v1 =	vld [tilespmem:s2+$0xFFFFFFF0];
	_ =	sdelay $0x4  }
0x107: {  	v2 =	vand.u32 $0xFFFF, v1  }
0x108: {  	v1 =	vshrl.u32 v1, $0x10;
	[tilespmem:$0x2960] =	vst v2  }
0x109: {  	[tilespmem:$0x29E0] =	vst v1  }
0x10a: {  	v1 =	vld [tilespmem:s2+$0x0];
	_ =	sdelay $0x4  }
0x10b: {  	v2 =	vand.u32 $0xFFFF, v1  }
0x10c: {  	v1 =	vshrl.u32 v1, $0x10;
	[tilespmem:$0x2970] =	vst v2  }
0x10d: {  	[tilespmem:$0x29F0] =	vst v1  }
0x10e: {  	[tilespmem:s26], [sflag:$0x2] =	stream.indirect.gather [hbm4b:s4+s23], $0x80, s25, s23, $0xb8;
	[tilespmem:$0x1EA00] =	vst v63  }
0x10f: {  	_ =	swait.ge [sflag:s28], $0x4000  }
0x110: {  	[sflag:s28] =	ssyncset.done $0x0  }
0x111: {  	[sflag:s28] =	ssyncadd.s32 $0xFFFFC000  }
0x112: {  	[spmem:s1] =	stream.indirect.scatter.add.f32 [tilespmem:s21], [sflag:$0x3], $0x80, s29, s23, $0xb8;
	[tilespmem:$0x1EA00] =	vst v63  }
0x113: {  	_ =	swait.ge [sflag:s22], $0x4000  }
0x114: {  	[sflag:s22] =	ssyncset.done $0x0  }
0x115: {  	[sflag:s22] =	ssyncadd.s32 $0xFFFFC000  }
0x116: {  	_ =	swait.ge [sflag:s30], $0x4000  }
0x117: {  	[sflag:s30] =	ssyncset.done $0x0  }
0x118: {  	[sflag:s30] =	ssyncadd.s32 $0xFFFFC000  }
0x119: {  	[spmem:s1] =	stream.indirect.scatter.add.f32 [tilespmem:s26], [sflag:$0x3], $0x80, s31, s23, $0xb8;
	[tilespmem:$0x1EA00] =	vst v63  }
0x11a: {  	_ =	swait.ge [sflag:s22], $0x4000  }
0x11b: {  	[sflag:s22] =	ssyncset.done $0x0  }
0x11c: {  	[sflag:s22] =	ssyncadd.s32 $0xFFFFC000  }
0x11d: {  	[bflag:$0x0] =	sbarrier.arrive $0xFFFF  }
0x11e: {  	[tilespmem:s26], [sflag:$0x3] =	stream.linear.gather [spmem:s5], $0x4000, $0x38;
	[tilespmem:$0x1EA00] =	vst v63  }
0x11f: {  	_ =	swait.ge [sflag:s22], $0x4000  }
0x120: {  	[sflag:s22] =	ssyncset.done $0x0  }
0x121: {  	[sflag:s22] =	ssyncadd.s32 $0xFFFFC000  }
0x122: {  	[hbm4b:s12+s3] =	stream.linear.scatter [tilespmem:s26], [sflag:$0x3], $0x4000, $0x38;
	[tilespmem:$0x1EA00] =	vst v63  }
0x123: {  	_ =	swait.ge [sflag:s22], $0x4000  }
0x124: {  	[sflag:s22] =	ssyncset.done $0x0  }
0x125: {  	[sflag:s22] =	ssyncadd.s32 $0xFFFFC000  }
0x126: {  	[tilespmem:s26], [sflag:$0x3] =	stream.linear.gather [spmem:s13], $0x4000, $0x38;
	[tilespmem:$0x1EA00] =	vst v63  }
0x127: {  	_ =	swait.ge [sflag:s22], $0x4000  }
0x128: {  	[sflag:s22] =	ssyncset.done $0x0  }
0x129: {  	[sflag:s22] =	ssyncadd.s32 $0xFFFFC000  }
0x12a: {  	[hbm4b:s14+s3] =	stream.linear.scatter [tilespmem:s26], [sflag:$0x3], $0x4000, $0x38;
	[tilespmem:$0x1EA00] =	vst v63  }
0x12b: {  	_ =	swait.ge [sflag:s22], $0x4000  }
0x12c: {  	[sflag:s22] =	ssyncset.done $0x0  }
0x12d: {  	[sflag:s22] =	ssyncadd.s32 $0xFFFFC000  }
0x12e: {  	[tilespmem:s26], [sflag:$0x3] =	stream.linear.gather [spmem:s15], $0x4000, $0x38;
	[tilespmem:$0x1EA00] =	vst v63  }
0x12f: {  	_ =	swait.ge [sflag:s22], $0x4000  }
0x130: {  	[sflag:s22] =	ssyncset.done $0x0  }
0x131: {  	[sflag:s22] =	ssyncadd.s32 $0xFFFFC000  }
0x132: {  	[hbm4b:s16+s3] =	stream.linear.scatter [tilespmem:s26], [sflag:$0x3], $0x4000, $0x38;
	[tilespmem:$0x1EA00] =	vst v63  }
0x133: {  	_ =	swait.ge [sflag:s22], $0x4000  }
0x134: {  	[sflag:s22] =	ssyncset.done $0x0  }
0x135: {  	[sflag:s22] =	ssyncadd.s32 $0xFFFFC000  }
0x136: {  	[tilespmem:s26], [sflag:$0x3] =	stream.linear.gather [spmem:s17], $0x4000, $0x38;
	[tilespmem:$0x1EA00] =	vst v63  }
0x137: {  	_ =	swait.ge [sflag:s22], $0x4000  }
0x138: {  	[sflag:s22] =	ssyncset.done $0x0  }
0x139: {  	[sflag:s22] =	ssyncadd.s32 $0xFFFFC000  }
0x13a: {  	[hbm4b:s18+s3] =	stream.linear.scatter [tilespmem:s26], [sflag:$0x3], $0x4000, $0x38;
	[tilespmem:$0x1EA00] =	vst v63  }
0x13b: {  	_ =	swait.ge [sflag:s22], $0x4000  }
0x13c: {  	[sflag:s22] =	ssyncset.done $0x0  }
0x13d: {  	[sflag:s22] =	ssyncadd.s32 $0xFFFFC000  }
0x13e: {  	[tilespmem:s26], [sflag:$0x3] =	stream.linear.gather [spmem:s19], $0x4000, $0x38;
	[tilespmem:$0x1EA00] =	vst v63  }
0x13f: {  	_ =	swait.ge [sflag:s22], $0x4000  }
0x140: {  	[sflag:s22] =	ssyncset.done $0x0  }
0x141: {  	[sflag:s22] =	ssyncadd.s32 $0xFFFFC000  }
0x142: {  	[hbm4b:s20+s3] =	stream.linear.scatter [tilespmem:s26], [sflag:$0x3], $0x4000, $0x38;
	[tilespmem:$0x1EA00] =	vst v63  }
0x143: {  	_ =	swait.ge [sflag:s22], $0x4000  }
0x144: {  	s0 =	sadd.s32 $0x1, s0;
	s7 =	rddreg [dreg:$0x5]  }
0x145: {  	p0 =	sne.s32 s0, s7  }
.Ltmp2:
0x146: {  	_ = 	snop;
	(pc) =	sbr.rel @p0 .LBB2_1-.Ltmp2, $3  }
0x147: {  	_ =	sdelay $0x1  }
0x148: {  	[sflag:s22] =	ssyncset.done $0x0  }
0x149: {  	[sflag:s22] =	ssyncadd.s32 $0xFFFFC000  }
0x14a: {  	_ =	sfence.sel $0x180000  }
0x14b: {  	[bflag:$0x0] =	sbarrier.arrive $0xFFFF  }
0x14c: {  	_ =	strace $0x9000004D  }
0x14d: {  	s0 =	stileid.u32;
	[bflag:$0x2] =	sbarrier.arrive $0xFFFF  }
0x14e: {  	p0 =	sne.s32 s0, $0x0;
	s0 =	rddreg [dreg:$0x3]  }
0x14f: {  	s0 =	sadd.s32 @!p0 $0x100000, s0  }
0x150: {  	[sflag:s0] =	ssyncadd.tile.s32 @!p0 $0x1;
	_ =	shalt  }
.Lfunc_end2:
_tile_overlayer_lowered:
.L_overlay_start_2:
0x151: {  	(tag) =	ssettag $0x2  }
0x152: {  	s0 =	rddreg [dreg:$0x0];
	s2 =	stileid.u32  }
0x153: {  	s1 =	rddreg [dreg:$0x1];
	p0 =	sne.s32 s2, $0x0  }
0x154: {  	s3 =	rddreg [dreg:$0x2];
	[bflag:$0x3] =	sbarrier.arrive $0xFFFF;
	s2 =	simm.s32 @!p0 $0x1C03  }
0x155: {  	[timem:s3], [sflag:s2] =	dma.local @!p0 [hbm:s0], s1  }
0x156: {  	s0 =	simm.s32 @!p0 $0x3  }
0x157: {  	_ =	swait.ge @!p0 [sflag:s0], s1  }
0x158: {  	s1 =	ssub.s32 @!p0 $0x0, s1;
	[sflag:s0] =	ssyncset.done @!p0 $0x0  }
0x159: {  	[sflag:s0] =	ssyncadd.s32 @!p0 s1  }
0x15a: {  	[bflag:$0x3] =	sbarrier.arrive $0xFFFF  }
0x15b: {  	_ =	shalt  }

// kernel: kernel.20.cloned.1.call-start
scs
__scs_entry_jumppad:
0x0: {  	(pc) =	sbr.rel $0x88, $3  }
0x1: {  	(tag) =	ssettag $0x0;
	lr =	simm.s32 $0x1  }
0x2: {  	[smem:$0x3F99] =	sst lr;
	_ =	strace $0xD0000000  }
0x3: {  	_ = 	snop  }
0x4: {  	_ = 	snop  }
0x5: {  	_ = 	snop  }
0x6: {  	_ = 	snop  }
0x7: {  	_ = 	snop  }
__scs_overlays_trampoline_lowered:
0x8: {  	[smem:$0x3FA8] =	sst s0  }
0x9: {  	[smem:$0x3FA9] =	sst s1  }
0xa: {  	[smem:$0x3FAA] =	sst s2  }
0xb: {  	[smem:$0x3FAB] =	sst s3  }
0xc: {  	[smem:$0x3FAC] =	sst s4  }
0xd: {  	[smem:$0x3FAD] =	sst s5  }
0xe: {  	[smem:$0x3FAE] =	sst s6  }
0xf: {  	[smem:$0x3FAF] =	sst s7  }
0x10: {  	[smem:$0x3FB0] =	sst s8  }
0x11: {  	[smem:$0x3FB1] =	sst s9;
	s0 =	simm.s32 @!p0 $0x0  }
0x12: {  	s1 =	sld [smem:$0x3F97];
	s0 =	simm.s32 @p0 $0x1  }
0x13: {  	[smem:$0x3FB2] =	sst s0;
	s0 =	simm.s32 @!p1 $0x0  }
0x14: {  	s2 =	sld [smem:$0x3F96];
	s0 =	simm.s32 @p1 $0x1  }
0x15: {  	[smem:$0x3FB3] =	sst s0;
	s0 =	simm.s32 @!p2 $0x0  }
0x16: {  	s3 =	sld [smem:$0x3FDB];
	s0 =	simm.s32 @p2 $0x1  }
0x17: {  	s4 =	simm.s32 $0x1BF5;
	[smem:$0x3FB5] =	sst s0  }
0x18: {  	s0 =	sld [smem:$0x3F98];
	_ =	swait.ge [sflag:s4], $0x0  }
0x19: {  	s7 =	sld [smem:$0x3F99]  }
0x1a: {  	s8 =	sadd.s32 $0xFFFFE003, lr  }
0x1b: {  	s9 =	sadd.s32 $0xFFFFFEF7, lr;
	s5 =	simm.s32 $0xFFFFFFFF;
	p2 =	slt.u32 s8, $0xFFFFF086  }
0x1c: {  	p1 =	slt.u32 s9, $0xF7A;
	s5 =	simm.s32 @!p2 $0x0  }
0x1d: {  	s5 =	simm.s32 @p1 $0x1;
	p0 =	seq.s32 s7, s2  }
0x1e: {  	s7 =	smul.u32 @!p0 $0xF7A, s2;
	p2 =	seq.s32 @!p0 s5, $0x0  }
0x1f: {  	s9 =	smul.u32 $0xF7A, s1;
	s8 =	simm.s32 @!p0 $0x1BF5;
	p2 =	por !p2, p0  }
0x20: {  	[sflag:s8] =	ssyncset.s32 @!p0 $0xFFFFF086;
	s6 =	sadd.s32 @!p0 s3, s7;
	s7 =	simm.s32 @!p0 $0x108  }
0x21: {  	s3 =	sadd.s32 s3, s9;
	s6 =	sadd.s32 @!p0 $0x88, s6;
	s7 =	simm.s32 @p2 $0x1082  }
0x22: {  	[simem:s7], [sflag:s8] =	dma.local @!p0 [hbm:s6], $0xF7A  }
0x23: {  	s9 =	sor.u32 $0xD0000000, s2;
	s6 =	simm.s32 $0x108;
	_ =	swait.ge @!p0 [sflag:s8], $0x0  }
0x24: {  	s3 =	sadd.s32 $0x88, s3;
	s6 =	simm.s32 @!p1 $0x1082;
	[sflag:s4] =	ssyncset.s32 $0xFFFFF086  }
0x25: {  	[simem:s6], [sflag:s4] =	dma.local [hbm:s3], $0xF7A  }
0x26: {  	[smem:$0x3F99] =	sst s1;
	(tag) =	ssettag s2;
	_ =	strace s9  }
0x27: {  	s1 =	sld [smem:$0x3FA9]  }
0x28: {  	s2 =	sld [smem:$0x3FAA]  }
0x29: {  	s4 =	sld [smem:$0x3FAC]  }
0x2a: {  	p0 =	seq.s32 s5, $0x0;
	s5 =	sld [smem:$0x3FAD]  }
0x2b: {  	s6 =	sld [smem:$0x3FAE]  }
0x2c: {  	s7 =	sld [smem:$0x3FAF]  }
0x2d: {  	s3 =	simm.s32 $0x108;
	s8 =	sld [smem:$0x3FB0]  }
0x2e: {  	s3 =	simm.s32 @!p0 $0x1082;
	s9 =	sld [smem:$0x3FB1]  }
0x2f: {  	lr =	sadd.s32 s0, s3;
	s0 =	sld [smem:$0x3FA8]  }
0x30: {  	s3 =	sld [smem:$0x3FAB]  }
0x31: {  	[smem:$0x3FB4] =	sst s10  }
0x32: {  	s10 =	sld [smem:$0x3FB2];
	_ =	sdelay $0x3  }
0x33: {  	p0 =	seq.s32 s10, $0x1;
	s10 =	sld [smem:$0x3FB4];
	_ =	sdelay $0x3  }
0x34: {  	[smem:$0x3FB4] =	sst s10  }
0x35: {  	s10 =	sld [smem:$0x3FB3];
	_ =	sdelay $0x3  }
0x36: {  	p1 =	seq.s32 s10, $0x1;
	s10 =	sld [smem:$0x3FB4];
	_ =	sdelay $0x3  }
0x37: {  	[smem:$0x3FB4] =	sst s10  }
0x38: {  	s10 =	sld [smem:$0x3FB5]  }
0x39: {  	_ = 	snop;
	(pc) =	sbr.ind lr, $3  }
0x3a: {  	_ = 	snop  }
0x3b: {  	_ = 	snop  }
0x3c: {  	p2 =	seq.s32 s10, $0x1;
	s10 =	sld [smem:$0x3FB4]  }
0x3d: {  	_ =	shalt  }
0x3e: {  	_ =	shalt  }
0x3f: {  	_ =	shalt  }
0x40: {  	_ =	shalt  }
0x41: {  	_ =	shalt  }
0x42: {  	_ =	shalt  }
0x43: {  	_ =	shalt  }
0x44: {  	_ =	shalt  }
0x45: {  	_ =	shalt  }
0x46: {  	_ =	shalt  }
0x47: {  	_ =	shalt  }
0x48: {  	_ =	shalt  }
0x49: {  	_ =	shalt  }
0x4a: {  	_ =	shalt  }
0x4b: {  	_ =	shalt  }
0x4c: {  	_ =	shalt  }
0x4d: {  	_ =	shalt  }
0x4e: {  	_ =	shalt  }
0x4f: {  	_ =	shalt  }
0x50: {  	_ =	shalt  }
0x51: {  	_ =	shalt  }
0x52: {  	_ =	shalt  }
0x53: {  	_ =	shalt  }
0x54: {  	_ =	shalt  }
0x55: {  	_ =	shalt  }
0x56: {  	_ =	shalt  }
0x57: {  	_ =	shalt  }
0x58: {  	_ =	shalt  }
0x59: {  	_ =	shalt  }
0x5a: {  	_ =	shalt  }
0x5b: {  	_ =	shalt  }
0x5c: {  	_ =	shalt  }
0x5d: {  	_ =	shalt  }
0x5e: {  	_ =	shalt  }
0x5f: {  	_ =	shalt  }
0x60: {  	_ =	shalt  }
0x61: {  	_ =	shalt  }
0x62: {  	_ =	shalt  }
0x63: {  	_ =	shalt  }
0x64: {  	_ =	shalt  }
0x65: {  	_ =	shalt  }
0x66: {  	_ =	shalt  }
0x67: {  	_ =	shalt  }
0x68: {  	_ =	shalt  }
0x69: {  	_ =	shalt  }
0x6a: {  	_ =	shalt  }
0x6b: {  	_ =	shalt  }
0x6c: {  	_ =	shalt  }
0x6d: {  	_ =	shalt  }
0x6e: {  	_ =	shalt  }
0x6f: {  	_ =	shalt  }
0x70: {  	_ =	shalt  }
0x71: {  	_ =	shalt  }
0x72: {  	_ =	shalt  }
0x73: {  	_ =	shalt  }
0x74: {  	_ =	shalt  }
0x75: {  	_ =	shalt  }
0x76: {  	_ =	shalt  }
0x77: {  	_ =	shalt  }
0x78: {  	_ =	shalt  }
0x79: {  	_ =	shalt  }
0x7a: {  	_ =	shalt  }
0x7b: {  	_ =	shalt  }
0x7c: {  	_ =	shalt  }
0x7d: {  	_ =	shalt  }
0x7e: {  	_ =	shalt  }
0x7f: {  	_ =	shalt  }
0x80: {  	_ =	shalt  }
0x81: {  	_ =	shalt  }
0x82: {  	_ =	shalt  }
0x83: {  	_ =	shalt  }
0x84: {  	_ =	shalt  }
0x85: {  	_ =	shalt  }
0x86: {  	_ =	shalt  }
0x87: {  	_ =	shalt  }
.Lfunc_end0:
.L_simem_size_0:
called_computation.3_lowered:
.L_overlay_start_0:
0x88: {  	s2 =	sld [smem:$0x3FD9]  }
0x89: {  	s3 =	sld [smem:$0x3FFE];
	_ =	sdelay $0x1  }
0x8a: {  	s1 =	srdreg.scid  }
0x8b: {  	s0 =	sand.u32 $0x1, s1  }
0x8c: {  	s14 =	sshll.u32 s0, $0xA;
	s2 =	sadd.s32 s3, s2  }
0x8d: {  	s2 =	sadd.s32 s2, s14  }
0x8e: {  	[smem:$0x3FC0] =	sst s2  }
0x8f: {  	_ = 	snop  }
0x90: {  	s2 =	sld [smem:$0x3FD0];
	_ =	sdelay $0x2  }
0x91: {  	s15 =	simm.s32 $0xA;
	s4 =	simm.s32 $0x10  }
0x92: {  	[smem:s4], [sflag:s15] =	dma.local [hbm:s2], $0x1  }
0x93: {  	_ =	swait.eq [sflag:s15], $0x1  }
0x94: {  	[sflag:s15] =	ssyncset.done $0x0  }
0x95: {  	[sflag:s15] =	ssyncadd.s32 $0xFFFFFFFF  }
0x96: {  	s16 =	sld [smem:$0x12];
	(tm) =	ssettm $0x1  }
0x97: {  	s17 =	sld [smem:$0x3FFB];
	_ =	sdelay $0x3  }
0x98: {  	_ =	strace s17  }
0x99: {  	s3 =	sld [smem:$0x3FFC];
	_ =	sdelay $0x3  }
0x9a: {  	_ =	strace s3  }
0x9b: {  	s3 =	sld [smem:$0x3FFD];
	_ =	sdelay $0x3  }
0x9c: {  	_ =	strace s3  }
0x9d: {  	_ =	strace $0x8FFFFFFF  }
0x9e: {  	s18 =	sld [smem:$0x3FDB];
	_ =	sdelay $0x1  }
0x9f: {  	s19 =	simm.s32 $_scs_section_size  }
0xa0: {  	s5 =	simm.s32 $_size__tile_overlayer_lowered;
	s6 =	simm.s32 $_tile_overlayer_lowered  }
0xa1: {  	s22 =	simm.s32 $0x1BFF;
	s21 =	sshll.u32 s6, $0x1;
	s3 =	sadd.s32 s19, s18  }
0xa2: {  	s7 =	simm.s32 $0x0;
	s20 =	sshll.u32 s5, $0x1;
	s5 =	sadd.s32 s21, s3  }
0xa3: {  	[timem:s7], [sflag:s22] =	dma.local [hbm:s5], s20  }
0xa4: {  	_ =	swait.ge [sflag:s22], s20  }
0xa5: {  	s4 =	ssub.s32 $0x0, s20;
	[sflag:s22] =	ssyncset.done $0x0  }
0xa6: {  	[sflag:s22] =	ssyncadd.s32 s4;
	_ =	sdelay $0x1  }
0xa7: {  	s23 =	simm.s32 $0x1B8B  }
0xa8: {  	_ =	swait.ge [sflag:s23], $0x1  }
0xa9: {  	[sflag:s23] =	ssyncset.done $0x0  }
0xaa: {  	s25 =	simm.s32 $0x1B8E;
	s24 =	sld [smem:$0x3FFE];
	[sflag:s23] =	ssyncadd.s32 $0xFFFFFFFF  }
0xab: {  	s26 =	simm.s32 $execute0_lowered;
	[smem:$0x3FD2] =	sst s25  }
0xac: {  	s5 =	sshll.u32 s26, $0x1;
	_ =	strace $0x8000004F;
	[dreg:$0x1] =	wrdreg $0xFFFFFFFF  }
0xad: {  	s28 =	simm.s32 $_size_execute0_lowered;
	s3 =	sadd.s32 s3, s5;
	[dreg:$0x0] =	wrdreg $0x0  }
0xae: {  	s5 =	sshll.u32 s28, $0x1;
	[dreg:$0x2] =	wrdreg s3  }
0xaf: {  	[dreg:$0x3] =	wrdreg s5  }
0xb0: {  	[dreg:$0x4] =	wrdreg $0xC0  }
0xb1: {  	_ =	task [dreg:s7], $0x5FFFF  }
0xb2: {  	[dreg:$0x1] =	wrdreg $0xFFFFFFFF  }
0xb3: {  	[dreg:$0x0] =	wrdreg $0x60  }
0xb4: {  	[dreg:$0x2] =	wrdreg s24  }
0xb5: {  	[dreg:$0x3] =	wrdreg s16  }
0xb6: {  	[dreg:$0x4] =	wrdreg $0xAA000  }
0xb7: {  	[dreg:$0x5] =	wrdreg $0x9  }
0xb8: {  	_ =	task.clear_ibuf [dreg:s7], $0x6FFFF;
	_ =	strace $0x9000004F  }
0xb9: {  	s29 =	simm.s32 $0x9;
	_ =	strace $0x80000051  }
0xba: {  	_ =	swait.ge [sflag:s29], $0x1  }
0xbb: {  	[sflag:s29] =	ssyncadd.s32 $0xFFFFFFFF  }
0xbc: {  	_ =	strace $0x90000051  }
0xbd: {  	_ =	sfence  }
0xbe: {  	s30 =	sld [smem:$0x0];
	_ =	sdelay $0x2  }
0xbf: {  	s31 =	sshll.u32 s1, $0xD;
	s1 =	sshrl.u32 s1, $0x2  }
0xc0: {  	s3 =	sand.u32 $0x4000, s31;
	s1 =	sadd.s32 s1, s30  }
0xc1: {  	s0 =	sor.u32 s3, s0;
	s1 =	sshll.u32 s1, $0x11  }
0xc2: {  	s0 =	sor.u32 s1, s0  }
0xc3: {  	s0 =	sadd.s32 $0x8F2B, s0  }
0xc4: {  	[sflag:s0] =	ssyncadd.remote.s32 $0x1  }
0xc5: {  	_ =	sfence.sel $0xFFFF  }
0xc6: {  	[dreg:$0x0] =	wrdreg $0xFFFFFFFF;
	(pc) =	sbr.abs _section_cstart, $3  }
0xc7: {  	[dreg:$0x1] =	wrdreg $0xFFFFFFFF  }
0xc8: {  	_ =	task.clear_ibuf [dreg:s7], $0x2FFFF;
	_ =	strace $0x9FFFFFFF  }
0xc9: {  	(tm) =	ssettm $0x7FFFFFFF  }
tec
execute0_lowered:
.L_overlay_start_1:
0x0: {  	(tag) =	ssettag $0x1  }
0x1: {  	s0 =	rddreg [dreg:$0x0]  }
0x2: {  	s2 =	rddreg [dreg:$0x1]  }
0x3: {  	s1 =	rddreg [dreg:$0x2];
	s3 =	simm.s32 $0x0  }
0x4: {  	s5 =	srdreg.scid;
	s10 =	stileid.u32;
	s28 =	simm.s32 $0x1  }
0x5: {  	s29 =	simm.s32 $0x2880;
	s30 =	simm.s32 $0x2;
	s31 =	simm.s32 $0x2980  }
0x6: {  	[smem:$0x7FF] =	sst s3;
	s4 =	sadd.s32 $0x3400, s0;
	s5 =	sand.u32 $0x1, s5  }
0x7: {  	s6 =	sshll.u32 s10, $0x1;
	s8 =	smul.u32 $0x50000, s10;
	s0 =	sadd.s32 $0xF3400, s0  }
0x8: {  	s20 =	smul.u32 $0x14000, s10;
	_ =	strace $0x80000050;
	s7 =	ssub.s32 $0x2, s5  }
0x9: {  	s6 =	sor.u32 s5, s6;
	s18 =	smul.u32 $0x140000, s5;
	s9 =	sshrl.u32 s7, $0x1  }
0xa: {  	s6 =	smul.u32 $0x500, s6;
	s8 =	sshrl.u32 s8, $0x2;
	s13 =	sadd.s32 $0x4000, s20  }
0xb: {  	s15 =	sadd.s32 $0x8000, s20;
	s17 =	sadd.s32 $0xC000, s20;
	s7 =	ssub.s32 s7, s9  }
0xc: {  	s5 =	sadd.s32 s8, s1;
	s22 =	sadd.s32 s18, s20;
	s14 =	sadd.s32 s18, s13  }
0xd: {  	s13 =	sadd.s32 s13, s1;
	s24 =	sadd.s32 s18, s15;
	s15 =	sadd.s32 s15, s1  }
0xe: {  	s25 =	sadd.s32 s18, s17;
	s17 =	sadd.s32 s17, s1;
	s2 =	sadd.s32 s2, s6  }
0xf: {  	s21 =	smax.u32 s7, $0x1;
	s8 =	sadd.s32 $0x4000, s5;
	s9 =	sadd.s32 $0x8000, s5  }
0x10: {  	s10 =	sadd.s32 $0xC000, s5;
	s11 =	sadd.s32 $0x10000, s5;
	s6 =	sshrl.u32 s22, $0x3  }
0x11: {  	s23 =	sshrl.u32 s14, $0x3;
	s22 =	simm.s32 $0x3;
	[dreg:$0x4] =	wrdreg s2  }
0x12: {  	[dreg:$0x5] =	wrdreg s21;
	s12 =	sadd.s32 s0, s6;
	s14 =	sadd.s32 s0, s23  }
0x13: {  	s6 =	sshrl.u32 s24, $0x3;
	s2 =	sadd.s32 $0x10000, s20;
	s21 =	simm.s32 $0x2A00  }
0x14: {  	s23 =	simm.s32 $0x80;
	s24 =	simm.s32 $0x2800;
	s16 =	sadd.s32 s0, s6  }
0x15: {  	s6 =	sshrl.u32 s25, $0x3;
	s20 =	sadd.s32 s18, s2;
	s19 =	sadd.s32 s2, s1  }
0x16: {  	s25 =	simm.s32 $0x2900;
	s18 =	sadd.s32 s0, s6;
	s26 =	sshrl.u32 s20, $0x3  }
0x17: {  	v0 =	vimm.f32 $0.0e+00;
	s20 =	sadd.s32 s0, s26;
	s26 =	simm.s32 $0x6A00;
	s0 =	simm.s32 $0x0  }
.LBB2_1:
0x18: {  	s2 =	simm.s32 $0x0;
	s6 =	simm.s32 $0x200  }
.LBB2_2:
0x19: {  	p0 =	sne.s32 s6, $0xFE00;
	[tilespmem:s2+$0x2A70] =	vst v0  }
0x1a: {  	[tilespmem:s2+$0x2A00] =	vst v0  }
0x1b: {  	[tilespmem:s2+$0x2A10] =	vst v0  }
.Ltmp0:
0x1c: {  	[tilespmem:s2+$0x2A20] =	vst v0;
	(pc) =	sbr.rel @p0 .LBB2_2-.Ltmp0, $4  }
0x1d: {  	[tilespmem:s2+$0x2A30] =	vst v0  }
0x1e: {  	[tilespmem:s2+$0x2A40] =	vst v0  }
0x1f: {  	[tilespmem:s2+$0x2A50] =	vst v0  }
0x20: {  	[tilespmem:s2+$0x2A60] =	vst v0;
	s2 =	sshra.s32 s6, $0x2;
	s6 =	sadd.s32 $0x200, s6  }
0x21: {  	[tilespmem:s2+$0x2A70] =	vst v0  }
0x22: {  	[tilespmem:s2+$0x2A00] =	vst v0  }
0x23: {  	[tilespmem:s2+$0x2A10] =	vst v0  }
0x24: {  	[tilespmem:s2+$0x2A20] =	vst v0  }
0x25: {  	[tilespmem:s2+$0x2A30] =	vst v0  }
0x26: {  	[tilespmem:s2+$0x2A40] =	vst v0  }
0x27: {  	[tilespmem:s2+$0x2A50] =	vst v0  }
0x28: {  	[tilespmem:s2+$0x2A60] =	vst v0  }
0x29: {  	[spmem:s5] =	stream.linear.scatter [tilespmem:s21], [sflag:$0x3], $0x4000, $0x38;
	[tilespmem:$0x1EA00] =	vst v63  }
0x2a: {  	_ =	swait.ge [sflag:s22], $0x4000  }
0x2b: {  	[sflag:s22] =	ssyncset.done $0x0  }
0x2c: {  	[sflag:s22] =	ssyncadd.s32 $0xFFFFC000  }
0x2d: {  	[spmem:s8] =	stream.linear.scatter [tilespmem:s21], [sflag:$0x3], $0x4000, $0x38;
	[tilespmem:$0x1EA00] =	vst v63  }
0x2e: {  	_ =	swait.ge [sflag:s22], $0x4000  }
0x2f: {  	[sflag:s22] =	ssyncset.done $0x0  }
0x30: {  	[sflag:s22] =	ssyncadd.s32 $0xFFFFC000  }
0x31: {  	[spmem:s9] =	stream.linear.scatter [tilespmem:s21], [sflag:$0x3], $0x4000, $0x38;
	[tilespmem:$0x1EA00] =	vst v63  }
0x32: {  	_ =	swait.ge [sflag:s22], $0x4000  }
0x33: {  	[sflag:s22] =	ssyncset.done $0x0  }
0x34: {  	[sflag:s22] =	ssyncadd.s32 $0xFFFFC000  }
0x35: {  	[spmem:s10] =	stream.linear.scatter [tilespmem:s21], [sflag:$0x3], $0x4000, $0x38;
	[tilespmem:$0x1EA00] =	vst v63  }
0x36: {  	_ =	swait.ge [sflag:s22], $0x4000  }
0x37: {  	[sflag:s22] =	ssyncset.done $0x0  }
0x38: {  	[sflag:s22] =	ssyncadd.s32 $0xFFFFC000  }
0x39: {  	[spmem:s11] =	stream.linear.scatter [tilespmem:s21], [sflag:$0x3], $0x4000, $0x38;
	[tilespmem:$0x1EA00] =	vst v63  }
0x3a: {  	_ =	swait.ge [sflag:s22], $0x4000  }
0x3b: {  	[sflag:s22] =	ssyncset.done $0x0  }
0x3c: {  	s7 =	rddreg [dreg:$0x4];
	[sflag:s22] =	ssyncadd.s32 $0xFFFFC000  }
0x3d: {  	[tilespmem:s3], [sflag:$0x3] =	stream.linear.gather [hbm4b:s7+s3], $0x2800, $0x38;
	[tilespmem:$0x1EA00] =	vst v63  }
0x3e: {  	_ =	swait.ge [sflag:s22], $0x2800  }
0x3f: {  	[sflag:s22] =	ssyncset.done $0x0  }
0x40: {  	[sflag:s22] =	ssyncadd.s32 $0xFFFFD800  }
0x41: {  	[bflag:$0x0] =	sbarrier.arrive $0xFFFF  }
0x42: {  	v1 =	vld [tilespmem:$0x0];
	_ =	sdelay $0x1  }
0x43: {  	v2 =	vld [tilespmem:$0x10];
	_ =	sdelay $0x1  }
0x44: {  	v3 =	vld [tilespmem:$0x20]  }
0x45: {  	v4 =	vand.u32 $0xFFFF, v1  }
0x46: {  	v59 =	vld [tilespmem:$0x30];
	v1 =	vshrl.u32 v1, $0x10;
	[tilespmem:$0x2800] =	vst v4  }
0x47: {  	[tilespmem:$0x2880] =	vst v1;
	v1 =	vand.u32 $0xFFFF, v2  }
0x48: {  	[tilespmem:$0x2810] =	vst v1;
	v1 =	vshrl.u32 v2, $0x10;
	v2 =	vld [tilespmem:$0x40]  }
0x49: {  	[tilespmem:$0x2890] =	vst v1;
	v1 =	vand.u32 $0xFFFF, v3  }
0x4a: {  	[tilespmem:$0x2820] =	vst v1;
	v1 =	vshrl.u32 v3, $0x10;
	v3 =	vld [tilespmem:$0x50]  }
0x4b: {  	[tilespmem:$0x28A0] =	vst v1;
	v1 =	vand.u32 $0xFFFF, v59  }
0x4c: {  	v60 =	vld [tilespmem:$0x60];
	[tilespmem:$0x2830] =	vst v1;
	v1 =	vshrl.u32 v59, $0x10  }
0x4d: {  	[tilespmem:$0x28B0] =	vst v1;
	v1 =	vand.u32 $0xFFFF, v2  }
0x4e: {  	[tilespmem:$0x2840] =	vst v1;
	v1 =	vshrl.u32 v2, $0x10;
	v2 =	vld [tilespmem:$0x70]  }
0x4f: {  	[tilespmem:$0x28C0] =	vst v1;
	v1 =	vand.u32 $0xFFFF, v3  }
0x50: {  	[tilespmem:$0x2850] =	vst v1;
	v1 =	vshrl.u32 v3, $0x10  }
0x51: {  	[tilespmem:$0x28D0] =	vst v1;
	v1 =	vand.u32 $0xFFFF, v60  }
0x52: {  	[tilespmem:$0x2860] =	vst v1;
	v1 =	vshrl.u32 v60, $0x10  }
0x53: {  	[tilespmem:$0x28E0] =	vst v1;
	v1 =	vand.u32 $0xFFFF, v2  }
0x54: {  	[tilespmem:$0x2870] =	vst v1;
	v1 =	vshrl.u32 v2, $0x10  }
0x55: {  	[tilespmem:$0x28F0] =	vst v1  }
0x56: {  	[tilespmem:s21], [sflag:$0x1] =	stream.indirect.gather [hbm4b:s4+s23], $0x80, s24, s23, $0xb8;
	[tilespmem:$0x1EA00] =	vst v63  }
0x57: {  	v1 =	vld [tilespmem:$0x80];
	_ =	sdelay $0x1  }
0x58: {  	v2 =	vld [tilespmem:$0x90];
	_ =	sdelay $0x1  }
0x59: {  	v3 =	vld [tilespmem:$0xA0]  }
0x5a: {  	v61 =	vand.u32 $0xFFFF, v1  }
0x5b: {  	v62 =	vld [tilespmem:$0xB0];
	v1 =	vshrl.u32 v1, $0x10;
	[tilespmem:$0x2900] =	vst v61  }
0x5c: {  	[tilespmem:$0x2980] =	vst v1;
	v1 =	vand.u32 $0xFFFF, v2  }
0x5d: {  	[tilespmem:$0x2910] =	vst v1;
	v1 =	vshrl.u32 v2, $0x10;
	v2 =	vld [tilespmem:$0xC0]  }
0x5e: {  	[tilespmem:$0x2990] =	vst v1;
	v1 =	vand.u32 $0xFFFF, v3  }
0x5f: {  	[tilespmem:$0x2920] =	vst v1;
	v1 =	vshrl.u32 v3, $0x10;
	v3 =	vld [tilespmem:$0xD0]  }
0x60: {  	[tilespmem:$0x29A0] =	vst v1;
	v1 =	vand.u32 $0xFFFF, v62  }
0x61: {  	v63 =	vld [tilespmem:$0xE0];
	[tilespmem:$0x2930] =	vst v1;
	v1 =	vshrl.u32 v62, $0x10  }
0x62: {  	[tilespmem:$0x29B0] =	vst v1;
	v1 =	vand.u32 $0xFFFF, v2  }
0x63: {  	[tilespmem:$0x2940] =	vst v1;
	v1 =	vshrl.u32 v2, $0x10;
	v2 =	vld [tilespmem:$0xF0]  }
0x64: {  	[tilespmem:$0x29C0] =	vst v1;
	v1 =	vand.u32 $0xFFFF, v3  }
0x65: {  	[tilespmem:$0x2950] =	vst v1;
	v1 =	vshrl.u32 v3, $0x10  }
0x66: {  	[tilespmem:$0x29D0] =	vst v1;
	v1 =	vand.u32 $0xFFFF, v63  }
0x67: {  	[tilespmem:$0x2960] =	vst v1;
	v1 =	vshrl.u32 v63, $0x10  }
0x68: {  	[tilespmem:$0x29E0] =	vst v1;
	v1 =	vand.u32 $0xFFFF, v2  }
0x69: {  	[tilespmem:$0x2970] =	vst v1;
	v1 =	vshrl.u32 v2, $0x10  }
0x6a: {  	[tilespmem:$0x29F0] =	vst v1  }
0x6b: {  	[tilespmem:s26], [sflag:$0x2] =	stream.indirect.gather [hbm4b:s4+s23], $0x80, s25, s23, $0xb8;
	[tilespmem:$0x1EA00] =	vst v63  }
0x6c: {  	_ =	swait.ge [sflag:s28], $0x4000  }
0x6d: {  	[sflag:s28] =	ssyncset.done $0x0  }
0x6e: {  	[sflag:s28] =	ssyncadd.s32 $0xFFFFC000  }
0x6f: {  	[spmem:s1] =	stream.indirect.scatter.add.f32 [tilespmem:s21], [sflag:$0x3], $0x80, s29, s23, $0xb8;
	[tilespmem:$0x1EA00] =	vst v63  }
0x70: {  	_ =	swait.ge [sflag:s22], $0x4000  }
0x71: {  	[sflag:s22] =	ssyncset.done $0x0  }
0x72: {  	s2 =	simm.s32 $0x1F0;
	[sflag:s22] =	ssyncadd.s32 $0xFFFFC000  }
0x73: {  	v1 =	vld [tilespmem:s2+$0xFFFFFF10];
	_ =	sdelay $0x4  }
0x74: {  	v2 =	vand.u32 $0xFFFF, v1  }
0x75: {  	v1 =	vshrl.u32 v1, $0x10;
	[tilespmem:$0x2800] =	vst v2  }
0x76: {  	[tilespmem:$0x2880] =	vst v1  }
0x77: {  	v1 =	vld [tilespmem:s2+$0xFFFFFF20];
	_ =	sdelay $0x4  }
0x78: {  	v2 =	vand.u32 $0xFFFF, v1  }
0x79: {  	v1 =	vshrl.u32 v1, $0x10;
	[tilespmem:$0x2810] =	vst v2  }
0x7a: {  	[tilespmem:$0x2890] =	vst v1  }
0x7b: {  	v1 =	vld [tilespmem:s2+$0xFFFFFF30];
	_ =	sdelay $0x4  }
0x7c: {  	v2 =	vand.u32 $0xFFFF, v1  }
0x7d: {  	v1 =	vshrl.u32 v1, $0x10;
	[tilespmem:$0x2820] =	vst v2  }
0x7e: {  	[tilespmem:$0x28A0] =	vst v1  }
0x7f: {  	v1 =	vld [tilespmem:s2+$0xFFFFFF40];
	_ =	sdelay $0x4  }
0x80: {  	v2 =	vand.u32 $0xFFFF, v1  }
0x81: {  	v1 =	vshrl.u32 v1, $0x10;
	[tilespmem:$0x2830] =	vst v2  }
0x82: {  	[tilespmem:$0x28B0] =	vst v1  }
0x83: {  	v1 =	vld [tilespmem:s2+$0xFFFFFF50];
	_ =	sdelay $0x4  }
0x84: {  	v2 =	vand.u32 $0xFFFF, v1  }
0x85: {  	v1 =	vshrl.u32 v1, $0x10;
	[tilespmem:$0x2840] =	vst v2  }
0x86: {  	[tilespmem:$0x28C0] =	vst v1  }
0x87: {  	v1 =	vld [tilespmem:s2+$0xFFFFFF60];
	_ =	sdelay $0x4  }
0x88: {  	v2 =	vand.u32 $0xFFFF, v1  }
0x89: {  	v1 =	vshrl.u32 v1, $0x10;
	[tilespmem:$0x2850] =	vst v2  }
0x8a: {  	[tilespmem:$0x28D0] =	vst v1  }
0x8b: {  	v1 =	vld [tilespmem:s2+$0xFFFFFF70];
	_ =	sdelay $0x4  }
0x8c: {  	v2 =	vand.u32 $0xFFFF, v1  }
0x8d: {  	v1 =	vshrl.u32 v1, $0x10;
	[tilespmem:$0x2860] =	vst v2  }
0x8e: {  	[tilespmem:$0x28E0] =	vst v1  }
0x8f: {  	v1 =	vld [tilespmem:s2+$0xFFFFFF80];
	_ =	sdelay $0x4  }
0x90: {  	v2 =	vand.u32 $0xFFFF, v1  }
0x91: {  	v1 =	vshrl.u32 v1, $0x10;
	[tilespmem:$0x2870] =	vst v2  }
0x92: {  	[tilespmem:$0x28F0] =	vst v1  }
0x93: {  	[tilespmem:s21], [sflag:$0x1] =	stream.indirect.gather [hbm4b:s4+s23], $0x80, s24, s23, $0xb8;
	[tilespmem:$0x1EA00] =	vst v63  }
0x94: {  	_ =	swait.ge [sflag:s30], $0x4000  }
0x95: {  	[sflag:s30] =	ssyncset.done $0x0  }
0x96: {  	[sflag:s30] =	ssyncadd.s32 $0xFFFFC000  }
0x97: {  	[spmem:s1] =	stream.indirect.scatter.add.f32 [tilespmem:s26], [sflag:$0x3], $0x80, s31, s23, $0xb8;
	[tilespmem:$0x1EA00] =	vst v63  }
0x98: {  	_ =	swait.ge [sflag:s22], $0x4000  }
0x99: {  	[sflag:s22] =	ssyncset.done $0x0  }
0x9a: {  	[sflag:s22] =	ssyncadd.s32 $0xFFFFC000  }
0x9b: {  	v1 =	vld [tilespmem:s2+$0xFFFFFF90];
	_ =	sdelay $0x4  }
0x9c: {  	v2 =	vand.u32 $0xFFFF, v1  }
0x9d: {  	v1 =	vshrl.u32 v1, $0x10;
	[tilespmem:$0x2900] =	vst v2  }
0x9e: {  	[tilespmem:$0x2980] =	vst v1  }
0x9f: {  	v1 =	vld [tilespmem:s2+$0xFFFFFFA0];
	_ =	sdelay $0x4  }
0xa0: {  	v2 =	vand.u32 $0xFFFF, v1  }
0xa1: {  	v1 =	vshrl.u32 v1, $0x10;
	[tilespmem:$0x2910] =	vst v2  }
0xa2: {  	[tilespmem:$0x2990] =	vst v1  }
0xa3: {  	v1 =	vld [tilespmem:s2+$0xFFFFFFB0];
	_ =	sdelay $0x4  }
0xa4: {  	v2 =	vand.u32 $0xFFFF, v1  }
0xa5: {  	v1 =	vshrl.u32 v1, $0x10;
	[tilespmem:$0x2920] =	vst v2  }
0xa6: {  	[tilespmem:$0x29A0] =	vst v1  }
0xa7: {  	v1 =	vld [tilespmem:s2+$0xFFFFFFC0];
	_ =	sdelay $0x4  }
0xa8: {  	v2 =	vand.u32 $0xFFFF, v1  }
0xa9: {  	v1 =	vshrl.u32 v1, $0x10;
	[tilespmem:$0x2930] =	vst v2  }
0xaa: {  	[tilespmem:$0x29B0] =	vst v1  }
0xab: {  	v1 =	vld [tilespmem:s2+$0xFFFFFFD0];
	_ =	sdelay $0x4  }
0xac: {  	v2 =	vand.u32 $0xFFFF, v1  }
0xad: {  	v1 =	vshrl.u32 v1, $0x10;
	[tilespmem:$0x2940] =	vst v2  }
0xae: {  	[tilespmem:$0x29C0] =	vst v1  }
0xaf: {  	v1 =	vld [tilespmem:s2+$0xFFFFFFE0];
	_ =	sdelay $0x4  }
0xb0: {  	v2 =	vand.u32 $0xFFFF, v1  }
0xb1: {  	v1 =	vshrl.u32 v1, $0x10;
	[tilespmem:$0x2950] =	vst v2  }
0xb2: {  	s6 =	simm.s32 $0xBC0;
	[tilespmem:$0x29D0] =	vst v1  }
.LBB2_4:
0xb3: {  	p0 =	sne.s32 s6, $0x9FC0;
	v1 =	vld [tilespmem:s2+$0xFFFFFFF0];
	s7 =	smov.u32 s6;
	s6 =	sadd.s32 $0x400, s6  }
0xb4: {  	_ =	sdelay $0x3  }
0xb5: {  	v2 =	vand.u32 $0xFFFF, v1;
	v1 =	vshrl.u32 v1, $0x10  }
0xb6: {  	[tilespmem:$0x2960] =	vst v2  }
0xb7: {  	[tilespmem:$0x29E0] =	vst v1  }
0xb8: {  	v1 =	vld [tilespmem:s2+$0x0];
	_ =	sdelay $0x4  }
0xb9: {  	v2 =	vand.u32 $0xFFFF, v1;
	v1 =	vshrl.u32 v1, $0x10  }
0xba: {  	[tilespmem:$0x2970] =	vst v2  }
0xbb: {  	[tilespmem:$0x29F0] =	vst v1  }
0xbc: {  	[tilespmem:s26], [sflag:$0x2] =	stream.indirect.gather [hbm4b:s4+s23], $0x80, s25, s23, $0xb8;
	[tilespmem:$0x1EA00] =	vst v63  }
0xbd: {  	_ =	swait.ge [sflag:s28], $0x4000  }
0xbe: {  	[sflag:s28] =	ssyncset.done $0x0  }
0xbf: {  	[sflag:s28] =	ssyncadd.s32 $0xFFFFC000  }
0xc0: {  	[spmem:s1] =	stream.indirect.scatter.add.f32 [tilespmem:s21], [sflag:$0x3], $0x80, s29, s23, $0xb8;
	[tilespmem:$0x1EA00] =	vst v63  }
0xc1: {  	_ =	swait.ge [sflag:s22], $0x4000  }
0xc2: {  	[sflag:s22] =	ssyncset.done $0x0  }
0xc3: {  	s2 =	sshra.s32 s7, $0x2;
	[sflag:s22] =	ssyncadd.s32 $0xFFFFC000  }
0xc4: {  	v1 =	vld [tilespmem:s2+$0xFFFFFF10];
	_ =	sdelay $0x4  }
0xc5: {  	v2 =	vand.u32 $0xFFFF, v1;
	v1 =	vshrl.u32 v1, $0x10  }
0xc6: {  	[tilespmem:$0x2800] =	vst v2  }
0xc7: {  	[tilespmem:$0x2880] =	vst v1  }
0xc8: {  	v1 =	vld [tilespmem:s2+$0xFFFFFF20];
	_ =	sdelay $0x4  }
0xc9: {  	v2 =	vand.u32 $0xFFFF, v1;
	v1 =	vshrl.u32 v1, $0x10  }
0xca: {  	[tilespmem:$0x2810] =	vst v2  }
0xcb: {  	[tilespmem:$0x2890] =	vst v1  }
0xcc: {  	v1 =	vld [tilespmem:s2+$0xFFFFFF30];
	_ =	sdelay $0x4  }
0xcd: {  	v2 =	vand.u32 $0xFFFF, v1;
	v1 =	vshrl.u32 v1, $0x10  }
0xce: {  	[tilespmem:$0x2820] =	vst v2  }
0xcf: {  	[tilespmem:$0x28A0] =	vst v1  }
0xd0: {  	v1 =	vld [tilespmem:s2+$0xFFFFFF40];
	_ =	sdelay $0x4  }
0xd1: {  	v2 =	vand.u32 $0xFFFF, v1;
	v1 =	vshrl.u32 v1, $0x10  }
0xd2: {  	[tilespmem:$0x2830] =	vst v2  }
0xd3: {  	[tilespmem:$0x28B0] =	vst v1  }
0xd4: {  	v1 =	vld [tilespmem:s2+$0xFFFFFF50];
	_ =	sdelay $0x4  }
0xd5: {  	v2 =	vand.u32 $0xFFFF, v1;
	v1 =	vshrl.u32 v1, $0x10  }
0xd6: {  	[tilespmem:$0x2840] =	vst v2  }
0xd7: {  	[tilespmem:$0x28C0] =	vst v1  }
0xd8: {  	v1 =	vld [tilespmem:s2+$0xFFFFFF60];
	_ =	sdelay $0x4  }
0xd9: {  	v2 =	vand.u32 $0xFFFF, v1;
	v1 =	vshrl.u32 v1, $0x10  }
0xda: {  	[tilespmem:$0x2850] =	vst v2  }
0xdb: {  	[tilespmem:$0x28D0] =	vst v1  }
0xdc: {  	v1 =	vld [tilespmem:s2+$0xFFFFFF70];
	_ =	sdelay $0x4  }
0xdd: {  	v2 =	vand.u32 $0xFFFF, v1;
	v1 =	vshrl.u32 v1, $0x10  }
0xde: {  	[tilespmem:$0x2860] =	vst v2  }
0xdf: {  	[tilespmem:$0x28E0] =	vst v1  }
0xe0: {  	v1 =	vld [tilespmem:s2+$0xFFFFFF80];
	_ =	sdelay $0x4  }
0xe1: {  	v2 =	vand.u32 $0xFFFF, v1;
	v1 =	vshrl.u32 v1, $0x10  }
0xe2: {  	[tilespmem:$0x2870] =	vst v2  }
0xe3: {  	[tilespmem:$0x28F0] =	vst v1  }
0xe4: {  	[tilespmem:s21], [sflag:$0x1] =	stream.indirect.gather [hbm4b:s4+s23], $0x80, s24, s23, $0xb8;
	[tilespmem:$0x1EA00] =	vst v63  }
0xe5: {  	_ =	swait.ge [sflag:s30], $0x4000  }
0xe6: {  	[sflag:s30] =	ssyncset.done $0x0  }
0xe7: {  	[sflag:s30] =	ssyncadd.s32 $0xFFFFC000  }
0xe8: {  	[spmem:s1] =	stream.indirect.scatter.add.f32 [tilespmem:s26], [sflag:$0x3], $0x80, s31, s23, $0xb8;
	[tilespmem:$0x1EA00] =	vst v63  }
0xe9: {  	_ =	swait.ge [sflag:s22], $0x4000  }
0xea: {  	[sflag:s22] =	ssyncset.done $0x0  }
0xeb: {  	[sflag:s22] =	ssyncadd.s32 $0xFFFFC000  }
0xec: {  	v1 =	vld [tilespmem:s2+$0xFFFFFF90];
	_ =	sdelay $0x4  }
0xed: {  	v2 =	vand.u32 $0xFFFF, v1;
	v1 =	vshrl.u32 v1, $0x10  }
0xee: {  	[tilespmem:$0x2900] =	vst v2  }
0xef: {  	[tilespmem:$0x2980] =	vst v1  }
0xf0: {  	v1 =	vld [tilespmem:s2+$0xFFFFFFA0];
	_ =	sdelay $0x4  }
0xf1: {  	v2 =	vand.u32 $0xFFFF, v1;
	v1 =	vshrl.u32 v1, $0x10  }
0xf2: {  	[tilespmem:$0x2910] =	vst v2  }
0xf3: {  	[tilespmem:$0x2990] =	vst v1  }
0xf4: {  	v1 =	vld [tilespmem:s2+$0xFFFFFFB0];
	_ =	sdelay $0x4  }
0xf5: {  	v2 =	vand.u32 $0xFFFF, v1;
	v1 =	vshrl.u32 v1, $0x10  }
0xf6: {  	[tilespmem:$0x2920] =	vst v2  }
0xf7: {  	[tilespmem:$0x29A0] =	vst v1  }
0xf8: {  	v1 =	vld [tilespmem:s2+$0xFFFFFFC0];
	_ =	sdelay $0x4  }
0xf9: {  	v2 =	vand.u32 $0xFFFF, v1;
	v1 =	vshrl.u32 v1, $0x10  }
0xfa: {  	[tilespmem:$0x2930] =	vst v2  }
0xfb: {  	[tilespmem:$0x29B0] =	vst v1  }
0xfc: {  	v1 =	vld [tilespmem:s2+$0xFFFFFFD0];
	_ =	sdelay $0x4  }
0xfd: {  	v2 =	vand.u32 $0xFFFF, v1;
	v1 =	vshrl.u32 v1, $0x10  }
0xfe: {  	[tilespmem:$0x2940] =	vst v2  }
0xff: {  	[tilespmem:$0x29C0] =	vst v1  }
0x100: {  	v1 =	vld [tilespmem:s2+$0xFFFFFFE0];
	_ =	sdelay $0x2  }
.Ltmp1:
0x101: {  	(pc) =	sbr.rel @p0 .LBB2_4-.Ltmp1, $4  }
0x102: {  	_ = 	snop  }
0x103: {  	v2 =	vand.u32 $0xFFFF, v1;
	v1 =	vshrl.u32 v1, $0x10  }
0x104: {  	[tilespmem:$0x2950] =	vst v2  }
0x105: {  	[tilespmem:$0x29D0] =	vst v1  }
0x106: {  	v1 =	vld [tilespmem:s2+$0xFFFFFFF0];
	_ =	sdelay $0x4  }
0x107: {  	v2 =	vand.u32 $0xFFFF, v1  }
0x108: {  	v1 =	vshrl.u32 v1, $0x10;
	[tilespmem:$0x2960] =	vst v2  }
0x109: {  	[tilespmem:$0x29E0] =	vst v1  }
0x10a: {  	v1 =	vld [tilespmem:s2+$0x0];
	_ =	sdelay $0x4  }
0x10b: {  	v2 =	vand.u32 $0xFFFF, v1  }
0x10c: {  	v1 =	vshrl.u32 v1, $0x10;
	[tilespmem:$0x2970] =	vst v2  }
0x10d: {  	[tilespmem:$0x29F0] =	vst v1  }
0x10e: {  	[tilespmem:s26], [sflag:$0x2] =	stream.indirect.gather [hbm4b:s4+s23], $0x80, s25, s23, $0xb8;
	[tilespmem:$0x1EA00] =	vst v63  }
0x10f: {  	_ =	swait.ge [sflag:s28], $0x4000  }
0x110: {  	[sflag:s28] =	ssyncset.done $0x0  }
0x111: {  	[sflag:s28] =	ssyncadd.s32 $0xFFFFC000  }
0x112: {  	[spmem:s1] =	stream.indirect.scatter.add.f32 [tilespmem:s21], [sflag:$0x3], $0x80, s29, s23, $0xb8;
	[tilespmem:$0x1EA00] =	vst v63  }
0x113: {  	_ =	swait.ge [sflag:s22], $0x4000  }
0x114: {  	[sflag:s22] =	ssyncset.done $0x0  }
0x115: {  	[sflag:s22] =	ssyncadd.s32 $0xFFFFC000  }
0x116: {  	_ =	swait.ge [sflag:s30], $0x4000  }
0x117: {  	[sflag:s30] =	ssyncset.done $0x0  }
0x118: {  	[sflag:s30] =	ssyncadd.s32 $0xFFFFC000  }
0x119: {  	[spmem:s1] =	stream.indirect.scatter.add.f32 [tilespmem:s26], [sflag:$0x3], $0x80, s31, s23, $0xb8;
	[tilespmem:$0x1EA00] =	vst v63  }
0x11a: {  	_ =	swait.ge [sflag:s22], $0x4000  }
0x11b: {  	[sflag:s22] =	ssyncset.done $0x0  }
0x11c: {  	[sflag:s22] =	ssyncadd.s32 $0xFFFFC000  }
0x11d: {  	[bflag:$0x0] =	sbarrier.arrive $0xFFFF  }
0x11e: {  	[tilespmem:s26], [sflag:$0x3] =	stream.linear.gather [spmem:s5], $0x4000, $0x38;
	[tilespmem:$0x1EA00] =	vst v63  }
0x11f: {  	_ =	swait.ge [sflag:s22], $0x4000  }
0x120: {  	[sflag:s22] =	ssyncset.done $0x0  }
0x121: {  	[sflag:s22] =	ssyncadd.s32 $0xFFFFC000  }
0x122: {  	[hbm4b:s12+s3] =	stream.linear.scatter [tilespmem:s26], [sflag:$0x3], $0x4000, $0x38;
	[tilespmem:$0x1EA00] =	vst v63  }
0x123: {  	_ =	swait.ge [sflag:s22], $0x4000  }
0x124: {  	[sflag:s22] =	ssyncset.done $0x0  }
0x125: {  	[sflag:s22] =	ssyncadd.s32 $0xFFFFC000  }
0x126: {  	[tilespmem:s26], [sflag:$0x3] =	stream.linear.gather [spmem:s13], $0x4000, $0x38;
	[tilespmem:$0x1EA00] =	vst v63  }
0x127: {  	_ =	swait.ge [sflag:s22], $0x4000  }
0x128: {  	[sflag:s22] =	ssyncset.done $0x0  }
0x129: {  	[sflag:s22] =	ssyncadd.s32 $0xFFFFC000  }
0x12a: {  	[hbm4b:s14+s3] =	stream.linear.scatter [tilespmem:s26], [sflag:$0x3], $0x4000, $0x38;
	[tilespmem:$0x1EA00] =	vst v63  }
0x12b: {  	_ =	swait.ge [sflag:s22], $0x4000  }
0x12c: {  	[sflag:s22] =	ssyncset.done $0x0  }
0x12d: {  	[sflag:s22] =	ssyncadd.s32 $0xFFFFC000  }
0x12e: {  	[tilespmem:s26], [sflag:$0x3] =	stream.linear.gather [spmem:s15], $0x4000, $0x38;
	[tilespmem:$0x1EA00] =	vst v63  }
0x12f: {  	_ =	swait.ge [sflag:s22], $0x4000  }
0x130: {  	[sflag:s22] =	ssyncset.done $0x0  }
0x131: {  	[sflag:s22] =	ssyncadd.s32 $0xFFFFC000  }
0x132: {  	[hbm4b:s16+s3] =	stream.linear.scatter [tilespmem:s26], [sflag:$0x3], $0x4000, $0x38;
	[tilespmem:$0x1EA00] =	vst v63  }
0x133: {  	_ =	swait.ge [sflag:s22], $0x4000  }
0x134: {  	[sflag:s22] =	ssyncset.done $0x0  }
0x135: {  	[sflag:s22] =	ssyncadd.s32 $0xFFFFC000  }
0x136: {  	[tilespmem:s26], [sflag:$0x3] =	stream.linear.gather [spmem:s17], $0x4000, $0x38;
	[tilespmem:$0x1EA00] =	vst v63  }
0x137: {  	_ =	swait.ge [sflag:s22], $0x4000  }
0x138: {  	[sflag:s22] =	ssyncset.done $0x0  }
0x139: {  	[sflag:s22] =	ssyncadd.s32 $0xFFFFC000  }
0x13a: {  	[hbm4b:s18+s3] =	stream.linear.scatter [tilespmem:s26], [sflag:$0x3], $0x4000, $0x38;
	[tilespmem:$0x1EA00] =	vst v63  }
0x13b: {  	_ =	swait.ge [sflag:s22], $0x4000  }
0x13c: {  	[sflag:s22] =	ssyncset.done $0x0  }
0x13d: {  	[sflag:s22] =	ssyncadd.s32 $0xFFFFC000  }
0x13e: {  	[tilespmem:s26], [sflag:$0x3] =	stream.linear.gather [spmem:s19], $0x4000, $0x38;
	[tilespmem:$0x1EA00] =	vst v63  }
0x13f: {  	_ =	swait.ge [sflag:s22], $0x4000  }
0x140: {  	[sflag:s22] =	ssyncset.done $0x0  }
0x141: {  	[sflag:s22] =	ssyncadd.s32 $0xFFFFC000  }
0x142: {  	[hbm4b:s20+s3] =	stream.linear.scatter [tilespmem:s26], [sflag:$0x3], $0x4000, $0x38;
	[tilespmem:$0x1EA00] =	vst v63  }
0x143: {  	_ =	swait.ge [sflag:s22], $0x4000  }
0x144: {  	s0 =	sadd.s32 $0x1, s0;
	s7 =	rddreg [dreg:$0x5]  }
0x145: {  	p0 =	sne.s32 s0, s7  }
.Ltmp2:
0x146: {  	_ = 	snop;
	(pc) =	sbr.rel @p0 .LBB2_1-.Ltmp2, $3  }
0x147: {  	_ =	sdelay $0x1  }
0x148: {  	[sflag:s22] =	ssyncset.done $0x0  }
0x149: {  	[sflag:s22] =	ssyncadd.s32 $0xFFFFC000  }
0x14a: {  	_ =	sfence.sel $0x180000  }
0x14b: {  	[bflag:$0x0] =	sbarrier.arrive $0xFFFF  }
0x14c: {  	_ =	strace $0x90000050  }
0x14d: {  	s0 =	stileid.u32;
	[bflag:$0x2] =	sbarrier.arrive $0xFFFF  }
0x14e: {  	p0 =	sne.s32 s0, $0x0;
	s0 =	rddreg [dreg:$0x3]  }
0x14f: {  	s0 =	sadd.s32 @!p0 $0x100000, s0  }
0x150: {  	[sflag:s0] =	ssyncadd.tile.s32 @!p0 $0x1;
	_ =	shalt  }
.Lfunc_end2:
_tile_overlayer_lowered:
.L_overlay_start_2:
0x151: {  	(tag) =	ssettag $0x2  }
0x152: {  	s0 =	rddreg [dreg:$0x0];
	s2 =	stileid.u32  }
0x153: {  	s1 =	rddreg [dreg:$0x1];
	p0 =	sne.s32 s2, $0x0  }
0x154: {  	s3 =	rddreg [dreg:$0x2];
	[bflag:$0x3] =	sbarrier.arrive $0xFFFF;
	s2 =	simm.s32 @!p0 $0x1C03  }
0x155: {  	[timem:s3], [sflag:s2] =	dma.local @!p0 [hbm:s0], s1  }
0x156: {  	s0 =	simm.s32 @!p0 $0x3  }
0x157: {  	_ =	swait.ge @!p0 [sflag:s0], s1  }
0x158: {  	s1 =	ssub.s32 @!p0 $0x0, s1;
	[sflag:s0] =	ssyncset.done @!p0 $0x0  }
0x159: {  	[sflag:s0] =	ssyncadd.s32 @!p0 s1  }
0x15a: {  	[bflag:$0x3] =	sbarrier.arrive $0xFFFF  }
0x15b: {  	_ =	shalt  }

</sc_bundles>
